<compile_context>
chip_gen: v7x
topology: tpu7x:2x2x1
jax: 0.10.2.dev20260603
libtpu: 0.0.44.dev20260713+nightly
codegen_flags: <defaults>
</compile_context>

<pallas_src>
import functools

import jax
import jax.numpy as jnp
from jax import lax
from jax.experimental import pallas as pl
from jax.experimental.pallas import tpu as pltpu
from jax.experimental.pallas import tpu_sc as plsc


@functools.cache
def _make_transpose(V, D):
    info = plsc.get_sparse_core_info()
    NC, NS, L = info.num_cores, info.num_subcores, info.num_lanes
    NW = NC * NS
    CW = 512
    n_main = (V // CW) * CW
    n_chunks = n_main // CW
    tail_n = V - n_main
    per_w = -(-n_chunks // NW)
    mesh = plsc.VectorSubcoreMesh(core_axis_name="c", subcore_axis_name="s")

    @functools.partial(
        pl.kernel,
        out_type=jax.ShapeDtypeStruct((V * D,), jnp.float32),
        mesh=mesh,
        scratch_types=[
            [pltpu.VMEM((D, CW), jnp.float32) for _ in range(2)],
            [pltpu.VMEM((CW * D,), jnp.float32) for _ in range(2)],
            pltpu.VMEM((tail_n, D), jnp.float32),
            [pltpu.SemaphoreType.DMA for _ in range(2)],
            [pltpu.SemaphoreType.DMA for _ in range(2)],
        ],
        compiler_params=pltpu.CompilerParams(
            use_tc_tiling_on_sc=True, needs_layout_passes=False
        ),
    )
    def transpose_kernel(wt_hbm, tail_hbm, out_hbm, bins, bouts, btail, sems_i, sems_o):
        wid = lax.axis_index("s") * NC + lax.axis_index("c")

        @pl.when(wid == 0)
        def _tail():
            pltpu.sync_copy(tail_hbm, btail)
            for r in range(tail_n):
                pltpu.sync_copy(
                    btail.at[r], out_hbm.at[pl.ds((n_main + r) * D, D)]
                )

        lanes = lax.iota(jnp.int32, L)
        row_ids = [d0 + lanes for d0 in range(0, D, L)]

        def chunk_of(k):
            return wid + k * NW

        def issue_in(k, s):
            c = chunk_of(k)
            pltpu.async_copy(
                wt_hbm.at[:, pl.ds(c * CW, CW)], bins[s], sems_i[s]
            )

        def wait_in(s):
            pltpu.make_async_copy(
                wt_hbm.at[:, pl.ds(0, CW)], bins[s], sems_i[s]
            ).wait()

        def transpose(s):
            bi, bo = bins[s], bouts[s]

            def trow(r):
                col = jnp.full((L,), r, jnp.int32)
                for i, d0 in enumerate(range(0, D, L)):
                    v = plsc.load_gather(bi, [row_ids[i], col])
                    bo[pl.ds(r * D + d0, L)] = v

            plsc.parallel_loop(0, CW, unroll=8)(trow)

        def issue_out(k, s):
            c = chunk_of(k)
            pltpu.async_copy(
                bouts[s],
                out_hbm.at[pl.ds(c * CW * D, CW * D)],
                sems_o[s],
            )

        def wait_out(s):
            pltpu.make_async_copy(
                out_hbm.at[pl.ds(0, CW * D)], bouts[s], sems_o[s]
            ).wait()

        @pl.when(chunk_of(0) < n_chunks)
        def _p():
            issue_in(0, 0)

        def body(k):
            for u in range(2):
                kk = k + u
                s = u
                t = 1 - u

                @pl.when(chunk_of(kk) < n_chunks)
                def _work():
                    @pl.when(chunk_of(kk + 1) < n_chunks)
                    def _ahead():
                        issue_in(kk + 1, t)

                    wait_in(s)

                    @pl.when(kk >= 2)
                    def _free():
                        wait_out(s)

                    transpose(s)
                    issue_out(kk, s)

        pl.loop(0, per_w + (per_w % 2), step=2)(body)

        @pl.when(chunk_of(per_w - 1) < n_chunks)
        def _d1():
            wait_out((per_w - 1) % 2)

        @pl.when(chunk_of(per_w - 2) < n_chunks)
        def _d2():
            wait_out((per_w - 2) % 2)

        @pl.when(
            (chunk_of(per_w - 1) >= n_chunks) & (chunk_of(per_w - 3) < n_chunks)
        )
        def _d3():
            wait_out((per_w - 3) % 2)

    return transpose_kernel


@functools.cache
def _make_gather(V, D, B, H):
    info = plsc.get_sparse_core_info()
    NC, NS = info.num_cores, info.num_subcores
    NW = NC * NS
    N = B * H
    assert N % NW == 0
    n_per_w = N // NW
    block = 512
    while n_per_w % block or B % block:
        block //= 2
    n_blocks = n_per_w // block
    q_per_h = B // block
    L = info.num_lanes
    mesh = plsc.VectorSubcoreMesh(core_axis_name="c", subcore_axis_name="s")

    @functools.partial(
        pl.kernel,
        out_type=jax.ShapeDtypeStruct((H, D // 8, B // 128, 8, 128), jnp.float32),
        mesh=mesh,
        scratch_types=[
            pltpu.VMEM((n_per_w,), jnp.int32),
            [pltpu.VMEM((block, D), jnp.float32) for _ in range(2)],
            [pltpu.VMEM((D, block), jnp.float32) for _ in range(2)],
            [pltpu.SemaphoreType.DMA for _ in range(2)],
            [pltpu.SemaphoreType.DMA for _ in range(2)],
        ],
        compiler_params=pltpu.CompilerParams(
            use_tc_tiling_on_sc=False, needs_layout_passes=False
        ),
    )
    def gather_kernel(
        table_hbm, idx_hbm, out_hbm, idx_v, bufs, bufts, sems_g, sems_w
    ):
        wid = lax.axis_index("s") * NC + lax.axis_index("c")
        base = wid * n_per_w
        first_blk = wid * n_blocks
        pltpu.sync_copy(idx_hbm.at[pl.ds(base, n_per_w)], idx_v)

        lanes = lax.iota(jnp.int32, L)

        def issue_gather(j, s):
            pltpu.async_copy(
                table_hbm.at[idx_v.at[pl.ds(j * block, block)]],
                bufs[s],
                sems_g[s],
            )

        def wait_gather(s):
            pltpu.make_async_copy(
                table_hbm.at[pl.ds(0, block)], bufs[s], sems_g[s]
            ).wait()

        row_ids = [d0 + lanes for d0 in range(0, D, L)]

        def transpose(s):
            buf, buft = bufs[s], bufts[s]

            def trow(r):
                col = jnp.full((L,), r, jnp.int32)
                for k, d0 in enumerate(range(0, D, L)):
                    v = buf[r, pl.ds(d0, L)]
                    plsc.store_scatter(buft, [row_ids[k], col], v)

            plsc.parallel_loop(0, block, unroll=8)(trow)

        def issue_wb(j, s):
            blk = first_blk + j
            h = blk // q_per_h
            q = blk - h * q_per_h
            c0 = q * (block // 128)
            for g in range(D // 8):
                for cl in range(block // 128):
                    pltpu.async_copy(
                        bufts[s].at[pl.ds(g * 8, 8), pl.ds(cl * 128, 128)],
                        out_hbm.at[h, g, c0 + cl],
                        sems_w[s],
                    )

        def wait_wb(s):
            pltpu.make_async_copy(
                table_hbm.at[pl.ds(0, block)], bufs[s], sems_w[s]
            ).wait()

        issue_gather(0, 0)

        def outer(j0):
            for u in range(2):
                j = j0 + u
                s = u
                t = 1 - u

                @pl.when(j + 1 < n_blocks)
                def _ahead():
                    issue_gather(j + 1, t)

                wait_gather(s)

                @pl.when(j >= 2)
                def _free():
                    wait_wb(s)

                transpose(s)
                issue_wb(j, s)

        pl.loop(0, n_blocks, step=2)(outer)
        wait_wb(0)
        wait_wb(1)

    return gather_kernel


def kernel(embed_id, weight):
    bsz, hist = embed_id.shape
    V, D = weight.shape
    n_main = (V // 512) * 512
    wT = jnp.transpose(weight)
    tail = weight[n_main:]
    wlin = _make_transpose(V, D)(wT, tail)
    table = wlin.reshape(V, D)
    flat_idx = jnp.transpose(embed_id).reshape(bsz * hist).astype(jnp.int32)
    out5 = _make_gather(V, D, bsz, hist)(table, flat_idx)
    return jnp.transpose(out5, (2, 4, 0, 1, 3)).reshape(bsz, hist, D)

# --- scband reference (transcript-rebuilt; emitter-appended) ---
"""Pipeline reference for scband-codebook-embedding-25271587569751 (READ-ONLY COPY).

The authoritative reference and input builder live on the scoring server;
editing this copy changes nothing except your own understanding.
"""

import jax, jax.numpy as jnp
import numpy as np

NUM_TOKENS = 1000000
CODEBOOK_DIM = 32
BATCH = 4096
HIST = 200

def l2norm(t):
    return t / jnp.clip(jnp.linalg.norm(t, ord=2, axis=-1, keepdims=True), 1e-12, None)

def setup_inputs(seed: int = 0) -> dict:
    key = jax.random.key(seed)
    k1, k2 = jax.random.split(key)
    embed_id = jax.random.randint(k1, (BATCH, HIST), 0, NUM_TOKENS, dtype=jnp.int64 if jax.config.jax_enable_x64 else jnp.int32)
    weight = jax.random.normal(k2, (NUM_TOKENS, CODEBOOK_DIM), dtype=jnp.float32)
    weight = l2norm(weight)
    return {"embed_id": embed_id, "weight": weight}

def reference(embed_id, weight):
    # F.embedding(embed_id, weight) == gather rows of weight by embed_id
    return jnp.take(weight, embed_id, axis=0)

if __name__ == "__main__":
    import jax
    _d = setup_inputs()
    print(jax.jit(kernel)(*tuple(_d.values())))

</pallas_src>

<mosaic_0001>
#map = affine_map<(d0, d1) -> (0, 0)>
#map1 = affine_map<(d0, d1) -> (0)>
module attributes {stable_mosaic.version = 14 : i64} {
  func.func @transpose_kernel(%arg0: i32, %arg1: i32, %arg2: memref<32x1000000xf32, #tpu.memory_space<hbm>>, %arg3: memref<64x32xf32, #tpu.memory_space<hbm>>, %arg4: memref<32000000xf32, #tpu.memory_space<hbm>>, %arg5: memref<32x512xf32, #tpu.memory_space<vmem>>, %arg6: memref<32x512xf32, #tpu.memory_space<vmem>>, %arg7: memref<16384xf32, #tpu.memory_space<vmem>>, %arg8: memref<16384xf32, #tpu.memory_space<vmem>>, %arg9: memref<64x32xf32, #tpu.memory_space<vmem>>, %arg10: memref<!tpu.dma_semaphore, #tpu.memory_space<semaphore_mem>>, %arg11: memref<!tpu.dma_semaphore, #tpu.memory_space<semaphore_mem>>, %arg12: memref<!tpu.dma_semaphore, #tpu.memory_space<semaphore_mem>>, %arg13: memref<!tpu.dma_semaphore, #tpu.memory_space<semaphore_mem>>) attributes {dimension_semantics = [#tpu.dimension_semantics<core_parallel>, #tpu.dimension_semantics<subcore_parallel>], iteration_bounds = array<i64: 2, 16>, scalar_prefetch = 0 : i64, scratch_operands = 9 : i64, tpu.core_type = #tpu.core_type<sc_vector_subcore>, window_params = [{transform_indices = #map}, {transform_indices = #map}, {transform_indices = #map1}]} {
    %mul3A = arith.constant 2 : i32
    %mul3A_0 = arith.muli %arg1, %mul3A : i32
    %add3A = arith.addi %mul3A_0, %arg0 : i32
    %eq3A = arith.constant 0 : i32
    %eq3A_1 = arith.cmpi eq, %add3A, %eq3A : i32
    %convert_element_type3A = arith.extui %eq3A_1 : i1 to i32
    %cond3A = arith.constant 0 : i32
    %cond3A_2 = arith.cmpi ne, %convert_element_type3A, %cond3A : i32
    scf.if %cond3A_2 {
      "tpu.region"() ({
        %run_scoped3A_106 = tpu.sem_alloc : memref<!tpu.dma_semaphore, #tpu.memory_space<semaphore_mem>>
        tpu.enqueue_dma source(%arg3 : memref<64x32xf32, #tpu.memory_space<hbm>>) target(%arg9 : memref<64x32xf32, #tpu.memory_space<vmem>>) target_semaphore(%run_scoped3A_106 : memref<!tpu.dma_semaphore, #tpu.memory_space<semaphore_mem>>)
        tpu.wait_dma2 semaphore(%run_scoped3A_106 : memref<!tpu.dma_semaphore, #tpu.memory_space<semaphore_mem>>) src(%arg3 : memref<64x32xf32, #tpu.memory_space<hbm>>) dst(%arg9 : memref<64x32xf32, #tpu.memory_space<vmem>>)
        tpu.yield
      }) : () -> ()
      %run_scoped3A = arith.constant 0 : i32
      "tpu.region"() ({
        %run_scoped3A_106 = tpu.sem_alloc : memref<!tpu.dma_semaphore, #tpu.memory_space<semaphore_mem>>
        %dma_start3A = arith.constant 0 : i32
        %dma_start3A_107 = tpu.memref_slice %arg9[%run_scoped3A, %dma_start3A] : memref<64x32xf32, #tpu.memory_space<vmem>> -> memref<1x32xf32, #tpu.memory_space<vmem>>
        %dma_start3A_108 = tpu.memref_squeeze %dma_start3A_107 : memref<1x32xf32, #tpu.memory_space<vmem>> -> memref<32xf32, #tpu.memory_space<vmem>>
        %dma_start3A_109 = arith.constant 31997952 : i32
        %dma_start3A_110 = tpu.memref_slice %arg4[%dma_start3A_109] : memref<32000000xf32, #tpu.memory_space<hbm>> -> memref<32xf32, #tpu.memory_space<hbm>>
        %dma_start3A_111 = arith.constant 31997952 : i32
        %dma_start3A_112 = tpu.memref_slice %arg4[%dma_start3A_111] : memref<32000000xf32, #tpu.memory_space<hbm>> -> memref<32xf32, #tpu.memory_space<hbm>>
        %dma_start3A_113 = arith.constant 0 : i32
        %dma_start3A_114 = tpu.memref_slice %arg9[%run_scoped3A, %dma_start3A_113] : memref<64x32xf32, #tpu.memory_space<vmem>> -> memref<1x32xf32, #tpu.memory_space<vmem>>
        %dma_start3A_115 = tpu.memref_squeeze %dma_start3A_114 : memref<1x32xf32, #tpu.memory_space<vmem>> -> memref<32xf32, #tpu.memory_space<vmem>>
        tpu.enqueue_dma source(%dma_start3A_115 : memref<32xf32, #tpu.memory_space<vmem>>) target(%dma_start3A_112 : memref<32xf32, #tpu.memory_space<hbm>>) target_semaphore(%run_scoped3A_106 : memref<!tpu.dma_semaphore, #tpu.memory_space<semaphore_mem>>)
        %dma_wait3A = arith.constant 0 : i32
        %dma_wait3A_116 = tpu.memref_slice %arg9[%run_scoped3A, %dma_wait3A] : memref<64x32xf32, #tpu.memory_space<vmem>> -> memref<1x32xf32, #tpu.memory_space<vmem>>
        %dma_wait3A_117 = tpu.memref_squeeze %dma_wait3A_116 : memref<1x32xf32, #tpu.memory_space<vmem>> -> memref<32xf32, #tpu.memory_space<vmem>>
        %dma_wait3A_118 = arith.constant 31997952 : i32
        %dma_wait3A_119 = tpu.memref_slice %arg4[%dma_wait3A_118] : memref<32000000xf32, #tpu.memory_space<hbm>> -> memref<32xf32, #tpu.memory_space<hbm>>
        %dma_wait3A_120 = arith.constant 31997952 : i32
        %dma_wait3A_121 = tpu.memref_slice %arg4[%dma_wait3A_120] : memref<32000000xf32, #tpu.memory_space<hbm>> -> memref<32xf32, #tpu.memory_space<hbm>>
        %dma_wait3A_122 = arith.constant 0 : i32
        %dma_wait3A_123 = tpu.memref_slice %arg9[%run_scoped3A, %dma_wait3A_122] : memref<64x32xf32, #tpu.memory_space<vmem>> -> memref<1x32xf32, #tpu.memory_space<vmem>>
        %dma_wait3A_124 = tpu.memref_squeeze %dma_wait3A_123 : memref<1x32xf32, #tpu.memory_space<vmem>> -> memref<32xf32, #tpu.memory_space<vmem>>
        tpu.wait_dma2 semaphore(%run_scoped3A_106 : memref<!tpu.dma_semaphore, #tpu.memory_space<semaphore_mem>>) src(%dma_wait3A_124 : memref<32xf32, #tpu.memory_space<vmem>>) dst(%dma_wait3A_121 : memref<32xf32, #tpu.memory_space<hbm>>)
        tpu.yield
      }) : () -> ()
      %run_scoped3A_43 = arith.constant 1 : i32
      "tpu.region"() ({
        %run_scoped3A_106 = tpu.sem_alloc : memref<!tpu.dma_semaphore, #tpu.memory_space<semaphore_mem>>
        %dma_start3A = arith.constant 0 : i32
        %dma_start3A_107 = tpu.memref_slice %arg9[%run_scoped3A_43, %dma_start3A] : memref<64x32xf32, #tpu.memory_space<vmem>> -> memref<1x32xf32, #tpu.memory_space<vmem>>
        %dma_start3A_108 = tpu.memref_squeeze %dma_start3A_107 : memref<1x32xf32, #tpu.memory_space<vmem>> -> memref<32xf32, #tpu.memory_space<vmem>>
        %dma_start3A_109 = arith.constant 31997984 : i32
        %dma_start3A_110 = tpu.memref_slice %arg4[%dma_start3A_109] : memref<32000000xf32, #tpu.memory_space<hbm>> -> memref<32xf32, #tpu.memory_space<hbm>>
        %dma_start3A_111 = arith.constant 31997984 : i32
        %dma_start3A_112 = tpu.memref_slice %arg4[%dma_start3A_111] : memref<32000000xf32, #tpu.memory_space<hbm>> -> memref<32xf32, #tpu.memory_space<hbm>>
        %dma_start3A_113 = arith.constant 0 : i32
        %dma_start3A_114 = tpu.memref_slice %arg9[%run_scoped3A_43, %dma_start3A_113] : memref<64x32xf32, #tpu.memory_space<vmem>> -> memref<1x32xf32, #tpu.memory_space<vmem>>
        %dma_start3A_115 = tpu.memref_squeeze %dma_start3A_114 : memref<1x32xf32, #tpu.memory_space<vmem>> -> memref<32xf32, #tpu.memory_space<vmem>>
        tpu.enqueue_dma source(%dma_start3A_115 : memref<32xf32, #tpu.memory_space<vmem>>) target(%dma_start3A_112 : memref<32xf32, #tpu.memory_space<hbm>>) target_semaphore(%run_scoped3A_106 : memref<!tpu.dma_semaphore, #tpu.memory_space<semaphore_mem>>)
        %dma_wait3A = arith.constant 0 : i32
        %dma_wait3A_116 = tpu.memref_slice %arg9[%run_scoped3A_43, %dma_wait3A] : memref<64x32xf32, #tpu.memory_space<vmem>> -> memref<1x32xf32, #tpu.memory_space<vmem>>
        %dma_wait3A_117 = tpu.memref_squeeze %dma_wait3A_116 : memref<1x32xf32, #tpu.memory_space<vmem>> -> memref<32xf32, #tpu.memory_space<vmem>>
        %dma_wait3A_118 = arith.constant 31997984 : i32
        %dma_wait3A_119 = tpu.memref_slice %arg4[%dma_wait3A_118] : memref<32000000xf32, #tpu.memory_space<hbm>> -> memref<32xf32, #tpu.memory_space<hbm>>
        %dma_wait3A_120 = arith.constant 31997984 : i32
        %dma_wait3A_121 = tpu.memref_slice %arg4[%dma_wait3A_120] : memref<32000000xf32, #tpu.memory_space<hbm>> -> memref<32xf32, #tpu.memory_space<hbm>>
        %dma_wait3A_122 = arith.constant 0 : i32
        %dma_wait3A_123 = tpu.memref_slice %arg9[%run_scoped3A_43, %dma_wait3A_122] : memref<64x32xf32, #tpu.memory_space<vmem>> -> memref<1x32xf32, #tpu.memory_space<vmem>>
        %dma_wait3A_124 = tpu.memref_squeeze %dma_wait3A_123 : memref<1x32xf32, #tpu.memory_space<vmem>> -> memref<32xf32, #tpu.memory_space<vmem>>
        tpu.wait_dma2 semaphore(%run_scoped3A_106 : memref<!tpu.dma_semaphore, #tpu.memory_space<semaphore_mem>>) src(%dma_wait3A_124 : memref<32xf32, #tpu.memory_space<vmem>>) dst(%dma_wait3A_121 : memref<32xf32, #tpu.memory_space<hbm>>)
        tpu.yield
      }) : () -> ()
      %run_scoped3A_44 = arith.constant 2 : i32
      "tpu.region"() ({
        %run_scoped3A_106 = tpu.sem_alloc : memref<!tpu.dma_semaphore, #tpu.memory_space<semaphore_mem>>
        %dma_start3A = arith.constant 0 : i32
        %dma_start3A_107 = tpu.memref_slice %arg9[%run_scoped3A_44, %dma_start3A] : memref<64x32xf32, #tpu.memory_space<vmem>> -> memref<1x32xf32, #tpu.memory_space<vmem>>
        %dma_start3A_108 = tpu.memref_squeeze %dma_start3A_107 : memref<1x32xf32, #tpu.memory_space<vmem>> -> memref<32xf32, #tpu.memory_space<vmem>>
        %dma_start3A_109 = arith.constant 31998016 : i32
        %dma_start3A_110 = tpu.memref_slice %arg4[%dma_start3A_109] : memref<32000000xf32, #tpu.memory_space<hbm>> -> memref<32xf32, #tpu.memory_space<hbm>>
        %dma_start3A_111 = arith.constant 31998016 : i32
        %dma_start3A_112 = tpu.memref_slice %arg4[%dma_start3A_111] : memref<32000000xf32, #tpu.memory_space<hbm>> -> memref<32xf32, #tpu.memory_space<hbm>>
        %dma_start3A_113 = arith.constant 0 : i32
        %dma_start3A_114 = tpu.memref_slice %arg9[%run_scoped3A_44, %dma_start3A_113] : memref<64x32xf32, #tpu.memory_space<vmem>> -> memref<1x32xf32, #tpu.memory_space<vmem>>
        %dma_start3A_115 = tpu.memref_squeeze %dma_start3A_114 : memref<1x32xf32, #tpu.memory_space<vmem>> -> memref<32xf32, #tpu.memory_space<vmem>>
        tpu.enqueue_dma source(%dma_start3A_115 : memref<32xf32, #tpu.memory_space<vmem>>) target(%dma_start3A_112 : memref<32xf32, #tpu.memory_space<hbm>>) target_semaphore(%run_scoped3A_106 : memref<!tpu.dma_semaphore, #tpu.memory_space<semaphore_mem>>)
        %dma_wait3A = arith.constant 0 : i32
        %dma_wait3A_116 = tpu.memref_slice %arg9[%run_scoped3A_44, %dma_wait3A] : memref<64x32xf32, #tpu.memory_space<vmem>> -> memref<1x32xf32, #tpu.memory_space<vmem>>
        %dma_wait3A_117 = tpu.memref_squeeze %dma_wait3A_116 : memref<1x32xf32, #tpu.memory_space<vmem>> -> memref<32xf32, #tpu.memory_space<vmem>>
        %dma_wait3A_118 = arith.constant 31998016 : i32
        %dma_wait3A_119 = tpu.memref_slice %arg4[%dma_wait3A_118] : memref<32000000xf32, #tpu.memory_space<hbm>> -> memref<32xf32, #tpu.memory_space<hbm>>
        %dma_wait3A_120 = arith.constant 31998016 : i32
        %dma_wait3A_121 = tpu.memref_slice %arg4[%dma_wait3A_120] : memref<32000000xf32, #tpu.memory_space<hbm>> -> memref<32xf32, #tpu.memory_space<hbm>>
        %dma_wait3A_122 = arith.constant 0 : i32
        %dma_wait3A_123 = tpu.memref_slice %arg9[%run_scoped3A_44, %dma_wait3A_122] : memref<64x32xf32, #tpu.memory_space<vmem>> -> memref<1x32xf32, #tpu.memory_space<vmem>>
        %dma_wait3A_124 = tpu.memref_squeeze %dma_wait3A_123 : memref<1x32xf32, #tpu.memory_space<vmem>> -> memref<32xf32, #tpu.memory_space<vmem>>
        tpu.wait_dma2 semaphore(%run_scoped3A_106 : memref<!tpu.dma_semaphore, #tpu.memory_space<semaphore_mem>>) src(%dma_wait3A_124 : memref<32xf32, #tpu.memory_space<vmem>>) dst(%dma_wait3A_121 : memref<32xf32, #tpu.memory_space<hbm>>)
        tpu.yield
      }) : () -> ()
      %run_scoped3A_45 = arith.constant 3 : i32
      "tpu.region"() ({
        %run_scoped3A_106 = tpu.sem_alloc : memref<!tpu.dma_semaphore, #tpu.memory_space<semaphore_mem>>
        %dma_start3A = arith.constant 0 : i32
        %dma_start3A_107 = tpu.memref_slice %arg9[%run_scoped3A_45, %dma_start3A] : memref<64x32xf32, #tpu.memory_space<vmem>> -> memref<1x32xf32, #tpu.memory_space<vmem>>
        %dma_start3A_108 = tpu.memref_squeeze %dma_start3A_107 : memref<1x32xf32, #tpu.memory_space<vmem>> -> memref<32xf32, #tpu.memory_space<vmem>>
        %dma_start3A_109 = arith.constant 31998048 : i32
        %dma_start3A_110 = tpu.memref_slice %arg4[%dma_start3A_109] : memref<32000000xf32, #tpu.memory_space<hbm>> -> memref<32xf32, #tpu.memory_space<hbm>>
        %dma_start3A_111 = arith.constant 31998048 : i32
        %dma_start3A_112 = tpu.memref_slice %arg4[%dma_start3A_111] : memref<32000000xf32, #tpu.memory_space<hbm>> -> memref<32xf32, #tpu.memory_space<hbm>>
        %dma_start3A_113 = arith.constant 0 : i32
        %dma_start3A_114 = tpu.memref_slice %arg9[%run_scoped3A_45, %dma_start3A_113] : memref<64x32xf32, #tpu.memory_space<vmem>> -> memref<1x32xf32, #tpu.memory_space<vmem>>
        %dma_start3A_115 = tpu.memref_squeeze %dma_start3A_114 : memref<1x32xf32, #tpu.memory_space<vmem>> -> memref<32xf32, #tpu.memory_space<vmem>>
        tpu.enqueue_dma source(%dma_start3A_115 : memref<32xf32, #tpu.memory_space<vmem>>) target(%dma_start3A_112 : memref<32xf32, #tpu.memory_space<hbm>>) target_semaphore(%run_scoped3A_106 : memref<!tpu.dma_semaphore, #tpu.memory_space<semaphore_mem>>)
        %dma_wait3A = arith.constant 0 : i32
        %dma_wait3A_116 = tpu.memref_slice %arg9[%run_scoped3A_45, %dma_wait3A] : memref<64x32xf32, #tpu.memory_space<vmem>> -> memref<1x32xf32, #tpu.memory_space<vmem>>
        %dma_wait3A_117 = tpu.memref_squeeze %dma_wait3A_116 : memref<1x32xf32, #tpu.memory_space<vmem>> -> memref<32xf32, #tpu.memory_space<vmem>>
        %dma_wait3A_118 = arith.constant 31998048 : i32
        %dma_wait3A_119 = tpu.memref_slice %arg4[%dma_wait3A_118] : memref<32000000xf32, #tpu.memory_space<hbm>> -> memref<32xf32, #tpu.memory_space<hbm>>
        %dma_wait3A_120 = arith.constant 31998048 : i32
        %dma_wait3A_121 = tpu.memref_slice %arg4[%dma_wait3A_120] : memref<32000000xf32, #tpu.memory_space<hbm>> -> memref<32xf32, #tpu.memory_space<hbm>>
        %dma_wait3A_122 = arith.constant 0 : i32
        %dma_wait3A_123 = tpu.memref_slice %arg9[%run_scoped3A_45, %dma_wait3A_122] : memref<64x32xf32, #tpu.memory_space<vmem>> -> memref<1x32xf32, #tpu.memory_space<vmem>>
        %dma_wait3A_124 = tpu.memref_squeeze %dma_wait3A_123 : memref<1x32xf32, #tpu.memory_space<vmem>> -> memref<32xf32, #tpu.memory_space<vmem>>
        tpu.wait_dma2 semaphore(%run_scoped3A_106 : memref<!tpu.dma_semaphore, #tpu.memory_space<semaphore_mem>>) src(%dma_wait3A_124 : memref<32xf32, #tpu.memory_space<vmem>>) dst(%dma_wait3A_121 : memref<32xf32, #tpu.memory_space<hbm>>)
        tpu.yield
      }) : () -> ()
      %run_scoped3A_46 = arith.constant 4 : i32
      "tpu.region"() ({
        %run_scoped3A_106 = tpu.sem_alloc : memref<!tpu.dma_semaphore, #tpu.memory_space<semaphore_mem>>
        %dma_start3A = arith.constant 0 : i32
        %dma_start3A_107 = tpu.memref_slice %arg9[%run_scoped3A_46, %dma_start3A] : memref<64x32xf32, #tpu.memory_space<vmem>> -> memref<1x32xf32, #tpu.memory_space<vmem>>
        %dma_start3A_108 = tpu.memref_squeeze %dma_start3A_107 : memref<1x32xf32, #tpu.memory_space<vmem>> -> memref<32xf32, #tpu.memory_space<vmem>>
        %dma_start3A_109 = arith.constant 31998080 : i32
        %dma_start3A_110 = tpu.memref_slice %arg4[%dma_start3A_109] : memref<32000000xf32, #tpu.memory_space<hbm>> -> memref<32xf32, #tpu.memory_space<hbm>>
        %dma_start3A_111 = arith.constant 31998080 : i32
        %dma_start3A_112 = tpu.memref_slice %arg4[%dma_start3A_111] : memref<32000000xf32, #tpu.memory_space<hbm>> -> memref<32xf32, #tpu.memory_space<hbm>>
        %dma_start3A_113 = arith.constant 0 : i32
        %dma_start3A_114 = tpu.memref_slice %arg9[%run_scoped3A_46, %dma_start3A_113] : memref<64x32xf32, #tpu.memory_space<vmem>> -> memref<1x32xf32, #tpu.memory_space<vmem>>
        %dma_start3A_115 = tpu.memref_squeeze %dma_start3A_114 : memref<1x32xf32, #tpu.memory_space<vmem>> -> memref<32xf32, #tpu.memory_space<vmem>>
        tpu.enqueue_dma source(%dma_start3A_115 : memref<32xf32, #tpu.memory_space<vmem>>) target(%dma_start3A_112 : memref<32xf32, #tpu.memory_space<hbm>>) target_semaphore(%run_scoped3A_106 : memref<!tpu.dma_semaphore, #tpu.memory_space<semaphore_mem>>)
        %dma_wait3A = arith.constant 0 : i32
        %dma_wait3A_116 = tpu.memref_slice %arg9[%run_scoped3A_46, %dma_wait3A] : memref<64x32xf32, #tpu.memory_space<vmem>> -> memref<1x32xf32, #tpu.memory_space<vmem>>
        %dma_wait3A_117 = tpu.memref_squeeze %dma_wait3A_116 : memref<1x32xf32, #tpu.memory_space<vmem>> -> memref<32xf32, #tpu.memory_space<vmem>>
        %dma_wait3A_118 = arith.constant 31998080 : i32
        %dma_wait3A_119 = tpu.memref_slice %arg4[%dma_wait3A_118] : memref<32000000xf32, #tpu.memory_space<hbm>> -> memref<32xf32, #tpu.memory_space<hbm>>
        %dma_wait3A_120 = arith.constant 31998080 : i32
        %dma_wait3A_121 = tpu.memref_slice %arg4[%dma_wait3A_120] : memref<32000000xf32, #tpu.memory_space<hbm>> -> memref<32xf32, #tpu.memory_space<hbm>>
        %dma_wait3A_122 = arith.constant 0 : i32
        %dma_wait3A_123 = tpu.memref_slice %arg9[%run_scoped3A_46, %dma_wait3A_122] : memref<64x32xf32, #tpu.memory_space<vmem>> -> memref<1x32xf32, #tpu.memory_space<vmem>>
        %dma_wait3A_124 = tpu.memref_squeeze %dma_wait3A_123 : memref<1x32xf32, #tpu.memory_space<vmem>> -> memref<32xf32, #tpu.memory_space<vmem>>
        tpu.wait_dma2 semaphore(%run_scoped3A_106 : memref<!tpu.dma_semaphore, #tpu.memory_space<semaphore_mem>>) src(%dma_wait3A_124 : memref<32xf32, #tpu.memory_space<vmem>>) dst(%dma_wait3A_121 : memref<32xf32, #tpu.memory_space<hbm>>)
        tpu.yield
      }) : () -> ()
      %run_scoped3A_47 = arith.constant 5 : i32
      "tpu.region"() ({
        %run_scoped3A_106 = tpu.sem_alloc : memref<!tpu.dma_semaphore, #tpu.memory_space<semaphore_mem>>
        %dma_start3A = arith.constant 0 : i32
        %dma_start3A_107 = tpu.memref_slice %arg9[%run_scoped3A_47, %dma_start3A] : memref<64x32xf32, #tpu.memory_space<vmem>> -> memref<1x32xf32, #tpu.memory_space<vmem>>
        %dma_start3A_108 = tpu.memref_squeeze %dma_start3A_107 : memref<1x32xf32, #tpu.memory_space<vmem>> -> memref<32xf32, #tpu.memory_space<vmem>>
        %dma_start3A_109 = arith.constant 31998112 : i32
        %dma_start3A_110 = tpu.memref_slice %arg4[%dma_start3A_109] : memref<32000000xf32, #tpu.memory_space<hbm>> -> memref<32xf32, #tpu.memory_space<hbm>>
        %dma_start3A_111 = arith.constant 31998112 : i32
        %dma_start3A_112 = tpu.memref_slice %arg4[%dma_start3A_111] : memref<32000000xf32, #tpu.memory_space<hbm>> -> memref<32xf32, #tpu.memory_space<hbm>>
        %dma_start3A_113 = arith.constant 0 : i32
        %dma_start3A_114 = tpu.memref_slice %arg9[%run_scoped3A_47, %dma_start3A_113] : memref<64x32xf32, #tpu.memory_space<vmem>> -> memref<1x32xf32, #tpu.memory_space<vmem>>
        %dma_start3A_115 = tpu.memref_squeeze %dma_start3A_114 : memref<1x32xf32, #tpu.memory_space<vmem>> -> memref<32xf32, #tpu.memory_space<vmem>>
        tpu.enqueue_dma source(%dma_start3A_115 : memref<32xf32, #tpu.memory_space<vmem>>) target(%dma_start3A_112 : memref<32xf32, #tpu.memory_space<hbm>>) target_semaphore(%run_scoped3A_106 : memref<!tpu.dma_semaphore, #tpu.memory_space<semaphore_mem>>)
        %dma_wait3A = arith.constant 0 : i32
        %dma_wait3A_116 = tpu.memref_slice %arg9[%run_scoped3A_47, %dma_wait3A] : memref<64x32xf32, #tpu.memory_space<vmem>> -> memref<1x32xf32, #tpu.memory_space<vmem>>
        %dma_wait3A_117 = tpu.memref_squeeze %dma_wait3A_116 : memref<1x32xf32, #tpu.memory_space<vmem>> -> memref<32xf32, #tpu.memory_space<vmem>>
        %dma_wait3A_118 = arith.constant 31998112 : i32
        %dma_wait3A_119 = tpu.memref_slice %arg4[%dma_wait3A_118] : memref<32000000xf32, #tpu.memory_space<hbm>> -> memref<32xf32, #tpu.memory_space<hbm>>
        %dma_wait3A_120 = arith.constant 31998112 : i32
        %dma_wait3A_121 = tpu.memref_slice %arg4[%dma_wait3A_120] : memref<32000000xf32, #tpu.memory_space<hbm>> -> memref<32xf32, #tpu.memory_space<hbm>>
        %dma_wait3A_122 = arith.constant 0 : i32
        %dma_wait3A_123 = tpu.memref_slice %arg9[%run_scoped3A_47, %dma_wait3A_122] : memref<64x32xf32, #tpu.memory_space<vmem>> -> memref<1x32xf32, #tpu.memory_space<vmem>>
        %dma_wait3A_124 = tpu.memref_squeeze %dma_wait3A_123 : memref<1x32xf32, #tpu.memory_space<vmem>> -> memref<32xf32, #tpu.memory_space<vmem>>
        tpu.wait_dma2 semaphore(%run_scoped3A_106 : memref<!tpu.dma_semaphore, #tpu.memory_space<semaphore_mem>>) src(%dma_wait3A_124 : memref<32xf32, #tpu.memory_space<vmem>>) dst(%dma_wait3A_121 : memref<32xf32, #tpu.memory_space<hbm>>)
        tpu.yield
      }) : () -> ()
      %run_scoped3A_48 = arith.constant 6 : i32
      "tpu.region"() ({
        %run_scoped3A_106 = tpu.sem_alloc : memref<!tpu.dma_semaphore, #tpu.memory_space<semaphore_mem>>
        %dma_start3A = arith.constant 0 : i32
        %dma_start3A_107 = tpu.memref_slice %arg9[%run_scoped3A_48, %dma_start3A] : memref<64x32xf32, #tpu.memory_space<vmem>> -> memref<1x32xf32, #tpu.memory_space<vmem>>
        %dma_start3A_108 = tpu.memref_squeeze %dma_start3A_107 : memref<1x32xf32, #tpu.memory_space<vmem>> -> memref<32xf32, #tpu.memory_space<vmem>>
        %dma_start3A_109 = arith.constant 31998144 : i32
        %dma_start3A_110 = tpu.memref_slice %arg4[%dma_start3A_109] : memref<32000000xf32, #tpu.memory_space<hbm>> -> memref<32xf32, #tpu.memory_space<hbm>>
        %dma_start3A_111 = arith.constant 31998144 : i32
        %dma_start3A_112 = tpu.memref_slice %arg4[%dma_start3A_111] : memref<32000000xf32, #tpu.memory_space<hbm>> -> memref<32xf32, #tpu.memory_space<hbm>>
        %dma_start3A_113 = arith.constant 0 : i32
        %dma_start3A_114 = tpu.memref_slice %arg9[%run_scoped3A_48, %dma_start3A_113] : memref<64x32xf32, #tpu.memory_space<vmem>> -> memref<1x32xf32, #tpu.memory_space<vmem>>
        %dma_start3A_115 = tpu.memref_squeeze %dma_start3A_114 : memref<1x32xf32, #tpu.memory_space<vmem>> -> memref<32xf32, #tpu.memory_space<vmem>>
        tpu.enqueue_dma source(%dma_start3A_115 : memref<32xf32, #tpu.memory_space<vmem>>) target(%dma_start3A_112 : memref<32xf32, #tpu.memory_space<hbm>>) target_semaphore(%run_scoped3A_106 : memref<!tpu.dma_semaphore, #tpu.memory_space<semaphore_mem>>)
        %dma_wait3A = arith.constant 0 : i32
        %dma_wait3A_116 = tpu.memref_slice %arg9[%run_scoped3A_48, %dma_wait3A] : memref<64x32xf32, #tpu.memory_space<vmem>> -> memref<1x32xf32, #tpu.memory_space<vmem>>
        %dma_wait3A_117 = tpu.memref_squeeze %dma_wait3A_116 : memref<1x32xf32, #tpu.memory_space<vmem>> -> memref<32xf32, #tpu.memory_space<vmem>>
        %dma_wait3A_118 = arith.constant 31998144 : i32
        %dma_wait3A_119 = tpu.memref_slice %arg4[%dma_wait3A_118] : memref<32000000xf32, #tpu.memory_space<hbm>> -> memref<32xf32, #tpu.memory_space<hbm>>
        %dma_wait3A_120 = arith.constant 31998144 : i32
        %dma_wait3A_121 = tpu.memref_slice %arg4[%dma_wait3A_120] : memref<32000000xf32, #tpu.memory_space<hbm>> -> memref<32xf32, #tpu.memory_space<hbm>>
        %dma_wait3A_122 = arith.constant 0 : i32
        %dma_wait3A_123 = tpu.memref_slice %arg9[%run_scoped3A_48, %dma_wait3A_122] : memref<64x32xf32, #tpu.memory_space<vmem>> -> memref<1x32xf32, #tpu.memory_space<vmem>>
        %dma_wait3A_124 = tpu.memref_squeeze %dma_wait3A_123 : memref<1x32xf32, #tpu.memory_space<vmem>> -> memref<32xf32, #tpu.memory_space<vmem>>
        tpu.wait_dma2 semaphore(%run_scoped3A_106 : memref<!tpu.dma_semaphore, #tpu.memory_space<semaphore_mem>>) src(%dma_wait3A_124 : memref<32xf32, #tpu.memory_space<vmem>>) dst(%dma_wait3A_121 : memref<32xf32, #tpu.memory_space<hbm>>)
        tpu.yield
      }) : () -> ()
      %run_scoped3A_49 = arith.constant 7 : i32
      "tpu.region"() ({
        %run_scoped3A_106 = tpu.sem_alloc : memref<!tpu.dma_semaphore, #tpu.memory_space<semaphore_mem>>
        %dma_start3A = arith.constant 0 : i32
        %dma_start3A_107 = tpu.memref_slice %arg9[%run_scoped3A_49, %dma_start3A] : memref<64x32xf32, #tpu.memory_space<vmem>> -> memref<1x32xf32, #tpu.memory_space<vmem>>
        %dma_start3A_108 = tpu.memref_squeeze %dma_start3A_107 : memref<1x32xf32, #tpu.memory_space<vmem>> -> memref<32xf32, #tpu.memory_space<vmem>>
        %dma_start3A_109 = arith.constant 31998176 : i32
        %dma_start3A_110 = tpu.memref_slice %arg4[%dma_start3A_109] : memref<32000000xf32, #tpu.memory_space<hbm>> -> memref<32xf32, #tpu.memory_space<hbm>>
        %dma_start3A_111 = arith.constant 31998176 : i32
        %dma_start3A_112 = tpu.memref_slice %arg4[%dma_start3A_111] : memref<32000000xf32, #tpu.memory_space<hbm>> -> memref<32xf32, #tpu.memory_space<hbm>>
        %dma_start3A_113 = arith.constant 0 : i32
        %dma_start3A_114 = tpu.memref_slice %arg9[%run_scoped3A_49, %dma_start3A_113] : memref<64x32xf32, #tpu.memory_space<vmem>> -> memref<1x32xf32, #tpu.memory_space<vmem>>
        %dma_start3A_115 = tpu.memref_squeeze %dma_start3A_114 : memref<1x32xf32, #tpu.memory_space<vmem>> -> memref<32xf32, #tpu.memory_space<vmem>>
        tpu.enqueue_dma source(%dma_start3A_115 : memref<32xf32, #tpu.memory_space<vmem>>) target(%dma_start3A_112 : memref<32xf32, #tpu.memory_space<hbm>>) target_semaphore(%run_scoped3A_106 : memref<!tpu.dma_semaphore, #tpu.memory_space<semaphore_mem>>)
        %dma_wait3A = arith.constant 0 : i32
        %dma_wait3A_116 = tpu.memref_slice %arg9[%run_scoped3A_49, %dma_wait3A] : memref<64x32xf32, #tpu.memory_space<vmem>> -> memref<1x32xf32, #tpu.memory_space<vmem>>
        %dma_wait3A_117 = tpu.memref_squeeze %dma_wait3A_116 : memref<1x32xf32, #tpu.memory_space<vmem>> -> memref<32xf32, #tpu.memory_space<vmem>>
        %dma_wait3A_118 = arith.constant 31998176 : i32
        %dma_wait3A_119 = tpu.memref_slice %arg4[%dma_wait3A_118] : memref<32000000xf32, #tpu.memory_space<hbm>> -> memref<32xf32, #tpu.memory_space<hbm>>
        %dma_wait3A_120 = arith.constant 31998176 : i32
        %dma_wait3A_121 = tpu.memref_slice %arg4[%dma_wait3A_120] : memref<32000000xf32, #tpu.memory_space<hbm>> -> memref<32xf32, #tpu.memory_space<hbm>>
        %dma_wait3A_122 = arith.constant 0 : i32
        %dma_wait3A_123 = tpu.memref_slice %arg9[%run_scoped3A_49, %dma_wait3A_122] : memref<64x32xf32, #tpu.memory_space<vmem>> -> memref<1x32xf32, #tpu.memory_space<vmem>>
        %dma_wait3A_124 = tpu.memref_squeeze %dma_wait3A_123 : memref<1x32xf32, #tpu.memory_space<vmem>> -> memref<32xf32, #tpu.memory_space<vmem>>
        tpu.wait_dma2 semaphore(%run_scoped3A_106 : memref<!tpu.dma_semaphore, #tpu.memory_space<semaphore_mem>>) src(%dma_wait3A_124 : memref<32xf32, #tpu.memory_space<vmem>>) dst(%dma_wait3A_121 : memref<32xf32, #tpu.memory_space<hbm>>)
        tpu.yield
      }) : () -> ()
      %run_scoped3A_50 = arith.constant 8 : i32
      "tpu.region"() ({
        %run_scoped3A_106 = tpu.sem_alloc : memref<!tpu.dma_semaphore, #tpu.memory_space<semaphore_mem>>
        %dma_start3A = arith.constant 0 : i32
        %dma_start3A_107 = tpu.memref_slice %arg9[%run_scoped3A_50, %dma_start3A] : memref<64x32xf32, #tpu.memory_space<vmem>> -> memref<1x32xf32, #tpu.memory_space<vmem>>
        %dma_start3A_108 = tpu.memref_squeeze %dma_start3A_107 : memref<1x32xf32, #tpu.memory_space<vmem>> -> memref<32xf32, #tpu.memory_space<vmem>>
        %dma_start3A_109 = arith.constant 31998208 : i32
        %dma_start3A_110 = tpu.memref_slice %arg4[%dma_start3A_109] : memref<32000000xf32, #tpu.memory_space<hbm>> -> memref<32xf32, #tpu.memory_space<hbm>>
        %dma_start3A_111 = arith.constant 31998208 : i32
        %dma_start3A_112 = tpu.memref_slice %arg4[%dma_start3A_111] : memref<32000000xf32, #tpu.memory_space<hbm>> -> memref<32xf32, #tpu.memory_space<hbm>>
        %dma_start3A_113 = arith.constant 0 : i32
        %dma_start3A_114 = tpu.memref_slice %arg9[%run_scoped3A_50, %dma_start3A_113] : memref<64x32xf32, #tpu.memory_space<vmem>> -> memref<1x32xf32, #tpu.memory_space<vmem>>
        %dma_start3A_115 = tpu.memref_squeeze %dma_start3A_114 : memref<1x32xf32, #tpu.memory_space<vmem>> -> memref<32xf32, #tpu.memory_space<vmem>>
        tpu.enqueue_dma source(%dma_start3A_115 : memref<32xf32, #tpu.memory_space<vmem>>) target(%dma_start3A_112 : memref<32xf32, #tpu.memory_space<hbm>>) target_semaphore(%run_scoped3A_106 : memref<!tpu.dma_semaphore, #tpu.memory_space<semaphore_mem>>)
        %dma_wait3A = arith.constant 0 : i32
        %dma_wait3A_116 = tpu.memref_slice %arg9[%run_scoped3A_50, %dma_wait3A] : memref<64x32xf32, #tpu.memory_space<vmem>> -> memref<1x32xf32, #tpu.memory_space<vmem>>
        %dma_wait3A_117 = tpu.memref_squeeze %dma_wait3A_116 : memref<1x32xf32, #tpu.memory_space<vmem>> -> memref<32xf32, #tpu.memory_space<vmem>>
        %dma_wait3A_118 = arith.constant 31998208 : i32
        %dma_wait3A_119 = tpu.memref_slice %arg4[%dma_wait3A_118] : memref<32000000xf32, #tpu.memory_space<hbm>> -> memref<32xf32, #tpu.memory_space<hbm>>
        %dma_wait3A_120 = arith.constant 31998208 : i32
        %dma_wait3A_121 = tpu.memref_slice %arg4[%dma_wait3A_120] : memref<32000000xf32, #tpu.memory_space<hbm>> -> memref<32xf32, #tpu.memory_space<hbm>>
        %dma_wait3A_122 = arith.constant 0 : i32
        %dma_wait3A_123 = tpu.memref_slice %arg9[%run_scoped3A_50, %dma_wait3A_122] : memref<64x32xf32, #tpu.memory_space<vmem>> -> memref<1x32xf32, #tpu.memory_space<vmem>>
        %dma_wait3A_124 = tpu.memref_squeeze %dma_wait3A_123 : memref<1x32xf32, #tpu.memory_space<vmem>> -> memref<32xf32, #tpu.memory_space<vmem>>
        tpu.wait_dma2 semaphore(%run_scoped3A_106 : memref<!tpu.dma_semaphore, #tpu.memory_space<semaphore_mem>>) src(%dma_wait3A_124 : memref<32xf32, #tpu.memory_space<vmem>>) dst(%dma_wait3A_121 : memref<32xf32, #tpu.memory_space<hbm>>)
        tpu.yield
      }) : () -> ()
      %run_scoped3A_51 = arith.constant 9 : i32
      "tpu.region"() ({
        %run_scoped3A_106 = tpu.sem_alloc : memref<!tpu.dma_semaphore, #tpu.memory_space<semaphore_mem>>
        %dma_start3A = arith.constant 0 : i32
        %dma_start3A_107 = tpu.memref_slice %arg9[%run_scoped3A_51, %dma_start3A] : memref<64x32xf32, #tpu.memory_space<vmem>> -> memref<1x32xf32, #tpu.memory_space<vmem>>
        %dma_start3A_108 = tpu.memref_squeeze %dma_start3A_107 : memref<1x32xf32, #tpu.memory_space<vmem>> -> memref<32xf32, #tpu.memory_space<vmem>>
        %dma_start3A_109 = arith.constant 31998240 : i32
        %dma_start3A_110 = tpu.memref_slice %arg4[%dma_start3A_109] : memref<32000000xf32, #tpu.memory_space<hbm>> -> memref<32xf32, #tpu.memory_space<hbm>>
        %dma_start3A_111 = arith.constant 31998240 : i32
        %dma_start3A_112 = tpu.memref_slice %arg4[%dma_start3A_111] : memref<32000000xf32, #tpu.memory_space<hbm>> -> memref<32xf32, #tpu.memory_space<hbm>>
        %dma_start3A_113 = arith.constant 0 : i32
        %dma_start3A_114 = tpu.memref_slice %arg9[%run_scoped3A_51, %dma_start3A_113] : memref<64x32xf32, #tpu.memory_space<vmem>> -> memref<1x32xf32, #tpu.memory_space<vmem>>
        %dma_start3A_115 = tpu.memref_squeeze %dma_start3A_114 : memref<1x32xf32, #tpu.memory_space<vmem>> -> memref<32xf32, #tpu.memory_space<vmem>>
        tpu.enqueue_dma source(%dma_start3A_115 : memref<32xf32, #tpu.memory_space<vmem>>) target(%dma_start3A_112 : memref<32xf32, #tpu.memory_space<hbm>>) target_semaphore(%run_scoped3A_106 : memref<!tpu.dma_semaphore, #tpu.memory_space<semaphore_mem>>)
        %dma_wait3A = arith.constant 0 : i32
        %dma_wait3A_116 = tpu.memref_slice %arg9[%run_scoped3A_51, %dma_wait3A] : memref<64x32xf32, #tpu.memory_space<vmem>> -> memref<1x32xf32, #tpu.memory_space<vmem>>
        %dma_wait3A_117 = tpu.memref_squeeze %dma_wait3A_116 : memref<1x32xf32, #tpu.memory_space<vmem>> -> memref<32xf32, #tpu.memory_space<vmem>>
        %dma_wait3A_118 = arith.constant 31998240 : i32
        %dma_wait3A_119 = tpu.memref_slice %arg4[%dma_wait3A_118] : memref<32000000xf32, #tpu.memory_space<hbm>> -> memref<32xf32, #tpu.memory_space<hbm>>
        %dma_wait3A_120 = arith.constant 31998240 : i32
        %dma_wait3A_121 = tpu.memref_slice %arg4[%dma_wait3A_120] : memref<32000000xf32, #tpu.memory_space<hbm>> -> memref<32xf32, #tpu.memory_space<hbm>>
        %dma_wait3A_122 = arith.constant 0 : i32
        %dma_wait3A_123 = tpu.memref_slice %arg9[%run_scoped3A_51, %dma_wait3A_122] : memref<64x32xf32, #tpu.memory_space<vmem>> -> memref<1x32xf32, #tpu.memory_space<vmem>>
        %dma_wait3A_124 = tpu.memref_squeeze %dma_wait3A_123 : memref<1x32xf32, #tpu.memory_space<vmem>> -> memref<32xf32, #tpu.memory_space<vmem>>
        tpu.wait_dma2 semaphore(%run_scoped3A_106 : memref<!tpu.dma_semaphore, #tpu.memory_space<semaphore_mem>>) src(%dma_wait3A_124 : memref<32xf32, #tpu.memory_space<vmem>>) dst(%dma_wait3A_121 : memref<32xf32, #tpu.memory_space<hbm>>)
        tpu.yield
      }) : () -> ()
      %run_scoped3A_52 = arith.constant 10 : i32
      "tpu.region"() ({
        %run_scoped3A_106 = tpu.sem_alloc : memref<!tpu.dma_semaphore, #tpu.memory_space<semaphore_mem>>
        %dma_start3A = arith.constant 0 : i32
        %dma_start3A_107 = tpu.memref_slice %arg9[%run_scoped3A_52, %dma_start3A] : memref<64x32xf32, #tpu.memory_space<vmem>> -> memref<1x32xf32, #tpu.memory_space<vmem>>
        %dma_start3A_108 = tpu.memref_squeeze %dma_start3A_107 : memref<1x32xf32, #tpu.memory_space<vmem>> -> memref<32xf32, #tpu.memory_space<vmem>>
        %dma_start3A_109 = arith.constant 31998272 : i32
        %dma_start3A_110 = tpu.memref_slice %arg4[%dma_start3A_109] : memref<32000000xf32, #tpu.memory_space<hbm>> -> memref<32xf32, #tpu.memory_space<hbm>>
        %dma_start3A_111 = arith.constant 31998272 : i32
        %dma_start3A_112 = tpu.memref_slice %arg4[%dma_start3A_111] : memref<32000000xf32, #tpu.memory_space<hbm>> -> memref<32xf32, #tpu.memory_space<hbm>>
        %dma_start3A_113 = arith.constant 0 : i32
        %dma_start3A_114 = tpu.memref_slice %arg9[%run_scoped3A_52, %dma_start3A_113] : memref<64x32xf32, #tpu.memory_space<vmem>> -> memref<1x32xf32, #tpu.memory_space<vmem>>
        %dma_start3A_115 = tpu.memref_squeeze %dma_start3A_114 : memref<1x32xf32, #tpu.memory_space<vmem>> -> memref<32xf32, #tpu.memory_space<vmem>>
        tpu.enqueue_dma source(%dma_start3A_115 : memref<32xf32, #tpu.memory_space<vmem>>) target(%dma_start3A_112 : memref<32xf32, #tpu.memory_space<hbm>>) target_semaphore(%run_scoped3A_106 : memref<!tpu.dma_semaphore, #tpu.memory_space<semaphore_mem>>)
        %dma_wait3A = arith.constant 0 : i32
        %dma_wait3A_116 = tpu.memref_slice %arg9[%run_scoped3A_52, %dma_wait3A] : memref<64x32xf32, #tpu.memory_space<vmem>> -> memref<1x32xf32, #tpu.memory_space<vmem>>
        %dma_wait3A_117 = tpu.memref_squeeze %dma_wait3A_116 : memref<1x32xf32, #tpu.memory_space<vmem>> -> memref<32xf32, #tpu.memory_space<vmem>>
        %dma_wait3A_118 = arith.constant 31998272 : i32
        %dma_wait3A_119 = tpu.memref_slice %arg4[%dma_wait3A_118] : memref<32000000xf32, #tpu.memory_space<hbm>> -> memref<32xf32, #tpu.memory_space<hbm>>
        %dma_wait3A_120 = arith.constant 31998272 : i32
        %dma_wait3A_121 = tpu.memref_slice %arg4[%dma_wait3A_120] : memref<32000000xf32, #tpu.memory_space<hbm>> -> memref<32xf32, #tpu.memory_space<hbm>>
        %dma_wait3A_122 = arith.constant 0 : i32
        %dma_wait3A_123 = tpu.memref_slice %arg9[%run_scoped3A_52, %dma_wait3A_122] : memref<64x32xf32, #tpu.memory_space<vmem>> -> memref<1x32xf32, #tpu.memory_space<vmem>>
        %dma_wait3A_124 = tpu.memref_squeeze %dma_wait3A_123 : memref<1x32xf32, #tpu.memory_space<vmem>> -> memref<32xf32, #tpu.memory_space<vmem>>
        tpu.wait_dma2 semaphore(%run_scoped3A_106 : memref<!tpu.dma_semaphore, #tpu.memory_space<semaphore_mem>>) src(%dma_wait3A_124 : memref<32xf32, #tpu.memory_space<vmem>>) dst(%dma_wait3A_121 : memref<32xf32, #tpu.memory_space<hbm>>)
        tpu.yield
      }) : () -> ()
      %run_scoped3A_53 = arith.constant 11 : i32
      "tpu.region"() ({
        %run_scoped3A_106 = tpu.sem_alloc : memref<!tpu.dma_semaphore, #tpu.memory_space<semaphore_mem>>
        %dma_start3A = arith.constant 0 : i32
        %dma_start3A_107 = tpu.memref_slice %arg9[%run_scoped3A_53, %dma_start3A] : memref<64x32xf32, #tpu.memory_space<vmem>> -> memref<1x32xf32, #tpu.memory_space<vmem>>
        %dma_start3A_108 = tpu.memref_squeeze %dma_start3A_107 : memref<1x32xf32, #tpu.memory_space<vmem>> -> memref<32xf32, #tpu.memory_space<vmem>>
        %dma_start3A_109 = arith.constant 31998304 : i32
        %dma_start3A_110 = tpu.memref_slice %arg4[%dma_start3A_109] : memref<32000000xf32, #tpu.memory_space<hbm>> -> memref<32xf32, #tpu.memory_space<hbm>>
        %dma_start3A_111 = arith.constant 31998304 : i32
        %dma_start3A_112 = tpu.memref_slice %arg4[%dma_start3A_111] : memref<32000000xf32, #tpu.memory_space<hbm>> -> memref<32xf32, #tpu.memory_space<hbm>>
        %dma_start3A_113 = arith.constant 0 : i32
        %dma_start3A_114 = tpu.memref_slice %arg9[%run_scoped3A_53, %dma_start3A_113] : memref<64x32xf32, #tpu.memory_space<vmem>> -> memref<1x32xf32, #tpu.memory_space<vmem>>
        %dma_start3A_115 = tpu.memref_squeeze %dma_start3A_114 : memref<1x32xf32, #tpu.memory_space<vmem>> -> memref<32xf32, #tpu.memory_space<vmem>>
        tpu.enqueue_dma source(%dma_start3A_115 : memref<32xf32, #tpu.memory_space<vmem>>) target(%dma_start3A_112 : memref<32xf32, #tpu.memory_space<hbm>>) target_semaphore(%run_scoped3A_106 : memref<!tpu.dma_semaphore, #tpu.memory_space<semaphore_mem>>)
        %dma_wait3A = arith.constant 0 : i32
        %dma_wait3A_116 = tpu.memref_slice %arg9[%run_scoped3A_53, %dma_wait3A] : memref<64x32xf32, #tpu.memory_space<vmem>> -> memref<1x32xf32, #tpu.memory_space<vmem>>
        %dma_wait3A_117 = tpu.memref_squeeze %dma_wait3A_116 : memref<1x32xf32, #tpu.memory_space<vmem>> -> memref<32xf32, #tpu.memory_space<vmem>>
        %dma_wait3A_118 = arith.constant 31998304 : i32
        %dma_wait3A_119 = tpu.memref_slice %arg4[%dma_wait3A_118] : memref<32000000xf32, #tpu.memory_space<hbm>> -> memref<32xf32, #tpu.memory_space<hbm>>
        %dma_wait3A_120 = arith.constant 31998304 : i32
        %dma_wait3A_121 = tpu.memref_slice %arg4[%dma_wait3A_120] : memref<32000000xf32, #tpu.memory_space<hbm>> -> memref<32xf32, #tpu.memory_space<hbm>>
        %dma_wait3A_122 = arith.constant 0 : i32
        %dma_wait3A_123 = tpu.memref_slice %arg9[%run_scoped3A_53, %dma_wait3A_122] : memref<64x32xf32, #tpu.memory_space<vmem>> -> memref<1x32xf32, #tpu.memory_space<vmem>>
        %dma_wait3A_124 = tpu.memref_squeeze %dma_wait3A_123 : memref<1x32xf32, #tpu.memory_space<vmem>> -> memref<32xf32, #tpu.memory_space<vmem>>
        tpu.wait_dma2 semaphore(%run_scoped3A_106 : memref<!tpu.dma_semaphore, #tpu.memory_space<semaphore_mem>>) src(%dma_wait3A_124 : memref<32xf32, #tpu.memory_space<vmem>>) dst(%dma_wait3A_121 : memref<32xf32, #tpu.memory_space<hbm>>)
        tpu.yield
      }) : () -> ()
      %run_scoped3A_54 = arith.constant 12 : i32
      "tpu.region"() ({
        %run_scoped3A_106 = tpu.sem_alloc : memref<!tpu.dma_semaphore, #tpu.memory_space<semaphore_mem>>
        %dma_start3A = arith.constant 0 : i32
        %dma_start3A_107 = tpu.memref_slice %arg9[%run_scoped3A_54, %dma_start3A] : memref<64x32xf32, #tpu.memory_space<vmem>> -> memref<1x32xf32, #tpu.memory_space<vmem>>
        %dma_start3A_108 = tpu.memref_squeeze %dma_start3A_107 : memref<1x32xf32, #tpu.memory_space<vmem>> -> memref<32xf32, #tpu.memory_space<vmem>>
        %dma_start3A_109 = arith.constant 31998336 : i32
        %dma_start3A_110 = tpu.memref_slice %arg4[%dma_start3A_109] : memref<32000000xf32, #tpu.memory_space<hbm>> -> memref<32xf32, #tpu.memory_space<hbm>>
        %dma_start3A_111 = arith.constant 31998336 : i32
        %dma_start3A_112 = tpu.memref_slice %arg4[%dma_start3A_111] : memref<32000000xf32, #tpu.memory_space<hbm>> -> memref<32xf32, #tpu.memory_space<hbm>>
        %dma_start3A_113 = arith.constant 0 : i32
        %dma_start3A_114 = tpu.memref_slice %arg9[%run_scoped3A_54, %dma_start3A_113] : memref<64x32xf32, #tpu.memory_space<vmem>> -> memref<1x32xf32, #tpu.memory_space<vmem>>
        %dma_start3A_115 = tpu.memref_squeeze %dma_start3A_114 : memref<1x32xf32, #tpu.memory_space<vmem>> -> memref<32xf32, #tpu.memory_space<vmem>>
        tpu.enqueue_dma source(%dma_start3A_115 : memref<32xf32, #tpu.memory_space<vmem>>) target(%dma_start3A_112 : memref<32xf32, #tpu.memory_space<hbm>>) target_semaphore(%run_scoped3A_106 : memref<!tpu.dma_semaphore, #tpu.memory_space<semaphore_mem>>)
        %dma_wait3A = arith.constant 0 : i32
        %dma_wait3A_116 = tpu.memref_slice %arg9[%run_scoped3A_54, %dma_wait3A] : memref<64x32xf32, #tpu.memory_space<vmem>> -> memref<1x32xf32, #tpu.memory_space<vmem>>
        %dma_wait3A_117 = tpu.memref_squeeze %dma_wait3A_116 : memref<1x32xf32, #tpu.memory_space<vmem>> -> memref<32xf32, #tpu.memory_space<vmem>>
        %dma_wait3A_118 = arith.constant 31998336 : i32
        %dma_wait3A_119 = tpu.memref_slice %arg4[%dma_wait3A_118] : memref<32000000xf32, #tpu.memory_space<hbm>> -> memref<32xf32, #tpu.memory_space<hbm>>
        %dma_wait3A_120 = arith.constant 31998336 : i32
        %dma_wait3A_121 = tpu.memref_slice %arg4[%dma_wait3A_120] : memref<32000000xf32, #tpu.memory_space<hbm>> -> memref<32xf32, #tpu.memory_space<hbm>>
        %dma_wait3A_122 = arith.constant 0 : i32
        %dma_wait3A_123 = tpu.memref_slice %arg9[%run_scoped3A_54, %dma_wait3A_122] : memref<64x32xf32, #tpu.memory_space<vmem>> -> memref<1x32xf32, #tpu.memory_space<vmem>>
        %dma_wait3A_124 = tpu.memref_squeeze %dma_wait3A_123 : memref<1x32xf32, #tpu.memory_space<vmem>> -> memref<32xf32, #tpu.memory_space<vmem>>
        tpu.wait_dma2 semaphore(%run_scoped3A_106 : memref<!tpu.dma_semaphore, #tpu.memory_space<semaphore_mem>>) src(%dma_wait3A_124 : memref<32xf32, #tpu.memory_space<vmem>>) dst(%dma_wait3A_121 : memref<32xf32, #tpu.memory_space<hbm>>)
        tpu.yield
      }) : () -> ()
      %run_scoped3A_55 = arith.constant 13 : i32
      "tpu.region"() ({
        %run_scoped3A_106 = tpu.sem_alloc : memref<!tpu.dma_semaphore, #tpu.memory_space<semaphore_mem>>
        %dma_start3A = arith.constant 0 : i32
        %dma_start3A_107 = tpu.memref_slice %arg9[%run_scoped3A_55, %dma_start3A] : memref<64x32xf32, #tpu.memory_space<vmem>> -> memref<1x32xf32, #tpu.memory_space<vmem>>
        %dma_start3A_108 = tpu.memref_squeeze %dma_start3A_107 : memref<1x32xf32, #tpu.memory_space<vmem>> -> memref<32xf32, #tpu.memory_space<vmem>>
        %dma_start3A_109 = arith.constant 31998368 : i32
        %dma_start3A_110 = tpu.memref_slice %arg4[%dma_start3A_109] : memref<32000000xf32, #tpu.memory_space<hbm>> -> memref<32xf32, #tpu.memory_space<hbm>>
        %dma_start3A_111 = arith.constant 31998368 : i32
        %dma_start3A_112 = tpu.memref_slice %arg4[%dma_start3A_111] : memref<32000000xf32, #tpu.memory_space<hbm>> -> memref<32xf32, #tpu.memory_space<hbm>>
        %dma_start3A_113 = arith.constant 0 : i32
        %dma_start3A_114 = tpu.memref_slice %arg9[%run_scoped3A_55, %dma_start3A_113] : memref<64x32xf32, #tpu.memory_space<vmem>> -> memref<1x32xf32, #tpu.memory_space<vmem>>
        %dma_start3A_115 = tpu.memref_squeeze %dma_start3A_114 : memref<1x32xf32, #tpu.memory_space<vmem>> -> memref<32xf32, #tpu.memory_space<vmem>>
        tpu.enqueue_dma source(%dma_start3A_115 : memref<32xf32, #tpu.memory_space<vmem>>) target(%dma_start3A_112 : memref<32xf32, #tpu.memory_space<hbm>>) target_semaphore(%run_scoped3A_106 : memref<!tpu.dma_semaphore, #tpu.memory_space<semaphore_mem>>)
        %dma_wait3A = arith.constant 0 : i32
        %dma_wait3A_116 = tpu.memref_slice %arg9[%run_scoped3A_55, %dma_wait3A] : memref<64x32xf32, #tpu.memory_space<vmem>> -> memref<1x32xf32, #tpu.memory_space<vmem>>
        %dma_wait3A_117 = tpu.memref_squeeze %dma_wait3A_116 : memref<1x32xf32, #tpu.memory_space<vmem>> -> memref<32xf32, #tpu.memory_space<vmem>>
        %dma_wait3A_118 = arith.constant 31998368 : i32
        %dma_wait3A_119 = tpu.memref_slice %arg4[%dma_wait3A_118] : memref<32000000xf32, #tpu.memory_space<hbm>> -> memref<32xf32, #tpu.memory_space<hbm>>
        %dma_wait3A_120 = arith.constant 31998368 : i32
        %dma_wait3A_121 = tpu.memref_slice %arg4[%dma_wait3A_120] : memref<32000000xf32, #tpu.memory_space<hbm>> -> memref<32xf32, #tpu.memory_space<hbm>>
        %dma_wait3A_122 = arith.constant 0 : i32
        %dma_wait3A_123 = tpu.memref_slice %arg9[%run_scoped3A_55, %dma_wait3A_122] : memref<64x32xf32, #tpu.memory_space<vmem>> -> memref<1x32xf32, #tpu.memory_space<vmem>>
        %dma_wait3A_124 = tpu.memref_squeeze %dma_wait3A_123 : memref<1x32xf32, #tpu.memory_space<vmem>> -> memref<32xf32, #tpu.memory_space<vmem>>
        tpu.wait_dma2 semaphore(%run_scoped3A_106 : memref<!tpu.dma_semaphore, #tpu.memory_space<semaphore_mem>>) src(%dma_wait3A_124 : memref<32xf32, #tpu.memory_space<vmem>>) dst(%dma_wait3A_121 : memref<32xf32, #tpu.memory_space<hbm>>)
        tpu.yield
      }) : () -> ()
      %run_scoped3A_56 = arith.constant 14 : i32
      "tpu.region"() ({
        %run_scoped3A_106 = tpu.sem_alloc : memref<!tpu.dma_semaphore, #tpu.memory_space<semaphore_mem>>
        %dma_start3A = arith.constant 0 : i32
        %dma_start3A_107 = tpu.memref_slice %arg9[%run_scoped3A_56, %dma_start3A] : memref<64x32xf32, #tpu.memory_space<vmem>> -> memref<1x32xf32, #tpu.memory_space<vmem>>
        %dma_start3A_108 = tpu.memref_squeeze %dma_start3A_107 : memref<1x32xf32, #tpu.memory_space<vmem>> -> memref<32xf32, #tpu.memory_space<vmem>>
        %dma_start3A_109 = arith.constant 31998400 : i32
        %dma_start3A_110 = tpu.memref_slice %arg4[%dma_start3A_109] : memref<32000000xf32, #tpu.memory_space<hbm>> -> memref<32xf32, #tpu.memory_space<hbm>>
        %dma_start3A_111 = arith.constant 31998400 : i32
        %dma_start3A_112 = tpu.memref_slice %arg4[%dma_start3A_111] : memref<32000000xf32, #tpu.memory_space<hbm>> -> memref<32xf32, #tpu.memory_space<hbm>>
        %dma_start3A_113 = arith.constant 0 : i32
        %dma_start3A_114 = tpu.memref_slice %arg9[%run_scoped3A_56, %dma_start3A_113] : memref<64x32xf32, #tpu.memory_space<vmem>> -> memref<1x32xf32, #tpu.memory_space<vmem>>
        %dma_start3A_115 = tpu.memref_squeeze %dma_start3A_114 : memref<1x32xf32, #tpu.memory_space<vmem>> -> memref<32xf32, #tpu.memory_space<vmem>>
        tpu.enqueue_dma source(%dma_start3A_115 : memref<32xf32, #tpu.memory_space<vmem>>) target(%dma_start3A_112 : memref<32xf32, #tpu.memory_space<hbm>>) target_semaphore(%run_scoped3A_106 : memref<!tpu.dma_semaphore, #tpu.memory_space<semaphore_mem>>)
        %dma_wait3A = arith.constant 0 : i32
        %dma_wait3A_116 = tpu.memref_slice %arg9[%run_scoped3A_56, %dma_wait3A] : memref<64x32xf32, #tpu.memory_space<vmem>> -> memref<1x32xf32, #tpu.memory_space<vmem>>
        %dma_wait3A_117 = tpu.memref_squeeze %dma_wait3A_116 : memref<1x32xf32, #tpu.memory_space<vmem>> -> memref<32xf32, #tpu.memory_space<vmem>>
        %dma_wait3A_118 = arith.constant 31998400 : i32
        %dma_wait3A_119 = tpu.memref_slice %arg4[%dma_wait3A_118] : memref<32000000xf32, #tpu.memory_space<hbm>> -> memref<32xf32, #tpu.memory_space<hbm>>
        %dma_wait3A_120 = arith.constant 31998400 : i32
        %dma_wait3A_121 = tpu.memref_slice %arg4[%dma_wait3A_120] : memref<32000000xf32, #tpu.memory_space<hbm>> -> memref<32xf32, #tpu.memory_space<hbm>>
        %dma_wait3A_122 = arith.constant 0 : i32
        %dma_wait3A_123 = tpu.memref_slice %arg9[%run_scoped3A_56, %dma_wait3A_122] : memref<64x32xf32, #tpu.memory_space<vmem>> -> memref<1x32xf32, #tpu.memory_space<vmem>>
        %dma_wait3A_124 = tpu.memref_squeeze %dma_wait3A_123 : memref<1x32xf32, #tpu.memory_space<vmem>> -> memref<32xf32, #tpu.memory_space<vmem>>
        tpu.wait_dma2 semaphore(%run_scoped3A_106 : memref<!tpu.dma_semaphore, #tpu.memory_space<semaphore_mem>>) src(%dma_wait3A_124 : memref<32xf32, #tpu.memory_space<vmem>>) dst(%dma_wait3A_121 : memref<32xf32, #tpu.memory_space<hbm>>)
        tpu.yield
      }) : () -> ()
      %run_scoped3A_57 = arith.constant 15 : i32
      "tpu.region"() ({
        %run_scoped3A_106 = tpu.sem_alloc : memref<!tpu.dma_semaphore, #tpu.memory_space<semaphore_mem>>
        %dma_start3A = arith.constant 0 : i32
        %dma_start3A_107 = tpu.memref_slice %arg9[%run_scoped3A_57, %dma_start3A] : memref<64x32xf32, #tpu.memory_space<vmem>> -> memref<1x32xf32, #tpu.memory_space<vmem>>
        %dma_start3A_108 = tpu.memref_squeeze %dma_start3A_107 : memref<1x32xf32, #tpu.memory_space<vmem>> -> memref<32xf32, #tpu.memory_space<vmem>>
        %dma_start3A_109 = arith.constant 31998432 : i32
        %dma_start3A_110 = tpu.memref_slice %arg4[%dma_start3A_109] : memref<32000000xf32, #tpu.memory_space<hbm>> -> memref<32xf32, #tpu.memory_space<hbm>>
        %dma_start3A_111 = arith.constant 31998432 : i32
        %dma_start3A_112 = tpu.memref_slice %arg4[%dma_start3A_111] : memref<32000000xf32, #tpu.memory_space<hbm>> -> memref<32xf32, #tpu.memory_space<hbm>>
        %dma_start3A_113 = arith.constant 0 : i32
        %dma_start3A_114 = tpu.memref_slice %arg9[%run_scoped3A_57, %dma_start3A_113] : memref<64x32xf32, #tpu.memory_space<vmem>> -> memref<1x32xf32, #tpu.memory_space<vmem>>
        %dma_start3A_115 = tpu.memref_squeeze %dma_start3A_114 : memref<1x32xf32, #tpu.memory_space<vmem>> -> memref<32xf32, #tpu.memory_space<vmem>>
        tpu.enqueue_dma source(%dma_start3A_115 : memref<32xf32, #tpu.memory_space<vmem>>) target(%dma_start3A_112 : memref<32xf32, #tpu.memory_space<hbm>>) target_semaphore(%run_scoped3A_106 : memref<!tpu.dma_semaphore, #tpu.memory_space<semaphore_mem>>)
        %dma_wait3A = arith.constant 0 : i32
        %dma_wait3A_116 = tpu.memref_slice %arg9[%run_scoped3A_57, %dma_wait3A] : memref<64x32xf32, #tpu.memory_space<vmem>> -> memref<1x32xf32, #tpu.memory_space<vmem>>
        %dma_wait3A_117 = tpu.memref_squeeze %dma_wait3A_116 : memref<1x32xf32, #tpu.memory_space<vmem>> -> memref<32xf32, #tpu.memory_space<vmem>>
        %dma_wait3A_118 = arith.constant 31998432 : i32
        %dma_wait3A_119 = tpu.memref_slice %arg4[%dma_wait3A_118] : memref<32000000xf32, #tpu.memory_space<hbm>> -> memref<32xf32, #tpu.memory_space<hbm>>
        %dma_wait3A_120 = arith.constant 31998432 : i32
        %dma_wait3A_121 = tpu.memref_slice %arg4[%dma_wait3A_120] : memref<32000000xf32, #tpu.memory_space<hbm>> -> memref<32xf32, #tpu.memory_space<hbm>>
        %dma_wait3A_122 = arith.constant 0 : i32
        %dma_wait3A_123 = tpu.memref_slice %arg9[%run_scoped3A_57, %dma_wait3A_122] : memref<64x32xf32, #tpu.memory_space<vmem>> -> memref<1x32xf32, #tpu.memory_space<vmem>>
        %dma_wait3A_124 = tpu.memref_squeeze %dma_wait3A_123 : memref<1x32xf32, #tpu.memory_space<vmem>> -> memref<32xf32, #tpu.memory_space<vmem>>
        tpu.wait_dma2 semaphore(%run_scoped3A_106 : memref<!tpu.dma_semaphore, #tpu.memory_space<semaphore_mem>>) src(%dma_wait3A_124 : memref<32xf32, #tpu.memory_space<vmem>>) dst(%dma_wait3A_121 : memref<32xf32, #tpu.memory_space<hbm>>)
        tpu.yield
      }) : () -> ()
      %run_scoped3A_58 = arith.constant 16 : i32
      "tpu.region"() ({
        %run_scoped3A_106 = tpu.sem_alloc : memref<!tpu.dma_semaphore, #tpu.memory_space<semaphore_mem>>
        %dma_start3A = arith.constant 0 : i32
        %dma_start3A_107 = tpu.memref_slice %arg9[%run_scoped3A_58, %dma_start3A] : memref<64x32xf32, #tpu.memory_space<vmem>> -> memref<1x32xf32, #tpu.memory_space<vmem>>
        %dma_start3A_108 = tpu.memref_squeeze %dma_start3A_107 : memref<1x32xf32, #tpu.memory_space<vmem>> -> memref<32xf32, #tpu.memory_space<vmem>>
        %dma_start3A_109 = arith.constant 31998464 : i32
        %dma_start3A_110 = tpu.memref_slice %arg4[%dma_start3A_109] : memref<32000000xf32, #tpu.memory_space<hbm>> -> memref<32xf32, #tpu.memory_space<hbm>>
        %dma_start3A_111 = arith.constant 31998464 : i32
        %dma_start3A_112 = tpu.memref_slice %arg4[%dma_start3A_111] : memref<32000000xf32, #tpu.memory_space<hbm>> -> memref<32xf32, #tpu.memory_space<hbm>>
        %dma_start3A_113 = arith.constant 0 : i32
        %dma_start3A_114 = tpu.memref_slice %arg9[%run_scoped3A_58, %dma_start3A_113] : memref<64x32xf32, #tpu.memory_space<vmem>> -> memref<1x32xf32, #tpu.memory_space<vmem>>
        %dma_start3A_115 = tpu.memref_squeeze %dma_start3A_114 : memref<1x32xf32, #tpu.memory_space<vmem>> -> memref<32xf32, #tpu.memory_space<vmem>>
        tpu.enqueue_dma source(%dma_start3A_115 : memref<32xf32, #tpu.memory_space<vmem>>) target(%dma_start3A_112 : memref<32xf32, #tpu.memory_space<hbm>>) target_semaphore(%run_scoped3A_106 : memref<!tpu.dma_semaphore, #tpu.memory_space<semaphore_mem>>)
        %dma_wait3A = arith.constant 0 : i32
        %dma_wait3A_116 = tpu.memref_slice %arg9[%run_scoped3A_58, %dma_wait3A] : memref<64x32xf32, #tpu.memory_space<vmem>> -> memref<1x32xf32, #tpu.memory_space<vmem>>
        %dma_wait3A_117 = tpu.memref_squeeze %dma_wait3A_116 : memref<1x32xf32, #tpu.memory_space<vmem>> -> memref<32xf32, #tpu.memory_space<vmem>>
        %dma_wait3A_118 = arith.constant 31998464 : i32
        %dma_wait3A_119 = tpu.memref_slice %arg4[%dma_wait3A_118] : memref<32000000xf32, #tpu.memory_space<hbm>> -> memref<32xf32, #tpu.memory_space<hbm>>
        %dma_wait3A_120 = arith.constant 31998464 : i32
        %dma_wait3A_121 = tpu.memref_slice %arg4[%dma_wait3A_120] : memref<32000000xf32, #tpu.memory_space<hbm>> -> memref<32xf32, #tpu.memory_space<hbm>>
        %dma_wait3A_122 = arith.constant 0 : i32
        %dma_wait3A_123 = tpu.memref_slice %arg9[%run_scoped3A_58, %dma_wait3A_122] : memref<64x32xf32, #tpu.memory_space<vmem>> -> memref<1x32xf32, #tpu.memory_space<vmem>>
        %dma_wait3A_124 = tpu.memref_squeeze %dma_wait3A_123 : memref<1x32xf32, #tpu.memory_space<vmem>> -> memref<32xf32, #tpu.memory_space<vmem>>
        tpu.wait_dma2 semaphore(%run_scoped3A_106 : memref<!tpu.dma_semaphore, #tpu.memory_space<semaphore_mem>>) src(%dma_wait3A_124 : memref<32xf32, #tpu.memory_space<vmem>>) dst(%dma_wait3A_121 : memref<32xf32, #tpu.memory_space<hbm>>)
        tpu.yield
      }) : () -> ()
      %run_scoped3A_59 = arith.constant 17 : i32
      "tpu.region"() ({
        %run_scoped3A_106 = tpu.sem_alloc : memref<!tpu.dma_semaphore, #tpu.memory_space<semaphore_mem>>
        %dma_start3A = arith.constant 0 : i32
        %dma_start3A_107 = tpu.memref_slice %arg9[%run_scoped3A_59, %dma_start3A] : memref<64x32xf32, #tpu.memory_space<vmem>> -> memref<1x32xf32, #tpu.memory_space<vmem>>
        %dma_start3A_108 = tpu.memref_squeeze %dma_start3A_107 : memref<1x32xf32, #tpu.memory_space<vmem>> -> memref<32xf32, #tpu.memory_space<vmem>>
        %dma_start3A_109 = arith.constant 31998496 : i32
        %dma_start3A_110 = tpu.memref_slice %arg4[%dma_start3A_109] : memref<32000000xf32, #tpu.memory_space<hbm>> -> memref<32xf32, #tpu.memory_space<hbm>>
        %dma_start3A_111 = arith.constant 31998496 : i32
        %dma_start3A_112 = tpu.memref_slice %arg4[%dma_start3A_111] : memref<32000000xf32, #tpu.memory_space<hbm>> -> memref<32xf32, #tpu.memory_space<hbm>>
        %dma_start3A_113 = arith.constant 0 : i32
        %dma_start3A_114 = tpu.memref_slice %arg9[%run_scoped3A_59, %dma_start3A_113] : memref<64x32xf32, #tpu.memory_space<vmem>> -> memref<1x32xf32, #tpu.memory_space<vmem>>
        %dma_start3A_115 = tpu.memref_squeeze %dma_start3A_114 : memref<1x32xf32, #tpu.memory_space<vmem>> -> memref<32xf32, #tpu.memory_space<vmem>>
        tpu.enqueue_dma source(%dma_start3A_115 : memref<32xf32, #tpu.memory_space<vmem>>) target(%dma_start3A_112 : memref<32xf32, #tpu.memory_space<hbm>>) target_semaphore(%run_scoped3A_106 : memref<!tpu.dma_semaphore, #tpu.memory_space<semaphore_mem>>)
        %dma_wait3A = arith.constant 0 : i32
        %dma_wait3A_116 = tpu.memref_slice %arg9[%run_scoped3A_59, %dma_wait3A] : memref<64x32xf32, #tpu.memory_space<vmem>> -> memref<1x32xf32, #tpu.memory_space<vmem>>
        %dma_wait3A_117 = tpu.memref_squeeze %dma_wait3A_116 : memref<1x32xf32, #tpu.memory_space<vmem>> -> memref<32xf32, #tpu.memory_space<vmem>>
        %dma_wait3A_118 = arith.constant 31998496 : i32
        %dma_wait3A_119 = tpu.memref_slice %arg4[%dma_wait3A_118] : memref<32000000xf32, #tpu.memory_space<hbm>> -> memref<32xf32, #tpu.memory_space<hbm>>
        %dma_wait3A_120 = arith.constant 31998496 : i32
        %dma_wait3A_121 = tpu.memref_slice %arg4[%dma_wait3A_120] : memref<32000000xf32, #tpu.memory_space<hbm>> -> memref<32xf32, #tpu.memory_space<hbm>>
        %dma_wait3A_122 = arith.constant 0 : i32
        %dma_wait3A_123 = tpu.memref_slice %arg9[%run_scoped3A_59, %dma_wait3A_122] : memref<64x32xf32, #tpu.memory_space<vmem>> -> memref<1x32xf32, #tpu.memory_space<vmem>>
        %dma_wait3A_124 = tpu.memref_squeeze %dma_wait3A_123 : memref<1x32xf32, #tpu.memory_space<vmem>> -> memref<32xf32, #tpu.memory_space<vmem>>
        tpu.wait_dma2 semaphore(%run_scoped3A_106 : memref<!tpu.dma_semaphore, #tpu.memory_space<semaphore_mem>>) src(%dma_wait3A_124 : memref<32xf32, #tpu.memory_space<vmem>>) dst(%dma_wait3A_121 : memref<32xf32, #tpu.memory_space<hbm>>)
        tpu.yield
      }) : () -> ()
      %run_scoped3A_60 = arith.constant 18 : i32
      "tpu.region"() ({
        %run_scoped3A_106 = tpu.sem_alloc : memref<!tpu.dma_semaphore, #tpu.memory_space<semaphore_mem>>
        %dma_start3A = arith.constant 0 : i32
        %dma_start3A_107 = tpu.memref_slice %arg9[%run_scoped3A_60, %dma_start3A] : memref<64x32xf32, #tpu.memory_space<vmem>> -> memref<1x32xf32, #tpu.memory_space<vmem>>
        %dma_start3A_108 = tpu.memref_squeeze %dma_start3A_107 : memref<1x32xf32, #tpu.memory_space<vmem>> -> memref<32xf32, #tpu.memory_space<vmem>>
        %dma_start3A_109 = arith.constant 31998528 : i32
        %dma_start3A_110 = tpu.memref_slice %arg4[%dma_start3A_109] : memref<32000000xf32, #tpu.memory_space<hbm>> -> memref<32xf32, #tpu.memory_space<hbm>>
        %dma_start3A_111 = arith.constant 31998528 : i32
        %dma_start3A_112 = tpu.memref_slice %arg4[%dma_start3A_111] : memref<32000000xf32, #tpu.memory_space<hbm>> -> memref<32xf32, #tpu.memory_space<hbm>>
        %dma_start3A_113 = arith.constant 0 : i32
        %dma_start3A_114 = tpu.memref_slice %arg9[%run_scoped3A_60, %dma_start3A_113] : memref<64x32xf32, #tpu.memory_space<vmem>> -> memref<1x32xf32, #tpu.memory_space<vmem>>
        %dma_start3A_115 = tpu.memref_squeeze %dma_start3A_114 : memref<1x32xf32, #tpu.memory_space<vmem>> -> memref<32xf32, #tpu.memory_space<vmem>>
        tpu.enqueue_dma source(%dma_start3A_115 : memref<32xf32, #tpu.memory_space<vmem>>) target(%dma_start3A_112 : memref<32xf32, #tpu.memory_space<hbm>>) target_semaphore(%run_scoped3A_106 : memref<!tpu.dma_semaphore, #tpu.memory_space<semaphore_mem>>)
        %dma_wait3A = arith.constant 0 : i32
        %dma_wait3A_116 = tpu.memref_slice %arg9[%run_scoped3A_60, %dma_wait3A] : memref<64x32xf32, #tpu.memory_space<vmem>> -> memref<1x32xf32, #tpu.memory_space<vmem>>
        %dma_wait3A_117 = tpu.memref_squeeze %dma_wait3A_116 : memref<1x32xf32, #tpu.memory_space<vmem>> -> memref<32xf32, #tpu.memory_space<vmem>>
        %dma_wait3A_118 = arith.constant 31998528 : i32
        %dma_wait3A_119 = tpu.memref_slice %arg4[%dma_wait3A_118] : memref<32000000xf32, #tpu.memory_space<hbm>> -> memref<32xf32, #tpu.memory_space<hbm>>
        %dma_wait3A_120 = arith.constant 31998528 : i32
        %dma_wait3A_121 = tpu.memref_slice %arg4[%dma_wait3A_120] : memref<32000000xf32, #tpu.memory_space<hbm>> -> memref<32xf32, #tpu.memory_space<hbm>>
        %dma_wait3A_122 = arith.constant 0 : i32
        %dma_wait3A_123 = tpu.memref_slice %arg9[%run_scoped3A_60, %dma_wait3A_122] : memref<64x32xf32, #tpu.memory_space<vmem>> -> memref<1x32xf32, #tpu.memory_space<vmem>>
        %dma_wait3A_124 = tpu.memref_squeeze %dma_wait3A_123 : memref<1x32xf32, #tpu.memory_space<vmem>> -> memref<32xf32, #tpu.memory_space<vmem>>
        tpu.wait_dma2 semaphore(%run_scoped3A_106 : memref<!tpu.dma_semaphore, #tpu.memory_space<semaphore_mem>>) src(%dma_wait3A_124 : memref<32xf32, #tpu.memory_space<vmem>>) dst(%dma_wait3A_121 : memref<32xf32, #tpu.memory_space<hbm>>)
        tpu.yield
      }) : () -> ()
      %run_scoped3A_61 = arith.constant 19 : i32
      "tpu.region"() ({
        %run_scoped3A_106 = tpu.sem_alloc : memref<!tpu.dma_semaphore, #tpu.memory_space<semaphore_mem>>
        %dma_start3A = arith.constant 0 : i32
        %dma_start3A_107 = tpu.memref_slice %arg9[%run_scoped3A_61, %dma_start3A] : memref<64x32xf32, #tpu.memory_space<vmem>> -> memref<1x32xf32, #tpu.memory_space<vmem>>
        %dma_start3A_108 = tpu.memref_squeeze %dma_start3A_107 : memref<1x32xf32, #tpu.memory_space<vmem>> -> memref<32xf32, #tpu.memory_space<vmem>>
        %dma_start3A_109 = arith.constant 31998560 : i32
        %dma_start3A_110 = tpu.memref_slice %arg4[%dma_start3A_109] : memref<32000000xf32, #tpu.memory_space<hbm>> -> memref<32xf32, #tpu.memory_space<hbm>>
        %dma_start3A_111 = arith.constant 31998560 : i32
        %dma_start3A_112 = tpu.memref_slice %arg4[%dma_start3A_111] : memref<32000000xf32, #tpu.memory_space<hbm>> -> memref<32xf32, #tpu.memory_space<hbm>>
        %dma_start3A_113 = arith.constant 0 : i32
        %dma_start3A_114 = tpu.memref_slice %arg9[%run_scoped3A_61, %dma_start3A_113] : memref<64x32xf32, #tpu.memory_space<vmem>> -> memref<1x32xf32, #tpu.memory_space<vmem>>
        %dma_start3A_115 = tpu.memref_squeeze %dma_start3A_114 : memref<1x32xf32, #tpu.memory_space<vmem>> -> memref<32xf32, #tpu.memory_space<vmem>>
        tpu.enqueue_dma source(%dma_start3A_115 : memref<32xf32, #tpu.memory_space<vmem>>) target(%dma_start3A_112 : memref<32xf32, #tpu.memory_space<hbm>>) target_semaphore(%run_scoped3A_106 : memref<!tpu.dma_semaphore, #tpu.memory_space<semaphore_mem>>)
        %dma_wait3A = arith.constant 0 : i32
        %dma_wait3A_116 = tpu.memref_slice %arg9[%run_scoped3A_61, %dma_wait3A] : memref<64x32xf32, #tpu.memory_space<vmem>> -> memref<1x32xf32, #tpu.memory_space<vmem>>
        %dma_wait3A_117 = tpu.memref_squeeze %dma_wait3A_116 : memref<1x32xf32, #tpu.memory_space<vmem>> -> memref<32xf32, #tpu.memory_space<vmem>>
        %dma_wait3A_118 = arith.constant 31998560 : i32
        %dma_wait3A_119 = tpu.memref_slice %arg4[%dma_wait3A_118] : memref<32000000xf32, #tpu.memory_space<hbm>> -> memref<32xf32, #tpu.memory_space<hbm>>
        %dma_wait3A_120 = arith.constant 31998560 : i32
        %dma_wait3A_121 = tpu.memref_slice %arg4[%dma_wait3A_120] : memref<32000000xf32, #tpu.memory_space<hbm>> -> memref<32xf32, #tpu.memory_space<hbm>>
        %dma_wait3A_122 = arith.constant 0 : i32
        %dma_wait3A_123 = tpu.memref_slice %arg9[%run_scoped3A_61, %dma_wait3A_122] : memref<64x32xf32, #tpu.memory_space<vmem>> -> memref<1x32xf32, #tpu.memory_space<vmem>>
        %dma_wait3A_124 = tpu.memref_squeeze %dma_wait3A_123 : memref<1x32xf32, #tpu.memory_space<vmem>> -> memref<32xf32, #tpu.memory_space<vmem>>
        tpu.wait_dma2 semaphore(%run_scoped3A_106 : memref<!tpu.dma_semaphore, #tpu.memory_space<semaphore_mem>>) src(%dma_wait3A_124 : memref<32xf32, #tpu.memory_space<vmem>>) dst(%dma_wait3A_121 : memref<32xf32, #tpu.memory_space<hbm>>)
        tpu.yield
      }) : () -> ()
      %run_scoped3A_62 = arith.constant 20 : i32
      "tpu.region"() ({
        %run_scoped3A_106 = tpu.sem_alloc : memref<!tpu.dma_semaphore, #tpu.memory_space<semaphore_mem>>
        %dma_start3A = arith.constant 0 : i32
        %dma_start3A_107 = tpu.memref_slice %arg9[%run_scoped3A_62, %dma_start3A] : memref<64x32xf32, #tpu.memory_space<vmem>> -> memref<1x32xf32, #tpu.memory_space<vmem>>
        %dma_start3A_108 = tpu.memref_squeeze %dma_start3A_107 : memref<1x32xf32, #tpu.memory_space<vmem>> -> memref<32xf32, #tpu.memory_space<vmem>>
        %dma_start3A_109 = arith.constant 31998592 : i32
        %dma_start3A_110 = tpu.memref_slice %arg4[%dma_start3A_109] : memref<32000000xf32, #tpu.memory_space<hbm>> -> memref<32xf32, #tpu.memory_space<hbm>>
        %dma_start3A_111 = arith.constant 31998592 : i32
        %dma_start3A_112 = tpu.memref_slice %arg4[%dma_start3A_111] : memref<32000000xf32, #tpu.memory_space<hbm>> -> memref<32xf32, #tpu.memory_space<hbm>>
        %dma_start3A_113 = arith.constant 0 : i32
        %dma_start3A_114 = tpu.memref_slice %arg9[%run_scoped3A_62, %dma_start3A_113] : memref<64x32xf32, #tpu.memory_space<vmem>> -> memref<1x32xf32, #tpu.memory_space<vmem>>
        %dma_start3A_115 = tpu.memref_squeeze %dma_start3A_114 : memref<1x32xf32, #tpu.memory_space<vmem>> -> memref<32xf32, #tpu.memory_space<vmem>>
        tpu.enqueue_dma source(%dma_start3A_115 : memref<32xf32, #tpu.memory_space<vmem>>) target(%dma_start3A_112 : memref<32xf32, #tpu.memory_space<hbm>>) target_semaphore(%run_scoped3A_106 : memref<!tpu.dma_semaphore, #tpu.memory_space<semaphore_mem>>)
        %dma_wait3A = arith.constant 0 : i32
        %dma_wait3A_116 = tpu.memref_slice %arg9[%run_scoped3A_62, %dma_wait3A] : memref<64x32xf32, #tpu.memory_space<vmem>> -> memref<1x32xf32, #tpu.memory_space<vmem>>
        %dma_wait3A_117 = tpu.memref_squeeze %dma_wait3A_116 : memref<1x32xf32, #tpu.memory_space<vmem>> -> memref<32xf32, #tpu.memory_space<vmem>>
        %dma_wait3A_118 = arith.constant 31998592 : i32
        %dma_wait3A_119 = tpu.memref_slice %arg4[%dma_wait3A_118] : memref<32000000xf32, #tpu.memory_space<hbm>> -> memref<32xf32, #tpu.memory_space<hbm>>
        %dma_wait3A_120 = arith.constant 31998592 : i32
        %dma_wait3A_121 = tpu.memref_slice %arg4[%dma_wait3A_120] : memref<32000000xf32, #tpu.memory_space<hbm>> -> memref<32xf32, #tpu.memory_space<hbm>>
        %dma_wait3A_122 = arith.constant 0 : i32
        %dma_wait3A_123 = tpu.memref_slice %arg9[%run_scoped3A_62, %dma_wait3A_122] : memref<64x32xf32, #tpu.memory_space<vmem>> -> memref<1x32xf32, #tpu.memory_space<vmem>>
        %dma_wait3A_124 = tpu.memref_squeeze %dma_wait3A_123 : memref<1x32xf32, #tpu.memory_space<vmem>> -> memref<32xf32, #tpu.memory_space<vmem>>
        tpu.wait_dma2 semaphore(%run_scoped3A_106 : memref<!tpu.dma_semaphore, #tpu.memory_space<semaphore_mem>>) src(%dma_wait3A_124 : memref<32xf32, #tpu.memory_space<vmem>>) dst(%dma_wait3A_121 : memref<32xf32, #tpu.memory_space<hbm>>)
        tpu.yield
      }) : () -> ()
      %run_scoped3A_63 = arith.constant 21 : i32
      "tpu.region"() ({
        %run_scoped3A_106 = tpu.sem_alloc : memref<!tpu.dma_semaphore, #tpu.memory_space<semaphore_mem>>
        %dma_start3A = arith.constant 0 : i32
        %dma_start3A_107 = tpu.memref_slice %arg9[%run_scoped3A_63, %dma_start3A] : memref<64x32xf32, #tpu.memory_space<vmem>> -> memref<1x32xf32, #tpu.memory_space<vmem>>
        %dma_start3A_108 = tpu.memref_squeeze %dma_start3A_107 : memref<1x32xf32, #tpu.memory_space<vmem>> -> memref<32xf32, #tpu.memory_space<vmem>>
        %dma_start3A_109 = arith.constant 31998624 : i32
        %dma_start3A_110 = tpu.memref_slice %arg4[%dma_start3A_109] : memref<32000000xf32, #tpu.memory_space<hbm>> -> memref<32xf32, #tpu.memory_space<hbm>>
        %dma_start3A_111 = arith.constant 31998624 : i32
        %dma_start3A_112 = tpu.memref_slice %arg4[%dma_start3A_111] : memref<32000000xf32, #tpu.memory_space<hbm>> -> memref<32xf32, #tpu.memory_space<hbm>>
        %dma_start3A_113 = arith.constant 0 : i32
        %dma_start3A_114 = tpu.memref_slice %arg9[%run_scoped3A_63, %dma_start3A_113] : memref<64x32xf32, #tpu.memory_space<vmem>> -> memref<1x32xf32, #tpu.memory_space<vmem>>
        %dma_start3A_115 = tpu.memref_squeeze %dma_start3A_114 : memref<1x32xf32, #tpu.memory_space<vmem>> -> memref<32xf32, #tpu.memory_space<vmem>>
        tpu.enqueue_dma source(%dma_start3A_115 : memref<32xf32, #tpu.memory_space<vmem>>) target(%dma_start3A_112 : memref<32xf32, #tpu.memory_space<hbm>>) target_semaphore(%run_scoped3A_106 : memref<!tpu.dma_semaphore, #tpu.memory_space<semaphore_mem>>)
        %dma_wait3A = arith.constant 0 : i32
        %dma_wait3A_116 = tpu.memref_slice %arg9[%run_scoped3A_63, %dma_wait3A] : memref<64x32xf32, #tpu.memory_space<vmem>> -> memref<1x32xf32, #tpu.memory_space<vmem>>
        %dma_wait3A_117 = tpu.memref_squeeze %dma_wait3A_116 : memref<1x32xf32, #tpu.memory_space<vmem>> -> memref<32xf32, #tpu.memory_space<vmem>>
        %dma_wait3A_118 = arith.constant 31998624 : i32
        %dma_wait3A_119 = tpu.memref_slice %arg4[%dma_wait3A_118] : memref<32000000xf32, #tpu.memory_space<hbm>> -> memref<32xf32, #tpu.memory_space<hbm>>
        %dma_wait3A_120 = arith.constant 31998624 : i32
        %dma_wait3A_121 = tpu.memref_slice %arg4[%dma_wait3A_120] : memref<32000000xf32, #tpu.memory_space<hbm>> -> memref<32xf32, #tpu.memory_space<hbm>>
        %dma_wait3A_122 = arith.constant 0 : i32
        %dma_wait3A_123 = tpu.memref_slice %arg9[%run_scoped3A_63, %dma_wait3A_122] : memref<64x32xf32, #tpu.memory_space<vmem>> -> memref<1x32xf32, #tpu.memory_space<vmem>>
        %dma_wait3A_124 = tpu.memref_squeeze %dma_wait3A_123 : memref<1x32xf32, #tpu.memory_space<vmem>> -> memref<32xf32, #tpu.memory_space<vmem>>
        tpu.wait_dma2 semaphore(%run_scoped3A_106 : memref<!tpu.dma_semaphore, #tpu.memory_space<semaphore_mem>>) src(%dma_wait3A_124 : memref<32xf32, #tpu.memory_space<vmem>>) dst(%dma_wait3A_121 : memref<32xf32, #tpu.memory_space<hbm>>)
        tpu.yield
      }) : () -> ()
      %run_scoped3A_64 = arith.constant 22 : i32
      "tpu.region"() ({
        %run_scoped3A_106 = tpu.sem_alloc : memref<!tpu.dma_semaphore, #tpu.memory_space<semaphore_mem>>
        %dma_start3A = arith.constant 0 : i32
        %dma_start3A_107 = tpu.memref_slice %arg9[%run_scoped3A_64, %dma_start3A] : memref<64x32xf32, #tpu.memory_space<vmem>> -> memref<1x32xf32, #tpu.memory_space<vmem>>
        %dma_start3A_108 = tpu.memref_squeeze %dma_start3A_107 : memref<1x32xf32, #tpu.memory_space<vmem>> -> memref<32xf32, #tpu.memory_space<vmem>>
        %dma_start3A_109 = arith.constant 31998656 : i32
        %dma_start3A_110 = tpu.memref_slice %arg4[%dma_start3A_109] : memref<32000000xf32, #tpu.memory_space<hbm>> -> memref<32xf32, #tpu.memory_space<hbm>>
        %dma_start3A_111 = arith.constant 31998656 : i32
        %dma_start3A_112 = tpu.memref_slice %arg4[%dma_start3A_111] : memref<32000000xf32, #tpu.memory_space<hbm>> -> memref<32xf32, #tpu.memory_space<hbm>>
        %dma_start3A_113 = arith.constant 0 : i32
        %dma_start3A_114 = tpu.memref_slice %arg9[%run_scoped3A_64, %dma_start3A_113] : memref<64x32xf32, #tpu.memory_space<vmem>> -> memref<1x32xf32, #tpu.memory_space<vmem>>
        %dma_start3A_115 = tpu.memref_squeeze %dma_start3A_114 : memref<1x32xf32, #tpu.memory_space<vmem>> -> memref<32xf32, #tpu.memory_space<vmem>>
        tpu.enqueue_dma source(%dma_start3A_115 : memref<32xf32, #tpu.memory_space<vmem>>) target(%dma_start3A_112 : memref<32xf32, #tpu.memory_space<hbm>>) target_semaphore(%run_scoped3A_106 : memref<!tpu.dma_semaphore, #tpu.memory_space<semaphore_mem>>)
        %dma_wait3A = arith.constant 0 : i32
        %dma_wait3A_116 = tpu.memref_slice %arg9[%run_scoped3A_64, %dma_wait3A] : memref<64x32xf32, #tpu.memory_space<vmem>> -> memref<1x32xf32, #tpu.memory_space<vmem>>
        %dma_wait3A_117 = tpu.memref_squeeze %dma_wait3A_116 : memref<1x32xf32, #tpu.memory_space<vmem>> -> memref<32xf32, #tpu.memory_space<vmem>>
        %dma_wait3A_118 = arith.constant 31998656 : i32
        %dma_wait3A_119 = tpu.memref_slice %arg4[%dma_wait3A_118] : memref<32000000xf32, #tpu.memory_space<hbm>> -> memref<32xf32, #tpu.memory_space<hbm>>
        %dma_wait3A_120 = arith.constant 31998656 : i32
        %dma_wait3A_121 = tpu.memref_slice %arg4[%dma_wait3A_120] : memref<32000000xf32, #tpu.memory_space<hbm>> -> memref<32xf32, #tpu.memory_space<hbm>>
        %dma_wait3A_122 = arith.constant 0 : i32
        %dma_wait3A_123 = tpu.memref_slice %arg9[%run_scoped3A_64, %dma_wait3A_122] : memref<64x32xf32, #tpu.memory_space<vmem>> -> memref<1x32xf32, #tpu.memory_space<vmem>>
        %dma_wait3A_124 = tpu.memref_squeeze %dma_wait3A_123 : memref<1x32xf32, #tpu.memory_space<vmem>> -> memref<32xf32, #tpu.memory_space<vmem>>
        tpu.wait_dma2 semaphore(%run_scoped3A_106 : memref<!tpu.dma_semaphore, #tpu.memory_space<semaphore_mem>>) src(%dma_wait3A_124 : memref<32xf32, #tpu.memory_space<vmem>>) dst(%dma_wait3A_121 : memref<32xf32, #tpu.memory_space<hbm>>)
        tpu.yield
      }) : () -> ()
      %run_scoped3A_65 = arith.constant 23 : i32
      "tpu.region"() ({
        %run_scoped3A_106 = tpu.sem_alloc : memref<!tpu.dma_semaphore, #tpu.memory_space<semaphore_mem>>
        %dma_start3A = arith.constant 0 : i32
        %dma_start3A_107 = tpu.memref_slice %arg9[%run_scoped3A_65, %dma_start3A] : memref<64x32xf32, #tpu.memory_space<vmem>> -> memref<1x32xf32, #tpu.memory_space<vmem>>
        %dma_start3A_108 = tpu.memref_squeeze %dma_start3A_107 : memref<1x32xf32, #tpu.memory_space<vmem>> -> memref<32xf32, #tpu.memory_space<vmem>>
        %dma_start3A_109 = arith.constant 31998688 : i32
        %dma_start3A_110 = tpu.memref_slice %arg4[%dma_start3A_109] : memref<32000000xf32, #tpu.memory_space<hbm>> -> memref<32xf32, #tpu.memory_space<hbm>>
        %dma_start3A_111 = arith.constant 31998688 : i32
        %dma_start3A_112 = tpu.memref_slice %arg4[%dma_start3A_111] : memref<32000000xf32, #tpu.memory_space<hbm>> -> memref<32xf32, #tpu.memory_space<hbm>>
        %dma_start3A_113 = arith.constant 0 : i32
        %dma_start3A_114 = tpu.memref_slice %arg9[%run_scoped3A_65, %dma_start3A_113] : memref<64x32xf32, #tpu.memory_space<vmem>> -> memref<1x32xf32, #tpu.memory_space<vmem>>
        %dma_start3A_115 = tpu.memref_squeeze %dma_start3A_114 : memref<1x32xf32, #tpu.memory_space<vmem>> -> memref<32xf32, #tpu.memory_space<vmem>>
        tpu.enqueue_dma source(%dma_start3A_115 : memref<32xf32, #tpu.memory_space<vmem>>) target(%dma_start3A_112 : memref<32xf32, #tpu.memory_space<hbm>>) target_semaphore(%run_scoped3A_106 : memref<!tpu.dma_semaphore, #tpu.memory_space<semaphore_mem>>)
        %dma_wait3A = arith.constant 0 : i32
        %dma_wait3A_116 = tpu.memref_slice %arg9[%run_scoped3A_65, %dma_wait3A] : memref<64x32xf32, #tpu.memory_space<vmem>> -> memref<1x32xf32, #tpu.memory_space<vmem>>
        %dma_wait3A_117 = tpu.memref_squeeze %dma_wait3A_116 : memref<1x32xf32, #tpu.memory_space<vmem>> -> memref<32xf32, #tpu.memory_space<vmem>>
        %dma_wait3A_118 = arith.constant 31998688 : i32
        %dma_wait3A_119 = tpu.memref_slice %arg4[%dma_wait3A_118] : memref<32000000xf32, #tpu.memory_space<hbm>> -> memref<32xf32, #tpu.memory_space<hbm>>
        %dma_wait3A_120 = arith.constant 31998688 : i32
        %dma_wait3A_121 = tpu.memref_slice %arg4[%dma_wait3A_120] : memref<32000000xf32, #tpu.memory_space<hbm>> -> memref<32xf32, #tpu.memory_space<hbm>>
        %dma_wait3A_122 = arith.constant 0 : i32
        %dma_wait3A_123 = tpu.memref_slice %arg9[%run_scoped3A_65, %dma_wait3A_122] : memref<64x32xf32, #tpu.memory_space<vmem>> -> memref<1x32xf32, #tpu.memory_space<vmem>>
        %dma_wait3A_124 = tpu.memref_squeeze %dma_wait3A_123 : memref<1x32xf32, #tpu.memory_space<vmem>> -> memref<32xf32, #tpu.memory_space<vmem>>
        tpu.wait_dma2 semaphore(%run_scoped3A_106 : memref<!tpu.dma_semaphore, #tpu.memory_space<semaphore_mem>>) src(%dma_wait3A_124 : memref<32xf32, #tpu.memory_space<vmem>>) dst(%dma_wait3A_121 : memref<32xf32, #tpu.memory_space<hbm>>)
        tpu.yield
      }) : () -> ()
      %run_scoped3A_66 = arith.constant 24 : i32
      "tpu.region"() ({
        %run_scoped3A_106 = tpu.sem_alloc : memref<!tpu.dma_semaphore, #tpu.memory_space<semaphore_mem>>
        %dma_start3A = arith.constant 0 : i32
        %dma_start3A_107 = tpu.memref_slice %arg9[%run_scoped3A_66, %dma_start3A] : memref<64x32xf32, #tpu.memory_space<vmem>> -> memref<1x32xf32, #tpu.memory_space<vmem>>
        %dma_start3A_108 = tpu.memref_squeeze %dma_start3A_107 : memref<1x32xf32, #tpu.memory_space<vmem>> -> memref<32xf32, #tpu.memory_space<vmem>>
        %dma_start3A_109 = arith.constant 31998720 : i32
        %dma_start3A_110 = tpu.memref_slice %arg4[%dma_start3A_109] : memref<32000000xf32, #tpu.memory_space<hbm>> -> memref<32xf32, #tpu.memory_space<hbm>>
        %dma_start3A_111 = arith.constant 31998720 : i32
        %dma_start3A_112 = tpu.memref_slice %arg4[%dma_start3A_111] : memref<32000000xf32, #tpu.memory_space<hbm>> -> memref<32xf32, #tpu.memory_space<hbm>>
        %dma_start3A_113 = arith.constant 0 : i32
        %dma_start3A_114 = tpu.memref_slice %arg9[%run_scoped3A_66, %dma_start3A_113] : memref<64x32xf32, #tpu.memory_space<vmem>> -> memref<1x32xf32, #tpu.memory_space<vmem>>
        %dma_start3A_115 = tpu.memref_squeeze %dma_start3A_114 : memref<1x32xf32, #tpu.memory_space<vmem>> -> memref<32xf32, #tpu.memory_space<vmem>>
        tpu.enqueue_dma source(%dma_start3A_115 : memref<32xf32, #tpu.memory_space<vmem>>) target(%dma_start3A_112 : memref<32xf32, #tpu.memory_space<hbm>>) target_semaphore(%run_scoped3A_106 : memref<!tpu.dma_semaphore, #tpu.memory_space<semaphore_mem>>)
        %dma_wait3A = arith.constant 0 : i32
        %dma_wait3A_116 = tpu.memref_slice %arg9[%run_scoped3A_66, %dma_wait3A] : memref<64x32xf32, #tpu.memory_space<vmem>> -> memref<1x32xf32, #tpu.memory_space<vmem>>
        %dma_wait3A_117 = tpu.memref_squeeze %dma_wait3A_116 : memref<1x32xf32, #tpu.memory_space<vmem>> -> memref<32xf32, #tpu.memory_space<vmem>>
        %dma_wait3A_118 = arith.constant 31998720 : i32
        %dma_wait3A_119 = tpu.memref_slice %arg4[%dma_wait3A_118] : memref<32000000xf32, #tpu.memory_space<hbm>> -> memref<32xf32, #tpu.memory_space<hbm>>
        %dma_wait3A_120 = arith.constant 31998720 : i32
        %dma_wait3A_121 = tpu.memref_slice %arg4[%dma_wait3A_120] : memref<32000000xf32, #tpu.memory_space<hbm>> -> memref<32xf32, #tpu.memory_space<hbm>>
        %dma_wait3A_122 = arith.constant 0 : i32
        %dma_wait3A_123 = tpu.memref_slice %arg9[%run_scoped3A_66, %dma_wait3A_122] : memref<64x32xf32, #tpu.memory_space<vmem>> -> memref<1x32xf32, #tpu.memory_space<vmem>>
        %dma_wait3A_124 = tpu.memref_squeeze %dma_wait3A_123 : memref<1x32xf32, #tpu.memory_space<vmem>> -> memref<32xf32, #tpu.memory_space<vmem>>
        tpu.wait_dma2 semaphore(%run_scoped3A_106 : memref<!tpu.dma_semaphore, #tpu.memory_space<semaphore_mem>>) src(%dma_wait3A_124 : memref<32xf32, #tpu.memory_space<vmem>>) dst(%dma_wait3A_121 : memref<32xf32, #tpu.memory_space<hbm>>)
        tpu.yield
      }) : () -> ()
      %run_scoped3A_67 = arith.constant 25 : i32
      "tpu.region"() ({
        %run_scoped3A_106 = tpu.sem_alloc : memref<!tpu.dma_semaphore, #tpu.memory_space<semaphore_mem>>
        %dma_start3A = arith.constant 0 : i32
        %dma_start3A_107 = tpu.memref_slice %arg9[%run_scoped3A_67, %dma_start3A] : memref<64x32xf32, #tpu.memory_space<vmem>> -> memref<1x32xf32, #tpu.memory_space<vmem>>
        %dma_start3A_108 = tpu.memref_squeeze %dma_start3A_107 : memref<1x32xf32, #tpu.memory_space<vmem>> -> memref<32xf32, #tpu.memory_space<vmem>>
        %dma_start3A_109 = arith.constant 31998752 : i32
        %dma_start3A_110 = tpu.memref_slice %arg4[%dma_start3A_109] : memref<32000000xf32, #tpu.memory_space<hbm>> -> memref<32xf32, #tpu.memory_space<hbm>>
        %dma_start3A_111 = arith.constant 31998752 : i32
        %dma_start3A_112 = tpu.memref_slice %arg4[%dma_start3A_111] : memref<32000000xf32, #tpu.memory_space<hbm>> -> memref<32xf32, #tpu.memory_space<hbm>>
        %dma_start3A_113 = arith.constant 0 : i32
        %dma_start3A_114 = tpu.memref_slice %arg9[%run_scoped3A_67, %dma_start3A_113] : memref<64x32xf32, #tpu.memory_space<vmem>> -> memref<1x32xf32, #tpu.memory_space<vmem>>
        %dma_start3A_115 = tpu.memref_squeeze %dma_start3A_114 : memref<1x32xf32, #tpu.memory_space<vmem>> -> memref<32xf32, #tpu.memory_space<vmem>>
        tpu.enqueue_dma source(%dma_start3A_115 : memref<32xf32, #tpu.memory_space<vmem>>) target(%dma_start3A_112 : memref<32xf32, #tpu.memory_space<hbm>>) target_semaphore(%run_scoped3A_106 : memref<!tpu.dma_semaphore, #tpu.memory_space<semaphore_mem>>)
        %dma_wait3A = arith.constant 0 : i32
        %dma_wait3A_116 = tpu.memref_slice %arg9[%run_scoped3A_67, %dma_wait3A] : memref<64x32xf32, #tpu.memory_space<vmem>> -> memref<1x32xf32, #tpu.memory_space<vmem>>
        %dma_wait3A_117 = tpu.memref_squeeze %dma_wait3A_116 : memref<1x32xf32, #tpu.memory_space<vmem>> -> memref<32xf32, #tpu.memory_space<vmem>>
        %dma_wait3A_118 = arith.constant 31998752 : i32
        %dma_wait3A_119 = tpu.memref_slice %arg4[%dma_wait3A_118] : memref<32000000xf32, #tpu.memory_space<hbm>> -> memref<32xf32, #tpu.memory_space<hbm>>
        %dma_wait3A_120 = arith.constant 31998752 : i32
        %dma_wait3A_121 = tpu.memref_slice %arg4[%dma_wait3A_120] : memref<32000000xf32, #tpu.memory_space<hbm>> -> memref<32xf32, #tpu.memory_space<hbm>>
        %dma_wait3A_122 = arith.constant 0 : i32
        %dma_wait3A_123 = tpu.memref_slice %arg9[%run_scoped3A_67, %dma_wait3A_122] : memref<64x32xf32, #tpu.memory_space<vmem>> -> memref<1x32xf32, #tpu.memory_space<vmem>>
        %dma_wait3A_124 = tpu.memref_squeeze %dma_wait3A_123 : memref<1x32xf32, #tpu.memory_space<vmem>> -> memref<32xf32, #tpu.memory_space<vmem>>
        tpu.wait_dma2 semaphore(%run_scoped3A_106 : memref<!tpu.dma_semaphore, #tpu.memory_space<semaphore_mem>>) src(%dma_wait3A_124 : memref<32xf32, #tpu.memory_space<vmem>>) dst(%dma_wait3A_121 : memref<32xf32, #tpu.memory_space<hbm>>)
        tpu.yield
      }) : () -> ()
      %run_scoped3A_68 = arith.constant 26 : i32
      "tpu.region"() ({
        %run_scoped3A_106 = tpu.sem_alloc : memref<!tpu.dma_semaphore, #tpu.memory_space<semaphore_mem>>
        %dma_start3A = arith.constant 0 : i32
        %dma_start3A_107 = tpu.memref_slice %arg9[%run_scoped3A_68, %dma_start3A] : memref<64x32xf32, #tpu.memory_space<vmem>> -> memref<1x32xf32, #tpu.memory_space<vmem>>
        %dma_start3A_108 = tpu.memref_squeeze %dma_start3A_107 : memref<1x32xf32, #tpu.memory_space<vmem>> -> memref<32xf32, #tpu.memory_space<vmem>>
        %dma_start3A_109 = arith.constant 31998784 : i32
        %dma_start3A_110 = tpu.memref_slice %arg4[%dma_start3A_109] : memref<32000000xf32, #tpu.memory_space<hbm>> -> memref<32xf32, #tpu.memory_space<hbm>>
        %dma_start3A_111 = arith.constant 31998784 : i32
        %dma_start3A_112 = tpu.memref_slice %arg4[%dma_start3A_111] : memref<32000000xf32, #tpu.memory_space<hbm>> -> memref<32xf32, #tpu.memory_space<hbm>>
        %dma_start3A_113 = arith.constant 0 : i32
        %dma_start3A_114 = tpu.memref_slice %arg9[%run_scoped3A_68, %dma_start3A_113] : memref<64x32xf32, #tpu.memory_space<vmem>> -> memref<1x32xf32, #tpu.memory_space<vmem>>
        %dma_start3A_115 = tpu.memref_squeeze %dma_start3A_114 : memref<1x32xf32, #tpu.memory_space<vmem>> -> memref<32xf32, #tpu.memory_space<vmem>>
        tpu.enqueue_dma source(%dma_start3A_115 : memref<32xf32, #tpu.memory_space<vmem>>) target(%dma_start3A_112 : memref<32xf32, #tpu.memory_space<hbm>>) target_semaphore(%run_scoped3A_106 : memref<!tpu.dma_semaphore, #tpu.memory_space<semaphore_mem>>)
        %dma_wait3A = arith.constant 0 : i32
        %dma_wait3A_116 = tpu.memref_slice %arg9[%run_scoped3A_68, %dma_wait3A] : memref<64x32xf32, #tpu.memory_space<vmem>> -> memref<1x32xf32, #tpu.memory_space<vmem>>
        %dma_wait3A_117 = tpu.memref_squeeze %dma_wait3A_116 : memref<1x32xf32, #tpu.memory_space<vmem>> -> memref<32xf32, #tpu.memory_space<vmem>>
        %dma_wait3A_118 = arith.constant 31998784 : i32
        %dma_wait3A_119 = tpu.memref_slice %arg4[%dma_wait3A_118] : memref<32000000xf32, #tpu.memory_space<hbm>> -> memref<32xf32, #tpu.memory_space<hbm>>
        %dma_wait3A_120 = arith.constant 31998784 : i32
        %dma_wait3A_121 = tpu.memref_slice %arg4[%dma_wait3A_120] : memref<32000000xf32, #tpu.memory_space<hbm>> -> memref<32xf32, #tpu.memory_space<hbm>>
        %dma_wait3A_122 = arith.constant 0 : i32
        %dma_wait3A_123 = tpu.memref_slice %arg9[%run_scoped3A_68, %dma_wait3A_122] : memref<64x32xf32, #tpu.memory_space<vmem>> -> memref<1x32xf32, #tpu.memory_space<vmem>>
        %dma_wait3A_124 = tpu.memref_squeeze %dma_wait3A_123 : memref<1x32xf32, #tpu.memory_space<vmem>> -> memref<32xf32, #tpu.memory_space<vmem>>
        tpu.wait_dma2 semaphore(%run_scoped3A_106 : memref<!tpu.dma_semaphore, #tpu.memory_space<semaphore_mem>>) src(%dma_wait3A_124 : memref<32xf32, #tpu.memory_space<vmem>>) dst(%dma_wait3A_121 : memref<32xf32, #tpu.memory_space<hbm>>)
        tpu.yield
      }) : () -> ()
      %run_scoped3A_69 = arith.constant 27 : i32
      "tpu.region"() ({
        %run_scoped3A_106 = tpu.sem_alloc : memref<!tpu.dma_semaphore, #tpu.memory_space<semaphore_mem>>
        %dma_start3A = arith.constant 0 : i32
        %dma_start3A_107 = tpu.memref_slice %arg9[%run_scoped3A_69, %dma_start3A] : memref<64x32xf32, #tpu.memory_space<vmem>> -> memref<1x32xf32, #tpu.memory_space<vmem>>
        %dma_start3A_108 = tpu.memref_squeeze %dma_start3A_107 : memref<1x32xf32, #tpu.memory_space<vmem>> -> memref<32xf32, #tpu.memory_space<vmem>>
        %dma_start3A_109 = arith.constant 31998816 : i32
        %dma_start3A_110 = tpu.memref_slice %arg4[%dma_start3A_109] : memref<32000000xf32, #tpu.memory_space<hbm>> -> memref<32xf32, #tpu.memory_space<hbm>>
        %dma_start3A_111 = arith.constant 31998816 : i32
        %dma_start3A_112 = tpu.memref_slice %arg4[%dma_start3A_111] : memref<32000000xf32, #tpu.memory_space<hbm>> -> memref<32xf32, #tpu.memory_space<hbm>>
        %dma_start3A_113 = arith.constant 0 : i32
        %dma_start3A_114 = tpu.memref_slice %arg9[%run_scoped3A_69, %dma_start3A_113] : memref<64x32xf32, #tpu.memory_space<vmem>> -> memref<1x32xf32, #tpu.memory_space<vmem>>
        %dma_start3A_115 = tpu.memref_squeeze %dma_start3A_114 : memref<1x32xf32, #tpu.memory_space<vmem>> -> memref<32xf32, #tpu.memory_space<vmem>>
        tpu.enqueue_dma source(%dma_start3A_115 : memref<32xf32, #tpu.memory_space<vmem>>) target(%dma_start3A_112 : memref<32xf32, #tpu.memory_space<hbm>>) target_semaphore(%run_scoped3A_106 : memref<!tpu.dma_semaphore, #tpu.memory_space<semaphore_mem>>)
        %dma_wait3A = arith.constant 0 : i32
        %dma_wait3A_116 = tpu.memref_slice %arg9[%run_scoped3A_69, %dma_wait3A] : memref<64x32xf32, #tpu.memory_space<vmem>> -> memref<1x32xf32, #tpu.memory_space<vmem>>
        %dma_wait3A_117 = tpu.memref_squeeze %dma_wait3A_116 : memref<1x32xf32, #tpu.memory_space<vmem>> -> memref<32xf32, #tpu.memory_space<vmem>>
        %dma_wait3A_118 = arith.constant 31998816 : i32
        %dma_wait3A_119 = tpu.memref_slice %arg4[%dma_wait3A_118] : memref<32000000xf32, #tpu.memory_space<hbm>> -> memref<32xf32, #tpu.memory_space<hbm>>
        %dma_wait3A_120 = arith.constant 31998816 : i32
        %dma_wait3A_121 = tpu.memref_slice %arg4[%dma_wait3A_120] : memref<32000000xf32, #tpu.memory_space<hbm>> -> memref<32xf32, #tpu.memory_space<hbm>>
        %dma_wait3A_122 = arith.constant 0 : i32
        %dma_wait3A_123 = tpu.memref_slice %arg9[%run_scoped3A_69, %dma_wait3A_122] : memref<64x32xf32, #tpu.memory_space<vmem>> -> memref<1x32xf32, #tpu.memory_space<vmem>>
        %dma_wait3A_124 = tpu.memref_squeeze %dma_wait3A_123 : memref<1x32xf32, #tpu.memory_space<vmem>> -> memref<32xf32, #tpu.memory_space<vmem>>
        tpu.wait_dma2 semaphore(%run_scoped3A_106 : memref<!tpu.dma_semaphore, #tpu.memory_space<semaphore_mem>>) src(%dma_wait3A_124 : memref<32xf32, #tpu.memory_space<vmem>>) dst(%dma_wait3A_121 : memref<32xf32, #tpu.memory_space<hbm>>)
        tpu.yield
      }) : () -> ()
      %run_scoped3A_70 = arith.constant 28 : i32
      "tpu.region"() ({
        %run_scoped3A_106 = tpu.sem_alloc : memref<!tpu.dma_semaphore, #tpu.memory_space<semaphore_mem>>
        %dma_start3A = arith.constant 0 : i32
        %dma_start3A_107 = tpu.memref_slice %arg9[%run_scoped3A_70, %dma_start3A] : memref<64x32xf32, #tpu.memory_space<vmem>> -> memref<1x32xf32, #tpu.memory_space<vmem>>
        %dma_start3A_108 = tpu.memref_squeeze %dma_start3A_107 : memref<1x32xf32, #tpu.memory_space<vmem>> -> memref<32xf32, #tpu.memory_space<vmem>>
        %dma_start3A_109 = arith.constant 31998848 : i32
        %dma_start3A_110 = tpu.memref_slice %arg4[%dma_start3A_109] : memref<32000000xf32, #tpu.memory_space<hbm>> -> memref<32xf32, #tpu.memory_space<hbm>>
        %dma_start3A_111 = arith.constant 31998848 : i32
        %dma_start3A_112 = tpu.memref_slice %arg4[%dma_start3A_111] : memref<32000000xf32, #tpu.memory_space<hbm>> -> memref<32xf32, #tpu.memory_space<hbm>>
        %dma_start3A_113 = arith.constant 0 : i32
        %dma_start3A_114 = tpu.memref_slice %arg9[%run_scoped3A_70, %dma_start3A_113] : memref<64x32xf32, #tpu.memory_space<vmem>> -> memref<1x32xf32, #tpu.memory_space<vmem>>
        %dma_start3A_115 = tpu.memref_squeeze %dma_start3A_114 : memref<1x32xf32, #tpu.memory_space<vmem>> -> memref<32xf32, #tpu.memory_space<vmem>>
        tpu.enqueue_dma source(%dma_start3A_115 : memref<32xf32, #tpu.memory_space<vmem>>) target(%dma_start3A_112 : memref<32xf32, #tpu.memory_space<hbm>>) target_semaphore(%run_scoped3A_106 : memref<!tpu.dma_semaphore, #tpu.memory_space<semaphore_mem>>)
        %dma_wait3A = arith.constant 0 : i32
        %dma_wait3A_116 = tpu.memref_slice %arg9[%run_scoped3A_70, %dma_wait3A] : memref<64x32xf32, #tpu.memory_space<vmem>> -> memref<1x32xf32, #tpu.memory_space<vmem>>
        %dma_wait3A_117 = tpu.memref_squeeze %dma_wait3A_116 : memref<1x32xf32, #tpu.memory_space<vmem>> -> memref<32xf32, #tpu.memory_space<vmem>>
        %dma_wait3A_118 = arith.constant 31998848 : i32
        %dma_wait3A_119 = tpu.memref_slice %arg4[%dma_wait3A_118] : memref<32000000xf32, #tpu.memory_space<hbm>> -> memref<32xf32, #tpu.memory_space<hbm>>
        %dma_wait3A_120 = arith.constant 31998848 : i32
        %dma_wait3A_121 = tpu.memref_slice %arg4[%dma_wait3A_120] : memref<32000000xf32, #tpu.memory_space<hbm>> -> memref<32xf32, #tpu.memory_space<hbm>>
        %dma_wait3A_122 = arith.constant 0 : i32
        %dma_wait3A_123 = tpu.memref_slice %arg9[%run_scoped3A_70, %dma_wait3A_122] : memref<64x32xf32, #tpu.memory_space<vmem>> -> memref<1x32xf32, #tpu.memory_space<vmem>>
        %dma_wait3A_124 = tpu.memref_squeeze %dma_wait3A_123 : memref<1x32xf32, #tpu.memory_space<vmem>> -> memref<32xf32, #tpu.memory_space<vmem>>
        tpu.wait_dma2 semaphore(%run_scoped3A_106 : memref<!tpu.dma_semaphore, #tpu.memory_space<semaphore_mem>>) src(%dma_wait3A_124 : memref<32xf32, #tpu.memory_space<vmem>>) dst(%dma_wait3A_121 : memref<32xf32, #tpu.memory_space<hbm>>)
        tpu.yield
      }) : () -> ()
      %run_scoped3A_71 = arith.constant 29 : i32
      "tpu.region"() ({
        %run_scoped3A_106 = tpu.sem_alloc : memref<!tpu.dma_semaphore, #tpu.memory_space<semaphore_mem>>
        %dma_start3A = arith.constant 0 : i32
        %dma_start3A_107 = tpu.memref_slice %arg9[%run_scoped3A_71, %dma_start3A] : memref<64x32xf32, #tpu.memory_space<vmem>> -> memref<1x32xf32, #tpu.memory_space<vmem>>
        %dma_start3A_108 = tpu.memref_squeeze %dma_start3A_107 : memref<1x32xf32, #tpu.memory_space<vmem>> -> memref<32xf32, #tpu.memory_space<vmem>>
        %dma_start3A_109 = arith.constant 31998880 : i32
        %dma_start3A_110 = tpu.memref_slice %arg4[%dma_start3A_109] : memref<32000000xf32, #tpu.memory_space<hbm>> -> memref<32xf32, #tpu.memory_space<hbm>>
        %dma_start3A_111 = arith.constant 31998880 : i32
        %dma_start3A_112 = tpu.memref_slice %arg4[%dma_start3A_111] : memref<32000000xf32, #tpu.memory_space<hbm>> -> memref<32xf32, #tpu.memory_space<hbm>>
        %dma_start3A_113 = arith.constant 0 : i32
        %dma_start3A_114 = tpu.memref_slice %arg9[%run_scoped3A_71, %dma_start3A_113] : memref<64x32xf32, #tpu.memory_space<vmem>> -> memref<1x32xf32, #tpu.memory_space<vmem>>
        %dma_start3A_115 = tpu.memref_squeeze %dma_start3A_114 : memref<1x32xf32, #tpu.memory_space<vmem>> -> memref<32xf32, #tpu.memory_space<vmem>>
        tpu.enqueue_dma source(%dma_start3A_115 : memref<32xf32, #tpu.memory_space<vmem>>) target(%dma_start3A_112 : memref<32xf32, #tpu.memory_space<hbm>>) target_semaphore(%run_scoped3A_106 : memref<!tpu.dma_semaphore, #tpu.memory_space<semaphore_mem>>)
        %dma_wait3A = arith.constant 0 : i32
        %dma_wait3A_116 = tpu.memref_slice %arg9[%run_scoped3A_71, %dma_wait3A] : memref<64x32xf32, #tpu.memory_space<vmem>> -> memref<1x32xf32, #tpu.memory_space<vmem>>
        %dma_wait3A_117 = tpu.memref_squeeze %dma_wait3A_116 : memref<1x32xf32, #tpu.memory_space<vmem>> -> memref<32xf32, #tpu.memory_space<vmem>>
        %dma_wait3A_118 = arith.constant 31998880 : i32
        %dma_wait3A_119 = tpu.memref_slice %arg4[%dma_wait3A_118] : memref<32000000xf32, #tpu.memory_space<hbm>> -> memref<32xf32, #tpu.memory_space<hbm>>
        %dma_wait3A_120 = arith.constant 31998880 : i32
        %dma_wait3A_121 = tpu.memref_slice %arg4[%dma_wait3A_120] : memref<32000000xf32, #tpu.memory_space<hbm>> -> memref<32xf32, #tpu.memory_space<hbm>>
        %dma_wait3A_122 = arith.constant 0 : i32
        %dma_wait3A_123 = tpu.memref_slice %arg9[%run_scoped3A_71, %dma_wait3A_122] : memref<64x32xf32, #tpu.memory_space<vmem>> -> memref<1x32xf32, #tpu.memory_space<vmem>>
        %dma_wait3A_124 = tpu.memref_squeeze %dma_wait3A_123 : memref<1x32xf32, #tpu.memory_space<vmem>> -> memref<32xf32, #tpu.memory_space<vmem>>
        tpu.wait_dma2 semaphore(%run_scoped3A_106 : memref<!tpu.dma_semaphore, #tpu.memory_space<semaphore_mem>>) src(%dma_wait3A_124 : memref<32xf32, #tpu.memory_space<vmem>>) dst(%dma_wait3A_121 : memref<32xf32, #tpu.memory_space<hbm>>)
        tpu.yield
      }) : () -> ()
      %run_scoped3A_72 = arith.constant 30 : i32
      "tpu.region"() ({
        %run_scoped3A_106 = tpu.sem_alloc : memref<!tpu.dma_semaphore, #tpu.memory_space<semaphore_mem>>
        %dma_start3A = arith.constant 0 : i32
        %dma_start3A_107 = tpu.memref_slice %arg9[%run_scoped3A_72, %dma_start3A] : memref<64x32xf32, #tpu.memory_space<vmem>> -> memref<1x32xf32, #tpu.memory_space<vmem>>
        %dma_start3A_108 = tpu.memref_squeeze %dma_start3A_107 : memref<1x32xf32, #tpu.memory_space<vmem>> -> memref<32xf32, #tpu.memory_space<vmem>>
        %dma_start3A_109 = arith.constant 31998912 : i32
        %dma_start3A_110 = tpu.memref_slice %arg4[%dma_start3A_109] : memref<32000000xf32, #tpu.memory_space<hbm>> -> memref<32xf32, #tpu.memory_space<hbm>>
        %dma_start3A_111 = arith.constant 31998912 : i32
        %dma_start3A_112 = tpu.memref_slice %arg4[%dma_start3A_111] : memref<32000000xf32, #tpu.memory_space<hbm>> -> memref<32xf32, #tpu.memory_space<hbm>>
        %dma_start3A_113 = arith.constant 0 : i32
        %dma_start3A_114 = tpu.memref_slice %arg9[%run_scoped3A_72, %dma_start3A_113] : memref<64x32xf32, #tpu.memory_space<vmem>> -> memref<1x32xf32, #tpu.memory_space<vmem>>
        %dma_start3A_115 = tpu.memref_squeeze %dma_start3A_114 : memref<1x32xf32, #tpu.memory_space<vmem>> -> memref<32xf32, #tpu.memory_space<vmem>>
        tpu.enqueue_dma source(%dma_start3A_115 : memref<32xf32, #tpu.memory_space<vmem>>) target(%dma_start3A_112 : memref<32xf32, #tpu.memory_space<hbm>>) target_semaphore(%run_scoped3A_106 : memref<!tpu.dma_semaphore, #tpu.memory_space<semaphore_mem>>)
        %dma_wait3A = arith.constant 0 : i32
        %dma_wait3A_116 = tpu.memref_slice %arg9[%run_scoped3A_72, %dma_wait3A] : memref<64x32xf32, #tpu.memory_space<vmem>> -> memref<1x32xf32, #tpu.memory_space<vmem>>
        %dma_wait3A_117 = tpu.memref_squeeze %dma_wait3A_116 : memref<1x32xf32, #tpu.memory_space<vmem>> -> memref<32xf32, #tpu.memory_space<vmem>>
        %dma_wait3A_118 = arith.constant 31998912 : i32
        %dma_wait3A_119 = tpu.memref_slice %arg4[%dma_wait3A_118] : memref<32000000xf32, #tpu.memory_space<hbm>> -> memref<32xf32, #tpu.memory_space<hbm>>
        %dma_wait3A_120 = arith.constant 31998912 : i32
        %dma_wait3A_121 = tpu.memref_slice %arg4[%dma_wait3A_120] : memref<32000000xf32, #tpu.memory_space<hbm>> -> memref<32xf32, #tpu.memory_space<hbm>>
        %dma_wait3A_122 = arith.constant 0 : i32
        %dma_wait3A_123 = tpu.memref_slice %arg9[%run_scoped3A_72, %dma_wait3A_122] : memref<64x32xf32, #tpu.memory_space<vmem>> -> memref<1x32xf32, #tpu.memory_space<vmem>>
        %dma_wait3A_124 = tpu.memref_squeeze %dma_wait3A_123 : memref<1x32xf32, #tpu.memory_space<vmem>> -> memref<32xf32, #tpu.memory_space<vmem>>
        tpu.wait_dma2 semaphore(%run_scoped3A_106 : memref<!tpu.dma_semaphore, #tpu.memory_space<semaphore_mem>>) src(%dma_wait3A_124 : memref<32xf32, #tpu.memory_space<vmem>>) dst(%dma_wait3A_121 : memref<32xf32, #tpu.memory_space<hbm>>)
        tpu.yield
      }) : () -> ()
      %run_scoped3A_73 = arith.constant 31 : i32
      "tpu.region"() ({
        %run_scoped3A_106 = tpu.sem_alloc : memref<!tpu.dma_semaphore, #tpu.memory_space<semaphore_mem>>
        %dma_start3A = arith.constant 0 : i32
        %dma_start3A_107 = tpu.memref_slice %arg9[%run_scoped3A_73, %dma_start3A] : memref<64x32xf32, #tpu.memory_space<vmem>> -> memref<1x32xf32, #tpu.memory_space<vmem>>
        %dma_start3A_108 = tpu.memref_squeeze %dma_start3A_107 : memref<1x32xf32, #tpu.memory_space<vmem>> -> memref<32xf32, #tpu.memory_space<vmem>>
        %dma_start3A_109 = arith.constant 31998944 : i32
        %dma_start3A_110 = tpu.memref_slice %arg4[%dma_start3A_109] : memref<32000000xf32, #tpu.memory_space<hbm>> -> memref<32xf32, #tpu.memory_space<hbm>>
        %dma_start3A_111 = arith.constant 31998944 : i32
        %dma_start3A_112 = tpu.memref_slice %arg4[%dma_start3A_111] : memref<32000000xf32, #tpu.memory_space<hbm>> -> memref<32xf32, #tpu.memory_space<hbm>>
        %dma_start3A_113 = arith.constant 0 : i32
        %dma_start3A_114 = tpu.memref_slice %arg9[%run_scoped3A_73, %dma_start3A_113] : memref<64x32xf32, #tpu.memory_space<vmem>> -> memref<1x32xf32, #tpu.memory_space<vmem>>
        %dma_start3A_115 = tpu.memref_squeeze %dma_start3A_114 : memref<1x32xf32, #tpu.memory_space<vmem>> -> memref<32xf32, #tpu.memory_space<vmem>>
        tpu.enqueue_dma source(%dma_start3A_115 : memref<32xf32, #tpu.memory_space<vmem>>) target(%dma_start3A_112 : memref<32xf32, #tpu.memory_space<hbm>>) target_semaphore(%run_scoped3A_106 : memref<!tpu.dma_semaphore, #tpu.memory_space<semaphore_mem>>)
        %dma_wait3A = arith.constant 0 : i32
        %dma_wait3A_116 = tpu.memref_slice %arg9[%run_scoped3A_73, %dma_wait3A] : memref<64x32xf32, #tpu.memory_space<vmem>> -> memref<1x32xf32, #tpu.memory_space<vmem>>
        %dma_wait3A_117 = tpu.memref_squeeze %dma_wait3A_116 : memref<1x32xf32, #tpu.memory_space<vmem>> -> memref<32xf32, #tpu.memory_space<vmem>>
        %dma_wait3A_118 = arith.constant 31998944 : i32
        %dma_wait3A_119 = tpu.memref_slice %arg4[%dma_wait3A_118] : memref<32000000xf32, #tpu.memory_space<hbm>> -> memref<32xf32, #tpu.memory_space<hbm>>
        %dma_wait3A_120 = arith.constant 31998944 : i32
        %dma_wait3A_121 = tpu.memref_slice %arg4[%dma_wait3A_120] : memref<32000000xf32, #tpu.memory_space<hbm>> -> memref<32xf32, #tpu.memory_space<hbm>>
        %dma_wait3A_122 = arith.constant 0 : i32
        %dma_wait3A_123 = tpu.memref_slice %arg9[%run_scoped3A_73, %dma_wait3A_122] : memref<64x32xf32, #tpu.memory_space<vmem>> -> memref<1x32xf32, #tpu.memory_space<vmem>>
        %dma_wait3A_124 = tpu.memref_squeeze %dma_wait3A_123 : memref<1x32xf32, #tpu.memory_space<vmem>> -> memref<32xf32, #tpu.memory_space<vmem>>
        tpu.wait_dma2 semaphore(%run_scoped3A_106 : memref<!tpu.dma_semaphore, #tpu.memory_space<semaphore_mem>>) src(%dma_wait3A_124 : memref<32xf32, #tpu.memory_space<vmem>>) dst(%dma_wait3A_121 : memref<32xf32, #tpu.memory_space<hbm>>)
        tpu.yield
      }) : () -> ()
      %run_scoped3A_74 = arith.constant 32 : i32
      "tpu.region"() ({
        %run_scoped3A_106 = tpu.sem_alloc : memref<!tpu.dma_semaphore, #tpu.memory_space<semaphore_mem>>
        %dma_start3A = arith.constant 0 : i32
        %dma_start3A_107 = tpu.memref_slice %arg9[%run_scoped3A_74, %dma_start3A] : memref<64x32xf32, #tpu.memory_space<vmem>> -> memref<1x32xf32, #tpu.memory_space<vmem>>
        %dma_start3A_108 = tpu.memref_squeeze %dma_start3A_107 : memref<1x32xf32, #tpu.memory_space<vmem>> -> memref<32xf32, #tpu.memory_space<vmem>>
        %dma_start3A_109 = arith.constant 31998976 : i32
        %dma_start3A_110 = tpu.memref_slice %arg4[%dma_start3A_109] : memref<32000000xf32, #tpu.memory_space<hbm>> -> memref<32xf32, #tpu.memory_space<hbm>>
        %dma_start3A_111 = arith.constant 31998976 : i32
        %dma_start3A_112 = tpu.memref_slice %arg4[%dma_start3A_111] : memref<32000000xf32, #tpu.memory_space<hbm>> -> memref<32xf32, #tpu.memory_space<hbm>>
        %dma_start3A_113 = arith.constant 0 : i32
        %dma_start3A_114 = tpu.memref_slice %arg9[%run_scoped3A_74, %dma_start3A_113] : memref<64x32xf32, #tpu.memory_space<vmem>> -> memref<1x32xf32, #tpu.memory_space<vmem>>
        %dma_start3A_115 = tpu.memref_squeeze %dma_start3A_114 : memref<1x32xf32, #tpu.memory_space<vmem>> -> memref<32xf32, #tpu.memory_space<vmem>>
        tpu.enqueue_dma source(%dma_start3A_115 : memref<32xf32, #tpu.memory_space<vmem>>) target(%dma_start3A_112 : memref<32xf32, #tpu.memory_space<hbm>>) target_semaphore(%run_scoped3A_106 : memref<!tpu.dma_semaphore, #tpu.memory_space<semaphore_mem>>)
        %dma_wait3A = arith.constant 0 : i32
        %dma_wait3A_116 = tpu.memref_slice %arg9[%run_scoped3A_74, %dma_wait3A] : memref<64x32xf32, #tpu.memory_space<vmem>> -> memref<1x32xf32, #tpu.memory_space<vmem>>
        %dma_wait3A_117 = tpu.memref_squeeze %dma_wait3A_116 : memref<1x32xf32, #tpu.memory_space<vmem>> -> memref<32xf32, #tpu.memory_space<vmem>>
        %dma_wait3A_118 = arith.constant 31998976 : i32
        %dma_wait3A_119 = tpu.memref_slice %arg4[%dma_wait3A_118] : memref<32000000xf32, #tpu.memory_space<hbm>> -> memref<32xf32, #tpu.memory_space<hbm>>
        %dma_wait3A_120 = arith.constant 31998976 : i32
        %dma_wait3A_121 = tpu.memref_slice %arg4[%dma_wait3A_120] : memref<32000000xf32, #tpu.memory_space<hbm>> -> memref<32xf32, #tpu.memory_space<hbm>>
        %dma_wait3A_122 = arith.constant 0 : i32
        %dma_wait3A_123 = tpu.memref_slice %arg9[%run_scoped3A_74, %dma_wait3A_122] : memref<64x32xf32, #tpu.memory_space<vmem>> -> memref<1x32xf32, #tpu.memory_space<vmem>>
        %dma_wait3A_124 = tpu.memref_squeeze %dma_wait3A_123 : memref<1x32xf32, #tpu.memory_space<vmem>> -> memref<32xf32, #tpu.memory_space<vmem>>
        tpu.wait_dma2 semaphore(%run_scoped3A_106 : memref<!tpu.dma_semaphore, #tpu.memory_space<semaphore_mem>>) src(%dma_wait3A_124 : memref<32xf32, #tpu.memory_space<vmem>>) dst(%dma_wait3A_121 : memref<32xf32, #tpu.memory_space<hbm>>)
        tpu.yield
      }) : () -> ()
      %run_scoped3A_75 = arith.constant 33 : i32
      "tpu.region"() ({
        %run_scoped3A_106 = tpu.sem_alloc : memref<!tpu.dma_semaphore, #tpu.memory_space<semaphore_mem>>
        %dma_start3A = arith.constant 0 : i32
        %dma_start3A_107 = tpu.memref_slice %arg9[%run_scoped3A_75, %dma_start3A] : memref<64x32xf32, #tpu.memory_space<vmem>> -> memref<1x32xf32, #tpu.memory_space<vmem>>
        %dma_start3A_108 = tpu.memref_squeeze %dma_start3A_107 : memref<1x32xf32, #tpu.memory_space<vmem>> -> memref<32xf32, #tpu.memory_space<vmem>>
        %dma_start3A_109 = arith.constant 31999008 : i32
        %dma_start3A_110 = tpu.memref_slice %arg4[%dma_start3A_109] : memref<32000000xf32, #tpu.memory_space<hbm>> -> memref<32xf32, #tpu.memory_space<hbm>>
        %dma_start3A_111 = arith.constant 31999008 : i32
        %dma_start3A_112 = tpu.memref_slice %arg4[%dma_start3A_111] : memref<32000000xf32, #tpu.memory_space<hbm>> -> memref<32xf32, #tpu.memory_space<hbm>>
        %dma_start3A_113 = arith.constant 0 : i32
        %dma_start3A_114 = tpu.memref_slice %arg9[%run_scoped3A_75, %dma_start3A_113] : memref<64x32xf32, #tpu.memory_space<vmem>> -> memref<1x32xf32, #tpu.memory_space<vmem>>
        %dma_start3A_115 = tpu.memref_squeeze %dma_start3A_114 : memref<1x32xf32, #tpu.memory_space<vmem>> -> memref<32xf32, #tpu.memory_space<vmem>>
        tpu.enqueue_dma source(%dma_start3A_115 : memref<32xf32, #tpu.memory_space<vmem>>) target(%dma_start3A_112 : memref<32xf32, #tpu.memory_space<hbm>>) target_semaphore(%run_scoped3A_106 : memref<!tpu.dma_semaphore, #tpu.memory_space<semaphore_mem>>)
        %dma_wait3A = arith.constant 0 : i32
        %dma_wait3A_116 = tpu.memref_slice %arg9[%run_scoped3A_75, %dma_wait3A] : memref<64x32xf32, #tpu.memory_space<vmem>> -> memref<1x32xf32, #tpu.memory_space<vmem>>
        %dma_wait3A_117 = tpu.memref_squeeze %dma_wait3A_116 : memref<1x32xf32, #tpu.memory_space<vmem>> -> memref<32xf32, #tpu.memory_space<vmem>>
        %dma_wait3A_118 = arith.constant 31999008 : i32
        %dma_wait3A_119 = tpu.memref_slice %arg4[%dma_wait3A_118] : memref<32000000xf32, #tpu.memory_space<hbm>> -> memref<32xf32, #tpu.memory_space<hbm>>
        %dma_wait3A_120 = arith.constant 31999008 : i32
        %dma_wait3A_121 = tpu.memref_slice %arg4[%dma_wait3A_120] : memref<32000000xf32, #tpu.memory_space<hbm>> -> memref<32xf32, #tpu.memory_space<hbm>>
        %dma_wait3A_122 = arith.constant 0 : i32
        %dma_wait3A_123 = tpu.memref_slice %arg9[%run_scoped3A_75, %dma_wait3A_122] : memref<64x32xf32, #tpu.memory_space<vmem>> -> memref<1x32xf32, #tpu.memory_space<vmem>>
        %dma_wait3A_124 = tpu.memref_squeeze %dma_wait3A_123 : memref<1x32xf32, #tpu.memory_space<vmem>> -> memref<32xf32, #tpu.memory_space<vmem>>
        tpu.wait_dma2 semaphore(%run_scoped3A_106 : memref<!tpu.dma_semaphore, #tpu.memory_space<semaphore_mem>>) src(%dma_wait3A_124 : memref<32xf32, #tpu.memory_space<vmem>>) dst(%dma_wait3A_121 : memref<32xf32, #tpu.memory_space<hbm>>)
        tpu.yield
      }) : () -> ()
      %run_scoped3A_76 = arith.constant 34 : i32
      "tpu.region"() ({
        %run_scoped3A_106 = tpu.sem_alloc : memref<!tpu.dma_semaphore, #tpu.memory_space<semaphore_mem>>
        %dma_start3A = arith.constant 0 : i32
        %dma_start3A_107 = tpu.memref_slice %arg9[%run_scoped3A_76, %dma_start3A] : memref<64x32xf32, #tpu.memory_space<vmem>> -> memref<1x32xf32, #tpu.memory_space<vmem>>
        %dma_start3A_108 = tpu.memref_squeeze %dma_start3A_107 : memref<1x32xf32, #tpu.memory_space<vmem>> -> memref<32xf32, #tpu.memory_space<vmem>>
        %dma_start3A_109 = arith.constant 31999040 : i32
        %dma_start3A_110 = tpu.memref_slice %arg4[%dma_start3A_109] : memref<32000000xf32, #tpu.memory_space<hbm>> -> memref<32xf32, #tpu.memory_space<hbm>>
        %dma_start3A_111 = arith.constant 31999040 : i32
        %dma_start3A_112 = tpu.memref_slice %arg4[%dma_start3A_111] : memref<32000000xf32, #tpu.memory_space<hbm>> -> memref<32xf32, #tpu.memory_space<hbm>>
        %dma_start3A_113 = arith.constant 0 : i32
        %dma_start3A_114 = tpu.memref_slice %arg9[%run_scoped3A_76, %dma_start3A_113] : memref<64x32xf32, #tpu.memory_space<vmem>> -> memref<1x32xf32, #tpu.memory_space<vmem>>
        %dma_start3A_115 = tpu.memref_squeeze %dma_start3A_114 : memref<1x32xf32, #tpu.memory_space<vmem>> -> memref<32xf32, #tpu.memory_space<vmem>>
        tpu.enqueue_dma source(%dma_start3A_115 : memref<32xf32, #tpu.memory_space<vmem>>) target(%dma_start3A_112 : memref<32xf32, #tpu.memory_space<hbm>>) target_semaphore(%run_scoped3A_106 : memref<!tpu.dma_semaphore, #tpu.memory_space<semaphore_mem>>)
        %dma_wait3A = arith.constant 0 : i32
        %dma_wait3A_116 = tpu.memref_slice %arg9[%run_scoped3A_76, %dma_wait3A] : memref<64x32xf32, #tpu.memory_space<vmem>> -> memref<1x32xf32, #tpu.memory_space<vmem>>
        %dma_wait3A_117 = tpu.memref_squeeze %dma_wait3A_116 : memref<1x32xf32, #tpu.memory_space<vmem>> -> memref<32xf32, #tpu.memory_space<vmem>>
        %dma_wait3A_118 = arith.constant 31999040 : i32
        %dma_wait3A_119 = tpu.memref_slice %arg4[%dma_wait3A_118] : memref<32000000xf32, #tpu.memory_space<hbm>> -> memref<32xf32, #tpu.memory_space<hbm>>
        %dma_wait3A_120 = arith.constant 31999040 : i32
        %dma_wait3A_121 = tpu.memref_slice %arg4[%dma_wait3A_120] : memref<32000000xf32, #tpu.memory_space<hbm>> -> memref<32xf32, #tpu.memory_space<hbm>>
        %dma_wait3A_122 = arith.constant 0 : i32
        %dma_wait3A_123 = tpu.memref_slice %arg9[%run_scoped3A_76, %dma_wait3A_122] : memref<64x32xf32, #tpu.memory_space<vmem>> -> memref<1x32xf32, #tpu.memory_space<vmem>>
        %dma_wait3A_124 = tpu.memref_squeeze %dma_wait3A_123 : memref<1x32xf32, #tpu.memory_space<vmem>> -> memref<32xf32, #tpu.memory_space<vmem>>
        tpu.wait_dma2 semaphore(%run_scoped3A_106 : memref<!tpu.dma_semaphore, #tpu.memory_space<semaphore_mem>>) src(%dma_wait3A_124 : memref<32xf32, #tpu.memory_space<vmem>>) dst(%dma_wait3A_121 : memref<32xf32, #tpu.memory_space<hbm>>)
        tpu.yield
      }) : () -> ()
      %run_scoped3A_77 = arith.constant 35 : i32
      "tpu.region"() ({
        %run_scoped3A_106 = tpu.sem_alloc : memref<!tpu.dma_semaphore, #tpu.memory_space<semaphore_mem>>
        %dma_start3A = arith.constant 0 : i32
        %dma_start3A_107 = tpu.memref_slice %arg9[%run_scoped3A_77, %dma_start3A] : memref<64x32xf32, #tpu.memory_space<vmem>> -> memref<1x32xf32, #tpu.memory_space<vmem>>
        %dma_start3A_108 = tpu.memref_squeeze %dma_start3A_107 : memref<1x32xf32, #tpu.memory_space<vmem>> -> memref<32xf32, #tpu.memory_space<vmem>>
        %dma_start3A_109 = arith.constant 31999072 : i32
        %dma_start3A_110 = tpu.memref_slice %arg4[%dma_start3A_109] : memref<32000000xf32, #tpu.memory_space<hbm>> -> memref<32xf32, #tpu.memory_space<hbm>>
        %dma_start3A_111 = arith.constant 31999072 : i32
        %dma_start3A_112 = tpu.memref_slice %arg4[%dma_start3A_111] : memref<32000000xf32, #tpu.memory_space<hbm>> -> memref<32xf32, #tpu.memory_space<hbm>>
        %dma_start3A_113 = arith.constant 0 : i32
        %dma_start3A_114 = tpu.memref_slice %arg9[%run_scoped3A_77, %dma_start3A_113] : memref<64x32xf32, #tpu.memory_space<vmem>> -> memref<1x32xf32, #tpu.memory_space<vmem>>
        %dma_start3A_115 = tpu.memref_squeeze %dma_start3A_114 : memref<1x32xf32, #tpu.memory_space<vmem>> -> memref<32xf32, #tpu.memory_space<vmem>>
        tpu.enqueue_dma source(%dma_start3A_115 : memref<32xf32, #tpu.memory_space<vmem>>) target(%dma_start3A_112 : memref<32xf32, #tpu.memory_space<hbm>>) target_semaphore(%run_scoped3A_106 : memref<!tpu.dma_semaphore, #tpu.memory_space<semaphore_mem>>)
        %dma_wait3A = arith.constant 0 : i32
        %dma_wait3A_116 = tpu.memref_slice %arg9[%run_scoped3A_77, %dma_wait3A] : memref<64x32xf32, #tpu.memory_space<vmem>> -> memref<1x32xf32, #tpu.memory_space<vmem>>
        %dma_wait3A_117 = tpu.memref_squeeze %dma_wait3A_116 : memref<1x32xf32, #tpu.memory_space<vmem>> -> memref<32xf32, #tpu.memory_space<vmem>>
        %dma_wait3A_118 = arith.constant 31999072 : i32
        %dma_wait3A_119 = tpu.memref_slice %arg4[%dma_wait3A_118] : memref<32000000xf32, #tpu.memory_space<hbm>> -> memref<32xf32, #tpu.memory_space<hbm>>
        %dma_wait3A_120 = arith.constant 31999072 : i32
        %dma_wait3A_121 = tpu.memref_slice %arg4[%dma_wait3A_120] : memref<32000000xf32, #tpu.memory_space<hbm>> -> memref<32xf32, #tpu.memory_space<hbm>>
        %dma_wait3A_122 = arith.constant 0 : i32
        %dma_wait3A_123 = tpu.memref_slice %arg9[%run_scoped3A_77, %dma_wait3A_122] : memref<64x32xf32, #tpu.memory_space<vmem>> -> memref<1x32xf32, #tpu.memory_space<vmem>>
        %dma_wait3A_124 = tpu.memref_squeeze %dma_wait3A_123 : memref<1x32xf32, #tpu.memory_space<vmem>> -> memref<32xf32, #tpu.memory_space<vmem>>
        tpu.wait_dma2 semaphore(%run_scoped3A_106 : memref<!tpu.dma_semaphore, #tpu.memory_space<semaphore_mem>>) src(%dma_wait3A_124 : memref<32xf32, #tpu.memory_space<vmem>>) dst(%dma_wait3A_121 : memref<32xf32, #tpu.memory_space<hbm>>)
        tpu.yield
      }) : () -> ()
      %run_scoped3A_78 = arith.constant 36 : i32
      "tpu.region"() ({
        %run_scoped3A_106 = tpu.sem_alloc : memref<!tpu.dma_semaphore, #tpu.memory_space<semaphore_mem>>
        %dma_start3A = arith.constant 0 : i32
        %dma_start3A_107 = tpu.memref_slice %arg9[%run_scoped3A_78, %dma_start3A] : memref<64x32xf32, #tpu.memory_space<vmem>> -> memref<1x32xf32, #tpu.memory_space<vmem>>
        %dma_start3A_108 = tpu.memref_squeeze %dma_start3A_107 : memref<1x32xf32, #tpu.memory_space<vmem>> -> memref<32xf32, #tpu.memory_space<vmem>>
        %dma_start3A_109 = arith.constant 31999104 : i32
        %dma_start3A_110 = tpu.memref_slice %arg4[%dma_start3A_109] : memref<32000000xf32, #tpu.memory_space<hbm>> -> memref<32xf32, #tpu.memory_space<hbm>>
        %dma_start3A_111 = arith.constant 31999104 : i32
        %dma_start3A_112 = tpu.memref_slice %arg4[%dma_start3A_111] : memref<32000000xf32, #tpu.memory_space<hbm>> -> memref<32xf32, #tpu.memory_space<hbm>>
        %dma_start3A_113 = arith.constant 0 : i32
        %dma_start3A_114 = tpu.memref_slice %arg9[%run_scoped3A_78, %dma_start3A_113] : memref<64x32xf32, #tpu.memory_space<vmem>> -> memref<1x32xf32, #tpu.memory_space<vmem>>
        %dma_start3A_115 = tpu.memref_squeeze %dma_start3A_114 : memref<1x32xf32, #tpu.memory_space<vmem>> -> memref<32xf32, #tpu.memory_space<vmem>>
        tpu.enqueue_dma source(%dma_start3A_115 : memref<32xf32, #tpu.memory_space<vmem>>) target(%dma_start3A_112 : memref<32xf32, #tpu.memory_space<hbm>>) target_semaphore(%run_scoped3A_106 : memref<!tpu.dma_semaphore, #tpu.memory_space<semaphore_mem>>)
        %dma_wait3A = arith.constant 0 : i32
        %dma_wait3A_116 = tpu.memref_slice %arg9[%run_scoped3A_78, %dma_wait3A] : memref<64x32xf32, #tpu.memory_space<vmem>> -> memref<1x32xf32, #tpu.memory_space<vmem>>
        %dma_wait3A_117 = tpu.memref_squeeze %dma_wait3A_116 : memref<1x32xf32, #tpu.memory_space<vmem>> -> memref<32xf32, #tpu.memory_space<vmem>>
        %dma_wait3A_118 = arith.constant 31999104 : i32
        %dma_wait3A_119 = tpu.memref_slice %arg4[%dma_wait3A_118] : memref<32000000xf32, #tpu.memory_space<hbm>> -> memref<32xf32, #tpu.memory_space<hbm>>
        %dma_wait3A_120 = arith.constant 31999104 : i32
        %dma_wait3A_121 = tpu.memref_slice %arg4[%dma_wait3A_120] : memref<32000000xf32, #tpu.memory_space<hbm>> -> memref<32xf32, #tpu.memory_space<hbm>>
        %dma_wait3A_122 = arith.constant 0 : i32
        %dma_wait3A_123 = tpu.memref_slice %arg9[%run_scoped3A_78, %dma_wait3A_122] : memref<64x32xf32, #tpu.memory_space<vmem>> -> memref<1x32xf32, #tpu.memory_space<vmem>>
        %dma_wait3A_124 = tpu.memref_squeeze %dma_wait3A_123 : memref<1x32xf32, #tpu.memory_space<vmem>> -> memref<32xf32, #tpu.memory_space<vmem>>
        tpu.wait_dma2 semaphore(%run_scoped3A_106 : memref<!tpu.dma_semaphore, #tpu.memory_space<semaphore_mem>>) src(%dma_wait3A_124 : memref<32xf32, #tpu.memory_space<vmem>>) dst(%dma_wait3A_121 : memref<32xf32, #tpu.memory_space<hbm>>)
        tpu.yield
      }) : () -> ()
      %run_scoped3A_79 = arith.constant 37 : i32
      "tpu.region"() ({
        %run_scoped3A_106 = tpu.sem_alloc : memref<!tpu.dma_semaphore, #tpu.memory_space<semaphore_mem>>
        %dma_start3A = arith.constant 0 : i32
        %dma_start3A_107 = tpu.memref_slice %arg9[%run_scoped3A_79, %dma_start3A] : memref<64x32xf32, #tpu.memory_space<vmem>> -> memref<1x32xf32, #tpu.memory_space<vmem>>
        %dma_start3A_108 = tpu.memref_squeeze %dma_start3A_107 : memref<1x32xf32, #tpu.memory_space<vmem>> -> memref<32xf32, #tpu.memory_space<vmem>>
        %dma_start3A_109 = arith.constant 31999136 : i32
        %dma_start3A_110 = tpu.memref_slice %arg4[%dma_start3A_109] : memref<32000000xf32, #tpu.memory_space<hbm>> -> memref<32xf32, #tpu.memory_space<hbm>>
        %dma_start3A_111 = arith.constant 31999136 : i32
        %dma_start3A_112 = tpu.memref_slice %arg4[%dma_start3A_111] : memref<32000000xf32, #tpu.memory_space<hbm>> -> memref<32xf32, #tpu.memory_space<hbm>>
        %dma_start3A_113 = arith.constant 0 : i32
        %dma_start3A_114 = tpu.memref_slice %arg9[%run_scoped3A_79, %dma_start3A_113] : memref<64x32xf32, #tpu.memory_space<vmem>> -> memref<1x32xf32, #tpu.memory_space<vmem>>
        %dma_start3A_115 = tpu.memref_squeeze %dma_start3A_114 : memref<1x32xf32, #tpu.memory_space<vmem>> -> memref<32xf32, #tpu.memory_space<vmem>>
        tpu.enqueue_dma source(%dma_start3A_115 : memref<32xf32, #tpu.memory_space<vmem>>) target(%dma_start3A_112 : memref<32xf32, #tpu.memory_space<hbm>>) target_semaphore(%run_scoped3A_106 : memref<!tpu.dma_semaphore, #tpu.memory_space<semaphore_mem>>)
        %dma_wait3A = arith.constant 0 : i32
        %dma_wait3A_116 = tpu.memref_slice %arg9[%run_scoped3A_79, %dma_wait3A] : memref<64x32xf32, #tpu.memory_space<vmem>> -> memref<1x32xf32, #tpu.memory_space<vmem>>
        %dma_wait3A_117 = tpu.memref_squeeze %dma_wait3A_116 : memref<1x32xf32, #tpu.memory_space<vmem>> -> memref<32xf32, #tpu.memory_space<vmem>>
        %dma_wait3A_118 = arith.constant 31999136 : i32
        %dma_wait3A_119 = tpu.memref_slice %arg4[%dma_wait3A_118] : memref<32000000xf32, #tpu.memory_space<hbm>> -> memref<32xf32, #tpu.memory_space<hbm>>
        %dma_wait3A_120 = arith.constant 31999136 : i32
        %dma_wait3A_121 = tpu.memref_slice %arg4[%dma_wait3A_120] : memref<32000000xf32, #tpu.memory_space<hbm>> -> memref<32xf32, #tpu.memory_space<hbm>>
        %dma_wait3A_122 = arith.constant 0 : i32
        %dma_wait3A_123 = tpu.memref_slice %arg9[%run_scoped3A_79, %dma_wait3A_122] : memref<64x32xf32, #tpu.memory_space<vmem>> -> memref<1x32xf32, #tpu.memory_space<vmem>>
        %dma_wait3A_124 = tpu.memref_squeeze %dma_wait3A_123 : memref<1x32xf32, #tpu.memory_space<vmem>> -> memref<32xf32, #tpu.memory_space<vmem>>
        tpu.wait_dma2 semaphore(%run_scoped3A_106 : memref<!tpu.dma_semaphore, #tpu.memory_space<semaphore_mem>>) src(%dma_wait3A_124 : memref<32xf32, #tpu.memory_space<vmem>>) dst(%dma_wait3A_121 : memref<32xf32, #tpu.memory_space<hbm>>)
        tpu.yield
      }) : () -> ()
      %run_scoped3A_80 = arith.constant 38 : i32
      "tpu.region"() ({
        %run_scoped3A_106 = tpu.sem_alloc : memref<!tpu.dma_semaphore, #tpu.memory_space<semaphore_mem>>
        %dma_start3A = arith.constant 0 : i32
        %dma_start3A_107 = tpu.memref_slice %arg9[%run_scoped3A_80, %dma_start3A] : memref<64x32xf32, #tpu.memory_space<vmem>> -> memref<1x32xf32, #tpu.memory_space<vmem>>
        %dma_start3A_108 = tpu.memref_squeeze %dma_start3A_107 : memref<1x32xf32, #tpu.memory_space<vmem>> -> memref<32xf32, #tpu.memory_space<vmem>>
        %dma_start3A_109 = arith.constant 31999168 : i32
        %dma_start3A_110 = tpu.memref_slice %arg4[%dma_start3A_109] : memref<32000000xf32, #tpu.memory_space<hbm>> -> memref<32xf32, #tpu.memory_space<hbm>>
        %dma_start3A_111 = arith.constant 31999168 : i32
        %dma_start3A_112 = tpu.memref_slice %arg4[%dma_start3A_111] : memref<32000000xf32, #tpu.memory_space<hbm>> -> memref<32xf32, #tpu.memory_space<hbm>>
        %dma_start3A_113 = arith.constant 0 : i32
        %dma_start3A_114 = tpu.memref_slice %arg9[%run_scoped3A_80, %dma_start3A_113] : memref<64x32xf32, #tpu.memory_space<vmem>> -> memref<1x32xf32, #tpu.memory_space<vmem>>
        %dma_start3A_115 = tpu.memref_squeeze %dma_start3A_114 : memref<1x32xf32, #tpu.memory_space<vmem>> -> memref<32xf32, #tpu.memory_space<vmem>>
        tpu.enqueue_dma source(%dma_start3A_115 : memref<32xf32, #tpu.memory_space<vmem>>) target(%dma_start3A_112 : memref<32xf32, #tpu.memory_space<hbm>>) target_semaphore(%run_scoped3A_106 : memref<!tpu.dma_semaphore, #tpu.memory_space<semaphore_mem>>)
        %dma_wait3A = arith.constant 0 : i32
        %dma_wait3A_116 = tpu.memref_slice %arg9[%run_scoped3A_80, %dma_wait3A] : memref<64x32xf32, #tpu.memory_space<vmem>> -> memref<1x32xf32, #tpu.memory_space<vmem>>
        %dma_wait3A_117 = tpu.memref_squeeze %dma_wait3A_116 : memref<1x32xf32, #tpu.memory_space<vmem>> -> memref<32xf32, #tpu.memory_space<vmem>>
        %dma_wait3A_118 = arith.constant 31999168 : i32
        %dma_wait3A_119 = tpu.memref_slice %arg4[%dma_wait3A_118] : memref<32000000xf32, #tpu.memory_space<hbm>> -> memref<32xf32, #tpu.memory_space<hbm>>
        %dma_wait3A_120 = arith.constant 31999168 : i32
        %dma_wait3A_121 = tpu.memref_slice %arg4[%dma_wait3A_120] : memref<32000000xf32, #tpu.memory_space<hbm>> -> memref<32xf32, #tpu.memory_space<hbm>>
        %dma_wait3A_122 = arith.constant 0 : i32
        %dma_wait3A_123 = tpu.memref_slice %arg9[%run_scoped3A_80, %dma_wait3A_122] : memref<64x32xf32, #tpu.memory_space<vmem>> -> memref<1x32xf32, #tpu.memory_space<vmem>>
        %dma_wait3A_124 = tpu.memref_squeeze %dma_wait3A_123 : memref<1x32xf32, #tpu.memory_space<vmem>> -> memref<32xf32, #tpu.memory_space<vmem>>
        tpu.wait_dma2 semaphore(%run_scoped3A_106 : memref<!tpu.dma_semaphore, #tpu.memory_space<semaphore_mem>>) src(%dma_wait3A_124 : memref<32xf32, #tpu.memory_space<vmem>>) dst(%dma_wait3A_121 : memref<32xf32, #tpu.memory_space<hbm>>)
        tpu.yield
      }) : () -> ()
      %run_scoped3A_81 = arith.constant 39 : i32
      "tpu.region"() ({
        %run_scoped3A_106 = tpu.sem_alloc : memref<!tpu.dma_semaphore, #tpu.memory_space<semaphore_mem>>
        %dma_start3A = arith.constant 0 : i32
        %dma_start3A_107 = tpu.memref_slice %arg9[%run_scoped3A_81, %dma_start3A] : memref<64x32xf32, #tpu.memory_space<vmem>> -> memref<1x32xf32, #tpu.memory_space<vmem>>
        %dma_start3A_108 = tpu.memref_squeeze %dma_start3A_107 : memref<1x32xf32, #tpu.memory_space<vmem>> -> memref<32xf32, #tpu.memory_space<vmem>>
        %dma_start3A_109 = arith.constant 31999200 : i32
        %dma_start3A_110 = tpu.memref_slice %arg4[%dma_start3A_109] : memref<32000000xf32, #tpu.memory_space<hbm>> -> memref<32xf32, #tpu.memory_space<hbm>>
        %dma_start3A_111 = arith.constant 31999200 : i32
        %dma_start3A_112 = tpu.memref_slice %arg4[%dma_start3A_111] : memref<32000000xf32, #tpu.memory_space<hbm>> -> memref<32xf32, #tpu.memory_space<hbm>>
        %dma_start3A_113 = arith.constant 0 : i32
        %dma_start3A_114 = tpu.memref_slice %arg9[%run_scoped3A_81, %dma_start3A_113] : memref<64x32xf32, #tpu.memory_space<vmem>> -> memref<1x32xf32, #tpu.memory_space<vmem>>
        %dma_start3A_115 = tpu.memref_squeeze %dma_start3A_114 : memref<1x32xf32, #tpu.memory_space<vmem>> -> memref<32xf32, #tpu.memory_space<vmem>>
        tpu.enqueue_dma source(%dma_start3A_115 : memref<32xf32, #tpu.memory_space<vmem>>) target(%dma_start3A_112 : memref<32xf32, #tpu.memory_space<hbm>>) target_semaphore(%run_scoped3A_106 : memref<!tpu.dma_semaphore, #tpu.memory_space<semaphore_mem>>)
        %dma_wait3A = arith.constant 0 : i32
        %dma_wait3A_116 = tpu.memref_slice %arg9[%run_scoped3A_81, %dma_wait3A] : memref<64x32xf32, #tpu.memory_space<vmem>> -> memref<1x32xf32, #tpu.memory_space<vmem>>
        %dma_wait3A_117 = tpu.memref_squeeze %dma_wait3A_116 : memref<1x32xf32, #tpu.memory_space<vmem>> -> memref<32xf32, #tpu.memory_space<vmem>>
        %dma_wait3A_118 = arith.constant 31999200 : i32
        %dma_wait3A_119 = tpu.memref_slice %arg4[%dma_wait3A_118] : memref<32000000xf32, #tpu.memory_space<hbm>> -> memref<32xf32, #tpu.memory_space<hbm>>
        %dma_wait3A_120 = arith.constant 31999200 : i32
        %dma_wait3A_121 = tpu.memref_slice %arg4[%dma_wait3A_120] : memref<32000000xf32, #tpu.memory_space<hbm>> -> memref<32xf32, #tpu.memory_space<hbm>>
        %dma_wait3A_122 = arith.constant 0 : i32
        %dma_wait3A_123 = tpu.memref_slice %arg9[%run_scoped3A_81, %dma_wait3A_122] : memref<64x32xf32, #tpu.memory_space<vmem>> -> memref<1x32xf32, #tpu.memory_space<vmem>>
        %dma_wait3A_124 = tpu.memref_squeeze %dma_wait3A_123 : memref<1x32xf32, #tpu.memory_space<vmem>> -> memref<32xf32, #tpu.memory_space<vmem>>
        tpu.wait_dma2 semaphore(%run_scoped3A_106 : memref<!tpu.dma_semaphore, #tpu.memory_space<semaphore_mem>>) src(%dma_wait3A_124 : memref<32xf32, #tpu.memory_space<vmem>>) dst(%dma_wait3A_121 : memref<32xf32, #tpu.memory_space<hbm>>)
        tpu.yield
      }) : () -> ()
      %run_scoped3A_82 = arith.constant 40 : i32
      "tpu.region"() ({
        %run_scoped3A_106 = tpu.sem_alloc : memref<!tpu.dma_semaphore, #tpu.memory_space<semaphore_mem>>
        %dma_start3A = arith.constant 0 : i32
        %dma_start3A_107 = tpu.memref_slice %arg9[%run_scoped3A_82, %dma_start3A] : memref<64x32xf32, #tpu.memory_space<vmem>> -> memref<1x32xf32, #tpu.memory_space<vmem>>
        %dma_start3A_108 = tpu.memref_squeeze %dma_start3A_107 : memref<1x32xf32, #tpu.memory_space<vmem>> -> memref<32xf32, #tpu.memory_space<vmem>>
        %dma_start3A_109 = arith.constant 31999232 : i32
        %dma_start3A_110 = tpu.memref_slice %arg4[%dma_start3A_109] : memref<32000000xf32, #tpu.memory_space<hbm>> -> memref<32xf32, #tpu.memory_space<hbm>>
        %dma_start3A_111 = arith.constant 31999232 : i32
        %dma_start3A_112 = tpu.memref_slice %arg4[%dma_start3A_111] : memref<32000000xf32, #tpu.memory_space<hbm>> -> memref<32xf32, #tpu.memory_space<hbm>>
        %dma_start3A_113 = arith.constant 0 : i32
        %dma_start3A_114 = tpu.memref_slice %arg9[%run_scoped3A_82, %dma_start3A_113] : memref<64x32xf32, #tpu.memory_space<vmem>> -> memref<1x32xf32, #tpu.memory_space<vmem>>
        %dma_start3A_115 = tpu.memref_squeeze %dma_start3A_114 : memref<1x32xf32, #tpu.memory_space<vmem>> -> memref<32xf32, #tpu.memory_space<vmem>>
        tpu.enqueue_dma source(%dma_start3A_115 : memref<32xf32, #tpu.memory_space<vmem>>) target(%dma_start3A_112 : memref<32xf32, #tpu.memory_space<hbm>>) target_semaphore(%run_scoped3A_106 : memref<!tpu.dma_semaphore, #tpu.memory_space<semaphore_mem>>)
        %dma_wait3A = arith.constant 0 : i32
        %dma_wait3A_116 = tpu.memref_slice %arg9[%run_scoped3A_82, %dma_wait3A] : memref<64x32xf32, #tpu.memory_space<vmem>> -> memref<1x32xf32, #tpu.memory_space<vmem>>
        %dma_wait3A_117 = tpu.memref_squeeze %dma_wait3A_116 : memref<1x32xf32, #tpu.memory_space<vmem>> -> memref<32xf32, #tpu.memory_space<vmem>>
        %dma_wait3A_118 = arith.constant 31999232 : i32
        %dma_wait3A_119 = tpu.memref_slice %arg4[%dma_wait3A_118] : memref<32000000xf32, #tpu.memory_space<hbm>> -> memref<32xf32, #tpu.memory_space<hbm>>
        %dma_wait3A_120 = arith.constant 31999232 : i32
        %dma_wait3A_121 = tpu.memref_slice %arg4[%dma_wait3A_120] : memref<32000000xf32, #tpu.memory_space<hbm>> -> memref<32xf32, #tpu.memory_space<hbm>>
        %dma_wait3A_122 = arith.constant 0 : i32
        %dma_wait3A_123 = tpu.memref_slice %arg9[%run_scoped3A_82, %dma_wait3A_122] : memref<64x32xf32, #tpu.memory_space<vmem>> -> memref<1x32xf32, #tpu.memory_space<vmem>>
        %dma_wait3A_124 = tpu.memref_squeeze %dma_wait3A_123 : memref<1x32xf32, #tpu.memory_space<vmem>> -> memref<32xf32, #tpu.memory_space<vmem>>
        tpu.wait_dma2 semaphore(%run_scoped3A_106 : memref<!tpu.dma_semaphore, #tpu.memory_space<semaphore_mem>>) src(%dma_wait3A_124 : memref<32xf32, #tpu.memory_space<vmem>>) dst(%dma_wait3A_121 : memref<32xf32, #tpu.memory_space<hbm>>)
        tpu.yield
      }) : () -> ()
      %run_scoped3A_83 = arith.constant 41 : i32
      "tpu.region"() ({
        %run_scoped3A_106 = tpu.sem_alloc : memref<!tpu.dma_semaphore, #tpu.memory_space<semaphore_mem>>
        %dma_start3A = arith.constant 0 : i32
        %dma_start3A_107 = tpu.memref_slice %arg9[%run_scoped3A_83, %dma_start3A] : memref<64x32xf32, #tpu.memory_space<vmem>> -> memref<1x32xf32, #tpu.memory_space<vmem>>
        %dma_start3A_108 = tpu.memref_squeeze %dma_start3A_107 : memref<1x32xf32, #tpu.memory_space<vmem>> -> memref<32xf32, #tpu.memory_space<vmem>>
        %dma_start3A_109 = arith.constant 31999264 : i32
        %dma_start3A_110 = tpu.memref_slice %arg4[%dma_start3A_109] : memref<32000000xf32, #tpu.memory_space<hbm>> -> memref<32xf32, #tpu.memory_space<hbm>>
        %dma_start3A_111 = arith.constant 31999264 : i32
        %dma_start3A_112 = tpu.memref_slice %arg4[%dma_start3A_111] : memref<32000000xf32, #tpu.memory_space<hbm>> -> memref<32xf32, #tpu.memory_space<hbm>>
        %dma_start3A_113 = arith.constant 0 : i32
        %dma_start3A_114 = tpu.memref_slice %arg9[%run_scoped3A_83, %dma_start3A_113] : memref<64x32xf32, #tpu.memory_space<vmem>> -> memref<1x32xf32, #tpu.memory_space<vmem>>
        %dma_start3A_115 = tpu.memref_squeeze %dma_start3A_114 : memref<1x32xf32, #tpu.memory_space<vmem>> -> memref<32xf32, #tpu.memory_space<vmem>>
        tpu.enqueue_dma source(%dma_start3A_115 : memref<32xf32, #tpu.memory_space<vmem>>) target(%dma_start3A_112 : memref<32xf32, #tpu.memory_space<hbm>>) target_semaphore(%run_scoped3A_106 : memref<!tpu.dma_semaphore, #tpu.memory_space<semaphore_mem>>)
        %dma_wait3A = arith.constant 0 : i32
        %dma_wait3A_116 = tpu.memref_slice %arg9[%run_scoped3A_83, %dma_wait3A] : memref<64x32xf32, #tpu.memory_space<vmem>> -> memref<1x32xf32, #tpu.memory_space<vmem>>
        %dma_wait3A_117 = tpu.memref_squeeze %dma_wait3A_116 : memref<1x32xf32, #tpu.memory_space<vmem>> -> memref<32xf32, #tpu.memory_space<vmem>>
        %dma_wait3A_118 = arith.constant 31999264 : i32
        %dma_wait3A_119 = tpu.memref_slice %arg4[%dma_wait3A_118] : memref<32000000xf32, #tpu.memory_space<hbm>> -> memref<32xf32, #tpu.memory_space<hbm>>
        %dma_wait3A_120 = arith.constant 31999264 : i32
        %dma_wait3A_121 = tpu.memref_slice %arg4[%dma_wait3A_120] : memref<32000000xf32, #tpu.memory_space<hbm>> -> memref<32xf32, #tpu.memory_space<hbm>>
        %dma_wait3A_122 = arith.constant 0 : i32
        %dma_wait3A_123 = tpu.memref_slice %arg9[%run_scoped3A_83, %dma_wait3A_122] : memref<64x32xf32, #tpu.memory_space<vmem>> -> memref<1x32xf32, #tpu.memory_space<vmem>>
        %dma_wait3A_124 = tpu.memref_squeeze %dma_wait3A_123 : memref<1x32xf32, #tpu.memory_space<vmem>> -> memref<32xf32, #tpu.memory_space<vmem>>
        tpu.wait_dma2 semaphore(%run_scoped3A_106 : memref<!tpu.dma_semaphore, #tpu.memory_space<semaphore_mem>>) src(%dma_wait3A_124 : memref<32xf32, #tpu.memory_space<vmem>>) dst(%dma_wait3A_121 : memref<32xf32, #tpu.memory_space<hbm>>)
        tpu.yield
      }) : () -> ()
      %run_scoped3A_84 = arith.constant 42 : i32
      "tpu.region"() ({
        %run_scoped3A_106 = tpu.sem_alloc : memref<!tpu.dma_semaphore, #tpu.memory_space<semaphore_mem>>
        %dma_start3A = arith.constant 0 : i32
        %dma_start3A_107 = tpu.memref_slice %arg9[%run_scoped3A_84, %dma_start3A] : memref<64x32xf32, #tpu.memory_space<vmem>> -> memref<1x32xf32, #tpu.memory_space<vmem>>
        %dma_start3A_108 = tpu.memref_squeeze %dma_start3A_107 : memref<1x32xf32, #tpu.memory_space<vmem>> -> memref<32xf32, #tpu.memory_space<vmem>>
        %dma_start3A_109 = arith.constant 31999296 : i32
        %dma_start3A_110 = tpu.memref_slice %arg4[%dma_start3A_109] : memref<32000000xf32, #tpu.memory_space<hbm>> -> memref<32xf32, #tpu.memory_space<hbm>>
        %dma_start3A_111 = arith.constant 31999296 : i32
        %dma_start3A_112 = tpu.memref_slice %arg4[%dma_start3A_111] : memref<32000000xf32, #tpu.memory_space<hbm>> -> memref<32xf32, #tpu.memory_space<hbm>>
        %dma_start3A_113 = arith.constant 0 : i32
        %dma_start3A_114 = tpu.memref_slice %arg9[%run_scoped3A_84, %dma_start3A_113] : memref<64x32xf32, #tpu.memory_space<vmem>> -> memref<1x32xf32, #tpu.memory_space<vmem>>
        %dma_start3A_115 = tpu.memref_squeeze %dma_start3A_114 : memref<1x32xf32, #tpu.memory_space<vmem>> -> memref<32xf32, #tpu.memory_space<vmem>>
        tpu.enqueue_dma source(%dma_start3A_115 : memref<32xf32, #tpu.memory_space<vmem>>) target(%dma_start3A_112 : memref<32xf32, #tpu.memory_space<hbm>>) target_semaphore(%run_scoped3A_106 : memref<!tpu.dma_semaphore, #tpu.memory_space<semaphore_mem>>)
        %dma_wait3A = arith.constant 0 : i32
        %dma_wait3A_116 = tpu.memref_slice %arg9[%run_scoped3A_84, %dma_wait3A] : memref<64x32xf32, #tpu.memory_space<vmem>> -> memref<1x32xf32, #tpu.memory_space<vmem>>
        %dma_wait3A_117 = tpu.memref_squeeze %dma_wait3A_116 : memref<1x32xf32, #tpu.memory_space<vmem>> -> memref<32xf32, #tpu.memory_space<vmem>>
        %dma_wait3A_118 = arith.constant 31999296 : i32
        %dma_wait3A_119 = tpu.memref_slice %arg4[%dma_wait3A_118] : memref<32000000xf32, #tpu.memory_space<hbm>> -> memref<32xf32, #tpu.memory_space<hbm>>
        %dma_wait3A_120 = arith.constant 31999296 : i32
        %dma_wait3A_121 = tpu.memref_slice %arg4[%dma_wait3A_120] : memref<32000000xf32, #tpu.memory_space<hbm>> -> memref<32xf32, #tpu.memory_space<hbm>>
        %dma_wait3A_122 = arith.constant 0 : i32
        %dma_wait3A_123 = tpu.memref_slice %arg9[%run_scoped3A_84, %dma_wait3A_122] : memref<64x32xf32, #tpu.memory_space<vmem>> -> memref<1x32xf32, #tpu.memory_space<vmem>>
        %dma_wait3A_124 = tpu.memref_squeeze %dma_wait3A_123 : memref<1x32xf32, #tpu.memory_space<vmem>> -> memref<32xf32, #tpu.memory_space<vmem>>
        tpu.wait_dma2 semaphore(%run_scoped3A_106 : memref<!tpu.dma_semaphore, #tpu.memory_space<semaphore_mem>>) src(%dma_wait3A_124 : memref<32xf32, #tpu.memory_space<vmem>>) dst(%dma_wait3A_121 : memref<32xf32, #tpu.memory_space<hbm>>)
        tpu.yield
      }) : () -> ()
      %run_scoped3A_85 = arith.constant 43 : i32
      "tpu.region"() ({
        %run_scoped3A_106 = tpu.sem_alloc : memref<!tpu.dma_semaphore, #tpu.memory_space<semaphore_mem>>
        %dma_start3A = arith.constant 0 : i32
        %dma_start3A_107 = tpu.memref_slice %arg9[%run_scoped3A_85, %dma_start3A] : memref<64x32xf32, #tpu.memory_space<vmem>> -> memref<1x32xf32, #tpu.memory_space<vmem>>
        %dma_start3A_108 = tpu.memref_squeeze %dma_start3A_107 : memref<1x32xf32, #tpu.memory_space<vmem>> -> memref<32xf32, #tpu.memory_space<vmem>>
        %dma_start3A_109 = arith.constant 31999328 : i32
        %dma_start3A_110 = tpu.memref_slice %arg4[%dma_start3A_109] : memref<32000000xf32, #tpu.memory_space<hbm>> -> memref<32xf32, #tpu.memory_space<hbm>>
        %dma_start3A_111 = arith.constant 31999328 : i32
        %dma_start3A_112 = tpu.memref_slice %arg4[%dma_start3A_111] : memref<32000000xf32, #tpu.memory_space<hbm>> -> memref<32xf32, #tpu.memory_space<hbm>>
        %dma_start3A_113 = arith.constant 0 : i32
        %dma_start3A_114 = tpu.memref_slice %arg9[%run_scoped3A_85, %dma_start3A_113] : memref<64x32xf32, #tpu.memory_space<vmem>> -> memref<1x32xf32, #tpu.memory_space<vmem>>
        %dma_start3A_115 = tpu.memref_squeeze %dma_start3A_114 : memref<1x32xf32, #tpu.memory_space<vmem>> -> memref<32xf32, #tpu.memory_space<vmem>>
        tpu.enqueue_dma source(%dma_start3A_115 : memref<32xf32, #tpu.memory_space<vmem>>) target(%dma_start3A_112 : memref<32xf32, #tpu.memory_space<hbm>>) target_semaphore(%run_scoped3A_106 : memref<!tpu.dma_semaphore, #tpu.memory_space<semaphore_mem>>)
        %dma_wait3A = arith.constant 0 : i32
        %dma_wait3A_116 = tpu.memref_slice %arg9[%run_scoped3A_85, %dma_wait3A] : memref<64x32xf32, #tpu.memory_space<vmem>> -> memref<1x32xf32, #tpu.memory_space<vmem>>
        %dma_wait3A_117 = tpu.memref_squeeze %dma_wait3A_116 : memref<1x32xf32, #tpu.memory_space<vmem>> -> memref<32xf32, #tpu.memory_space<vmem>>
        %dma_wait3A_118 = arith.constant 31999328 : i32
        %dma_wait3A_119 = tpu.memref_slice %arg4[%dma_wait3A_118] : memref<32000000xf32, #tpu.memory_space<hbm>> -> memref<32xf32, #tpu.memory_space<hbm>>
        %dma_wait3A_120 = arith.constant 31999328 : i32
        %dma_wait3A_121 = tpu.memref_slice %arg4[%dma_wait3A_120] : memref<32000000xf32, #tpu.memory_space<hbm>> -> memref<32xf32, #tpu.memory_space<hbm>>
        %dma_wait3A_122 = arith.constant 0 : i32
        %dma_wait3A_123 = tpu.memref_slice %arg9[%run_scoped3A_85, %dma_wait3A_122] : memref<64x32xf32, #tpu.memory_space<vmem>> -> memref<1x32xf32, #tpu.memory_space<vmem>>
        %dma_wait3A_124 = tpu.memref_squeeze %dma_wait3A_123 : memref<1x32xf32, #tpu.memory_space<vmem>> -> memref<32xf32, #tpu.memory_space<vmem>>
        tpu.wait_dma2 semaphore(%run_scoped3A_106 : memref<!tpu.dma_semaphore, #tpu.memory_space<semaphore_mem>>) src(%dma_wait3A_124 : memref<32xf32, #tpu.memory_space<vmem>>) dst(%dma_wait3A_121 : memref<32xf32, #tpu.memory_space<hbm>>)
        tpu.yield
      }) : () -> ()
      %run_scoped3A_86 = arith.constant 44 : i32
      "tpu.region"() ({
        %run_scoped3A_106 = tpu.sem_alloc : memref<!tpu.dma_semaphore, #tpu.memory_space<semaphore_mem>>
        %dma_start3A = arith.constant 0 : i32
        %dma_start3A_107 = tpu.memref_slice %arg9[%run_scoped3A_86, %dma_start3A] : memref<64x32xf32, #tpu.memory_space<vmem>> -> memref<1x32xf32, #tpu.memory_space<vmem>>
        %dma_start3A_108 = tpu.memref_squeeze %dma_start3A_107 : memref<1x32xf32, #tpu.memory_space<vmem>> -> memref<32xf32, #tpu.memory_space<vmem>>
        %dma_start3A_109 = arith.constant 31999360 : i32
        %dma_start3A_110 = tpu.memref_slice %arg4[%dma_start3A_109] : memref<32000000xf32, #tpu.memory_space<hbm>> -> memref<32xf32, #tpu.memory_space<hbm>>
        %dma_start3A_111 = arith.constant 31999360 : i32
        %dma_start3A_112 = tpu.memref_slice %arg4[%dma_start3A_111] : memref<32000000xf32, #tpu.memory_space<hbm>> -> memref<32xf32, #tpu.memory_space<hbm>>
        %dma_start3A_113 = arith.constant 0 : i32
        %dma_start3A_114 = tpu.memref_slice %arg9[%run_scoped3A_86, %dma_start3A_113] : memref<64x32xf32, #tpu.memory_space<vmem>> -> memref<1x32xf32, #tpu.memory_space<vmem>>
        %dma_start3A_115 = tpu.memref_squeeze %dma_start3A_114 : memref<1x32xf32, #tpu.memory_space<vmem>> -> memref<32xf32, #tpu.memory_space<vmem>>
        tpu.enqueue_dma source(%dma_start3A_115 : memref<32xf32, #tpu.memory_space<vmem>>) target(%dma_start3A_112 : memref<32xf32, #tpu.memory_space<hbm>>) target_semaphore(%run_scoped3A_106 : memref<!tpu.dma_semaphore, #tpu.memory_space<semaphore_mem>>)
        %dma_wait3A = arith.constant 0 : i32
        %dma_wait3A_116 = tpu.memref_slice %arg9[%run_scoped3A_86, %dma_wait3A] : memref<64x32xf32, #tpu.memory_space<vmem>> -> memref<1x32xf32, #tpu.memory_space<vmem>>
        %dma_wait3A_117 = tpu.memref_squeeze %dma_wait3A_116 : memref<1x32xf32, #tpu.memory_space<vmem>> -> memref<32xf32, #tpu.memory_space<vmem>>
        %dma_wait3A_118 = arith.constant 31999360 : i32
        %dma_wait3A_119 = tpu.memref_slice %arg4[%dma_wait3A_118] : memref<32000000xf32, #tpu.memory_space<hbm>> -> memref<32xf32, #tpu.memory_space<hbm>>
        %dma_wait3A_120 = arith.constant 31999360 : i32
        %dma_wait3A_121 = tpu.memref_slice %arg4[%dma_wait3A_120] : memref<32000000xf32, #tpu.memory_space<hbm>> -> memref<32xf32, #tpu.memory_space<hbm>>
        %dma_wait3A_122 = arith.constant 0 : i32
        %dma_wait3A_123 = tpu.memref_slice %arg9[%run_scoped3A_86, %dma_wait3A_122] : memref<64x32xf32, #tpu.memory_space<vmem>> -> memref<1x32xf32, #tpu.memory_space<vmem>>
        %dma_wait3A_124 = tpu.memref_squeeze %dma_wait3A_123 : memref<1x32xf32, #tpu.memory_space<vmem>> -> memref<32xf32, #tpu.memory_space<vmem>>
        tpu.wait_dma2 semaphore(%run_scoped3A_106 : memref<!tpu.dma_semaphore, #tpu.memory_space<semaphore_mem>>) src(%dma_wait3A_124 : memref<32xf32, #tpu.memory_space<vmem>>) dst(%dma_wait3A_121 : memref<32xf32, #tpu.memory_space<hbm>>)
        tpu.yield
      }) : () -> ()
      %run_scoped3A_87 = arith.constant 45 : i32
      "tpu.region"() ({
        %run_scoped3A_106 = tpu.sem_alloc : memref<!tpu.dma_semaphore, #tpu.memory_space<semaphore_mem>>
        %dma_start3A = arith.constant 0 : i32
        %dma_start3A_107 = tpu.memref_slice %arg9[%run_scoped3A_87, %dma_start3A] : memref<64x32xf32, #tpu.memory_space<vmem>> -> memref<1x32xf32, #tpu.memory_space<vmem>>
        %dma_start3A_108 = tpu.memref_squeeze %dma_start3A_107 : memref<1x32xf32, #tpu.memory_space<vmem>> -> memref<32xf32, #tpu.memory_space<vmem>>
        %dma_start3A_109 = arith.constant 31999392 : i32
        %dma_start3A_110 = tpu.memref_slice %arg4[%dma_start3A_109] : memref<32000000xf32, #tpu.memory_space<hbm>> -> memref<32xf32, #tpu.memory_space<hbm>>
        %dma_start3A_111 = arith.constant 31999392 : i32
        %dma_start3A_112 = tpu.memref_slice %arg4[%dma_start3A_111] : memref<32000000xf32, #tpu.memory_space<hbm>> -> memref<32xf32, #tpu.memory_space<hbm>>
        %dma_start3A_113 = arith.constant 0 : i32
        %dma_start3A_114 = tpu.memref_slice %arg9[%run_scoped3A_87, %dma_start3A_113] : memref<64x32xf32, #tpu.memory_space<vmem>> -> memref<1x32xf32, #tpu.memory_space<vmem>>
        %dma_start3A_115 = tpu.memref_squeeze %dma_start3A_114 : memref<1x32xf32, #tpu.memory_space<vmem>> -> memref<32xf32, #tpu.memory_space<vmem>>
        tpu.enqueue_dma source(%dma_start3A_115 : memref<32xf32, #tpu.memory_space<vmem>>) target(%dma_start3A_112 : memref<32xf32, #tpu.memory_space<hbm>>) target_semaphore(%run_scoped3A_106 : memref<!tpu.dma_semaphore, #tpu.memory_space<semaphore_mem>>)
        %dma_wait3A = arith.constant 0 : i32
        %dma_wait3A_116 = tpu.memref_slice %arg9[%run_scoped3A_87, %dma_wait3A] : memref<64x32xf32, #tpu.memory_space<vmem>> -> memref<1x32xf32, #tpu.memory_space<vmem>>
        %dma_wait3A_117 = tpu.memref_squeeze %dma_wait3A_116 : memref<1x32xf32, #tpu.memory_space<vmem>> -> memref<32xf32, #tpu.memory_space<vmem>>
        %dma_wait3A_118 = arith.constant 31999392 : i32
        %dma_wait3A_119 = tpu.memref_slice %arg4[%dma_wait3A_118] : memref<32000000xf32, #tpu.memory_space<hbm>> -> memref<32xf32, #tpu.memory_space<hbm>>
        %dma_wait3A_120 = arith.constant 31999392 : i32
        %dma_wait3A_121 = tpu.memref_slice %arg4[%dma_wait3A_120] : memref<32000000xf32, #tpu.memory_space<hbm>> -> memref<32xf32, #tpu.memory_space<hbm>>
        %dma_wait3A_122 = arith.constant 0 : i32
        %dma_wait3A_123 = tpu.memref_slice %arg9[%run_scoped3A_87, %dma_wait3A_122] : memref<64x32xf32, #tpu.memory_space<vmem>> -> memref<1x32xf32, #tpu.memory_space<vmem>>
        %dma_wait3A_124 = tpu.memref_squeeze %dma_wait3A_123 : memref<1x32xf32, #tpu.memory_space<vmem>> -> memref<32xf32, #tpu.memory_space<vmem>>
        tpu.wait_dma2 semaphore(%run_scoped3A_106 : memref<!tpu.dma_semaphore, #tpu.memory_space<semaphore_mem>>) src(%dma_wait3A_124 : memref<32xf32, #tpu.memory_space<vmem>>) dst(%dma_wait3A_121 : memref<32xf32, #tpu.memory_space<hbm>>)
        tpu.yield
      }) : () -> ()
      %run_scoped3A_88 = arith.constant 46 : i32
      "tpu.region"() ({
        %run_scoped3A_106 = tpu.sem_alloc : memref<!tpu.dma_semaphore, #tpu.memory_space<semaphore_mem>>
        %dma_start3A = arith.constant 0 : i32
        %dma_start3A_107 = tpu.memref_slice %arg9[%run_scoped3A_88, %dma_start3A] : memref<64x32xf32, #tpu.memory_space<vmem>> -> memref<1x32xf32, #tpu.memory_space<vmem>>
        %dma_start3A_108 = tpu.memref_squeeze %dma_start3A_107 : memref<1x32xf32, #tpu.memory_space<vmem>> -> memref<32xf32, #tpu.memory_space<vmem>>
        %dma_start3A_109 = arith.constant 31999424 : i32
        %dma_start3A_110 = tpu.memref_slice %arg4[%dma_start3A_109] : memref<32000000xf32, #tpu.memory_space<hbm>> -> memref<32xf32, #tpu.memory_space<hbm>>
        %dma_start3A_111 = arith.constant 31999424 : i32
        %dma_start3A_112 = tpu.memref_slice %arg4[%dma_start3A_111] : memref<32000000xf32, #tpu.memory_space<hbm>> -> memref<32xf32, #tpu.memory_space<hbm>>
        %dma_start3A_113 = arith.constant 0 : i32
        %dma_start3A_114 = tpu.memref_slice %arg9[%run_scoped3A_88, %dma_start3A_113] : memref<64x32xf32, #tpu.memory_space<vmem>> -> memref<1x32xf32, #tpu.memory_space<vmem>>
        %dma_start3A_115 = tpu.memref_squeeze %dma_start3A_114 : memref<1x32xf32, #tpu.memory_space<vmem>> -> memref<32xf32, #tpu.memory_space<vmem>>
        tpu.enqueue_dma source(%dma_start3A_115 : memref<32xf32, #tpu.memory_space<vmem>>) target(%dma_start3A_112 : memref<32xf32, #tpu.memory_space<hbm>>) target_semaphore(%run_scoped3A_106 : memref<!tpu.dma_semaphore, #tpu.memory_space<semaphore_mem>>)
        %dma_wait3A = arith.constant 0 : i32
        %dma_wait3A_116 = tpu.memref_slice %arg9[%run_scoped3A_88, %dma_wait3A] : memref<64x32xf32, #tpu.memory_space<vmem>> -> memref<1x32xf32, #tpu.memory_space<vmem>>
        %dma_wait3A_117 = tpu.memref_squeeze %dma_wait3A_116 : memref<1x32xf32, #tpu.memory_space<vmem>> -> memref<32xf32, #tpu.memory_space<vmem>>
        %dma_wait3A_118 = arith.constant 31999424 : i32
        %dma_wait3A_119 = tpu.memref_slice %arg4[%dma_wait3A_118] : memref<32000000xf32, #tpu.memory_space<hbm>> -> memref<32xf32, #tpu.memory_space<hbm>>
        %dma_wait3A_120 = arith.constant 31999424 : i32
        %dma_wait3A_121 = tpu.memref_slice %arg4[%dma_wait3A_120] : memref<32000000xf32, #tpu.memory_space<hbm>> -> memref<32xf32, #tpu.memory_space<hbm>>
        %dma_wait3A_122 = arith.constant 0 : i32
        %dma_wait3A_123 = tpu.memref_slice %arg9[%run_scoped3A_88, %dma_wait3A_122] : memref<64x32xf32, #tpu.memory_space<vmem>> -> memref<1x32xf32, #tpu.memory_space<vmem>>
        %dma_wait3A_124 = tpu.memref_squeeze %dma_wait3A_123 : memref<1x32xf32, #tpu.memory_space<vmem>> -> memref<32xf32, #tpu.memory_space<vmem>>
        tpu.wait_dma2 semaphore(%run_scoped3A_106 : memref<!tpu.dma_semaphore, #tpu.memory_space<semaphore_mem>>) src(%dma_wait3A_124 : memref<32xf32, #tpu.memory_space<vmem>>) dst(%dma_wait3A_121 : memref<32xf32, #tpu.memory_space<hbm>>)
        tpu.yield
      }) : () -> ()
      %run_scoped3A_89 = arith.constant 47 : i32
      "tpu.region"() ({
        %run_scoped3A_106 = tpu.sem_alloc : memref<!tpu.dma_semaphore, #tpu.memory_space<semaphore_mem>>
        %dma_start3A = arith.constant 0 : i32
        %dma_start3A_107 = tpu.memref_slice %arg9[%run_scoped3A_89, %dma_start3A] : memref<64x32xf32, #tpu.memory_space<vmem>> -> memref<1x32xf32, #tpu.memory_space<vmem>>
        %dma_start3A_108 = tpu.memref_squeeze %dma_start3A_107 : memref<1x32xf32, #tpu.memory_space<vmem>> -> memref<32xf32, #tpu.memory_space<vmem>>
        %dma_start3A_109 = arith.constant 31999456 : i32
        %dma_start3A_110 = tpu.memref_slice %arg4[%dma_start3A_109] : memref<32000000xf32, #tpu.memory_space<hbm>> -> memref<32xf32, #tpu.memory_space<hbm>>
        %dma_start3A_111 = arith.constant 31999456 : i32
        %dma_start3A_112 = tpu.memref_slice %arg4[%dma_start3A_111] : memref<32000000xf32, #tpu.memory_space<hbm>> -> memref<32xf32, #tpu.memory_space<hbm>>
        %dma_start3A_113 = arith.constant 0 : i32
        %dma_start3A_114 = tpu.memref_slice %arg9[%run_scoped3A_89, %dma_start3A_113] : memref<64x32xf32, #tpu.memory_space<vmem>> -> memref<1x32xf32, #tpu.memory_space<vmem>>
        %dma_start3A_115 = tpu.memref_squeeze %dma_start3A_114 : memref<1x32xf32, #tpu.memory_space<vmem>> -> memref<32xf32, #tpu.memory_space<vmem>>
        tpu.enqueue_dma source(%dma_start3A_115 : memref<32xf32, #tpu.memory_space<vmem>>) target(%dma_start3A_112 : memref<32xf32, #tpu.memory_space<hbm>>) target_semaphore(%run_scoped3A_106 : memref<!tpu.dma_semaphore, #tpu.memory_space<semaphore_mem>>)
        %dma_wait3A = arith.constant 0 : i32
        %dma_wait3A_116 = tpu.memref_slice %arg9[%run_scoped3A_89, %dma_wait3A] : memref<64x32xf32, #tpu.memory_space<vmem>> -> memref<1x32xf32, #tpu.memory_space<vmem>>
        %dma_wait3A_117 = tpu.memref_squeeze %dma_wait3A_116 : memref<1x32xf32, #tpu.memory_space<vmem>> -> memref<32xf32, #tpu.memory_space<vmem>>
        %dma_wait3A_118 = arith.constant 31999456 : i32
        %dma_wait3A_119 = tpu.memref_slice %arg4[%dma_wait3A_118] : memref<32000000xf32, #tpu.memory_space<hbm>> -> memref<32xf32, #tpu.memory_space<hbm>>
        %dma_wait3A_120 = arith.constant 31999456 : i32
        %dma_wait3A_121 = tpu.memref_slice %arg4[%dma_wait3A_120] : memref<32000000xf32, #tpu.memory_space<hbm>> -> memref<32xf32, #tpu.memory_space<hbm>>
        %dma_wait3A_122 = arith.constant 0 : i32
        %dma_wait3A_123 = tpu.memref_slice %arg9[%run_scoped3A_89, %dma_wait3A_122] : memref<64x32xf32, #tpu.memory_space<vmem>> -> memref<1x32xf32, #tpu.memory_space<vmem>>
        %dma_wait3A_124 = tpu.memref_squeeze %dma_wait3A_123 : memref<1x32xf32, #tpu.memory_space<vmem>> -> memref<32xf32, #tpu.memory_space<vmem>>
        tpu.wait_dma2 semaphore(%run_scoped3A_106 : memref<!tpu.dma_semaphore, #tpu.memory_space<semaphore_mem>>) src(%dma_wait3A_124 : memref<32xf32, #tpu.memory_space<vmem>>) dst(%dma_wait3A_121 : memref<32xf32, #tpu.memory_space<hbm>>)
        tpu.yield
      }) : () -> ()
      %run_scoped3A_90 = arith.constant 48 : i32
      "tpu.region"() ({
        %run_scoped3A_106 = tpu.sem_alloc : memref<!tpu.dma_semaphore, #tpu.memory_space<semaphore_mem>>
        %dma_start3A = arith.constant 0 : i32
        %dma_start3A_107 = tpu.memref_slice %arg9[%run_scoped3A_90, %dma_start3A] : memref<64x32xf32, #tpu.memory_space<vmem>> -> memref<1x32xf32, #tpu.memory_space<vmem>>
        %dma_start3A_108 = tpu.memref_squeeze %dma_start3A_107 : memref<1x32xf32, #tpu.memory_space<vmem>> -> memref<32xf32, #tpu.memory_space<vmem>>
        %dma_start3A_109 = arith.constant 31999488 : i32
        %dma_start3A_110 = tpu.memref_slice %arg4[%dma_start3A_109] : memref<32000000xf32, #tpu.memory_space<hbm>> -> memref<32xf32, #tpu.memory_space<hbm>>
        %dma_start3A_111 = arith.constant 31999488 : i32
        %dma_start3A_112 = tpu.memref_slice %arg4[%dma_start3A_111] : memref<32000000xf32, #tpu.memory_space<hbm>> -> memref<32xf32, #tpu.memory_space<hbm>>
        %dma_start3A_113 = arith.constant 0 : i32
        %dma_start3A_114 = tpu.memref_slice %arg9[%run_scoped3A_90, %dma_start3A_113] : memref<64x32xf32, #tpu.memory_space<vmem>> -> memref<1x32xf32, #tpu.memory_space<vmem>>
        %dma_start3A_115 = tpu.memref_squeeze %dma_start3A_114 : memref<1x32xf32, #tpu.memory_space<vmem>> -> memref<32xf32, #tpu.memory_space<vmem>>
        tpu.enqueue_dma source(%dma_start3A_115 : memref<32xf32, #tpu.memory_space<vmem>>) target(%dma_start3A_112 : memref<32xf32, #tpu.memory_space<hbm>>) target_semaphore(%run_scoped3A_106 : memref<!tpu.dma_semaphore, #tpu.memory_space<semaphore_mem>>)
        %dma_wait3A = arith.constant 0 : i32
        %dma_wait3A_116 = tpu.memref_slice %arg9[%run_scoped3A_90, %dma_wait3A] : memref<64x32xf32, #tpu.memory_space<vmem>> -> memref<1x32xf32, #tpu.memory_space<vmem>>
        %dma_wait3A_117 = tpu.memref_squeeze %dma_wait3A_116 : memref<1x32xf32, #tpu.memory_space<vmem>> -> memref<32xf32, #tpu.memory_space<vmem>>
        %dma_wait3A_118 = arith.constant 31999488 : i32
        %dma_wait3A_119 = tpu.memref_slice %arg4[%dma_wait3A_118] : memref<32000000xf32, #tpu.memory_space<hbm>> -> memref<32xf32, #tpu.memory_space<hbm>>
        %dma_wait3A_120 = arith.constant 31999488 : i32
        %dma_wait3A_121 = tpu.memref_slice %arg4[%dma_wait3A_120] : memref<32000000xf32, #tpu.memory_space<hbm>> -> memref<32xf32, #tpu.memory_space<hbm>>
        %dma_wait3A_122 = arith.constant 0 : i32
        %dma_wait3A_123 = tpu.memref_slice %arg9[%run_scoped3A_90, %dma_wait3A_122] : memref<64x32xf32, #tpu.memory_space<vmem>> -> memref<1x32xf32, #tpu.memory_space<vmem>>
        %dma_wait3A_124 = tpu.memref_squeeze %dma_wait3A_123 : memref<1x32xf32, #tpu.memory_space<vmem>> -> memref<32xf32, #tpu.memory_space<vmem>>
        tpu.wait_dma2 semaphore(%run_scoped3A_106 : memref<!tpu.dma_semaphore, #tpu.memory_space<semaphore_mem>>) src(%dma_wait3A_124 : memref<32xf32, #tpu.memory_space<vmem>>) dst(%dma_wait3A_121 : memref<32xf32, #tpu.memory_space<hbm>>)
        tpu.yield
      }) : () -> ()
      %run_scoped3A_91 = arith.constant 49 : i32
      "tpu.region"() ({
        %run_scoped3A_106 = tpu.sem_alloc : memref<!tpu.dma_semaphore, #tpu.memory_space<semaphore_mem>>
        %dma_start3A = arith.constant 0 : i32
        %dma_start3A_107 = tpu.memref_slice %arg9[%run_scoped3A_91, %dma_start3A] : memref<64x32xf32, #tpu.memory_space<vmem>> -> memref<1x32xf32, #tpu.memory_space<vmem>>
        %dma_start3A_108 = tpu.memref_squeeze %dma_start3A_107 : memref<1x32xf32, #tpu.memory_space<vmem>> -> memref<32xf32, #tpu.memory_space<vmem>>
        %dma_start3A_109 = arith.constant 31999520 : i32
        %dma_start3A_110 = tpu.memref_slice %arg4[%dma_start3A_109] : memref<32000000xf32, #tpu.memory_space<hbm>> -> memref<32xf32, #tpu.memory_space<hbm>>
        %dma_start3A_111 = arith.constant 31999520 : i32
        %dma_start3A_112 = tpu.memref_slice %arg4[%dma_start3A_111] : memref<32000000xf32, #tpu.memory_space<hbm>> -> memref<32xf32, #tpu.memory_space<hbm>>
        %dma_start3A_113 = arith.constant 0 : i32
        %dma_start3A_114 = tpu.memref_slice %arg9[%run_scoped3A_91, %dma_start3A_113] : memref<64x32xf32, #tpu.memory_space<vmem>> -> memref<1x32xf32, #tpu.memory_space<vmem>>
        %dma_start3A_115 = tpu.memref_squeeze %dma_start3A_114 : memref<1x32xf32, #tpu.memory_space<vmem>> -> memref<32xf32, #tpu.memory_space<vmem>>
        tpu.enqueue_dma source(%dma_start3A_115 : memref<32xf32, #tpu.memory_space<vmem>>) target(%dma_start3A_112 : memref<32xf32, #tpu.memory_space<hbm>>) target_semaphore(%run_scoped3A_106 : memref<!tpu.dma_semaphore, #tpu.memory_space<semaphore_mem>>)
        %dma_wait3A = arith.constant 0 : i32
        %dma_wait3A_116 = tpu.memref_slice %arg9[%run_scoped3A_91, %dma_wait3A] : memref<64x32xf32, #tpu.memory_space<vmem>> -> memref<1x32xf32, #tpu.memory_space<vmem>>
        %dma_wait3A_117 = tpu.memref_squeeze %dma_wait3A_116 : memref<1x32xf32, #tpu.memory_space<vmem>> -> memref<32xf32, #tpu.memory_space<vmem>>
        %dma_wait3A_118 = arith.constant 31999520 : i32
        %dma_wait3A_119 = tpu.memref_slice %arg4[%dma_wait3A_118] : memref<32000000xf32, #tpu.memory_space<hbm>> -> memref<32xf32, #tpu.memory_space<hbm>>
        %dma_wait3A_120 = arith.constant 31999520 : i32
        %dma_wait3A_121 = tpu.memref_slice %arg4[%dma_wait3A_120] : memref<32000000xf32, #tpu.memory_space<hbm>> -> memref<32xf32, #tpu.memory_space<hbm>>
        %dma_wait3A_122 = arith.constant 0 : i32
        %dma_wait3A_123 = tpu.memref_slice %arg9[%run_scoped3A_91, %dma_wait3A_122] : memref<64x32xf32, #tpu.memory_space<vmem>> -> memref<1x32xf32, #tpu.memory_space<vmem>>
        %dma_wait3A_124 = tpu.memref_squeeze %dma_wait3A_123 : memref<1x32xf32, #tpu.memory_space<vmem>> -> memref<32xf32, #tpu.memory_space<vmem>>
        tpu.wait_dma2 semaphore(%run_scoped3A_106 : memref<!tpu.dma_semaphore, #tpu.memory_space<semaphore_mem>>) src(%dma_wait3A_124 : memref<32xf32, #tpu.memory_space<vmem>>) dst(%dma_wait3A_121 : memref<32xf32, #tpu.memory_space<hbm>>)
        tpu.yield
      }) : () -> ()
      %run_scoped3A_92 = arith.constant 50 : i32
      "tpu.region"() ({
        %run_scoped3A_106 = tpu.sem_alloc : memref<!tpu.dma_semaphore, #tpu.memory_space<semaphore_mem>>
        %dma_start3A = arith.constant 0 : i32
        %dma_start3A_107 = tpu.memref_slice %arg9[%run_scoped3A_92, %dma_start3A] : memref<64x32xf32, #tpu.memory_space<vmem>> -> memref<1x32xf32, #tpu.memory_space<vmem>>
        %dma_start3A_108 = tpu.memref_squeeze %dma_start3A_107 : memref<1x32xf32, #tpu.memory_space<vmem>> -> memref<32xf32, #tpu.memory_space<vmem>>
        %dma_start3A_109 = arith.constant 31999552 : i32
        %dma_start3A_110 = tpu.memref_slice %arg4[%dma_start3A_109] : memref<32000000xf32, #tpu.memory_space<hbm>> -> memref<32xf32, #tpu.memory_space<hbm>>
        %dma_start3A_111 = arith.constant 31999552 : i32
        %dma_start3A_112 = tpu.memref_slice %arg4[%dma_start3A_111] : memref<32000000xf32, #tpu.memory_space<hbm>> -> memref<32xf32, #tpu.memory_space<hbm>>
        %dma_start3A_113 = arith.constant 0 : i32
        %dma_start3A_114 = tpu.memref_slice %arg9[%run_scoped3A_92, %dma_start3A_113] : memref<64x32xf32, #tpu.memory_space<vmem>> -> memref<1x32xf32, #tpu.memory_space<vmem>>
        %dma_start3A_115 = tpu.memref_squeeze %dma_start3A_114 : memref<1x32xf32, #tpu.memory_space<vmem>> -> memref<32xf32, #tpu.memory_space<vmem>>
        tpu.enqueue_dma source(%dma_start3A_115 : memref<32xf32, #tpu.memory_space<vmem>>) target(%dma_start3A_112 : memref<32xf32, #tpu.memory_space<hbm>>) target_semaphore(%run_scoped3A_106 : memref<!tpu.dma_semaphore, #tpu.memory_space<semaphore_mem>>)
        %dma_wait3A = arith.constant 0 : i32
        %dma_wait3A_116 = tpu.memref_slice %arg9[%run_scoped3A_92, %dma_wait3A] : memref<64x32xf32, #tpu.memory_space<vmem>> -> memref<1x32xf32, #tpu.memory_space<vmem>>
        %dma_wait3A_117 = tpu.memref_squeeze %dma_wait3A_116 : memref<1x32xf32, #tpu.memory_space<vmem>> -> memref<32xf32, #tpu.memory_space<vmem>>
        %dma_wait3A_118 = arith.constant 31999552 : i32
        %dma_wait3A_119 = tpu.memref_slice %arg4[%dma_wait3A_118] : memref<32000000xf32, #tpu.memory_space<hbm>> -> memref<32xf32, #tpu.memory_space<hbm>>
        %dma_wait3A_120 = arith.constant 31999552 : i32
        %dma_wait3A_121 = tpu.memref_slice %arg4[%dma_wait3A_120] : memref<32000000xf32, #tpu.memory_space<hbm>> -> memref<32xf32, #tpu.memory_space<hbm>>
        %dma_wait3A_122 = arith.constant 0 : i32
        %dma_wait3A_123 = tpu.memref_slice %arg9[%run_scoped3A_92, %dma_wait3A_122] : memref<64x32xf32, #tpu.memory_space<vmem>> -> memref<1x32xf32, #tpu.memory_space<vmem>>
        %dma_wait3A_124 = tpu.memref_squeeze %dma_wait3A_123 : memref<1x32xf32, #tpu.memory_space<vmem>> -> memref<32xf32, #tpu.memory_space<vmem>>
        tpu.wait_dma2 semaphore(%run_scoped3A_106 : memref<!tpu.dma_semaphore, #tpu.memory_space<semaphore_mem>>) src(%dma_wait3A_124 : memref<32xf32, #tpu.memory_space<vmem>>) dst(%dma_wait3A_121 : memref<32xf32, #tpu.memory_space<hbm>>)
        tpu.yield
      }) : () -> ()
      %run_scoped3A_93 = arith.constant 51 : i32
      "tpu.region"() ({
        %run_scoped3A_106 = tpu.sem_alloc : memref<!tpu.dma_semaphore, #tpu.memory_space<semaphore_mem>>
        %dma_start3A = arith.constant 0 : i32
        %dma_start3A_107 = tpu.memref_slice %arg9[%run_scoped3A_93, %dma_start3A] : memref<64x32xf32, #tpu.memory_space<vmem>> -> memref<1x32xf32, #tpu.memory_space<vmem>>
        %dma_start3A_108 = tpu.memref_squeeze %dma_start3A_107 : memref<1x32xf32, #tpu.memory_space<vmem>> -> memref<32xf32, #tpu.memory_space<vmem>>
        %dma_start3A_109 = arith.constant 31999584 : i32
        %dma_start3A_110 = tpu.memref_slice %arg4[%dma_start3A_109] : memref<32000000xf32, #tpu.memory_space<hbm>> -> memref<32xf32, #tpu.memory_space<hbm>>
        %dma_start3A_111 = arith.constant 31999584 : i32
        %dma_start3A_112 = tpu.memref_slice %arg4[%dma_start3A_111] : memref<32000000xf32, #tpu.memory_space<hbm>> -> memref<32xf32, #tpu.memory_space<hbm>>
        %dma_start3A_113 = arith.constant 0 : i32
        %dma_start3A_114 = tpu.memref_slice %arg9[%run_scoped3A_93, %dma_start3A_113] : memref<64x32xf32, #tpu.memory_space<vmem>> -> memref<1x32xf32, #tpu.memory_space<vmem>>
        %dma_start3A_115 = tpu.memref_squeeze %dma_start3A_114 : memref<1x32xf32, #tpu.memory_space<vmem>> -> memref<32xf32, #tpu.memory_space<vmem>>
        tpu.enqueue_dma source(%dma_start3A_115 : memref<32xf32, #tpu.memory_space<vmem>>) target(%dma_start3A_112 : memref<32xf32, #tpu.memory_space<hbm>>) target_semaphore(%run_scoped3A_106 : memref<!tpu.dma_semaphore, #tpu.memory_space<semaphore_mem>>)
        %dma_wait3A = arith.constant 0 : i32
        %dma_wait3A_116 = tpu.memref_slice %arg9[%run_scoped3A_93, %dma_wait3A] : memref<64x32xf32, #tpu.memory_space<vmem>> -> memref<1x32xf32, #tpu.memory_space<vmem>>
        %dma_wait3A_117 = tpu.memref_squeeze %dma_wait3A_116 : memref<1x32xf32, #tpu.memory_space<vmem>> -> memref<32xf32, #tpu.memory_space<vmem>>
        %dma_wait3A_118 = arith.constant 31999584 : i32
        %dma_wait3A_119 = tpu.memref_slice %arg4[%dma_wait3A_118] : memref<32000000xf32, #tpu.memory_space<hbm>> -> memref<32xf32, #tpu.memory_space<hbm>>
        %dma_wait3A_120 = arith.constant 31999584 : i32
        %dma_wait3A_121 = tpu.memref_slice %arg4[%dma_wait3A_120] : memref<32000000xf32, #tpu.memory_space<hbm>> -> memref<32xf32, #tpu.memory_space<hbm>>
        %dma_wait3A_122 = arith.constant 0 : i32
        %dma_wait3A_123 = tpu.memref_slice %arg9[%run_scoped3A_93, %dma_wait3A_122] : memref<64x32xf32, #tpu.memory_space<vmem>> -> memref<1x32xf32, #tpu.memory_space<vmem>>
        %dma_wait3A_124 = tpu.memref_squeeze %dma_wait3A_123 : memref<1x32xf32, #tpu.memory_space<vmem>> -> memref<32xf32, #tpu.memory_space<vmem>>
        tpu.wait_dma2 semaphore(%run_scoped3A_106 : memref<!tpu.dma_semaphore, #tpu.memory_space<semaphore_mem>>) src(%dma_wait3A_124 : memref<32xf32, #tpu.memory_space<vmem>>) dst(%dma_wait3A_121 : memref<32xf32, #tpu.memory_space<hbm>>)
        tpu.yield
      }) : () -> ()
      %run_scoped3A_94 = arith.constant 52 : i32
      "tpu.region"() ({
        %run_scoped3A_106 = tpu.sem_alloc : memref<!tpu.dma_semaphore, #tpu.memory_space<semaphore_mem>>
        %dma_start3A = arith.constant 0 : i32
        %dma_start3A_107 = tpu.memref_slice %arg9[%run_scoped3A_94, %dma_start3A] : memref<64x32xf32, #tpu.memory_space<vmem>> -> memref<1x32xf32, #tpu.memory_space<vmem>>
        %dma_start3A_108 = tpu.memref_squeeze %dma_start3A_107 : memref<1x32xf32, #tpu.memory_space<vmem>> -> memref<32xf32, #tpu.memory_space<vmem>>
        %dma_start3A_109 = arith.constant 31999616 : i32
        %dma_start3A_110 = tpu.memref_slice %arg4[%dma_start3A_109] : memref<32000000xf32, #tpu.memory_space<hbm>> -> memref<32xf32, #tpu.memory_space<hbm>>
        %dma_start3A_111 = arith.constant 31999616 : i32
        %dma_start3A_112 = tpu.memref_slice %arg4[%dma_start3A_111] : memref<32000000xf32, #tpu.memory_space<hbm>> -> memref<32xf32, #tpu.memory_space<hbm>>
        %dma_start3A_113 = arith.constant 0 : i32
        %dma_start3A_114 = tpu.memref_slice %arg9[%run_scoped3A_94, %dma_start3A_113] : memref<64x32xf32, #tpu.memory_space<vmem>> -> memref<1x32xf32, #tpu.memory_space<vmem>>
        %dma_start3A_115 = tpu.memref_squeeze %dma_start3A_114 : memref<1x32xf32, #tpu.memory_space<vmem>> -> memref<32xf32, #tpu.memory_space<vmem>>
        tpu.enqueue_dma source(%dma_start3A_115 : memref<32xf32, #tpu.memory_space<vmem>>) target(%dma_start3A_112 : memref<32xf32, #tpu.memory_space<hbm>>) target_semaphore(%run_scoped3A_106 : memref<!tpu.dma_semaphore, #tpu.memory_space<semaphore_mem>>)
        %dma_wait3A = arith.constant 0 : i32
        %dma_wait3A_116 = tpu.memref_slice %arg9[%run_scoped3A_94, %dma_wait3A] : memref<64x32xf32, #tpu.memory_space<vmem>> -> memref<1x32xf32, #tpu.memory_space<vmem>>
        %dma_wait3A_117 = tpu.memref_squeeze %dma_wait3A_116 : memref<1x32xf32, #tpu.memory_space<vmem>> -> memref<32xf32, #tpu.memory_space<vmem>>
        %dma_wait3A_118 = arith.constant 31999616 : i32
        %dma_wait3A_119 = tpu.memref_slice %arg4[%dma_wait3A_118] : memref<32000000xf32, #tpu.memory_space<hbm>> -> memref<32xf32, #tpu.memory_space<hbm>>
        %dma_wait3A_120 = arith.constant 31999616 : i32
        %dma_wait3A_121 = tpu.memref_slice %arg4[%dma_wait3A_120] : memref<32000000xf32, #tpu.memory_space<hbm>> -> memref<32xf32, #tpu.memory_space<hbm>>
        %dma_wait3A_122 = arith.constant 0 : i32
        %dma_wait3A_123 = tpu.memref_slice %arg9[%run_scoped3A_94, %dma_wait3A_122] : memref<64x32xf32, #tpu.memory_space<vmem>> -> memref<1x32xf32, #tpu.memory_space<vmem>>
        %dma_wait3A_124 = tpu.memref_squeeze %dma_wait3A_123 : memref<1x32xf32, #tpu.memory_space<vmem>> -> memref<32xf32, #tpu.memory_space<vmem>>
        tpu.wait_dma2 semaphore(%run_scoped3A_106 : memref<!tpu.dma_semaphore, #tpu.memory_space<semaphore_mem>>) src(%dma_wait3A_124 : memref<32xf32, #tpu.memory_space<vmem>>) dst(%dma_wait3A_121 : memref<32xf32, #tpu.memory_space<hbm>>)
        tpu.yield
      }) : () -> ()
      %run_scoped3A_95 = arith.constant 53 : i32
      "tpu.region"() ({
        %run_scoped3A_106 = tpu.sem_alloc : memref<!tpu.dma_semaphore, #tpu.memory_space<semaphore_mem>>
        %dma_start3A = arith.constant 0 : i32
        %dma_start3A_107 = tpu.memref_slice %arg9[%run_scoped3A_95, %dma_start3A] : memref<64x32xf32, #tpu.memory_space<vmem>> -> memref<1x32xf32, #tpu.memory_space<vmem>>
        %dma_start3A_108 = tpu.memref_squeeze %dma_start3A_107 : memref<1x32xf32, #tpu.memory_space<vmem>> -> memref<32xf32, #tpu.memory_space<vmem>>
        %dma_start3A_109 = arith.constant 31999648 : i32
        %dma_start3A_110 = tpu.memref_slice %arg4[%dma_start3A_109] : memref<32000000xf32, #tpu.memory_space<hbm>> -> memref<32xf32, #tpu.memory_space<hbm>>
        %dma_start3A_111 = arith.constant 31999648 : i32
        %dma_start3A_112 = tpu.memref_slice %arg4[%dma_start3A_111] : memref<32000000xf32, #tpu.memory_space<hbm>> -> memref<32xf32, #tpu.memory_space<hbm>>
        %dma_start3A_113 = arith.constant 0 : i32
        %dma_start3A_114 = tpu.memref_slice %arg9[%run_scoped3A_95, %dma_start3A_113] : memref<64x32xf32, #tpu.memory_space<vmem>> -> memref<1x32xf32, #tpu.memory_space<vmem>>
        %dma_start3A_115 = tpu.memref_squeeze %dma_start3A_114 : memref<1x32xf32, #tpu.memory_space<vmem>> -> memref<32xf32, #tpu.memory_space<vmem>>
        tpu.enqueue_dma source(%dma_start3A_115 : memref<32xf32, #tpu.memory_space<vmem>>) target(%dma_start3A_112 : memref<32xf32, #tpu.memory_space<hbm>>) target_semaphore(%run_scoped3A_106 : memref<!tpu.dma_semaphore, #tpu.memory_space<semaphore_mem>>)
        %dma_wait3A = arith.constant 0 : i32
        %dma_wait3A_116 = tpu.memref_slice %arg9[%run_scoped3A_95, %dma_wait3A] : memref<64x32xf32, #tpu.memory_space<vmem>> -> memref<1x32xf32, #tpu.memory_space<vmem>>
        %dma_wait3A_117 = tpu.memref_squeeze %dma_wait3A_116 : memref<1x32xf32, #tpu.memory_space<vmem>> -> memref<32xf32, #tpu.memory_space<vmem>>
        %dma_wait3A_118 = arith.constant 31999648 : i32
        %dma_wait3A_119 = tpu.memref_slice %arg4[%dma_wait3A_118] : memref<32000000xf32, #tpu.memory_space<hbm>> -> memref<32xf32, #tpu.memory_space<hbm>>
        %dma_wait3A_120 = arith.constant 31999648 : i32
        %dma_wait3A_121 = tpu.memref_slice %arg4[%dma_wait3A_120] : memref<32000000xf32, #tpu.memory_space<hbm>> -> memref<32xf32, #tpu.memory_space<hbm>>
        %dma_wait3A_122 = arith.constant 0 : i32
        %dma_wait3A_123 = tpu.memref_slice %arg9[%run_scoped3A_95, %dma_wait3A_122] : memref<64x32xf32, #tpu.memory_space<vmem>> -> memref<1x32xf32, #tpu.memory_space<vmem>>
        %dma_wait3A_124 = tpu.memref_squeeze %dma_wait3A_123 : memref<1x32xf32, #tpu.memory_space<vmem>> -> memref<32xf32, #tpu.memory_space<vmem>>
        tpu.wait_dma2 semaphore(%run_scoped3A_106 : memref<!tpu.dma_semaphore, #tpu.memory_space<semaphore_mem>>) src(%dma_wait3A_124 : memref<32xf32, #tpu.memory_space<vmem>>) dst(%dma_wait3A_121 : memref<32xf32, #tpu.memory_space<hbm>>)
        tpu.yield
      }) : () -> ()
      %run_scoped3A_96 = arith.constant 54 : i32
      "tpu.region"() ({
        %run_scoped3A_106 = tpu.sem_alloc : memref<!tpu.dma_semaphore, #tpu.memory_space<semaphore_mem>>
        %dma_start3A = arith.constant 0 : i32
        %dma_start3A_107 = tpu.memref_slice %arg9[%run_scoped3A_96, %dma_start3A] : memref<64x32xf32, #tpu.memory_space<vmem>> -> memref<1x32xf32, #tpu.memory_space<vmem>>
        %dma_start3A_108 = tpu.memref_squeeze %dma_start3A_107 : memref<1x32xf32, #tpu.memory_space<vmem>> -> memref<32xf32, #tpu.memory_space<vmem>>
        %dma_start3A_109 = arith.constant 31999680 : i32
        %dma_start3A_110 = tpu.memref_slice %arg4[%dma_start3A_109] : memref<32000000xf32, #tpu.memory_space<hbm>> -> memref<32xf32, #tpu.memory_space<hbm>>
        %dma_start3A_111 = arith.constant 31999680 : i32
        %dma_start3A_112 = tpu.memref_slice %arg4[%dma_start3A_111] : memref<32000000xf32, #tpu.memory_space<hbm>> -> memref<32xf32, #tpu.memory_space<hbm>>
        %dma_start3A_113 = arith.constant 0 : i32
        %dma_start3A_114 = tpu.memref_slice %arg9[%run_scoped3A_96, %dma_start3A_113] : memref<64x32xf32, #tpu.memory_space<vmem>> -> memref<1x32xf32, #tpu.memory_space<vmem>>
        %dma_start3A_115 = tpu.memref_squeeze %dma_start3A_114 : memref<1x32xf32, #tpu.memory_space<vmem>> -> memref<32xf32, #tpu.memory_space<vmem>>
        tpu.enqueue_dma source(%dma_start3A_115 : memref<32xf32, #tpu.memory_space<vmem>>) target(%dma_start3A_112 : memref<32xf32, #tpu.memory_space<hbm>>) target_semaphore(%run_scoped3A_106 : memref<!tpu.dma_semaphore, #tpu.memory_space<semaphore_mem>>)
        %dma_wait3A = arith.constant 0 : i32
        %dma_wait3A_116 = tpu.memref_slice %arg9[%run_scoped3A_96, %dma_wait3A] : memref<64x32xf32, #tpu.memory_space<vmem>> -> memref<1x32xf32, #tpu.memory_space<vmem>>
        %dma_wait3A_117 = tpu.memref_squeeze %dma_wait3A_116 : memref<1x32xf32, #tpu.memory_space<vmem>> -> memref<32xf32, #tpu.memory_space<vmem>>
        %dma_wait3A_118 = arith.constant 31999680 : i32
        %dma_wait3A_119 = tpu.memref_slice %arg4[%dma_wait3A_118] : memref<32000000xf32, #tpu.memory_space<hbm>> -> memref<32xf32, #tpu.memory_space<hbm>>
        %dma_wait3A_120 = arith.constant 31999680 : i32
        %dma_wait3A_121 = tpu.memref_slice %arg4[%dma_wait3A_120] : memref<32000000xf32, #tpu.memory_space<hbm>> -> memref<32xf32, #tpu.memory_space<hbm>>
        %dma_wait3A_122 = arith.constant 0 : i32
        %dma_wait3A_123 = tpu.memref_slice %arg9[%run_scoped3A_96, %dma_wait3A_122] : memref<64x32xf32, #tpu.memory_space<vmem>> -> memref<1x32xf32, #tpu.memory_space<vmem>>
        %dma_wait3A_124 = tpu.memref_squeeze %dma_wait3A_123 : memref<1x32xf32, #tpu.memory_space<vmem>> -> memref<32xf32, #tpu.memory_space<vmem>>
        tpu.wait_dma2 semaphore(%run_scoped3A_106 : memref<!tpu.dma_semaphore, #tpu.memory_space<semaphore_mem>>) src(%dma_wait3A_124 : memref<32xf32, #tpu.memory_space<vmem>>) dst(%dma_wait3A_121 : memref<32xf32, #tpu.memory_space<hbm>>)
        tpu.yield
      }) : () -> ()
      %run_scoped3A_97 = arith.constant 55 : i32
      "tpu.region"() ({
        %run_scoped3A_106 = tpu.sem_alloc : memref<!tpu.dma_semaphore, #tpu.memory_space<semaphore_mem>>
        %dma_start3A = arith.constant 0 : i32
        %dma_start3A_107 = tpu.memref_slice %arg9[%run_scoped3A_97, %dma_start3A] : memref<64x32xf32, #tpu.memory_space<vmem>> -> memref<1x32xf32, #tpu.memory_space<vmem>>
        %dma_start3A_108 = tpu.memref_squeeze %dma_start3A_107 : memref<1x32xf32, #tpu.memory_space<vmem>> -> memref<32xf32, #tpu.memory_space<vmem>>
        %dma_start3A_109 = arith.constant 31999712 : i32
        %dma_start3A_110 = tpu.memref_slice %arg4[%dma_start3A_109] : memref<32000000xf32, #tpu.memory_space<hbm>> -> memref<32xf32, #tpu.memory_space<hbm>>
        %dma_start3A_111 = arith.constant 31999712 : i32
        %dma_start3A_112 = tpu.memref_slice %arg4[%dma_start3A_111] : memref<32000000xf32, #tpu.memory_space<hbm>> -> memref<32xf32, #tpu.memory_space<hbm>>
        %dma_start3A_113 = arith.constant 0 : i32
        %dma_start3A_114 = tpu.memref_slice %arg9[%run_scoped3A_97, %dma_start3A_113] : memref<64x32xf32, #tpu.memory_space<vmem>> -> memref<1x32xf32, #tpu.memory_space<vmem>>
        %dma_start3A_115 = tpu.memref_squeeze %dma_start3A_114 : memref<1x32xf32, #tpu.memory_space<vmem>> -> memref<32xf32, #tpu.memory_space<vmem>>
        tpu.enqueue_dma source(%dma_start3A_115 : memref<32xf32, #tpu.memory_space<vmem>>) target(%dma_start3A_112 : memref<32xf32, #tpu.memory_space<hbm>>) target_semaphore(%run_scoped3A_106 : memref<!tpu.dma_semaphore, #tpu.memory_space<semaphore_mem>>)
        %dma_wait3A = arith.constant 0 : i32
        %dma_wait3A_116 = tpu.memref_slice %arg9[%run_scoped3A_97, %dma_wait3A] : memref<64x32xf32, #tpu.memory_space<vmem>> -> memref<1x32xf32, #tpu.memory_space<vmem>>
        %dma_wait3A_117 = tpu.memref_squeeze %dma_wait3A_116 : memref<1x32xf32, #tpu.memory_space<vmem>> -> memref<32xf32, #tpu.memory_space<vmem>>
        %dma_wait3A_118 = arith.constant 31999712 : i32
        %dma_wait3A_119 = tpu.memref_slice %arg4[%dma_wait3A_118] : memref<32000000xf32, #tpu.memory_space<hbm>> -> memref<32xf32, #tpu.memory_space<hbm>>
        %dma_wait3A_120 = arith.constant 31999712 : i32
        %dma_wait3A_121 = tpu.memref_slice %arg4[%dma_wait3A_120] : memref<32000000xf32, #tpu.memory_space<hbm>> -> memref<32xf32, #tpu.memory_space<hbm>>
        %dma_wait3A_122 = arith.constant 0 : i32
        %dma_wait3A_123 = tpu.memref_slice %arg9[%run_scoped3A_97, %dma_wait3A_122] : memref<64x32xf32, #tpu.memory_space<vmem>> -> memref<1x32xf32, #tpu.memory_space<vmem>>
        %dma_wait3A_124 = tpu.memref_squeeze %dma_wait3A_123 : memref<1x32xf32, #tpu.memory_space<vmem>> -> memref<32xf32, #tpu.memory_space<vmem>>
        tpu.wait_dma2 semaphore(%run_scoped3A_106 : memref<!tpu.dma_semaphore, #tpu.memory_space<semaphore_mem>>) src(%dma_wait3A_124 : memref<32xf32, #tpu.memory_space<vmem>>) dst(%dma_wait3A_121 : memref<32xf32, #tpu.memory_space<hbm>>)
        tpu.yield
      }) : () -> ()
      %run_scoped3A_98 = arith.constant 56 : i32
      "tpu.region"() ({
        %run_scoped3A_106 = tpu.sem_alloc : memref<!tpu.dma_semaphore, #tpu.memory_space<semaphore_mem>>
        %dma_start3A = arith.constant 0 : i32
        %dma_start3A_107 = tpu.memref_slice %arg9[%run_scoped3A_98, %dma_start3A] : memref<64x32xf32, #tpu.memory_space<vmem>> -> memref<1x32xf32, #tpu.memory_space<vmem>>
        %dma_start3A_108 = tpu.memref_squeeze %dma_start3A_107 : memref<1x32xf32, #tpu.memory_space<vmem>> -> memref<32xf32, #tpu.memory_space<vmem>>
        %dma_start3A_109 = arith.constant 31999744 : i32
        %dma_start3A_110 = tpu.memref_slice %arg4[%dma_start3A_109] : memref<32000000xf32, #tpu.memory_space<hbm>> -> memref<32xf32, #tpu.memory_space<hbm>>
        %dma_start3A_111 = arith.constant 31999744 : i32
        %dma_start3A_112 = tpu.memref_slice %arg4[%dma_start3A_111] : memref<32000000xf32, #tpu.memory_space<hbm>> -> memref<32xf32, #tpu.memory_space<hbm>>
        %dma_start3A_113 = arith.constant 0 : i32
        %dma_start3A_114 = tpu.memref_slice %arg9[%run_scoped3A_98, %dma_start3A_113] : memref<64x32xf32, #tpu.memory_space<vmem>> -> memref<1x32xf32, #tpu.memory_space<vmem>>
        %dma_start3A_115 = tpu.memref_squeeze %dma_start3A_114 : memref<1x32xf32, #tpu.memory_space<vmem>> -> memref<32xf32, #tpu.memory_space<vmem>>
        tpu.enqueue_dma source(%dma_start3A_115 : memref<32xf32, #tpu.memory_space<vmem>>) target(%dma_start3A_112 : memref<32xf32, #tpu.memory_space<hbm>>) target_semaphore(%run_scoped3A_106 : memref<!tpu.dma_semaphore, #tpu.memory_space<semaphore_mem>>)
        %dma_wait3A = arith.constant 0 : i32
        %dma_wait3A_116 = tpu.memref_slice %arg9[%run_scoped3A_98, %dma_wait3A] : memref<64x32xf32, #tpu.memory_space<vmem>> -> memref<1x32xf32, #tpu.memory_space<vmem>>
        %dma_wait3A_117 = tpu.memref_squeeze %dma_wait3A_116 : memref<1x32xf32, #tpu.memory_space<vmem>> -> memref<32xf32, #tpu.memory_space<vmem>>
        %dma_wait3A_118 = arith.constant 31999744 : i32
        %dma_wait3A_119 = tpu.memref_slice %arg4[%dma_wait3A_118] : memref<32000000xf32, #tpu.memory_space<hbm>> -> memref<32xf32, #tpu.memory_space<hbm>>
        %dma_wait3A_120 = arith.constant 31999744 : i32
        %dma_wait3A_121 = tpu.memref_slice %arg4[%dma_wait3A_120] : memref<32000000xf32, #tpu.memory_space<hbm>> -> memref<32xf32, #tpu.memory_space<hbm>>
        %dma_wait3A_122 = arith.constant 0 : i32
        %dma_wait3A_123 = tpu.memref_slice %arg9[%run_scoped3A_98, %dma_wait3A_122] : memref<64x32xf32, #tpu.memory_space<vmem>> -> memref<1x32xf32, #tpu.memory_space<vmem>>
        %dma_wait3A_124 = tpu.memref_squeeze %dma_wait3A_123 : memref<1x32xf32, #tpu.memory_space<vmem>> -> memref<32xf32, #tpu.memory_space<vmem>>
        tpu.wait_dma2 semaphore(%run_scoped3A_106 : memref<!tpu.dma_semaphore, #tpu.memory_space<semaphore_mem>>) src(%dma_wait3A_124 : memref<32xf32, #tpu.memory_space<vmem>>) dst(%dma_wait3A_121 : memref<32xf32, #tpu.memory_space<hbm>>)
        tpu.yield
      }) : () -> ()
      %run_scoped3A_99 = arith.constant 57 : i32
      "tpu.region"() ({
        %run_scoped3A_106 = tpu.sem_alloc : memref<!tpu.dma_semaphore, #tpu.memory_space<semaphore_mem>>
        %dma_start3A = arith.constant 0 : i32
        %dma_start3A_107 = tpu.memref_slice %arg9[%run_scoped3A_99, %dma_start3A] : memref<64x32xf32, #tpu.memory_space<vmem>> -> memref<1x32xf32, #tpu.memory_space<vmem>>
        %dma_start3A_108 = tpu.memref_squeeze %dma_start3A_107 : memref<1x32xf32, #tpu.memory_space<vmem>> -> memref<32xf32, #tpu.memory_space<vmem>>
        %dma_start3A_109 = arith.constant 31999776 : i32
        %dma_start3A_110 = tpu.memref_slice %arg4[%dma_start3A_109] : memref<32000000xf32, #tpu.memory_space<hbm>> -> memref<32xf32, #tpu.memory_space<hbm>>
        %dma_start3A_111 = arith.constant 31999776 : i32
        %dma_start3A_112 = tpu.memref_slice %arg4[%dma_start3A_111] : memref<32000000xf32, #tpu.memory_space<hbm>> -> memref<32xf32, #tpu.memory_space<hbm>>
        %dma_start3A_113 = arith.constant 0 : i32
        %dma_start3A_114 = tpu.memref_slice %arg9[%run_scoped3A_99, %dma_start3A_113] : memref<64x32xf32, #tpu.memory_space<vmem>> -> memref<1x32xf32, #tpu.memory_space<vmem>>
        %dma_start3A_115 = tpu.memref_squeeze %dma_start3A_114 : memref<1x32xf32, #tpu.memory_space<vmem>> -> memref<32xf32, #tpu.memory_space<vmem>>
        tpu.enqueue_dma source(%dma_start3A_115 : memref<32xf32, #tpu.memory_space<vmem>>) target(%dma_start3A_112 : memref<32xf32, #tpu.memory_space<hbm>>) target_semaphore(%run_scoped3A_106 : memref<!tpu.dma_semaphore, #tpu.memory_space<semaphore_mem>>)
        %dma_wait3A = arith.constant 0 : i32
        %dma_wait3A_116 = tpu.memref_slice %arg9[%run_scoped3A_99, %dma_wait3A] : memref<64x32xf32, #tpu.memory_space<vmem>> -> memref<1x32xf32, #tpu.memory_space<vmem>>
        %dma_wait3A_117 = tpu.memref_squeeze %dma_wait3A_116 : memref<1x32xf32, #tpu.memory_space<vmem>> -> memref<32xf32, #tpu.memory_space<vmem>>
        %dma_wait3A_118 = arith.constant 31999776 : i32
        %dma_wait3A_119 = tpu.memref_slice %arg4[%dma_wait3A_118] : memref<32000000xf32, #tpu.memory_space<hbm>> -> memref<32xf32, #tpu.memory_space<hbm>>
        %dma_wait3A_120 = arith.constant 31999776 : i32
        %dma_wait3A_121 = tpu.memref_slice %arg4[%dma_wait3A_120] : memref<32000000xf32, #tpu.memory_space<hbm>> -> memref<32xf32, #tpu.memory_space<hbm>>
        %dma_wait3A_122 = arith.constant 0 : i32
        %dma_wait3A_123 = tpu.memref_slice %arg9[%run_scoped3A_99, %dma_wait3A_122] : memref<64x32xf32, #tpu.memory_space<vmem>> -> memref<1x32xf32, #tpu.memory_space<vmem>>
        %dma_wait3A_124 = tpu.memref_squeeze %dma_wait3A_123 : memref<1x32xf32, #tpu.memory_space<vmem>> -> memref<32xf32, #tpu.memory_space<vmem>>
        tpu.wait_dma2 semaphore(%run_scoped3A_106 : memref<!tpu.dma_semaphore, #tpu.memory_space<semaphore_mem>>) src(%dma_wait3A_124 : memref<32xf32, #tpu.memory_space<vmem>>) dst(%dma_wait3A_121 : memref<32xf32, #tpu.memory_space<hbm>>)
        tpu.yield
      }) : () -> ()
      %run_scoped3A_100 = arith.constant 58 : i32
      "tpu.region"() ({
        %run_scoped3A_106 = tpu.sem_alloc : memref<!tpu.dma_semaphore, #tpu.memory_space<semaphore_mem>>
        %dma_start3A = arith.constant 0 : i32
        %dma_start3A_107 = tpu.memref_slice %arg9[%run_scoped3A_100, %dma_start3A] : memref<64x32xf32, #tpu.memory_space<vmem>> -> memref<1x32xf32, #tpu.memory_space<vmem>>
        %dma_start3A_108 = tpu.memref_squeeze %dma_start3A_107 : memref<1x32xf32, #tpu.memory_space<vmem>> -> memref<32xf32, #tpu.memory_space<vmem>>
        %dma_start3A_109 = arith.constant 31999808 : i32
        %dma_start3A_110 = tpu.memref_slice %arg4[%dma_start3A_109] : memref<32000000xf32, #tpu.memory_space<hbm>> -> memref<32xf32, #tpu.memory_space<hbm>>
        %dma_start3A_111 = arith.constant 31999808 : i32
        %dma_start3A_112 = tpu.memref_slice %arg4[%dma_start3A_111] : memref<32000000xf32, #tpu.memory_space<hbm>> -> memref<32xf32, #tpu.memory_space<hbm>>
        %dma_start3A_113 = arith.constant 0 : i32
        %dma_start3A_114 = tpu.memref_slice %arg9[%run_scoped3A_100, %dma_start3A_113] : memref<64x32xf32, #tpu.memory_space<vmem>> -> memref<1x32xf32, #tpu.memory_space<vmem>>
        %dma_start3A_115 = tpu.memref_squeeze %dma_start3A_114 : memref<1x32xf32, #tpu.memory_space<vmem>> -> memref<32xf32, #tpu.memory_space<vmem>>
        tpu.enqueue_dma source(%dma_start3A_115 : memref<32xf32, #tpu.memory_space<vmem>>) target(%dma_start3A_112 : memref<32xf32, #tpu.memory_space<hbm>>) target_semaphore(%run_scoped3A_106 : memref<!tpu.dma_semaphore, #tpu.memory_space<semaphore_mem>>)
        %dma_wait3A = arith.constant 0 : i32
        %dma_wait3A_116 = tpu.memref_slice %arg9[%run_scoped3A_100, %dma_wait3A] : memref<64x32xf32, #tpu.memory_space<vmem>> -> memref<1x32xf32, #tpu.memory_space<vmem>>
        %dma_wait3A_117 = tpu.memref_squeeze %dma_wait3A_116 : memref<1x32xf32, #tpu.memory_space<vmem>> -> memref<32xf32, #tpu.memory_space<vmem>>
        %dma_wait3A_118 = arith.constant 31999808 : i32
        %dma_wait3A_119 = tpu.memref_slice %arg4[%dma_wait3A_118] : memref<32000000xf32, #tpu.memory_space<hbm>> -> memref<32xf32, #tpu.memory_space<hbm>>
        %dma_wait3A_120 = arith.constant 31999808 : i32
        %dma_wait3A_121 = tpu.memref_slice %arg4[%dma_wait3A_120] : memref<32000000xf32, #tpu.memory_space<hbm>> -> memref<32xf32, #tpu.memory_space<hbm>>
        %dma_wait3A_122 = arith.constant 0 : i32
        %dma_wait3A_123 = tpu.memref_slice %arg9[%run_scoped3A_100, %dma_wait3A_122] : memref<64x32xf32, #tpu.memory_space<vmem>> -> memref<1x32xf32, #tpu.memory_space<vmem>>
        %dma_wait3A_124 = tpu.memref_squeeze %dma_wait3A_123 : memref<1x32xf32, #tpu.memory_space<vmem>> -> memref<32xf32, #tpu.memory_space<vmem>>
        tpu.wait_dma2 semaphore(%run_scoped3A_106 : memref<!tpu.dma_semaphore, #tpu.memory_space<semaphore_mem>>) src(%dma_wait3A_124 : memref<32xf32, #tpu.memory_space<vmem>>) dst(%dma_wait3A_121 : memref<32xf32, #tpu.memory_space<hbm>>)
        tpu.yield
      }) : () -> ()
      %run_scoped3A_101 = arith.constant 59 : i32
      "tpu.region"() ({
        %run_scoped3A_106 = tpu.sem_alloc : memref<!tpu.dma_semaphore, #tpu.memory_space<semaphore_mem>>
        %dma_start3A = arith.constant 0 : i32
        %dma_start3A_107 = tpu.memref_slice %arg9[%run_scoped3A_101, %dma_start3A] : memref<64x32xf32, #tpu.memory_space<vmem>> -> memref<1x32xf32, #tpu.memory_space<vmem>>
        %dma_start3A_108 = tpu.memref_squeeze %dma_start3A_107 : memref<1x32xf32, #tpu.memory_space<vmem>> -> memref<32xf32, #tpu.memory_space<vmem>>
        %dma_start3A_109 = arith.constant 31999840 : i32
        %dma_start3A_110 = tpu.memref_slice %arg4[%dma_start3A_109] : memref<32000000xf32, #tpu.memory_space<hbm>> -> memref<32xf32, #tpu.memory_space<hbm>>
        %dma_start3A_111 = arith.constant 31999840 : i32
        %dma_start3A_112 = tpu.memref_slice %arg4[%dma_start3A_111] : memref<32000000xf32, #tpu.memory_space<hbm>> -> memref<32xf32, #tpu.memory_space<hbm>>
        %dma_start3A_113 = arith.constant 0 : i32
        %dma_start3A_114 = tpu.memref_slice %arg9[%run_scoped3A_101, %dma_start3A_113] : memref<64x32xf32, #tpu.memory_space<vmem>> -> memref<1x32xf32, #tpu.memory_space<vmem>>
        %dma_start3A_115 = tpu.memref_squeeze %dma_start3A_114 : memref<1x32xf32, #tpu.memory_space<vmem>> -> memref<32xf32, #tpu.memory_space<vmem>>
        tpu.enqueue_dma source(%dma_start3A_115 : memref<32xf32, #tpu.memory_space<vmem>>) target(%dma_start3A_112 : memref<32xf32, #tpu.memory_space<hbm>>) target_semaphore(%run_scoped3A_106 : memref<!tpu.dma_semaphore, #tpu.memory_space<semaphore_mem>>)
        %dma_wait3A = arith.constant 0 : i32
        %dma_wait3A_116 = tpu.memref_slice %arg9[%run_scoped3A_101, %dma_wait3A] : memref<64x32xf32, #tpu.memory_space<vmem>> -> memref<1x32xf32, #tpu.memory_space<vmem>>
        %dma_wait3A_117 = tpu.memref_squeeze %dma_wait3A_116 : memref<1x32xf32, #tpu.memory_space<vmem>> -> memref<32xf32, #tpu.memory_space<vmem>>
        %dma_wait3A_118 = arith.constant 31999840 : i32
        %dma_wait3A_119 = tpu.memref_slice %arg4[%dma_wait3A_118] : memref<32000000xf32, #tpu.memory_space<hbm>> -> memref<32xf32, #tpu.memory_space<hbm>>
        %dma_wait3A_120 = arith.constant 31999840 : i32
        %dma_wait3A_121 = tpu.memref_slice %arg4[%dma_wait3A_120] : memref<32000000xf32, #tpu.memory_space<hbm>> -> memref<32xf32, #tpu.memory_space<hbm>>
        %dma_wait3A_122 = arith.constant 0 : i32
        %dma_wait3A_123 = tpu.memref_slice %arg9[%run_scoped3A_101, %dma_wait3A_122] : memref<64x32xf32, #tpu.memory_space<vmem>> -> memref<1x32xf32, #tpu.memory_space<vmem>>
        %dma_wait3A_124 = tpu.memref_squeeze %dma_wait3A_123 : memref<1x32xf32, #tpu.memory_space<vmem>> -> memref<32xf32, #tpu.memory_space<vmem>>
        tpu.wait_dma2 semaphore(%run_scoped3A_106 : memref<!tpu.dma_semaphore, #tpu.memory_space<semaphore_mem>>) src(%dma_wait3A_124 : memref<32xf32, #tpu.memory_space<vmem>>) dst(%dma_wait3A_121 : memref<32xf32, #tpu.memory_space<hbm>>)
        tpu.yield
      }) : () -> ()
      %run_scoped3A_102 = arith.constant 60 : i32
      "tpu.region"() ({
        %run_scoped3A_106 = tpu.sem_alloc : memref<!tpu.dma_semaphore, #tpu.memory_space<semaphore_mem>>
        %dma_start3A = arith.constant 0 : i32
        %dma_start3A_107 = tpu.memref_slice %arg9[%run_scoped3A_102, %dma_start3A] : memref<64x32xf32, #tpu.memory_space<vmem>> -> memref<1x32xf32, #tpu.memory_space<vmem>>
        %dma_start3A_108 = tpu.memref_squeeze %dma_start3A_107 : memref<1x32xf32, #tpu.memory_space<vmem>> -> memref<32xf32, #tpu.memory_space<vmem>>
        %dma_start3A_109 = arith.constant 31999872 : i32
        %dma_start3A_110 = tpu.memref_slice %arg4[%dma_start3A_109] : memref<32000000xf32, #tpu.memory_space<hbm>> -> memref<32xf32, #tpu.memory_space<hbm>>
        %dma_start3A_111 = arith.constant 31999872 : i32
        %dma_start3A_112 = tpu.memref_slice %arg4[%dma_start3A_111] : memref<32000000xf32, #tpu.memory_space<hbm>> -> memref<32xf32, #tpu.memory_space<hbm>>
        %dma_start3A_113 = arith.constant 0 : i32
        %dma_start3A_114 = tpu.memref_slice %arg9[%run_scoped3A_102, %dma_start3A_113] : memref<64x32xf32, #tpu.memory_space<vmem>> -> memref<1x32xf32, #tpu.memory_space<vmem>>
        %dma_start3A_115 = tpu.memref_squeeze %dma_start3A_114 : memref<1x32xf32, #tpu.memory_space<vmem>> -> memref<32xf32, #tpu.memory_space<vmem>>
        tpu.enqueue_dma source(%dma_start3A_115 : memref<32xf32, #tpu.memory_space<vmem>>) target(%dma_start3A_112 : memref<32xf32, #tpu.memory_space<hbm>>) target_semaphore(%run_scoped3A_106 : memref<!tpu.dma_semaphore, #tpu.memory_space<semaphore_mem>>)
        %dma_wait3A = arith.constant 0 : i32
        %dma_wait3A_116 = tpu.memref_slice %arg9[%run_scoped3A_102, %dma_wait3A] : memref<64x32xf32, #tpu.memory_space<vmem>> -> memref<1x32xf32, #tpu.memory_space<vmem>>
        %dma_wait3A_117 = tpu.memref_squeeze %dma_wait3A_116 : memref<1x32xf32, #tpu.memory_space<vmem>> -> memref<32xf32, #tpu.memory_space<vmem>>
        %dma_wait3A_118 = arith.constant 31999872 : i32
        %dma_wait3A_119 = tpu.memref_slice %arg4[%dma_wait3A_118] : memref<32000000xf32, #tpu.memory_space<hbm>> -> memref<32xf32, #tpu.memory_space<hbm>>
        %dma_wait3A_120 = arith.constant 31999872 : i32
        %dma_wait3A_121 = tpu.memref_slice %arg4[%dma_wait3A_120] : memref<32000000xf32, #tpu.memory_space<hbm>> -> memref<32xf32, #tpu.memory_space<hbm>>
        %dma_wait3A_122 = arith.constant 0 : i32
        %dma_wait3A_123 = tpu.memref_slice %arg9[%run_scoped3A_102, %dma_wait3A_122] : memref<64x32xf32, #tpu.memory_space<vmem>> -> memref<1x32xf32, #tpu.memory_space<vmem>>
        %dma_wait3A_124 = tpu.memref_squeeze %dma_wait3A_123 : memref<1x32xf32, #tpu.memory_space<vmem>> -> memref<32xf32, #tpu.memory_space<vmem>>
        tpu.wait_dma2 semaphore(%run_scoped3A_106 : memref<!tpu.dma_semaphore, #tpu.memory_space<semaphore_mem>>) src(%dma_wait3A_124 : memref<32xf32, #tpu.memory_space<vmem>>) dst(%dma_wait3A_121 : memref<32xf32, #tpu.memory_space<hbm>>)
        tpu.yield
      }) : () -> ()
      %run_scoped3A_103 = arith.constant 61 : i32
      "tpu.region"() ({
        %run_scoped3A_106 = tpu.sem_alloc : memref<!tpu.dma_semaphore, #tpu.memory_space<semaphore_mem>>
        %dma_start3A = arith.constant 0 : i32
        %dma_start3A_107 = tpu.memref_slice %arg9[%run_scoped3A_103, %dma_start3A] : memref<64x32xf32, #tpu.memory_space<vmem>> -> memref<1x32xf32, #tpu.memory_space<vmem>>
        %dma_start3A_108 = tpu.memref_squeeze %dma_start3A_107 : memref<1x32xf32, #tpu.memory_space<vmem>> -> memref<32xf32, #tpu.memory_space<vmem>>
        %dma_start3A_109 = arith.constant 31999904 : i32
        %dma_start3A_110 = tpu.memref_slice %arg4[%dma_start3A_109] : memref<32000000xf32, #tpu.memory_space<hbm>> -> memref<32xf32, #tpu.memory_space<hbm>>
        %dma_start3A_111 = arith.constant 31999904 : i32
        %dma_start3A_112 = tpu.memref_slice %arg4[%dma_start3A_111] : memref<32000000xf32, #tpu.memory_space<hbm>> -> memref<32xf32, #tpu.memory_space<hbm>>
        %dma_start3A_113 = arith.constant 0 : i32
        %dma_start3A_114 = tpu.memref_slice %arg9[%run_scoped3A_103, %dma_start3A_113] : memref<64x32xf32, #tpu.memory_space<vmem>> -> memref<1x32xf32, #tpu.memory_space<vmem>>
        %dma_start3A_115 = tpu.memref_squeeze %dma_start3A_114 : memref<1x32xf32, #tpu.memory_space<vmem>> -> memref<32xf32, #tpu.memory_space<vmem>>
        tpu.enqueue_dma source(%dma_start3A_115 : memref<32xf32, #tpu.memory_space<vmem>>) target(%dma_start3A_112 : memref<32xf32, #tpu.memory_space<hbm>>) target_semaphore(%run_scoped3A_106 : memref<!tpu.dma_semaphore, #tpu.memory_space<semaphore_mem>>)
        %dma_wait3A = arith.constant 0 : i32
        %dma_wait3A_116 = tpu.memref_slice %arg9[%run_scoped3A_103, %dma_wait3A] : memref<64x32xf32, #tpu.memory_space<vmem>> -> memref<1x32xf32, #tpu.memory_space<vmem>>
        %dma_wait3A_117 = tpu.memref_squeeze %dma_wait3A_116 : memref<1x32xf32, #tpu.memory_space<vmem>> -> memref<32xf32, #tpu.memory_space<vmem>>
        %dma_wait3A_118 = arith.constant 31999904 : i32
        %dma_wait3A_119 = tpu.memref_slice %arg4[%dma_wait3A_118] : memref<32000000xf32, #tpu.memory_space<hbm>> -> memref<32xf32, #tpu.memory_space<hbm>>
        %dma_wait3A_120 = arith.constant 31999904 : i32
        %dma_wait3A_121 = tpu.memref_slice %arg4[%dma_wait3A_120] : memref<32000000xf32, #tpu.memory_space<hbm>> -> memref<32xf32, #tpu.memory_space<hbm>>
        %dma_wait3A_122 = arith.constant 0 : i32
        %dma_wait3A_123 = tpu.memref_slice %arg9[%run_scoped3A_103, %dma_wait3A_122] : memref<64x32xf32, #tpu.memory_space<vmem>> -> memref<1x32xf32, #tpu.memory_space<vmem>>
        %dma_wait3A_124 = tpu.memref_squeeze %dma_wait3A_123 : memref<1x32xf32, #tpu.memory_space<vmem>> -> memref<32xf32, #tpu.memory_space<vmem>>
        tpu.wait_dma2 semaphore(%run_scoped3A_106 : memref<!tpu.dma_semaphore, #tpu.memory_space<semaphore_mem>>) src(%dma_wait3A_124 : memref<32xf32, #tpu.memory_space<vmem>>) dst(%dma_wait3A_121 : memref<32xf32, #tpu.memory_space<hbm>>)
        tpu.yield
      }) : () -> ()
      %run_scoped3A_104 = arith.constant 62 : i32
      "tpu.region"() ({
        %run_scoped3A_106 = tpu.sem_alloc : memref<!tpu.dma_semaphore, #tpu.memory_space<semaphore_mem>>
        %dma_start3A = arith.constant 0 : i32
        %dma_start3A_107 = tpu.memref_slice %arg9[%run_scoped3A_104, %dma_start3A] : memref<64x32xf32, #tpu.memory_space<vmem>> -> memref<1x32xf32, #tpu.memory_space<vmem>>
        %dma_start3A_108 = tpu.memref_squeeze %dma_start3A_107 : memref<1x32xf32, #tpu.memory_space<vmem>> -> memref<32xf32, #tpu.memory_space<vmem>>
        %dma_start3A_109 = arith.constant 31999936 : i32
        %dma_start3A_110 = tpu.memref_slice %arg4[%dma_start3A_109] : memref<32000000xf32, #tpu.memory_space<hbm>> -> memref<32xf32, #tpu.memory_space<hbm>>
        %dma_start3A_111 = arith.constant 31999936 : i32
        %dma_start3A_112 = tpu.memref_slice %arg4[%dma_start3A_111] : memref<32000000xf32, #tpu.memory_space<hbm>> -> memref<32xf32, #tpu.memory_space<hbm>>
        %dma_start3A_113 = arith.constant 0 : i32
        %dma_start3A_114 = tpu.memref_slice %arg9[%run_scoped3A_104, %dma_start3A_113] : memref<64x32xf32, #tpu.memory_space<vmem>> -> memref<1x32xf32, #tpu.memory_space<vmem>>
        %dma_start3A_115 = tpu.memref_squeeze %dma_start3A_114 : memref<1x32xf32, #tpu.memory_space<vmem>> -> memref<32xf32, #tpu.memory_space<vmem>>
        tpu.enqueue_dma source(%dma_start3A_115 : memref<32xf32, #tpu.memory_space<vmem>>) target(%dma_start3A_112 : memref<32xf32, #tpu.memory_space<hbm>>) target_semaphore(%run_scoped3A_106 : memref<!tpu.dma_semaphore, #tpu.memory_space<semaphore_mem>>)
        %dma_wait3A = arith.constant 0 : i32
        %dma_wait3A_116 = tpu.memref_slice %arg9[%run_scoped3A_104, %dma_wait3A] : memref<64x32xf32, #tpu.memory_space<vmem>> -> memref<1x32xf32, #tpu.memory_space<vmem>>
        %dma_wait3A_117 = tpu.memref_squeeze %dma_wait3A_116 : memref<1x32xf32, #tpu.memory_space<vmem>> -> memref<32xf32, #tpu.memory_space<vmem>>
        %dma_wait3A_118 = arith.constant 31999936 : i32
        %dma_wait3A_119 = tpu.memref_slice %arg4[%dma_wait3A_118] : memref<32000000xf32, #tpu.memory_space<hbm>> -> memref<32xf32, #tpu.memory_space<hbm>>
        %dma_wait3A_120 = arith.constant 31999936 : i32
        %dma_wait3A_121 = tpu.memref_slice %arg4[%dma_wait3A_120] : memref<32000000xf32, #tpu.memory_space<hbm>> -> memref<32xf32, #tpu.memory_space<hbm>>
        %dma_wait3A_122 = arith.constant 0 : i32
        %dma_wait3A_123 = tpu.memref_slice %arg9[%run_scoped3A_104, %dma_wait3A_122] : memref<64x32xf32, #tpu.memory_space<vmem>> -> memref<1x32xf32, #tpu.memory_space<vmem>>
        %dma_wait3A_124 = tpu.memref_squeeze %dma_wait3A_123 : memref<1x32xf32, #tpu.memory_space<vmem>> -> memref<32xf32, #tpu.memory_space<vmem>>
        tpu.wait_dma2 semaphore(%run_scoped3A_106 : memref<!tpu.dma_semaphore, #tpu.memory_space<semaphore_mem>>) src(%dma_wait3A_124 : memref<32xf32, #tpu.memory_space<vmem>>) dst(%dma_wait3A_121 : memref<32xf32, #tpu.memory_space<hbm>>)
        tpu.yield
      }) : () -> ()
      %run_scoped3A_105 = arith.constant 63 : i32
      "tpu.region"() ({
        %run_scoped3A_106 = tpu.sem_alloc : memref<!tpu.dma_semaphore, #tpu.memory_space<semaphore_mem>>
        %dma_start3A = arith.constant 0 : i32
        %dma_start3A_107 = tpu.memref_slice %arg9[%run_scoped3A_105, %dma_start3A] : memref<64x32xf32, #tpu.memory_space<vmem>> -> memref<1x32xf32, #tpu.memory_space<vmem>>
        %dma_start3A_108 = tpu.memref_squeeze %dma_start3A_107 : memref<1x32xf32, #tpu.memory_space<vmem>> -> memref<32xf32, #tpu.memory_space<vmem>>
        %dma_start3A_109 = arith.constant 31999968 : i32
        %dma_start3A_110 = tpu.memref_slice %arg4[%dma_start3A_109] : memref<32000000xf32, #tpu.memory_space<hbm>> -> memref<32xf32, #tpu.memory_space<hbm>>
        %dma_start3A_111 = arith.constant 31999968 : i32
        %dma_start3A_112 = tpu.memref_slice %arg4[%dma_start3A_111] : memref<32000000xf32, #tpu.memory_space<hbm>> -> memref<32xf32, #tpu.memory_space<hbm>>
        %dma_start3A_113 = arith.constant 0 : i32
        %dma_start3A_114 = tpu.memref_slice %arg9[%run_scoped3A_105, %dma_start3A_113] : memref<64x32xf32, #tpu.memory_space<vmem>> -> memref<1x32xf32, #tpu.memory_space<vmem>>
        %dma_start3A_115 = tpu.memref_squeeze %dma_start3A_114 : memref<1x32xf32, #tpu.memory_space<vmem>> -> memref<32xf32, #tpu.memory_space<vmem>>
        tpu.enqueue_dma source(%dma_start3A_115 : memref<32xf32, #tpu.memory_space<vmem>>) target(%dma_start3A_112 : memref<32xf32, #tpu.memory_space<hbm>>) target_semaphore(%run_scoped3A_106 : memref<!tpu.dma_semaphore, #tpu.memory_space<semaphore_mem>>)
        %dma_wait3A = arith.constant 0 : i32
        %dma_wait3A_116 = tpu.memref_slice %arg9[%run_scoped3A_105, %dma_wait3A] : memref<64x32xf32, #tpu.memory_space<vmem>> -> memref<1x32xf32, #tpu.memory_space<vmem>>
        %dma_wait3A_117 = tpu.memref_squeeze %dma_wait3A_116 : memref<1x32xf32, #tpu.memory_space<vmem>> -> memref<32xf32, #tpu.memory_space<vmem>>
        %dma_wait3A_118 = arith.constant 31999968 : i32
        %dma_wait3A_119 = tpu.memref_slice %arg4[%dma_wait3A_118] : memref<32000000xf32, #tpu.memory_space<hbm>> -> memref<32xf32, #tpu.memory_space<hbm>>
        %dma_wait3A_120 = arith.constant 31999968 : i32
        %dma_wait3A_121 = tpu.memref_slice %arg4[%dma_wait3A_120] : memref<32000000xf32, #tpu.memory_space<hbm>> -> memref<32xf32, #tpu.memory_space<hbm>>
        %dma_wait3A_122 = arith.constant 0 : i32
        %dma_wait3A_123 = tpu.memref_slice %arg9[%run_scoped3A_105, %dma_wait3A_122] : memref<64x32xf32, #tpu.memory_space<vmem>> -> memref<1x32xf32, #tpu.memory_space<vmem>>
        %dma_wait3A_124 = tpu.memref_squeeze %dma_wait3A_123 : memref<1x32xf32, #tpu.memory_space<vmem>> -> memref<32xf32, #tpu.memory_space<vmem>>
        tpu.wait_dma2 semaphore(%run_scoped3A_106 : memref<!tpu.dma_semaphore, #tpu.memory_space<semaphore_mem>>) src(%dma_wait3A_124 : memref<32xf32, #tpu.memory_space<vmem>>) dst(%dma_wait3A_121 : memref<32xf32, #tpu.memory_space<hbm>>)
        tpu.yield
      }) : () -> ()
    } else {
    }
    %iota3A = tpu.iota {dimensions = array<i32: 0>} : vector<16xi32>
    %add3A_3 = arith.constant 0 : i32
    %add3A_4 = vector.broadcast %add3A_3 : i32 to vector<16xi32>
    %add3A_5 = arith.addi %add3A_4, %iota3A : vector<16xi32>
    %add3A_6 = arith.constant 16 : i32
    %add3A_7 = vector.broadcast %add3A_6 : i32 to vector<16xi32>
    %add3A_8 = arith.addi %add3A_7, %iota3A : vector<16xi32>
    %add3A_9 = arith.constant 0 : i32
    %add3A_10 = arith.addi %add3A, %add3A_9 : i32
    %lt3A = arith.constant 1953 : i32
    %lt3A_11 = arith.cmpi slt, %add3A_10, %lt3A : i32
    %convert_element_type3A_12 = arith.extui %lt3A_11 : i1 to i32
    %cond3A_13 = arith.constant 0 : i32
    %cond3A_14 = arith.cmpi ne, %convert_element_type3A_12, %cond3A_13 : i32
    scf.if %cond3A_14 {
      %add3A_43 = arith.constant 0 : i32
      %add3A_44 = arith.addi %add3A, %add3A_43 : i32
      %mul3A_45 = arith.constant 512 : i32
      %mul3A_46 = arith.muli %add3A_44, %mul3A_45 : i32
      %dma_start3A = arith.constant 0 : i32
      %dma_start3A_47 = tpu.memref_slice %arg2[%dma_start3A, %mul3A_46] : memref<32x1000000xf32, #tpu.memory_space<hbm>> -> memref<32x512xf32, #tpu.memory_space<hbm>>
      %dma_start3A_48 = arith.constant 0 : i32
      %dma_start3A_49 = tpu.memref_slice %arg2[%dma_start3A_48, %mul3A_46] : memref<32x1000000xf32, #tpu.memory_space<hbm>> -> memref<32x512xf32, #tpu.memory_space<hbm>>
      tpu.enqueue_dma source(%dma_start3A_49 : memref<32x512xf32, #tpu.memory_space<hbm>>) target(%arg5 : memref<32x512xf32, #tpu.memory_space<vmem>>) target_semaphore(%arg10 : memref<!tpu.dma_semaphore, #tpu.memory_space<semaphore_mem>>)
    } else {
    }
    %scan3A = arith.constant 0 : i32
    %scan3A_15 = arith.constant 31 : i32
    %scan3A_16 = arith.addi %scan3A, %scan3A_15 : i32
    %scan3A_17 = arith.constant 1 : i32
    scf.for %scan3A_43 = %scan3A to %scan3A_16 step %scan3A_17  : i32 {
      %mul3A_44 = arith.constant 2 : i32
      %mul3A_45 = arith.muli %scan3A_43, %mul3A_44 : i32
      %add3A_46 = arith.constant 0 : i32
      %add3A_47 = arith.addi %add3A_46, %mul3A_45 : i32
      %add3A_48 = arith.constant 0 : i32
      %add3A_49 = arith.addi %add3A_47, %add3A_48 : i32
      %mul3A_50 = arith.constant 32 : i32
      %mul3A_51 = arith.muli %add3A_49, %mul3A_50 : i32
      %add3A_52 = arith.addi %add3A, %mul3A_51 : i32
      %lt3A_53 = arith.constant 1953 : i32
      %lt3A_54 = arith.cmpi slt, %add3A_52, %lt3A_53 : i32
      %convert_element_type3A_55 = arith.extui %lt3A_54 : i1 to i32
      %cond3A_56 = arith.constant 0 : i32
      %cond3A_57 = arith.cmpi ne, %convert_element_type3A_55, %cond3A_56 : i32
      scf.if %cond3A_57 {
        %add3A_68 = arith.constant 1 : i32
        %add3A_69 = arith.addi %add3A_49, %add3A_68 : i32
        %mul3A_70 = arith.constant 32 : i32
        %mul3A_71 = arith.muli %add3A_69, %mul3A_70 : i32
        %add3A_72 = arith.addi %add3A, %mul3A_71 : i32
        %lt3A_73 = arith.constant 1953 : i32
        %lt3A_74 = arith.cmpi slt, %add3A_72, %lt3A_73 : i32
        %convert_element_type3A_75 = arith.extui %lt3A_74 : i1 to i32
        %cond3A_76 = arith.constant 0 : i32
        %cond3A_77 = arith.cmpi ne, %convert_element_type3A_75, %cond3A_76 : i32
        scf.if %cond3A_77 {
          %add3A_98 = arith.constant 1 : i32
          %add3A_99 = arith.addi %add3A_49, %add3A_98 : i32
          %mul3A_100 = arith.constant 32 : i32
          %mul3A_101 = arith.muli %add3A_99, %mul3A_100 : i32
          %add3A_102 = arith.addi %add3A, %mul3A_101 : i32
          %mul3A_103 = arith.constant 512 : i32
          %mul3A_104 = arith.muli %add3A_102, %mul3A_103 : i32
          %dma_start3A_105 = arith.constant 0 : i32
          %dma_start3A_106 = tpu.memref_slice %arg2[%dma_start3A_105, %mul3A_104] : memref<32x1000000xf32, #tpu.memory_space<hbm>> -> memref<32x512xf32, #tpu.memory_space<hbm>>
          %dma_start3A_107 = arith.constant 0 : i32
          %dma_start3A_108 = tpu.memref_slice %arg2[%dma_start3A_107, %mul3A_104] : memref<32x1000000xf32, #tpu.memory_space<hbm>> -> memref<32x512xf32, #tpu.memory_space<hbm>>
          tpu.enqueue_dma source(%dma_start3A_108 : memref<32x512xf32, #tpu.memory_space<hbm>>) target(%arg6 : memref<32x512xf32, #tpu.memory_space<vmem>>) target_semaphore(%arg11 : memref<!tpu.dma_semaphore, #tpu.memory_space<semaphore_mem>>)
        } else {
        }
        %dma_wait3A = arith.constant 0 : i32
        %dma_wait3A_78 = arith.constant 0 : i32
        %dma_wait3A_79 = tpu.memref_slice %arg2[%dma_wait3A, %dma_wait3A_78] : memref<32x1000000xf32, #tpu.memory_space<hbm>> -> memref<32x512xf32, #tpu.memory_space<hbm>>
        %dma_wait3A_80 = arith.constant 0 : i32
        %dma_wait3A_81 = arith.constant 0 : i32
        %dma_wait3A_82 = tpu.memref_slice %arg2[%dma_wait3A_80, %dma_wait3A_81] : memref<32x1000000xf32, #tpu.memory_space<hbm>> -> memref<32x512xf32, #tpu.memory_space<hbm>>
        tpu.wait_dma2 semaphore(%arg10 : memref<!tpu.dma_semaphore, #tpu.memory_space<semaphore_mem>>) src(%dma_wait3A_82 : memref<32x512xf32, #tpu.memory_space<hbm>>) dst(%arg5 : memref<32x512xf32, #tpu.memory_space<vmem>>)
        %ge3A_83 = arith.constant 2 : i32
        %ge3A_84 = arith.cmpi sge, %add3A_49, %ge3A_83 : i32
        %convert_element_type3A_85 = arith.extui %ge3A_84 : i1 to i32
        %cond3A_86 = arith.constant 0 : i32
        %cond3A_87 = arith.cmpi ne, %convert_element_type3A_85, %cond3A_86 : i32
        scf.if %cond3A_87 {
          %dma_wait3A_98 = arith.constant 0 : i32
          %dma_wait3A_99 = tpu.memref_slice %arg4[%dma_wait3A_98] : memref<32000000xf32, #tpu.memory_space<hbm>> -> memref<16384xf32, #tpu.memory_space<hbm>>
          %dma_wait3A_100 = arith.constant 0 : i32
          %dma_wait3A_101 = tpu.memref_slice %arg4[%dma_wait3A_100] : memref<32000000xf32, #tpu.memory_space<hbm>> -> memref<16384xf32, #tpu.memory_space<hbm>>
          tpu.wait_dma2 semaphore(%arg12 : memref<!tpu.dma_semaphore, #tpu.memory_space<semaphore_mem>>) src(%dma_wait3A_101 : memref<16384xf32, #tpu.memory_space<hbm>>) dst(%arg7 : memref<16384xf32, #tpu.memory_space<vmem>>)
        } else {
        }
        %parallel_loop3A = arith.constant 0 : i32
        %parallel_loop3A_88 = arith.constant 512 : i32
        %parallel_loop3A_89 = arith.constant 1 : i32
        scf.for %parallel_loop3A_98 = %parallel_loop3A to %parallel_loop3A_88 step %parallel_loop3A_89  : i32 {
          %parallel_loop3A_99 = vector.broadcast %parallel_loop3A_98 : i32 to vector<16xi32>
          %parallel_loop3A_100 = tpu.vector_load_idx %arg5[%add3A_5, %parallel_loop3A_99] : memref<32x512xf32, #tpu.memory_space<vmem>>[vector<16xi32>, vector<16xi32>], vector<16xf32>,
          %parallel_loop3A_101 = arith.constant 32 : i32
          %parallel_loop3A_102 = arith.muli %parallel_loop3A_98, %parallel_loop3A_101 : i32
          %parallel_loop3A_103 = arith.constant 0 : i32
          %parallel_loop3A_104 = arith.addi %parallel_loop3A_102, %parallel_loop3A_103 : i32
          %parallel_loop3A_105 = arith.index_cast %parallel_loop3A_104 : i32 to index
          %parallel_loop3A_106 = tpu.vector_load %arg7[%parallel_loop3A_105] {strides = array<i32>} : memref<16384xf32, #tpu.memory_space<vmem>>, vector<16xf32>,
          tpu.vector_store %arg7[%parallel_loop3A_105], %parallel_loop3A_100 {strides = array<i32>} : memref<16384xf32, #tpu.memory_space<vmem>>, vector<16xf32>,
          %parallel_loop3A_107 = tpu.vector_load_idx %arg5[%add3A_8, %parallel_loop3A_99] : memref<32x512xf32, #tpu.memory_space<vmem>>[vector<16xi32>, vector<16xi32>], vector<16xf32>,
          %parallel_loop3A_108 = arith.constant 32 : i32
          %parallel_loop3A_109 = arith.muli %parallel_loop3A_98, %parallel_loop3A_108 : i32
          %parallel_loop3A_110 = arith.constant 16 : i32
          %parallel_loop3A_111 = arith.addi %parallel_loop3A_109, %parallel_loop3A_110 : i32
          %parallel_loop3A_112 = arith.index_cast %parallel_loop3A_111 : i32 to index
          %parallel_loop3A_113 = tpu.vector_load %arg7[%parallel_loop3A_112] {strides = array<i32>} : memref<16384xf32, #tpu.memory_space<vmem>>, vector<16xf32>,
          tpu.vector_store %arg7[%parallel_loop3A_112], %parallel_loop3A_107 {strides = array<i32>} : memref<16384xf32, #tpu.memory_space<vmem>>, vector<16xf32>,
        } {sc.loop_unroll_factor = 8 : i64, sc.parallel_access}
        %mul3A_90 = arith.constant 32 : i32
        %mul3A_91 = arith.muli %add3A_49, %mul3A_90 : i32
        %add3A_92 = arith.addi %add3A, %mul3A_91 : i32
        %mul3A_93 = arith.constant 512 : i32
        %mul3A_94 = arith.muli %add3A_92, %mul3A_93 : i32
        %mul3A_95 = arith.constant 32 : i32
        %mul3A_96 = arith.muli %mul3A_94, %mul3A_95 : i32
        %dma_start3A = tpu.memref_slice %arg4[%mul3A_96] : memref<32000000xf32, #tpu.memory_space<hbm>> -> memref<16384xf32, #tpu.memory_space<hbm>>
        %dma_start3A_97 = tpu.memref_slice %arg4[%mul3A_96] : memref<32000000xf32, #tpu.memory_space<hbm>> -> memref<16384xf32, #tpu.memory_space<hbm>>
        tpu.enqueue_dma source(%arg7 : memref<16384xf32, #tpu.memory_space<vmem>>) target(%dma_start3A_97 : memref<16384xf32, #tpu.memory_space<hbm>>) target_semaphore(%arg12 : memref<!tpu.dma_semaphore, #tpu.memory_space<semaphore_mem>>)
      } else {
      }
      %add3A_58 = arith.constant 1 : i32
      %add3A_59 = arith.addi %add3A_47, %add3A_58 : i32
      %mul3A_60 = arith.constant 32 : i32
      %mul3A_61 = arith.muli %add3A_59, %mul3A_60 : i32
      %add3A_62 = arith.addi %add3A, %mul3A_61 : i32
      %lt3A_63 = arith.constant 1953 : i32
      %lt3A_64 = arith.cmpi slt, %add3A_62, %lt3A_63 : i32
      %convert_element_type3A_65 = arith.extui %lt3A_64 : i1 to i32
      %cond3A_66 = arith.constant 0 : i32
      %cond3A_67 = arith.cmpi ne, %convert_element_type3A_65, %cond3A_66 : i32
      scf.if %cond3A_67 {
        %add3A_68 = arith.constant 1 : i32
        %add3A_69 = arith.addi %add3A_59, %add3A_68 : i32
        %mul3A_70 = arith.constant 32 : i32
        %mul3A_71 = arith.muli %add3A_69, %mul3A_70 : i32
        %add3A_72 = arith.addi %add3A, %mul3A_71 : i32
        %lt3A_73 = arith.constant 1953 : i32
        %lt3A_74 = arith.cmpi slt, %add3A_72, %lt3A_73 : i32
        %convert_element_type3A_75 = arith.extui %lt3A_74 : i1 to i32
        %cond3A_76 = arith.constant 0 : i32
        %cond3A_77 = arith.cmpi ne, %convert_element_type3A_75, %cond3A_76 : i32
        scf.if %cond3A_77 {
          %add3A_98 = arith.constant 1 : i32
          %add3A_99 = arith.addi %add3A_59, %add3A_98 : i32
          %mul3A_100 = arith.constant 32 : i32
          %mul3A_101 = arith.muli %add3A_99, %mul3A_100 : i32
          %add3A_102 = arith.addi %add3A, %mul3A_101 : i32
          %mul3A_103 = arith.constant 512 : i32
          %mul3A_104 = arith.muli %add3A_102, %mul3A_103 : i32
          %dma_start3A_105 = arith.constant 0 : i32
          %dma_start3A_106 = tpu.memref_slice %arg2[%dma_start3A_105, %mul3A_104] : memref<32x1000000xf32, #tpu.memory_space<hbm>> -> memref<32x512xf32, #tpu.memory_space<hbm>>
          %dma_start3A_107 = arith.constant 0 : i32
          %dma_start3A_108 = tpu.memref_slice %arg2[%dma_start3A_107, %mul3A_104] : memref<32x1000000xf32, #tpu.memory_space<hbm>> -> memref<32x512xf32, #tpu.memory_space<hbm>>
          tpu.enqueue_dma source(%dma_start3A_108 : memref<32x512xf32, #tpu.memory_space<hbm>>) target(%arg5 : memref<32x512xf32, #tpu.memory_space<vmem>>) target_semaphore(%arg10 : memref<!tpu.dma_semaphore, #tpu.memory_space<semaphore_mem>>)
        } else {
        }
        %dma_wait3A = arith.constant 0 : i32
        %dma_wait3A_78 = arith.constant 0 : i32
        %dma_wait3A_79 = tpu.memref_slice %arg2[%dma_wait3A, %dma_wait3A_78] : memref<32x1000000xf32, #tpu.memory_space<hbm>> -> memref<32x512xf32, #tpu.memory_space<hbm>>
        %dma_wait3A_80 = arith.constant 0 : i32
        %dma_wait3A_81 = arith.constant 0 : i32
        %dma_wait3A_82 = tpu.memref_slice %arg2[%dma_wait3A_80, %dma_wait3A_81] : memref<32x1000000xf32, #tpu.memory_space<hbm>> -> memref<32x512xf32, #tpu.memory_space<hbm>>
        tpu.wait_dma2 semaphore(%arg11 : memref<!tpu.dma_semaphore, #tpu.memory_space<semaphore_mem>>) src(%dma_wait3A_82 : memref<32x512xf32, #tpu.memory_space<hbm>>) dst(%arg6 : memref<32x512xf32, #tpu.memory_space<vmem>>)
        %ge3A_83 = arith.constant 2 : i32
        %ge3A_84 = arith.cmpi sge, %add3A_59, %ge3A_83 : i32
        %convert_element_type3A_85 = arith.extui %ge3A_84 : i1 to i32
        %cond3A_86 = arith.constant 0 : i32
        %cond3A_87 = arith.cmpi ne, %convert_element_type3A_85, %cond3A_86 : i32
        scf.if %cond3A_87 {
          %dma_wait3A_98 = arith.constant 0 : i32
          %dma_wait3A_99 = tpu.memref_slice %arg4[%dma_wait3A_98] : memref<32000000xf32, #tpu.memory_space<hbm>> -> memref<16384xf32, #tpu.memory_space<hbm>>
          %dma_wait3A_100 = arith.constant 0 : i32
          %dma_wait3A_101 = tpu.memref_slice %arg4[%dma_wait3A_100] : memref<32000000xf32, #tpu.memory_space<hbm>> -> memref<16384xf32, #tpu.memory_space<hbm>>
          tpu.wait_dma2 semaphore(%arg13 : memref<!tpu.dma_semaphore, #tpu.memory_space<semaphore_mem>>) src(%dma_wait3A_101 : memref<16384xf32, #tpu.memory_space<hbm>>) dst(%arg8 : memref<16384xf32, #tpu.memory_space<vmem>>)
        } else {
        }
        %parallel_loop3A = arith.constant 0 : i32
        %parallel_loop3A_88 = arith.constant 512 : i32
        %parallel_loop3A_89 = arith.constant 1 : i32
        scf.for %parallel_loop3A_98 = %parallel_loop3A to %parallel_loop3A_88 step %parallel_loop3A_89  : i32 {
          %parallel_loop3A_99 = vector.broadcast %parallel_loop3A_98 : i32 to vector<16xi32>
          %parallel_loop3A_100 = tpu.vector_load_idx %arg6[%add3A_5, %parallel_loop3A_99] : memref<32x512xf32, #tpu.memory_space<vmem>>[vector<16xi32>, vector<16xi32>], vector<16xf32>,
          %parallel_loop3A_101 = arith.constant 32 : i32
          %parallel_loop3A_102 = arith.muli %parallel_loop3A_98, %parallel_loop3A_101 : i32
          %parallel_loop3A_103 = arith.constant 0 : i32
          %parallel_loop3A_104 = arith.addi %parallel_loop3A_102, %parallel_loop3A_103 : i32
          %parallel_loop3A_105 = arith.index_cast %parallel_loop3A_104 : i32 to index
          %parallel_loop3A_106 = tpu.vector_load %arg8[%parallel_loop3A_105] {strides = array<i32>} : memref<16384xf32, #tpu.memory_space<vmem>>, vector<16xf32>,
          tpu.vector_store %arg8[%parallel_loop3A_105], %parallel_loop3A_100 {strides = array<i32>} : memref<16384xf32, #tpu.memory_space<vmem>>, vector<16xf32>,
          %parallel_loop3A_107 = tpu.vector_load_idx %arg6[%add3A_8, %parallel_loop3A_99] : memref<32x512xf32, #tpu.memory_space<vmem>>[vector<16xi32>, vector<16xi32>], vector<16xf32>,
          %parallel_loop3A_108 = arith.constant 32 : i32
          %parallel_loop3A_109 = arith.muli %parallel_loop3A_98, %parallel_loop3A_108 : i32
          %parallel_loop3A_110 = arith.constant 16 : i32
          %parallel_loop3A_111 = arith.addi %parallel_loop3A_109, %parallel_loop3A_110 : i32
          %parallel_loop3A_112 = arith.index_cast %parallel_loop3A_111 : i32 to index
          %parallel_loop3A_113 = tpu.vector_load %arg8[%parallel_loop3A_112] {strides = array<i32>} : memref<16384xf32, #tpu.memory_space<vmem>>, vector<16xf32>,
          tpu.vector_store %arg8[%parallel_loop3A_112], %parallel_loop3A_107 {strides = array<i32>} : memref<16384xf32, #tpu.memory_space<vmem>>, vector<16xf32>,
        } {sc.loop_unroll_factor = 8 : i64, sc.parallel_access}
        %mul3A_90 = arith.constant 32 : i32
        %mul3A_91 = arith.muli %add3A_59, %mul3A_90 : i32
        %add3A_92 = arith.addi %add3A, %mul3A_91 : i32
        %mul3A_93 = arith.constant 512 : i32
        %mul3A_94 = arith.muli %add3A_92, %mul3A_93 : i32
        %mul3A_95 = arith.constant 32 : i32
        %mul3A_96 = arith.muli %mul3A_94, %mul3A_95 : i32
        %dma_start3A = tpu.memref_slice %arg4[%mul3A_96] : memref<32000000xf32, #tpu.memory_space<hbm>> -> memref<16384xf32, #tpu.memory_space<hbm>>
        %dma_start3A_97 = tpu.memref_slice %arg4[%mul3A_96] : memref<32000000xf32, #tpu.memory_space<hbm>> -> memref<16384xf32, #tpu.memory_space<hbm>>
        tpu.enqueue_dma source(%arg8 : memref<16384xf32, #tpu.memory_space<vmem>>) target(%dma_start3A_97 : memref<16384xf32, #tpu.memory_space<hbm>>) target_semaphore(%arg13 : memref<!tpu.dma_semaphore, #tpu.memory_space<semaphore_mem>>)
      } else {
      }
    }
    %scan3A_18 = arith.constant 31 : i32
    %add3A_19 = arith.constant 1952 : i32
    %add3A_20 = arith.addi %add3A, %add3A_19 : i32
    %lt3A_21 = arith.constant 1953 : i32
    %lt3A_22 = arith.cmpi slt, %add3A_20, %lt3A_21 : i32
    %convert_element_type3A_23 = arith.extui %lt3A_22 : i1 to i32
    %cond3A_24 = arith.constant 0 : i32
    %cond3A_25 = arith.cmpi ne, %convert_element_type3A_23, %cond3A_24 : i32
    scf.if %cond3A_25 {
      %dma_wait3A = arith.constant 0 : i32
      %dma_wait3A_43 = tpu.memref_slice %arg4[%dma_wait3A] : memref<32000000xf32, #tpu.memory_space<hbm>> -> memref<16384xf32, #tpu.memory_space<hbm>>
      %dma_wait3A_44 = arith.constant 0 : i32
      %dma_wait3A_45 = tpu.memref_slice %arg4[%dma_wait3A_44] : memref<32000000xf32, #tpu.memory_space<hbm>> -> memref<16384xf32, #tpu.memory_space<hbm>>
      tpu.wait_dma2 semaphore(%arg13 : memref<!tpu.dma_semaphore, #tpu.memory_space<semaphore_mem>>) src(%dma_wait3A_45 : memref<16384xf32, #tpu.memory_space<hbm>>) dst(%arg8 : memref<16384xf32, #tpu.memory_space<vmem>>)
    } else {
    }
    %add3A_26 = arith.constant 1920 : i32
    %add3A_27 = arith.addi %add3A, %add3A_26 : i32
    %lt3A_28 = arith.constant 1953 : i32
    %lt3A_29 = arith.cmpi slt, %add3A_27, %lt3A_28 : i32
    %convert_element_type3A_30 = arith.extui %lt3A_29 : i1 to i32
    %cond3A_31 = arith.constant 0 : i32
    %cond3A_32 = arith.cmpi ne, %convert_element_type3A_30, %cond3A_31 : i32
    scf.if %cond3A_32 {
      %dma_wait3A = arith.constant 0 : i32
      %dma_wait3A_43 = tpu.memref_slice %arg4[%dma_wait3A] : memref<32000000xf32, #tpu.memory_space<hbm>> -> memref<16384xf32, #tpu.memory_space<hbm>>
      %dma_wait3A_44 = arith.constant 0 : i32
      %dma_wait3A_45 = tpu.memref_slice %arg4[%dma_wait3A_44] : memref<32000000xf32, #tpu.memory_space<hbm>> -> memref<16384xf32, #tpu.memory_space<hbm>>
      tpu.wait_dma2 semaphore(%arg12 : memref<!tpu.dma_semaphore, #tpu.memory_space<semaphore_mem>>) src(%dma_wait3A_45 : memref<16384xf32, #tpu.memory_space<hbm>>) dst(%arg7 : memref<16384xf32, #tpu.memory_space<vmem>>)
    } else {
    }
    %add3A_33 = arith.constant 1952 : i32
    %add3A_34 = arith.addi %add3A, %add3A_33 : i32
    %ge3A = arith.constant 1953 : i32
    %ge3A_35 = arith.cmpi sge, %add3A_34, %ge3A : i32
    %add3A_36 = arith.constant 1888 : i32
    %add3A_37 = arith.addi %add3A, %add3A_36 : i32
    %lt3A_38 = arith.constant 1953 : i32
    %lt3A_39 = arith.cmpi slt, %add3A_37, %lt3A_38 : i32
    %and3A = arith.andi %ge3A_35, %lt3A_39 : i1
    %convert_element_type3A_40 = arith.extui %and3A : i1 to i32
    %cond3A_41 = arith.constant 0 : i32
    %cond3A_42 = arith.cmpi ne, %convert_element_type3A_40, %cond3A_41 : i32
    scf.if %cond3A_42 {
      %dma_wait3A = arith.constant 0 : i32
      %dma_wait3A_43 = tpu.memref_slice %arg4[%dma_wait3A] : memref<32000000xf32, #tpu.memory_space<hbm>> -> memref<16384xf32, #tpu.memory_space<hbm>>
      %dma_wait3A_44 = arith.constant 0 : i32
      %dma_wait3A_45 = tpu.memref_slice %arg4[%dma_wait3A_44] : memref<32000000xf32, #tpu.memory_space<hbm>> -> memref<16384xf32, #tpu.memory_space<hbm>>
      tpu.wait_dma2 semaphore(%arg13 : memref<!tpu.dma_semaphore, #tpu.memory_space<semaphore_mem>>) src(%dma_wait3A_45 : memref<16384xf32, #tpu.memory_space<hbm>>) dst(%arg8 : memref<16384xf32, #tpu.memory_space<vmem>>)
    } else {
    }
    return
  }
}

#map = affine_map<(d0, d1) -> (0, 0)>
#map1 = affine_map<(d0, d1) -> (0)>
#map2 = affine_map<(d0, d1) -> (0, 0, 0, 0, 0)>
module attributes {stable_mosaic.version = 14 : i64} {
  func.func @gather_kernel(%arg0: i32, %arg1: i32, %arg2: memref<1000000x32xf32, #tpu.memory_space<hbm>>, %arg3: memref<819200xi32, #tpu.memory_space<hbm>>, %arg4: memref<200x4x32x8x128xf32, #tpu.memory_space<hbm>>, %arg5: memref<25600xi32, #tpu.memory_space<vmem>>, %arg6: memref<512x32xf32, #tpu.memory_space<vmem>>, %arg7: memref<512x32xf32, #tpu.memory_space<vmem>>, %arg8: memref<32x512xf32, #tpu.memory_space<vmem>>, %arg9: memref<32x512xf32, #tpu.memory_space<vmem>>, %arg10: memref<!tpu.dma_semaphore, #tpu.memory_space<semaphore_mem>>, %arg11: memref<!tpu.dma_semaphore, #tpu.memory_space<semaphore_mem>>, %arg12: memref<!tpu.dma_semaphore, #tpu.memory_space<semaphore_mem>>, %arg13: memref<!tpu.dma_semaphore, #tpu.memory_space<semaphore_mem>>) attributes {dimension_semantics = [#tpu.dimension_semantics<core_parallel>, #tpu.dimension_semantics<subcore_parallel>], iteration_bounds = array<i64: 2, 16>, scalar_prefetch = 0 : i64, scratch_operands = 9 : i64, tpu.core_type = #tpu.core_type<sc_vector_subcore>, window_params = [{transform_indices = #map}, {transform_indices = #map1}, {transform_indices = #map2}]} {
    %mul3A = arith.constant 2 : i32
    %mul3A_0 = arith.muli %arg1, %mul3A : i32
    %add3A = arith.addi %mul3A_0, %arg0 : i32
    %mul3A_1 = arith.constant 25600 : i32
    %mul3A_2 = arith.muli %add3A, %mul3A_1 : i32
    %mul3A_3 = arith.constant 50 : i32
    %mul3A_4 = arith.muli %add3A, %mul3A_3 : i32
    "tpu.region"() ({
      %run_scoped3A = tpu.sem_alloc : memref<!tpu.dma_semaphore, #tpu.memory_space<semaphore_mem>>
      %dma_start3A_30 = tpu.memref_slice %arg3[%mul3A_2] : memref<819200xi32, #tpu.memory_space<hbm>> -> memref<25600xi32, #tpu.memory_space<hbm>>
      %dma_start3A_31 = tpu.memref_slice %arg3[%mul3A_2] : memref<819200xi32, #tpu.memory_space<hbm>> -> memref<25600xi32, #tpu.memory_space<hbm>>
      tpu.enqueue_dma source(%dma_start3A_31 : memref<25600xi32, #tpu.memory_space<hbm>>) target(%arg5 : memref<25600xi32, #tpu.memory_space<vmem>>) target_semaphore(%run_scoped3A : memref<!tpu.dma_semaphore, #tpu.memory_space<semaphore_mem>>)
      %dma_wait3A_32 = tpu.memref_slice %arg3[%mul3A_2] : memref<819200xi32, #tpu.memory_space<hbm>> -> memref<25600xi32, #tpu.memory_space<hbm>>
      %dma_wait3A_33 = tpu.memref_slice %arg3[%mul3A_2] : memref<819200xi32, #tpu.memory_space<hbm>> -> memref<25600xi32, #tpu.memory_space<hbm>>
      tpu.wait_dma2 semaphore(%run_scoped3A : memref<!tpu.dma_semaphore, #tpu.memory_space<semaphore_mem>>) src(%dma_wait3A_33 : memref<25600xi32, #tpu.memory_space<hbm>>) dst(%arg5 : memref<25600xi32, #tpu.memory_space<vmem>>)
      tpu.yield
    }) : () -> ()
    %iota3A = tpu.iota {dimensions = array<i32: 0>} : vector<16xi32>
    %add3A_5 = arith.constant 0 : i32
    %add3A_6 = vector.broadcast %add3A_5 : i32 to vector<16xi32>
    %add3A_7 = arith.addi %add3A_6, %iota3A : vector<16xi32>
    %add3A_8 = arith.constant 16 : i32
    %add3A_9 = vector.broadcast %add3A_8 : i32 to vector<16xi32>
    %add3A_10 = arith.addi %add3A_9, %iota3A : vector<16xi32>
    %dma_start3A = arith.constant 0 : i32
    %dma_start3A_11 = tpu.memref_slice %arg5[%dma_start3A] : memref<25600xi32, #tpu.memory_space<vmem>> -> memref<512xi32, #tpu.memory_space<vmem>>
    %dma_start3A_12 = arith.constant 0 : i32
    %dma_start3A_13 = arith.constant 0 : i32
    %dma_start3A_14 = tpu.memref_slice %arg2[%dma_start3A_12, %dma_start3A_13] : memref<1000000x32xf32, #tpu.memory_space<hbm>> -> memref<1000000x32xf32, #tpu.memory_space<hbm>>
    tpu.enqueue_indirect_dma source(%dma_start3A_14 : memref<1000000x32xf32, #tpu.memory_space<hbm>>) target(%arg6 : memref<512x32xf32, #tpu.memory_space<vmem>>) offsets(%dma_start3A_11 : memref<512xi32, #tpu.memory_space<vmem>>) semaphore(%arg10 : memref<!tpu.dma_semaphore, #tpu.memory_space<semaphore_mem>>)
    %scan3A = arith.constant 0 : i32
    %scan3A_15 = arith.constant 25 : i32
    %scan3A_16 = arith.addi %scan3A, %scan3A_15 : i32
    %scan3A_17 = arith.constant 1 : i32
    scf.for %scan3A_30 = %scan3A to %scan3A_16 step %scan3A_17  : i32 {
      %mul3A_31 = arith.constant 2 : i32
      %mul3A_32 = arith.muli %scan3A_30, %mul3A_31 : i32
      %add3A_33 = arith.constant 0 : i32
      %add3A_34 = arith.addi %add3A_33, %mul3A_32 : i32
      %add3A_35 = arith.constant 0 : i32
      %add3A_36 = arith.addi %add3A_34, %add3A_35 : i32
      %add3A_37 = arith.constant 1 : i32
      %add3A_38 = arith.addi %add3A_36, %add3A_37 : i32
      %lt3A = arith.constant 50 : i32
      %lt3A_39 = arith.cmpi slt, %add3A_38, %lt3A : i32
      %convert_element_type3A = arith.extui %lt3A_39 : i1 to i32
      %cond3A = arith.constant 0 : i32
      %cond3A_40 = arith.cmpi ne, %convert_element_type3A, %cond3A : i32
      scf.if %cond3A_40 {
        %add3A_672 = arith.constant 1 : i32
        %add3A_673 = arith.addi %add3A_36, %add3A_672 : i32
        %mul3A_674 = arith.constant 512 : i32
        %mul3A_675 = arith.muli %add3A_673, %mul3A_674 : i32
        %dma_start3A_676 = tpu.memref_slice %arg5[%mul3A_675] : memref<25600xi32, #tpu.memory_space<vmem>> -> memref<512xi32, #tpu.memory_space<vmem>>
        %dma_start3A_677 = arith.constant 0 : i32
        %dma_start3A_678 = arith.constant 0 : i32
        %dma_start3A_679 = tpu.memref_slice %arg2[%dma_start3A_677, %dma_start3A_678] : memref<1000000x32xf32, #tpu.memory_space<hbm>> -> memref<1000000x32xf32, #tpu.memory_space<hbm>>
        tpu.enqueue_indirect_dma source(%dma_start3A_679 : memref<1000000x32xf32, #tpu.memory_space<hbm>>) target(%arg7 : memref<512x32xf32, #tpu.memory_space<vmem>>) offsets(%dma_start3A_676 : memref<512xi32, #tpu.memory_space<vmem>>) semaphore(%arg11 : memref<!tpu.dma_semaphore, #tpu.memory_space<semaphore_mem>>)
      } else {
      }
      %dma_wait3A_41 = arith.constant 0 : i32
      %dma_wait3A_42 = arith.constant 0 : i32
      %dma_wait3A_43 = tpu.memref_slice %arg2[%dma_wait3A_41, %dma_wait3A_42] : memref<1000000x32xf32, #tpu.memory_space<hbm>> -> memref<512x32xf32, #tpu.memory_space<hbm>>
      %dma_wait3A_44 = arith.constant 0 : i32
      %dma_wait3A_45 = arith.constant 0 : i32
      %dma_wait3A_46 = tpu.memref_slice %arg2[%dma_wait3A_44, %dma_wait3A_45] : memref<1000000x32xf32, #tpu.memory_space<hbm>> -> memref<512x32xf32, #tpu.memory_space<hbm>>
      tpu.wait_dma2 semaphore(%arg10 : memref<!tpu.dma_semaphore, #tpu.memory_space<semaphore_mem>>) src(%dma_wait3A_46 : memref<512x32xf32, #tpu.memory_space<hbm>>) dst(%arg6 : memref<512x32xf32, #tpu.memory_space<vmem>>)
      %ge3A = arith.constant 2 : i32
      %ge3A_47 = arith.cmpi sge, %add3A_36, %ge3A : i32
      %convert_element_type3A_48 = arith.extui %ge3A_47 : i1 to i32
      %cond3A_49 = arith.constant 0 : i32
      %cond3A_50 = arith.cmpi ne, %convert_element_type3A_48, %cond3A_49 : i32
      scf.if %cond3A_50 {
        %dma_wait3A_672 = arith.constant 0 : i32
        %dma_wait3A_673 = arith.constant 0 : i32
        %dma_wait3A_674 = tpu.memref_slice %arg2[%dma_wait3A_672, %dma_wait3A_673] : memref<1000000x32xf32, #tpu.memory_space<hbm>> -> memref<512x32xf32, #tpu.memory_space<hbm>>
        %dma_wait3A_675 = arith.constant 0 : i32
        %dma_wait3A_676 = arith.constant 0 : i32
        %dma_wait3A_677 = tpu.memref_slice %arg2[%dma_wait3A_675, %dma_wait3A_676] : memref<1000000x32xf32, #tpu.memory_space<hbm>> -> memref<512x32xf32, #tpu.memory_space<hbm>>
        tpu.wait_dma2 semaphore(%arg12 : memref<!tpu.dma_semaphore, #tpu.memory_space<semaphore_mem>>) src(%dma_wait3A_677 : memref<512x32xf32, #tpu.memory_space<hbm>>) dst(%arg6 : memref<512x32xf32, #tpu.memory_space<vmem>>)
      } else {
      }
      %parallel_loop3A = arith.constant 0 : i32
      %parallel_loop3A_51 = arith.constant 512 : i32
      %parallel_loop3A_52 = arith.constant 1 : i32
      scf.for %parallel_loop3A_672 = %parallel_loop3A to %parallel_loop3A_51 step %parallel_loop3A_52  : i32 {
        %parallel_loop3A_673 = vector.broadcast %parallel_loop3A_672 : i32 to vector<16xi32>
        %parallel_loop3A_674 = arith.index_cast %parallel_loop3A_672 : i32 to index
        %parallel_loop3A_675 = arith.constant 0 : index
        %parallel_loop3A_676 = tpu.vector_load %arg6[%parallel_loop3A_674, %parallel_loop3A_675] {strides = array<i32>} : memref<512x32xf32, #tpu.memory_space<vmem>>, vector<16xf32>,
        tpu.vector_store_idx %arg8[%add3A_7, %parallel_loop3A_673], %parallel_loop3A_676 : memref<32x512xf32, #tpu.memory_space<vmem>>[vector<16xi32>, vector<16xi32>], vector<16xf32>,
        %parallel_loop3A_677 = arith.index_cast %parallel_loop3A_672 : i32 to index
        %parallel_loop3A_678 = arith.constant 16 : index
        %parallel_loop3A_679 = tpu.vector_load %arg6[%parallel_loop3A_677, %parallel_loop3A_678] {strides = array<i32>} : memref<512x32xf32, #tpu.memory_space<vmem>>, vector<16xf32>,
        tpu.vector_store_idx %arg8[%add3A_10, %parallel_loop3A_673], %parallel_loop3A_679 : memref<32x512xf32, #tpu.memory_space<vmem>>[vector<16xi32>, vector<16xi32>], vector<16xf32>,
      } {sc.loop_unroll_factor = 8 : i64, sc.parallel_access}
      %add3A_53 = arith.addi %mul3A_4, %add3A_36 : i32
      %jit3A = arith.constant 8 : i32
      %div3A = arith.divsi %add3A_53, %jit3A : i32
      %sign3A = arith.constant 0 : i32
      %sign3A_54 = arith.cmpi sgt, %add3A_53, %sign3A : i32
      %sign3A_55 = arith.extui %sign3A_54 : i1 to i32
      %sign3A_56 = arith.constant 0 : i32
      %sign3A_57 = arith.cmpi slt, %add3A_53, %sign3A_56 : i32
      %sign3A_58 = arith.extui %sign3A_57 : i1 to i32
      %sign3A_59 = arith.subi %sign3A_55, %sign3A_58 : i32
      %sign3A_60 = arith.constant 0 : i32
      %sign3A_61 = arith.cmpi sgt, %jit3A, %sign3A_60 : i32
      %sign3A_62 = arith.extui %sign3A_61 : i1 to i32
      %sign3A_63 = arith.constant 0 : i32
      %sign3A_64 = arith.cmpi slt, %jit3A, %sign3A_63 : i32
      %sign3A_65 = arith.extui %sign3A_64 : i1 to i32
      %sign3A_66 = arith.subi %sign3A_62, %sign3A_65 : i32
      %ne3A = arith.cmpi ne, %sign3A_59, %sign3A_66 : i32
      %rem3A = arith.remsi %add3A_53, %jit3A : i32
      %ne3A_67 = arith.constant 0 : i32
      %ne3A_68 = arith.cmpi ne, %rem3A, %ne3A_67 : i32
      %and3A = arith.andi %ne3A, %ne3A_68 : i1
      %sub3A = arith.constant 1 : i32
      %sub3A_69 = arith.subi %div3A, %sub3A : i32
      %select_n3A = arith.select %and3A, %sub3A_69, %div3A : i32
      %mul3A_70 = arith.constant 8 : i32
      %mul3A_71 = arith.muli %select_n3A, %mul3A_70 : i32
      %sub3A_72 = arith.subi %add3A_53, %mul3A_71 : i32
      %mul3A_73 = arith.constant 4 : i32
      %mul3A_74 = arith.muli %sub3A_72, %mul3A_73 : i32
      %add3A_75 = arith.constant 0 : i32
      %add3A_76 = arith.addi %mul3A_74, %add3A_75 : i32
      %dma_start3A_77 = arith.constant 0 : i32
      %dma_start3A_78 = arith.constant 0 : i32
      %dma_start3A_79 = arith.constant 0 : i32
      %dma_start3A_80 = tpu.memref_slice %arg8[%dma_start3A_78, %dma_start3A_79] : memref<32x512xf32, #tpu.memory_space<vmem>> -> memref<8x128xf32, #tpu.memory_space<vmem>>
      %dma_start3A_81 = arith.constant 0 : i32
      %dma_start3A_82 = arith.constant 0 : i32
      %dma_start3A_83 = tpu.memref_slice %arg4[%select_n3A, %dma_start3A_77, %add3A_76, %dma_start3A_81, %dma_start3A_82] : memref<200x4x32x8x128xf32, #tpu.memory_space<hbm>> -> memref<1x1x1x8x128xf32, #tpu.memory_space<hbm>>
      %dma_start3A_84 = tpu.memref_squeeze %dma_start3A_83 : memref<1x1x1x8x128xf32, #tpu.memory_space<hbm>> -> memref<8x128xf32, #tpu.memory_space<hbm>>
      %dma_start3A_85 = arith.constant 0 : i32
      %dma_start3A_86 = arith.constant 0 : i32
      %dma_start3A_87 = tpu.memref_slice %arg4[%select_n3A, %dma_start3A_77, %add3A_76, %dma_start3A_85, %dma_start3A_86] : memref<200x4x32x8x128xf32, #tpu.memory_space<hbm>> -> memref<1x1x1x8x128xf32, #tpu.memory_space<hbm>>
      %dma_start3A_88 = tpu.memref_squeeze %dma_start3A_87 : memref<1x1x1x8x128xf32, #tpu.memory_space<hbm>> -> memref<8x128xf32, #tpu.memory_space<hbm>>
      %dma_start3A_89 = arith.constant 0 : i32
      %dma_start3A_90 = arith.constant 0 : i32
      %dma_start3A_91 = tpu.memref_slice %arg8[%dma_start3A_89, %dma_start3A_90] : memref<32x512xf32, #tpu.memory_space<vmem>> -> memref<8x128xf32, #tpu.memory_space<vmem>>
      tpu.enqueue_dma source(%dma_start3A_91 : memref<8x128xf32, #tpu.memory_space<vmem>>) target(%dma_start3A_88 : memref<8x128xf32, #tpu.memory_space<hbm>>) target_semaphore(%arg12 : memref<!tpu.dma_semaphore, #tpu.memory_space<semaphore_mem>>)
      %add3A_92 = arith.constant 1 : i32
      %add3A_93 = arith.addi %mul3A_74, %add3A_92 : i32
      %dma_start3A_94 = arith.constant 0 : i32
      %dma_start3A_95 = arith.constant 0 : i32
      %dma_start3A_96 = arith.constant 128 : i32
      %dma_start3A_97 = tpu.memref_slice %arg8[%dma_start3A_95, %dma_start3A_96] : memref<32x512xf32, #tpu.memory_space<vmem>> -> memref<8x128xf32, #tpu.memory_space<vmem>>
      %dma_start3A_98 = arith.constant 0 : i32
      %dma_start3A_99 = arith.constant 0 : i32
      %dma_start3A_100 = tpu.memref_slice %arg4[%select_n3A, %dma_start3A_94, %add3A_93, %dma_start3A_98, %dma_start3A_99] : memref<200x4x32x8x128xf32, #tpu.memory_space<hbm>> -> memref<1x1x1x8x128xf32, #tpu.memory_space<hbm>>
      %dma_start3A_101 = tpu.memref_squeeze %dma_start3A_100 : memref<1x1x1x8x128xf32, #tpu.memory_space<hbm>> -> memref<8x128xf32, #tpu.memory_space<hbm>>
      %dma_start3A_102 = arith.constant 0 : i32
      %dma_start3A_103 = arith.constant 0 : i32
      %dma_start3A_104 = tpu.memref_slice %arg4[%select_n3A, %dma_start3A_94, %add3A_93, %dma_start3A_102, %dma_start3A_103] : memref<200x4x32x8x128xf32, #tpu.memory_space<hbm>> -> memref<1x1x1x8x128xf32, #tpu.memory_space<hbm>>
      %dma_start3A_105 = tpu.memref_squeeze %dma_start3A_104 : memref<1x1x1x8x128xf32, #tpu.memory_space<hbm>> -> memref<8x128xf32, #tpu.memory_space<hbm>>
      %dma_start3A_106 = arith.constant 0 : i32
      %dma_start3A_107 = arith.constant 128 : i32
      %dma_start3A_108 = tpu.memref_slice %arg8[%dma_start3A_106, %dma_start3A_107] : memref<32x512xf32, #tpu.memory_space<vmem>> -> memref<8x128xf32, #tpu.memory_space<vmem>>
      tpu.enqueue_dma source(%dma_start3A_108 : memref<8x128xf32, #tpu.memory_space<vmem>>) target(%dma_start3A_105 : memref<8x128xf32, #tpu.memory_space<hbm>>) target_semaphore(%arg12 : memref<!tpu.dma_semaphore, #tpu.memory_space<semaphore_mem>>)
      %add3A_109 = arith.constant 2 : i32
      %add3A_110 = arith.addi %mul3A_74, %add3A_109 : i32
      %dma_start3A_111 = arith.constant 0 : i32
      %dma_start3A_112 = arith.constant 0 : i32
      %dma_start3A_113 = arith.constant 256 : i32
      %dma_start3A_114 = tpu.memref_slice %arg8[%dma_start3A_112, %dma_start3A_113] : memref<32x512xf32, #tpu.memory_space<vmem>> -> memref<8x128xf32, #tpu.memory_space<vmem>>
      %dma_start3A_115 = arith.constant 0 : i32
      %dma_start3A_116 = arith.constant 0 : i32
      %dma_start3A_117 = tpu.memref_slice %arg4[%select_n3A, %dma_start3A_111, %add3A_110, %dma_start3A_115, %dma_start3A_116] : memref<200x4x32x8x128xf32, #tpu.memory_space<hbm>> -> memref<1x1x1x8x128xf32, #tpu.memory_space<hbm>>
      %dma_start3A_118 = tpu.memref_squeeze %dma_start3A_117 : memref<1x1x1x8x128xf32, #tpu.memory_space<hbm>> -> memref<8x128xf32, #tpu.memory_space<hbm>>
      %dma_start3A_119 = arith.constant 0 : i32
      %dma_start3A_120 = arith.constant 0 : i32
      %dma_start3A_121 = tpu.memref_slice %arg4[%select_n3A, %dma_start3A_111, %add3A_110, %dma_start3A_119, %dma_start3A_120] : memref<200x4x32x8x128xf32, #tpu.memory_space<hbm>> -> memref<1x1x1x8x128xf32, #tpu.memory_space<hbm>>
      %dma_start3A_122 = tpu.memref_squeeze %dma_start3A_121 : memref<1x1x1x8x128xf32, #tpu.memory_space<hbm>> -> memref<8x128xf32, #tpu.memory_space<hbm>>
      %dma_start3A_123 = arith.constant 0 : i32
      %dma_start3A_124 = arith.constant 256 : i32
      %dma_start3A_125 = tpu.memref_slice %arg8[%dma_start3A_123, %dma_start3A_124] : memref<32x512xf32, #tpu.memory_space<vmem>> -> memref<8x128xf32, #tpu.memory_space<vmem>>
      tpu.enqueue_dma source(%dma_start3A_125 : memref<8x128xf32, #tpu.memory_space<vmem>>) target(%dma_start3A_122 : memref<8x128xf32, #tpu.memory_space<hbm>>) target_semaphore(%arg12 : memref<!tpu.dma_semaphore, #tpu.memory_space<semaphore_mem>>)
      %add3A_126 = arith.constant 3 : i32
      %add3A_127 = arith.addi %mul3A_74, %add3A_126 : i32
      %dma_start3A_128 = arith.constant 0 : i32
      %dma_start3A_129 = arith.constant 0 : i32
      %dma_start3A_130 = arith.constant 384 : i32
      %dma_start3A_131 = tpu.memref_slice %arg8[%dma_start3A_129, %dma_start3A_130] : memref<32x512xf32, #tpu.memory_space<vmem>> -> memref<8x128xf32, #tpu.memory_space<vmem>>
      %dma_start3A_132 = arith.constant 0 : i32
      %dma_start3A_133 = arith.constant 0 : i32
      %dma_start3A_134 = tpu.memref_slice %arg4[%select_n3A, %dma_start3A_128, %add3A_127, %dma_start3A_132, %dma_start3A_133] : memref<200x4x32x8x128xf32, #tpu.memory_space<hbm>> -> memref<1x1x1x8x128xf32, #tpu.memory_space<hbm>>
      %dma_start3A_135 = tpu.memref_squeeze %dma_start3A_134 : memref<1x1x1x8x128xf32, #tpu.memory_space<hbm>> -> memref<8x128xf32, #tpu.memory_space<hbm>>
      %dma_start3A_136 = arith.constant 0 : i32
      %dma_start3A_137 = arith.constant 0 : i32
      %dma_start3A_138 = tpu.memref_slice %arg4[%select_n3A, %dma_start3A_128, %add3A_127, %dma_start3A_136, %dma_start3A_137] : memref<200x4x32x8x128xf32, #tpu.memory_space<hbm>> -> memref<1x1x1x8x128xf32, #tpu.memory_space<hbm>>
      %dma_start3A_139 = tpu.memref_squeeze %dma_start3A_138 : memref<1x1x1x8x128xf32, #tpu.memory_space<hbm>> -> memref<8x128xf32, #tpu.memory_space<hbm>>
      %dma_start3A_140 = arith.constant 0 : i32
      %dma_start3A_141 = arith.constant 384 : i32
      %dma_start3A_142 = tpu.memref_slice %arg8[%dma_start3A_140, %dma_start3A_141] : memref<32x512xf32, #tpu.memory_space<vmem>> -> memref<8x128xf32, #tpu.memory_space<vmem>>
      tpu.enqueue_dma source(%dma_start3A_142 : memref<8x128xf32, #tpu.memory_space<vmem>>) target(%dma_start3A_139 : memref<8x128xf32, #tpu.memory_space<hbm>>) target_semaphore(%arg12 : memref<!tpu.dma_semaphore, #tpu.memory_space<semaphore_mem>>)
      %add3A_143 = arith.constant 0 : i32
      %add3A_144 = arith.addi %mul3A_74, %add3A_143 : i32
      %dma_start3A_145 = arith.constant 1 : i32
      %dma_start3A_146 = arith.constant 8 : i32
      %dma_start3A_147 = arith.constant 0 : i32
      %dma_start3A_148 = tpu.memref_slice %arg8[%dma_start3A_146, %dma_start3A_147] : memref<32x512xf32, #tpu.memory_space<vmem>> -> memref<8x128xf32, #tpu.memory_space<vmem>>
      %dma_start3A_149 = arith.constant 0 : i32
      %dma_start3A_150 = arith.constant 0 : i32
      %dma_start3A_151 = tpu.memref_slice %arg4[%select_n3A, %dma_start3A_145, %add3A_144, %dma_start3A_149, %dma_start3A_150] : memref<200x4x32x8x128xf32, #tpu.memory_space<hbm>> -> memref<1x1x1x8x128xf32, #tpu.memory_space<hbm>>
      %dma_start3A_152 = tpu.memref_squeeze %dma_start3A_151 : memref<1x1x1x8x128xf32, #tpu.memory_space<hbm>> -> memref<8x128xf32, #tpu.memory_space<hbm>>
      %dma_start3A_153 = arith.constant 0 : i32
      %dma_start3A_154 = arith.constant 0 : i32
      %dma_start3A_155 = tpu.memref_slice %arg4[%select_n3A, %dma_start3A_145, %add3A_144, %dma_start3A_153, %dma_start3A_154] : memref<200x4x32x8x128xf32, #tpu.memory_space<hbm>> -> memref<1x1x1x8x128xf32, #tpu.memory_space<hbm>>
      %dma_start3A_156 = tpu.memref_squeeze %dma_start3A_155 : memref<1x1x1x8x128xf32, #tpu.memory_space<hbm>> -> memref<8x128xf32, #tpu.memory_space<hbm>>
      %dma_start3A_157 = arith.constant 8 : i32
      %dma_start3A_158 = arith.constant 0 : i32
      %dma_start3A_159 = tpu.memref_slice %arg8[%dma_start3A_157, %dma_start3A_158] : memref<32x512xf32, #tpu.memory_space<vmem>> -> memref<8x128xf32, #tpu.memory_space<vmem>>
      tpu.enqueue_dma source(%dma_start3A_159 : memref<8x128xf32, #tpu.memory_space<vmem>>) target(%dma_start3A_156 : memref<8x128xf32, #tpu.memory_space<hbm>>) target_semaphore(%arg12 : memref<!tpu.dma_semaphore, #tpu.memory_space<semaphore_mem>>)
      %add3A_160 = arith.constant 1 : i32
      %add3A_161 = arith.addi %mul3A_74, %add3A_160 : i32
      %dma_start3A_162 = arith.constant 1 : i32
      %dma_start3A_163 = arith.constant 8 : i32
      %dma_start3A_164 = arith.constant 128 : i32
      %dma_start3A_165 = tpu.memref_slice %arg8[%dma_start3A_163, %dma_start3A_164] : memref<32x512xf32, #tpu.memory_space<vmem>> -> memref<8x128xf32, #tpu.memory_space<vmem>>
      %dma_start3A_166 = arith.constant 0 : i32
      %dma_start3A_167 = arith.constant 0 : i32
      %dma_start3A_168 = tpu.memref_slice %arg4[%select_n3A, %dma_start3A_162, %add3A_161, %dma_start3A_166, %dma_start3A_167] : memref<200x4x32x8x128xf32, #tpu.memory_space<hbm>> -> memref<1x1x1x8x128xf32, #tpu.memory_space<hbm>>
      %dma_start3A_169 = tpu.memref_squeeze %dma_start3A_168 : memref<1x1x1x8x128xf32, #tpu.memory_space<hbm>> -> memref<8x128xf32, #tpu.memory_space<hbm>>
      %dma_start3A_170 = arith.constant 0 : i32
      %dma_start3A_171 = arith.constant 0 : i32
      %dma_start3A_172 = tpu.memref_slice %arg4[%select_n3A, %dma_start3A_162, %add3A_161, %dma_start3A_170, %dma_start3A_171] : memref<200x4x32x8x128xf32, #tpu.memory_space<hbm>> -> memref<1x1x1x8x128xf32, #tpu.memory_space<hbm>>
      %dma_start3A_173 = tpu.memref_squeeze %dma_start3A_172 : memref<1x1x1x8x128xf32, #tpu.memory_space<hbm>> -> memref<8x128xf32, #tpu.memory_space<hbm>>
      %dma_start3A_174 = arith.constant 8 : i32
      %dma_start3A_175 = arith.constant 128 : i32
      %dma_start3A_176 = tpu.memref_slice %arg8[%dma_start3A_174, %dma_start3A_175] : memref<32x512xf32, #tpu.memory_space<vmem>> -> memref<8x128xf32, #tpu.memory_space<vmem>>
      tpu.enqueue_dma source(%dma_start3A_176 : memref<8x128xf32, #tpu.memory_space<vmem>>) target(%dma_start3A_173 : memref<8x128xf32, #tpu.memory_space<hbm>>) target_semaphore(%arg12 : memref<!tpu.dma_semaphore, #tpu.memory_space<semaphore_mem>>)
      %add3A_177 = arith.constant 2 : i32
      %add3A_178 = arith.addi %mul3A_74, %add3A_177 : i32
      %dma_start3A_179 = arith.constant 1 : i32
      %dma_start3A_180 = arith.constant 8 : i32
      %dma_start3A_181 = arith.constant 256 : i32
      %dma_start3A_182 = tpu.memref_slice %arg8[%dma_start3A_180, %dma_start3A_181] : memref<32x512xf32, #tpu.memory_space<vmem>> -> memref<8x128xf32, #tpu.memory_space<vmem>>
      %dma_start3A_183 = arith.constant 0 : i32
      %dma_start3A_184 = arith.constant 0 : i32
      %dma_start3A_185 = tpu.memref_slice %arg4[%select_n3A, %dma_start3A_179, %add3A_178, %dma_start3A_183, %dma_start3A_184] : memref<200x4x32x8x128xf32, #tpu.memory_space<hbm>> -> memref<1x1x1x8x128xf32, #tpu.memory_space<hbm>>
      %dma_start3A_186 = tpu.memref_squeeze %dma_start3A_185 : memref<1x1x1x8x128xf32, #tpu.memory_space<hbm>> -> memref<8x128xf32, #tpu.memory_space<hbm>>
      %dma_start3A_187 = arith.constant 0 : i32
      %dma_start3A_188 = arith.constant 0 : i32
      %dma_start3A_189 = tpu.memref_slice %arg4[%select_n3A, %dma_start3A_179, %add3A_178, %dma_start3A_187, %dma_start3A_188] : memref<200x4x32x8x128xf32, #tpu.memory_space<hbm>> -> memref<1x1x1x8x128xf32, #tpu.memory_space<hbm>>
      %dma_start3A_190 = tpu.memref_squeeze %dma_start3A_189 : memref<1x1x1x8x128xf32, #tpu.memory_space<hbm>> -> memref<8x128xf32, #tpu.memory_space<hbm>>
      %dma_start3A_191 = arith.constant 8 : i32
      %dma_start3A_192 = arith.constant 256 : i32
      %dma_start3A_193 = tpu.memref_slice %arg8[%dma_start3A_191, %dma_start3A_192] : memref<32x512xf32, #tpu.memory_space<vmem>> -> memref<8x128xf32, #tpu.memory_space<vmem>>
      tpu.enqueue_dma source(%dma_start3A_193 : memref<8x128xf32, #tpu.memory_space<vmem>>) target(%dma_start3A_190 : memref<8x128xf32, #tpu.memory_space<hbm>>) target_semaphore(%arg12 : memref<!tpu.dma_semaphore, #tpu.memory_space<semaphore_mem>>)
      %add3A_194 = arith.constant 3 : i32
      %add3A_195 = arith.addi %mul3A_74, %add3A_194 : i32
      %dma_start3A_196 = arith.constant 1 : i32
      %dma_start3A_197 = arith.constant 8 : i32
      %dma_start3A_198 = arith.constant 384 : i32
      %dma_start3A_199 = tpu.memref_slice %arg8[%dma_start3A_197, %dma_start3A_198] : memref<32x512xf32, #tpu.memory_space<vmem>> -> memref<8x128xf32, #tpu.memory_space<vmem>>
      %dma_start3A_200 = arith.constant 0 : i32
      %dma_start3A_201 = arith.constant 0 : i32
      %dma_start3A_202 = tpu.memref_slice %arg4[%select_n3A, %dma_start3A_196, %add3A_195, %dma_start3A_200, %dma_start3A_201] : memref<200x4x32x8x128xf32, #tpu.memory_space<hbm>> -> memref<1x1x1x8x128xf32, #tpu.memory_space<hbm>>
      %dma_start3A_203 = tpu.memref_squeeze %dma_start3A_202 : memref<1x1x1x8x128xf32, #tpu.memory_space<hbm>> -> memref<8x128xf32, #tpu.memory_space<hbm>>
      %dma_start3A_204 = arith.constant 0 : i32
      %dma_start3A_205 = arith.constant 0 : i32
      %dma_start3A_206 = tpu.memref_slice %arg4[%select_n3A, %dma_start3A_196, %add3A_195, %dma_start3A_204, %dma_start3A_205] : memref<200x4x32x8x128xf32, #tpu.memory_space<hbm>> -> memref<1x1x1x8x128xf32, #tpu.memory_space<hbm>>
      %dma_start3A_207 = tpu.memref_squeeze %dma_start3A_206 : memref<1x1x1x8x128xf32, #tpu.memory_space<hbm>> -> memref<8x128xf32, #tpu.memory_space<hbm>>
      %dma_start3A_208 = arith.constant 8 : i32
      %dma_start3A_209 = arith.constant 384 : i32
      %dma_start3A_210 = tpu.memref_slice %arg8[%dma_start3A_208, %dma_start3A_209] : memref<32x512xf32, #tpu.memory_space<vmem>> -> memref<8x128xf32, #tpu.memory_space<vmem>>
      tpu.enqueue_dma source(%dma_start3A_210 : memref<8x128xf32, #tpu.memory_space<vmem>>) target(%dma_start3A_207 : memref<8x128xf32, #tpu.memory_space<hbm>>) target_semaphore(%arg12 : memref<!tpu.dma_semaphore, #tpu.memory_space<semaphore_mem>>)
      %add3A_211 = arith.constant 0 : i32
      %add3A_212 = arith.addi %mul3A_74, %add3A_211 : i32
      %dma_start3A_213 = arith.constant 2 : i32
      %dma_start3A_214 = arith.constant 16 : i32
      %dma_start3A_215 = arith.constant 0 : i32
      %dma_start3A_216 = tpu.memref_slice %arg8[%dma_start3A_214, %dma_start3A_215] : memref<32x512xf32, #tpu.memory_space<vmem>> -> memref<8x128xf32, #tpu.memory_space<vmem>>
      %dma_start3A_217 = arith.constant 0 : i32
      %dma_start3A_218 = arith.constant 0 : i32
      %dma_start3A_219 = tpu.memref_slice %arg4[%select_n3A, %dma_start3A_213, %add3A_212, %dma_start3A_217, %dma_start3A_218] : memref<200x4x32x8x128xf32, #tpu.memory_space<hbm>> -> memref<1x1x1x8x128xf32, #tpu.memory_space<hbm>>
      %dma_start3A_220 = tpu.memref_squeeze %dma_start3A_219 : memref<1x1x1x8x128xf32, #tpu.memory_space<hbm>> -> memref<8x128xf32, #tpu.memory_space<hbm>>
      %dma_start3A_221 = arith.constant 0 : i32
      %dma_start3A_222 = arith.constant 0 : i32
      %dma_start3A_223 = tpu.memref_slice %arg4[%select_n3A, %dma_start3A_213, %add3A_212, %dma_start3A_221, %dma_start3A_222] : memref<200x4x32x8x128xf32, #tpu.memory_space<hbm>> -> memref<1x1x1x8x128xf32, #tpu.memory_space<hbm>>
      %dma_start3A_224 = tpu.memref_squeeze %dma_start3A_223 : memref<1x1x1x8x128xf32, #tpu.memory_space<hbm>> -> memref<8x128xf32, #tpu.memory_space<hbm>>
      %dma_start3A_225 = arith.constant 16 : i32
      %dma_start3A_226 = arith.constant 0 : i32
      %dma_start3A_227 = tpu.memref_slice %arg8[%dma_start3A_225, %dma_start3A_226] : memref<32x512xf32, #tpu.memory_space<vmem>> -> memref<8x128xf32, #tpu.memory_space<vmem>>
      tpu.enqueue_dma source(%dma_start3A_227 : memref<8x128xf32, #tpu.memory_space<vmem>>) target(%dma_start3A_224 : memref<8x128xf32, #tpu.memory_space<hbm>>) target_semaphore(%arg12 : memref<!tpu.dma_semaphore, #tpu.memory_space<semaphore_mem>>)
      %add3A_228 = arith.constant 1 : i32
      %add3A_229 = arith.addi %mul3A_74, %add3A_228 : i32
      %dma_start3A_230 = arith.constant 2 : i32
      %dma_start3A_231 = arith.constant 16 : i32
      %dma_start3A_232 = arith.constant 128 : i32
      %dma_start3A_233 = tpu.memref_slice %arg8[%dma_start3A_231, %dma_start3A_232] : memref<32x512xf32, #tpu.memory_space<vmem>> -> memref<8x128xf32, #tpu.memory_space<vmem>>
      %dma_start3A_234 = arith.constant 0 : i32
      %dma_start3A_235 = arith.constant 0 : i32
      %dma_start3A_236 = tpu.memref_slice %arg4[%select_n3A, %dma_start3A_230, %add3A_229, %dma_start3A_234, %dma_start3A_235] : memref<200x4x32x8x128xf32, #tpu.memory_space<hbm>> -> memref<1x1x1x8x128xf32, #tpu.memory_space<hbm>>
      %dma_start3A_237 = tpu.memref_squeeze %dma_start3A_236 : memref<1x1x1x8x128xf32, #tpu.memory_space<hbm>> -> memref<8x128xf32, #tpu.memory_space<hbm>>
      %dma_start3A_238 = arith.constant 0 : i32
      %dma_start3A_239 = arith.constant 0 : i32
      %dma_start3A_240 = tpu.memref_slice %arg4[%select_n3A, %dma_start3A_230, %add3A_229, %dma_start3A_238, %dma_start3A_239] : memref<200x4x32x8x128xf32, #tpu.memory_space<hbm>> -> memref<1x1x1x8x128xf32, #tpu.memory_space<hbm>>
      %dma_start3A_241 = tpu.memref_squeeze %dma_start3A_240 : memref<1x1x1x8x128xf32, #tpu.memory_space<hbm>> -> memref<8x128xf32, #tpu.memory_space<hbm>>
      %dma_start3A_242 = arith.constant 16 : i32
      %dma_start3A_243 = arith.constant 128 : i32
      %dma_start3A_244 = tpu.memref_slice %arg8[%dma_start3A_242, %dma_start3A_243] : memref<32x512xf32, #tpu.memory_space<vmem>> -> memref<8x128xf32, #tpu.memory_space<vmem>>
      tpu.enqueue_dma source(%dma_start3A_244 : memref<8x128xf32, #tpu.memory_space<vmem>>) target(%dma_start3A_241 : memref<8x128xf32, #tpu.memory_space<hbm>>) target_semaphore(%arg12 : memref<!tpu.dma_semaphore, #tpu.memory_space<semaphore_mem>>)
      %add3A_245 = arith.constant 2 : i32
      %add3A_246 = arith.addi %mul3A_74, %add3A_245 : i32
      %dma_start3A_247 = arith.constant 2 : i32
      %dma_start3A_248 = arith.constant 16 : i32
      %dma_start3A_249 = arith.constant 256 : i32
      %dma_start3A_250 = tpu.memref_slice %arg8[%dma_start3A_248, %dma_start3A_249] : memref<32x512xf32, #tpu.memory_space<vmem>> -> memref<8x128xf32, #tpu.memory_space<vmem>>
      %dma_start3A_251 = arith.constant 0 : i32
      %dma_start3A_252 = arith.constant 0 : i32
      %dma_start3A_253 = tpu.memref_slice %arg4[%select_n3A, %dma_start3A_247, %add3A_246, %dma_start3A_251, %dma_start3A_252] : memref<200x4x32x8x128xf32, #tpu.memory_space<hbm>> -> memref<1x1x1x8x128xf32, #tpu.memory_space<hbm>>
      %dma_start3A_254 = tpu.memref_squeeze %dma_start3A_253 : memref<1x1x1x8x128xf32, #tpu.memory_space<hbm>> -> memref<8x128xf32, #tpu.memory_space<hbm>>
      %dma_start3A_255 = arith.constant 0 : i32
      %dma_start3A_256 = arith.constant 0 : i32
      %dma_start3A_257 = tpu.memref_slice %arg4[%select_n3A, %dma_start3A_247, %add3A_246, %dma_start3A_255, %dma_start3A_256] : memref<200x4x32x8x128xf32, #tpu.memory_space<hbm>> -> memref<1x1x1x8x128xf32, #tpu.memory_space<hbm>>
      %dma_start3A_258 = tpu.memref_squeeze %dma_start3A_257 : memref<1x1x1x8x128xf32, #tpu.memory_space<hbm>> -> memref<8x128xf32, #tpu.memory_space<hbm>>
      %dma_start3A_259 = arith.constant 16 : i32
      %dma_start3A_260 = arith.constant 256 : i32
      %dma_start3A_261 = tpu.memref_slice %arg8[%dma_start3A_259, %dma_start3A_260] : memref<32x512xf32, #tpu.memory_space<vmem>> -> memref<8x128xf32, #tpu.memory_space<vmem>>
      tpu.enqueue_dma source(%dma_start3A_261 : memref<8x128xf32, #tpu.memory_space<vmem>>) target(%dma_start3A_258 : memref<8x128xf32, #tpu.memory_space<hbm>>) target_semaphore(%arg12 : memref<!tpu.dma_semaphore, #tpu.memory_space<semaphore_mem>>)
      %add3A_262 = arith.constant 3 : i32
      %add3A_263 = arith.addi %mul3A_74, %add3A_262 : i32
      %dma_start3A_264 = arith.constant 2 : i32
      %dma_start3A_265 = arith.constant 16 : i32
      %dma_start3A_266 = arith.constant 384 : i32
      %dma_start3A_267 = tpu.memref_slice %arg8[%dma_start3A_265, %dma_start3A_266] : memref<32x512xf32, #tpu.memory_space<vmem>> -> memref<8x128xf32, #tpu.memory_space<vmem>>
      %dma_start3A_268 = arith.constant 0 : i32
      %dma_start3A_269 = arith.constant 0 : i32
      %dma_start3A_270 = tpu.memref_slice %arg4[%select_n3A, %dma_start3A_264, %add3A_263, %dma_start3A_268, %dma_start3A_269] : memref<200x4x32x8x128xf32, #tpu.memory_space<hbm>> -> memref<1x1x1x8x128xf32, #tpu.memory_space<hbm>>
      %dma_start3A_271 = tpu.memref_squeeze %dma_start3A_270 : memref<1x1x1x8x128xf32, #tpu.memory_space<hbm>> -> memref<8x128xf32, #tpu.memory_space<hbm>>
      %dma_start3A_272 = arith.constant 0 : i32
      %dma_start3A_273 = arith.constant 0 : i32
      %dma_start3A_274 = tpu.memref_slice %arg4[%select_n3A, %dma_start3A_264, %add3A_263, %dma_start3A_272, %dma_start3A_273] : memref<200x4x32x8x128xf32, #tpu.memory_space<hbm>> -> memref<1x1x1x8x128xf32, #tpu.memory_space<hbm>>
      %dma_start3A_275 = tpu.memref_squeeze %dma_start3A_274 : memref<1x1x1x8x128xf32, #tpu.memory_space<hbm>> -> memref<8x128xf32, #tpu.memory_space<hbm>>
      %dma_start3A_276 = arith.constant 16 : i32
      %dma_start3A_277 = arith.constant 384 : i32
      %dma_start3A_278 = tpu.memref_slice %arg8[%dma_start3A_276, %dma_start3A_277] : memref<32x512xf32, #tpu.memory_space<vmem>> -> memref<8x128xf32, #tpu.memory_space<vmem>>
      tpu.enqueue_dma source(%dma_start3A_278 : memref<8x128xf32, #tpu.memory_space<vmem>>) target(%dma_start3A_275 : memref<8x128xf32, #tpu.memory_space<hbm>>) target_semaphore(%arg12 : memref<!tpu.dma_semaphore, #tpu.memory_space<semaphore_mem>>)
      %add3A_279 = arith.constant 0 : i32
      %add3A_280 = arith.addi %mul3A_74, %add3A_279 : i32
      %dma_start3A_281 = arith.constant 3 : i32
      %dma_start3A_282 = arith.constant 24 : i32
      %dma_start3A_283 = arith.constant 0 : i32
      %dma_start3A_284 = tpu.memref_slice %arg8[%dma_start3A_282, %dma_start3A_283] : memref<32x512xf32, #tpu.memory_space<vmem>> -> memref<8x128xf32, #tpu.memory_space<vmem>>
      %dma_start3A_285 = arith.constant 0 : i32
      %dma_start3A_286 = arith.constant 0 : i32
      %dma_start3A_287 = tpu.memref_slice %arg4[%select_n3A, %dma_start3A_281, %add3A_280, %dma_start3A_285, %dma_start3A_286] : memref<200x4x32x8x128xf32, #tpu.memory_space<hbm>> -> memref<1x1x1x8x128xf32, #tpu.memory_space<hbm>>
      %dma_start3A_288 = tpu.memref_squeeze %dma_start3A_287 : memref<1x1x1x8x128xf32, #tpu.memory_space<hbm>> -> memref<8x128xf32, #tpu.memory_space<hbm>>
      %dma_start3A_289 = arith.constant 0 : i32
      %dma_start3A_290 = arith.constant 0 : i32
      %dma_start3A_291 = tpu.memref_slice %arg4[%select_n3A, %dma_start3A_281, %add3A_280, %dma_start3A_289, %dma_start3A_290] : memref<200x4x32x8x128xf32, #tpu.memory_space<hbm>> -> memref<1x1x1x8x128xf32, #tpu.memory_space<hbm>>
      %dma_start3A_292 = tpu.memref_squeeze %dma_start3A_291 : memref<1x1x1x8x128xf32, #tpu.memory_space<hbm>> -> memref<8x128xf32, #tpu.memory_space<hbm>>
      %dma_start3A_293 = arith.constant 24 : i32
      %dma_start3A_294 = arith.constant 0 : i32
      %dma_start3A_295 = tpu.memref_slice %arg8[%dma_start3A_293, %dma_start3A_294] : memref<32x512xf32, #tpu.memory_space<vmem>> -> memref<8x128xf32, #tpu.memory_space<vmem>>
      tpu.enqueue_dma source(%dma_start3A_295 : memref<8x128xf32, #tpu.memory_space<vmem>>) target(%dma_start3A_292 : memref<8x128xf32, #tpu.memory_space<hbm>>) target_semaphore(%arg12 : memref<!tpu.dma_semaphore, #tpu.memory_space<semaphore_mem>>)
      %add3A_296 = arith.constant 1 : i32
      %add3A_297 = arith.addi %mul3A_74, %add3A_296 : i32
      %dma_start3A_298 = arith.constant 3 : i32
      %dma_start3A_299 = arith.constant 24 : i32
      %dma_start3A_300 = arith.constant 128 : i32
      %dma_start3A_301 = tpu.memref_slice %arg8[%dma_start3A_299, %dma_start3A_300] : memref<32x512xf32, #tpu.memory_space<vmem>> -> memref<8x128xf32, #tpu.memory_space<vmem>>
      %dma_start3A_302 = arith.constant 0 : i32
      %dma_start3A_303 = arith.constant 0 : i32
      %dma_start3A_304 = tpu.memref_slice %arg4[%select_n3A, %dma_start3A_298, %add3A_297, %dma_start3A_302, %dma_start3A_303] : memref<200x4x32x8x128xf32, #tpu.memory_space<hbm>> -> memref<1x1x1x8x128xf32, #tpu.memory_space<hbm>>
      %dma_start3A_305 = tpu.memref_squeeze %dma_start3A_304 : memref<1x1x1x8x128xf32, #tpu.memory_space<hbm>> -> memref<8x128xf32, #tpu.memory_space<hbm>>
      %dma_start3A_306 = arith.constant 0 : i32
      %dma_start3A_307 = arith.constant 0 : i32
      %dma_start3A_308 = tpu.memref_slice %arg4[%select_n3A, %dma_start3A_298, %add3A_297, %dma_start3A_306, %dma_start3A_307] : memref<200x4x32x8x128xf32, #tpu.memory_space<hbm>> -> memref<1x1x1x8x128xf32, #tpu.memory_space<hbm>>
      %dma_start3A_309 = tpu.memref_squeeze %dma_start3A_308 : memref<1x1x1x8x128xf32, #tpu.memory_space<hbm>> -> memref<8x128xf32, #tpu.memory_space<hbm>>
      %dma_start3A_310 = arith.constant 24 : i32
      %dma_start3A_311 = arith.constant 128 : i32
      %dma_start3A_312 = tpu.memref_slice %arg8[%dma_start3A_310, %dma_start3A_311] : memref<32x512xf32, #tpu.memory_space<vmem>> -> memref<8x128xf32, #tpu.memory_space<vmem>>
      tpu.enqueue_dma source(%dma_start3A_312 : memref<8x128xf32, #tpu.memory_space<vmem>>) target(%dma_start3A_309 : memref<8x128xf32, #tpu.memory_space<hbm>>) target_semaphore(%arg12 : memref<!tpu.dma_semaphore, #tpu.memory_space<semaphore_mem>>)
      %add3A_313 = arith.constant 2 : i32
      %add3A_314 = arith.addi %mul3A_74, %add3A_313 : i32
      %dma_start3A_315 = arith.constant 3 : i32
      %dma_start3A_316 = arith.constant 24 : i32
      %dma_start3A_317 = arith.constant 256 : i32
      %dma_start3A_318 = tpu.memref_slice %arg8[%dma_start3A_316, %dma_start3A_317] : memref<32x512xf32, #tpu.memory_space<vmem>> -> memref<8x128xf32, #tpu.memory_space<vmem>>
      %dma_start3A_319 = arith.constant 0 : i32
      %dma_start3A_320 = arith.constant 0 : i32
      %dma_start3A_321 = tpu.memref_slice %arg4[%select_n3A, %dma_start3A_315, %add3A_314, %dma_start3A_319, %dma_start3A_320] : memref<200x4x32x8x128xf32, #tpu.memory_space<hbm>> -> memref<1x1x1x8x128xf32, #tpu.memory_space<hbm>>
      %dma_start3A_322 = tpu.memref_squeeze %dma_start3A_321 : memref<1x1x1x8x128xf32, #tpu.memory_space<hbm>> -> memref<8x128xf32, #tpu.memory_space<hbm>>
      %dma_start3A_323 = arith.constant 0 : i32
      %dma_start3A_324 = arith.constant 0 : i32
      %dma_start3A_325 = tpu.memref_slice %arg4[%select_n3A, %dma_start3A_315, %add3A_314, %dma_start3A_323, %dma_start3A_324] : memref<200x4x32x8x128xf32, #tpu.memory_space<hbm>> -> memref<1x1x1x8x128xf32, #tpu.memory_space<hbm>>
      %dma_start3A_326 = tpu.memref_squeeze %dma_start3A_325 : memref<1x1x1x8x128xf32, #tpu.memory_space<hbm>> -> memref<8x128xf32, #tpu.memory_space<hbm>>
      %dma_start3A_327 = arith.constant 24 : i32
      %dma_start3A_328 = arith.constant 256 : i32
      %dma_start3A_329 = tpu.memref_slice %arg8[%dma_start3A_327, %dma_start3A_328] : memref<32x512xf32, #tpu.memory_space<vmem>> -> memref<8x128xf32, #tpu.memory_space<vmem>>
      tpu.enqueue_dma source(%dma_start3A_329 : memref<8x128xf32, #tpu.memory_space<vmem>>) target(%dma_start3A_326 : memref<8x128xf32, #tpu.memory_space<hbm>>) target_semaphore(%arg12 : memref<!tpu.dma_semaphore, #tpu.memory_space<semaphore_mem>>)
      %add3A_330 = arith.constant 3 : i32
      %add3A_331 = arith.addi %mul3A_74, %add3A_330 : i32
      %dma_start3A_332 = arith.constant 3 : i32
      %dma_start3A_333 = arith.constant 24 : i32
      %dma_start3A_334 = arith.constant 384 : i32
      %dma_start3A_335 = tpu.memref_slice %arg8[%dma_start3A_333, %dma_start3A_334] : memref<32x512xf32, #tpu.memory_space<vmem>> -> memref<8x128xf32, #tpu.memory_space<vmem>>
      %dma_start3A_336 = arith.constant 0 : i32
      %dma_start3A_337 = arith.constant 0 : i32
      %dma_start3A_338 = tpu.memref_slice %arg4[%select_n3A, %dma_start3A_332, %add3A_331, %dma_start3A_336, %dma_start3A_337] : memref<200x4x32x8x128xf32, #tpu.memory_space<hbm>> -> memref<1x1x1x8x128xf32, #tpu.memory_space<hbm>>
      %dma_start3A_339 = tpu.memref_squeeze %dma_start3A_338 : memref<1x1x1x8x128xf32, #tpu.memory_space<hbm>> -> memref<8x128xf32, #tpu.memory_space<hbm>>
      %dma_start3A_340 = arith.constant 0 : i32
      %dma_start3A_341 = arith.constant 0 : i32
      %dma_start3A_342 = tpu.memref_slice %arg4[%select_n3A, %dma_start3A_332, %add3A_331, %dma_start3A_340, %dma_start3A_341] : memref<200x4x32x8x128xf32, #tpu.memory_space<hbm>> -> memref<1x1x1x8x128xf32, #tpu.memory_space<hbm>>
      %dma_start3A_343 = tpu.memref_squeeze %dma_start3A_342 : memref<1x1x1x8x128xf32, #tpu.memory_space<hbm>> -> memref<8x128xf32, #tpu.memory_space<hbm>>
      %dma_start3A_344 = arith.constant 24 : i32
      %dma_start3A_345 = arith.constant 384 : i32
      %dma_start3A_346 = tpu.memref_slice %arg8[%dma_start3A_344, %dma_start3A_345] : memref<32x512xf32, #tpu.memory_space<vmem>> -> memref<8x128xf32, #tpu.memory_space<vmem>>
      tpu.enqueue_dma source(%dma_start3A_346 : memref<8x128xf32, #tpu.memory_space<vmem>>) target(%dma_start3A_343 : memref<8x128xf32, #tpu.memory_space<hbm>>) target_semaphore(%arg12 : memref<!tpu.dma_semaphore, #tpu.memory_space<semaphore_mem>>)
      %add3A_347 = arith.constant 1 : i32
      %add3A_348 = arith.addi %add3A_34, %add3A_347 : i32
      %add3A_349 = arith.constant 1 : i32
      %add3A_350 = arith.addi %add3A_348, %add3A_349 : i32
      %lt3A_351 = arith.constant 50 : i32
      %lt3A_352 = arith.cmpi slt, %add3A_350, %lt3A_351 : i32
      %convert_element_type3A_353 = arith.extui %lt3A_352 : i1 to i32
      %cond3A_354 = arith.constant 0 : i32
      %cond3A_355 = arith.cmpi ne, %convert_element_type3A_353, %cond3A_354 : i32
      scf.if %cond3A_355 {
        %add3A_672 = arith.constant 1 : i32
        %add3A_673 = arith.addi %add3A_348, %add3A_672 : i32
        %mul3A_674 = arith.constant 512 : i32
        %mul3A_675 = arith.muli %add3A_673, %mul3A_674 : i32
        %dma_start3A_676 = tpu.memref_slice %arg5[%mul3A_675] : memref<25600xi32, #tpu.memory_space<vmem>> -> memref<512xi32, #tpu.memory_space<vmem>>
        %dma_start3A_677 = arith.constant 0 : i32
        %dma_start3A_678 = arith.constant 0 : i32
        %dma_start3A_679 = tpu.memref_slice %arg2[%dma_start3A_677, %dma_start3A_678] : memref<1000000x32xf32, #tpu.memory_space<hbm>> -> memref<1000000x32xf32, #tpu.memory_space<hbm>>
        tpu.enqueue_indirect_dma source(%dma_start3A_679 : memref<1000000x32xf32, #tpu.memory_space<hbm>>) target(%arg6 : memref<512x32xf32, #tpu.memory_space<vmem>>) offsets(%dma_start3A_676 : memref<512xi32, #tpu.memory_space<vmem>>) semaphore(%arg10 : memref<!tpu.dma_semaphore, #tpu.memory_space<semaphore_mem>>)
      } else {
      }
      %dma_wait3A_356 = arith.constant 0 : i32
      %dma_wait3A_357 = arith.constant 0 : i32
      %dma_wait3A_358 = tpu.memref_slice %arg2[%dma_wait3A_356, %dma_wait3A_357] : memref<1000000x32xf32, #tpu.memory_space<hbm>> -> memref<512x32xf32, #tpu.memory_space<hbm>>
      %dma_wait3A_359 = arith.constant 0 : i32
      %dma_wait3A_360 = arith.constant 0 : i32
      %dma_wait3A_361 = tpu.memref_slice %arg2[%dma_wait3A_359, %dma_wait3A_360] : memref<1000000x32xf32, #tpu.memory_space<hbm>> -> memref<512x32xf32, #tpu.memory_space<hbm>>
      tpu.wait_dma2 semaphore(%arg11 : memref<!tpu.dma_semaphore, #tpu.memory_space<semaphore_mem>>) src(%dma_wait3A_361 : memref<512x32xf32, #tpu.memory_space<hbm>>) dst(%arg7 : memref<512x32xf32, #tpu.memory_space<vmem>>)
      %ge3A_362 = arith.constant 2 : i32
      %ge3A_363 = arith.cmpi sge, %add3A_348, %ge3A_362 : i32
      %convert_element_type3A_364 = arith.extui %ge3A_363 : i1 to i32
      %cond3A_365 = arith.constant 0 : i32
      %cond3A_366 = arith.cmpi ne, %convert_element_type3A_364, %cond3A_365 : i32
      scf.if %cond3A_366 {
        %dma_wait3A_672 = arith.constant 0 : i32
        %dma_wait3A_673 = arith.constant 0 : i32
        %dma_wait3A_674 = tpu.memref_slice %arg2[%dma_wait3A_672, %dma_wait3A_673] : memref<1000000x32xf32, #tpu.memory_space<hbm>> -> memref<512x32xf32, #tpu.memory_space<hbm>>
        %dma_wait3A_675 = arith.constant 0 : i32
        %dma_wait3A_676 = arith.constant 0 : i32
        %dma_wait3A_677 = tpu.memref_slice %arg2[%dma_wait3A_675, %dma_wait3A_676] : memref<1000000x32xf32, #tpu.memory_space<hbm>> -> memref<512x32xf32, #tpu.memory_space<hbm>>
        tpu.wait_dma2 semaphore(%arg13 : memref<!tpu.dma_semaphore, #tpu.memory_space<semaphore_mem>>) src(%dma_wait3A_677 : memref<512x32xf32, #tpu.memory_space<hbm>>) dst(%arg7 : memref<512x32xf32, #tpu.memory_space<vmem>>)
      } else {
      }
      %parallel_loop3A_367 = arith.constant 0 : i32
      %parallel_loop3A_368 = arith.constant 512 : i32
      %parallel_loop3A_369 = arith.constant 1 : i32
      scf.for %parallel_loop3A_672 = %parallel_loop3A_367 to %parallel_loop3A_368 step %parallel_loop3A_369  : i32 {
        %parallel_loop3A_673 = vector.broadcast %parallel_loop3A_672 : i32 to vector<16xi32>
        %parallel_loop3A_674 = arith.index_cast %parallel_loop3A_672 : i32 to index
        %parallel_loop3A_675 = arith.constant 0 : index
        %parallel_loop3A_676 = tpu.vector_load %arg7[%parallel_loop3A_674, %parallel_loop3A_675] {strides = array<i32>} : memref<512x32xf32, #tpu.memory_space<vmem>>, vector<16xf32>,
        tpu.vector_store_idx %arg9[%add3A_7, %parallel_loop3A_673], %parallel_loop3A_676 : memref<32x512xf32, #tpu.memory_space<vmem>>[vector<16xi32>, vector<16xi32>], vector<16xf32>,
        %parallel_loop3A_677 = arith.index_cast %parallel_loop3A_672 : i32 to index
        %parallel_loop3A_678 = arith.constant 16 : index
        %parallel_loop3A_679 = tpu.vector_load %arg7[%parallel_loop3A_677, %parallel_loop3A_678] {strides = array<i32>} : memref<512x32xf32, #tpu.memory_space<vmem>>, vector<16xf32>,
        tpu.vector_store_idx %arg9[%add3A_10, %parallel_loop3A_673], %parallel_loop3A_679 : memref<32x512xf32, #tpu.memory_space<vmem>>[vector<16xi32>, vector<16xi32>], vector<16xf32>,
      } {sc.loop_unroll_factor = 8 : i64, sc.parallel_access}
      %add3A_370 = arith.addi %mul3A_4, %add3A_348 : i32
      %jit3A_371 = arith.constant 8 : i32
      %div3A_372 = arith.divsi %add3A_370, %jit3A_371 : i32
      %sign3A_373 = arith.constant 0 : i32
      %sign3A_374 = arith.cmpi sgt, %add3A_370, %sign3A_373 : i32
      %sign3A_375 = arith.extui %sign3A_374 : i1 to i32
      %sign3A_376 = arith.constant 0 : i32
      %sign3A_377 = arith.cmpi slt, %add3A_370, %sign3A_376 : i32
      %sign3A_378 = arith.extui %sign3A_377 : i1 to i32
      %sign3A_379 = arith.subi %sign3A_375, %sign3A_378 : i32
      %sign3A_380 = arith.constant 0 : i32
      %sign3A_381 = arith.cmpi sgt, %jit3A_371, %sign3A_380 : i32
      %sign3A_382 = arith.extui %sign3A_381 : i1 to i32
      %sign3A_383 = arith.constant 0 : i32
      %sign3A_384 = arith.cmpi slt, %jit3A_371, %sign3A_383 : i32
      %sign3A_385 = arith.extui %sign3A_384 : i1 to i32
      %sign3A_386 = arith.subi %sign3A_382, %sign3A_385 : i32
      %ne3A_387 = arith.cmpi ne, %sign3A_379, %sign3A_386 : i32
      %rem3A_388 = arith.remsi %add3A_370, %jit3A_371 : i32
      %ne3A_389 = arith.constant 0 : i32
      %ne3A_390 = arith.cmpi ne, %rem3A_388, %ne3A_389 : i32
      %and3A_391 = arith.andi %ne3A_387, %ne3A_390 : i1
      %sub3A_392 = arith.constant 1 : i32
      %sub3A_393 = arith.subi %div3A_372, %sub3A_392 : i32
      %select_n3A_394 = arith.select %and3A_391, %sub3A_393, %div3A_372 : i32
      %mul3A_395 = arith.constant 8 : i32
      %mul3A_396 = arith.muli %select_n3A_394, %mul3A_395 : i32
      %sub3A_397 = arith.subi %add3A_370, %mul3A_396 : i32
      %mul3A_398 = arith.constant 4 : i32
      %mul3A_399 = arith.muli %sub3A_397, %mul3A_398 : i32
      %add3A_400 = arith.constant 0 : i32
      %add3A_401 = arith.addi %mul3A_399, %add3A_400 : i32
      %dma_start3A_402 = arith.constant 0 : i32
      %dma_start3A_403 = arith.constant 0 : i32
      %dma_start3A_404 = arith.constant 0 : i32
      %dma_start3A_405 = tpu.memref_slice %arg9[%dma_start3A_403, %dma_start3A_404] : memref<32x512xf32, #tpu.memory_space<vmem>> -> memref<8x128xf32, #tpu.memory_space<vmem>>
      %dma_start3A_406 = arith.constant 0 : i32
      %dma_start3A_407 = arith.constant 0 : i32
      %dma_start3A_408 = tpu.memref_slice %arg4[%select_n3A_394, %dma_start3A_402, %add3A_401, %dma_start3A_406, %dma_start3A_407] : memref<200x4x32x8x128xf32, #tpu.memory_space<hbm>> -> memref<1x1x1x8x128xf32, #tpu.memory_space<hbm>>
      %dma_start3A_409 = tpu.memref_squeeze %dma_start3A_408 : memref<1x1x1x8x128xf32, #tpu.memory_space<hbm>> -> memref<8x128xf32, #tpu.memory_space<hbm>>
      %dma_start3A_410 = arith.constant 0 : i32
      %dma_start3A_411 = arith.constant 0 : i32
      %dma_start3A_412 = tpu.memref_slice %arg4[%select_n3A_394, %dma_start3A_402, %add3A_401, %dma_start3A_410, %dma_start3A_411] : memref<200x4x32x8x128xf32, #tpu.memory_space<hbm>> -> memref<1x1x1x8x128xf32, #tpu.memory_space<hbm>>
      %dma_start3A_413 = tpu.memref_squeeze %dma_start3A_412 : memref<1x1x1x8x128xf32, #tpu.memory_space<hbm>> -> memref<8x128xf32, #tpu.memory_space<hbm>>
      %dma_start3A_414 = arith.constant 0 : i32
      %dma_start3A_415 = arith.constant 0 : i32
      %dma_start3A_416 = tpu.memref_slice %arg9[%dma_start3A_414, %dma_start3A_415] : memref<32x512xf32, #tpu.memory_space<vmem>> -> memref<8x128xf32, #tpu.memory_space<vmem>>
      tpu.enqueue_dma source(%dma_start3A_416 : memref<8x128xf32, #tpu.memory_space<vmem>>) target(%dma_start3A_413 : memref<8x128xf32, #tpu.memory_space<hbm>>) target_semaphore(%arg13 : memref<!tpu.dma_semaphore, #tpu.memory_space<semaphore_mem>>)
      %add3A_417 = arith.constant 1 : i32
      %add3A_418 = arith.addi %mul3A_399, %add3A_417 : i32
      %dma_start3A_419 = arith.constant 0 : i32
      %dma_start3A_420 = arith.constant 0 : i32
      %dma_start3A_421 = arith.constant 128 : i32
      %dma_start3A_422 = tpu.memref_slice %arg9[%dma_start3A_420, %dma_start3A_421] : memref<32x512xf32, #tpu.memory_space<vmem>> -> memref<8x128xf32, #tpu.memory_space<vmem>>
      %dma_start3A_423 = arith.constant 0 : i32
      %dma_start3A_424 = arith.constant 0 : i32
      %dma_start3A_425 = tpu.memref_slice %arg4[%select_n3A_394, %dma_start3A_419, %add3A_418, %dma_start3A_423, %dma_start3A_424] : memref<200x4x32x8x128xf32, #tpu.memory_space<hbm>> -> memref<1x1x1x8x128xf32, #tpu.memory_space<hbm>>
      %dma_start3A_426 = tpu.memref_squeeze %dma_start3A_425 : memref<1x1x1x8x128xf32, #tpu.memory_space<hbm>> -> memref<8x128xf32, #tpu.memory_space<hbm>>
      %dma_start3A_427 = arith.constant 0 : i32
      %dma_start3A_428 = arith.constant 0 : i32
      %dma_start3A_429 = tpu.memref_slice %arg4[%select_n3A_394, %dma_start3A_419, %add3A_418, %dma_start3A_427, %dma_start3A_428] : memref<200x4x32x8x128xf32, #tpu.memory_space<hbm>> -> memref<1x1x1x8x128xf32, #tpu.memory_space<hbm>>
      %dma_start3A_430 = tpu.memref_squeeze %dma_start3A_429 : memref<1x1x1x8x128xf32, #tpu.memory_space<hbm>> -> memref<8x128xf32, #tpu.memory_space<hbm>>
      %dma_start3A_431 = arith.constant 0 : i32
      %dma_start3A_432 = arith.constant 128 : i32
      %dma_start3A_433 = tpu.memref_slice %arg9[%dma_start3A_431, %dma_start3A_432] : memref<32x512xf32, #tpu.memory_space<vmem>> -> memref<8x128xf32, #tpu.memory_space<vmem>>
      tpu.enqueue_dma source(%dma_start3A_433 : memref<8x128xf32, #tpu.memory_space<vmem>>) target(%dma_start3A_430 : memref<8x128xf32, #tpu.memory_space<hbm>>) target_semaphore(%arg13 : memref<!tpu.dma_semaphore, #tpu.memory_space<semaphore_mem>>)
      %add3A_434 = arith.constant 2 : i32
      %add3A_435 = arith.addi %mul3A_399, %add3A_434 : i32
      %dma_start3A_436 = arith.constant 0 : i32
      %dma_start3A_437 = arith.constant 0 : i32
      %dma_start3A_438 = arith.constant 256 : i32
      %dma_start3A_439 = tpu.memref_slice %arg9[%dma_start3A_437, %dma_start3A_438] : memref<32x512xf32, #tpu.memory_space<vmem>> -> memref<8x128xf32, #tpu.memory_space<vmem>>
      %dma_start3A_440 = arith.constant 0 : i32
      %dma_start3A_441 = arith.constant 0 : i32
      %dma_start3A_442 = tpu.memref_slice %arg4[%select_n3A_394, %dma_start3A_436, %add3A_435, %dma_start3A_440, %dma_start3A_441] : memref<200x4x32x8x128xf32, #tpu.memory_space<hbm>> -> memref<1x1x1x8x128xf32, #tpu.memory_space<hbm>>
      %dma_start3A_443 = tpu.memref_squeeze %dma_start3A_442 : memref<1x1x1x8x128xf32, #tpu.memory_space<hbm>> -> memref<8x128xf32, #tpu.memory_space<hbm>>
      %dma_start3A_444 = arith.constant 0 : i32
      %dma_start3A_445 = arith.constant 0 : i32
      %dma_start3A_446 = tpu.memref_slice %arg4[%select_n3A_394, %dma_start3A_436, %add3A_435, %dma_start3A_444, %dma_start3A_445] : memref<200x4x32x8x128xf32, #tpu.memory_space<hbm>> -> memref<1x1x1x8x128xf32, #tpu.memory_space<hbm>>
      %dma_start3A_447 = tpu.memref_squeeze %dma_start3A_446 : memref<1x1x1x8x128xf32, #tpu.memory_space<hbm>> -> memref<8x128xf32, #tpu.memory_space<hbm>>
      %dma_start3A_448 = arith.constant 0 : i32
      %dma_start3A_449 = arith.constant 256 : i32
      %dma_start3A_450 = tpu.memref_slice %arg9[%dma_start3A_448, %dma_start3A_449] : memref<32x512xf32, #tpu.memory_space<vmem>> -> memref<8x128xf32, #tpu.memory_space<vmem>>
      tpu.enqueue_dma source(%dma_start3A_450 : memref<8x128xf32, #tpu.memory_space<vmem>>) target(%dma_start3A_447 : memref<8x128xf32, #tpu.memory_space<hbm>>) target_semaphore(%arg13 : memref<!tpu.dma_semaphore, #tpu.memory_space<semaphore_mem>>)
      %add3A_451 = arith.constant 3 : i32
      %add3A_452 = arith.addi %mul3A_399, %add3A_451 : i32
      %dma_start3A_453 = arith.constant 0 : i32
      %dma_start3A_454 = arith.constant 0 : i32
      %dma_start3A_455 = arith.constant 384 : i32
      %dma_start3A_456 = tpu.memref_slice %arg9[%dma_start3A_454, %dma_start3A_455] : memref<32x512xf32, #tpu.memory_space<vmem>> -> memref<8x128xf32, #tpu.memory_space<vmem>>
      %dma_start3A_457 = arith.constant 0 : i32
      %dma_start3A_458 = arith.constant 0 : i32
      %dma_start3A_459 = tpu.memref_slice %arg4[%select_n3A_394, %dma_start3A_453, %add3A_452, %dma_start3A_457, %dma_start3A_458] : memref<200x4x32x8x128xf32, #tpu.memory_space<hbm>> -> memref<1x1x1x8x128xf32, #tpu.memory_space<hbm>>
      %dma_start3A_460 = tpu.memref_squeeze %dma_start3A_459 : memref<1x1x1x8x128xf32, #tpu.memory_space<hbm>> -> memref<8x128xf32, #tpu.memory_space<hbm>>
      %dma_start3A_461 = arith.constant 0 : i32
      %dma_start3A_462 = arith.constant 0 : i32
      %dma_start3A_463 = tpu.memref_slice %arg4[%select_n3A_394, %dma_start3A_453, %add3A_452, %dma_start3A_461, %dma_start3A_462] : memref<200x4x32x8x128xf32, #tpu.memory_space<hbm>> -> memref<1x1x1x8x128xf32, #tpu.memory_space<hbm>>
      %dma_start3A_464 = tpu.memref_squeeze %dma_start3A_463 : memref<1x1x1x8x128xf32, #tpu.memory_space<hbm>> -> memref<8x128xf32, #tpu.memory_space<hbm>>
      %dma_start3A_465 = arith.constant 0 : i32
      %dma_start3A_466 = arith.constant 384 : i32
      %dma_start3A_467 = tpu.memref_slice %arg9[%dma_start3A_465, %dma_start3A_466] : memref<32x512xf32, #tpu.memory_space<vmem>> -> memref<8x128xf32, #tpu.memory_space<vmem>>
      tpu.enqueue_dma source(%dma_start3A_467 : memref<8x128xf32, #tpu.memory_space<vmem>>) target(%dma_start3A_464 : memref<8x128xf32, #tpu.memory_space<hbm>>) target_semaphore(%arg13 : memref<!tpu.dma_semaphore, #tpu.memory_space<semaphore_mem>>)
      %add3A_468 = arith.constant 0 : i32
      %add3A_469 = arith.addi %mul3A_399, %add3A_468 : i32
      %dma_start3A_470 = arith.constant 1 : i32
      %dma_start3A_471 = arith.constant 8 : i32
      %dma_start3A_472 = arith.constant 0 : i32
      %dma_start3A_473 = tpu.memref_slice %arg9[%dma_start3A_471, %dma_start3A_472] : memref<32x512xf32, #tpu.memory_space<vmem>> -> memref<8x128xf32, #tpu.memory_space<vmem>>
      %dma_start3A_474 = arith.constant 0 : i32
      %dma_start3A_475 = arith.constant 0 : i32
      %dma_start3A_476 = tpu.memref_slice %arg4[%select_n3A_394, %dma_start3A_470, %add3A_469, %dma_start3A_474, %dma_start3A_475] : memref<200x4x32x8x128xf32, #tpu.memory_space<hbm>> -> memref<1x1x1x8x128xf32, #tpu.memory_space<hbm>>
      %dma_start3A_477 = tpu.memref_squeeze %dma_start3A_476 : memref<1x1x1x8x128xf32, #tpu.memory_space<hbm>> -> memref<8x128xf32, #tpu.memory_space<hbm>>
      %dma_start3A_478 = arith.constant 0 : i32
      %dma_start3A_479 = arith.constant 0 : i32
      %dma_start3A_480 = tpu.memref_slice %arg4[%select_n3A_394, %dma_start3A_470, %add3A_469, %dma_start3A_478, %dma_start3A_479] : memref<200x4x32x8x128xf32, #tpu.memory_space<hbm>> -> memref<1x1x1x8x128xf32, #tpu.memory_space<hbm>>
      %dma_start3A_481 = tpu.memref_squeeze %dma_start3A_480 : memref<1x1x1x8x128xf32, #tpu.memory_space<hbm>> -> memref<8x128xf32, #tpu.memory_space<hbm>>
      %dma_start3A_482 = arith.constant 8 : i32
      %dma_start3A_483 = arith.constant 0 : i32
      %dma_start3A_484 = tpu.memref_slice %arg9[%dma_start3A_482, %dma_start3A_483] : memref<32x512xf32, #tpu.memory_space<vmem>> -> memref<8x128xf32, #tpu.memory_space<vmem>>
      tpu.enqueue_dma source(%dma_start3A_484 : memref<8x128xf32, #tpu.memory_space<vmem>>) target(%dma_start3A_481 : memref<8x128xf32, #tpu.memory_space<hbm>>) target_semaphore(%arg13 : memref<!tpu.dma_semaphore, #tpu.memory_space<semaphore_mem>>)
      %add3A_485 = arith.constant 1 : i32
      %add3A_486 = arith.addi %mul3A_399, %add3A_485 : i32
      %dma_start3A_487 = arith.constant 1 : i32
      %dma_start3A_488 = arith.constant 8 : i32
      %dma_start3A_489 = arith.constant 128 : i32
      %dma_start3A_490 = tpu.memref_slice %arg9[%dma_start3A_488, %dma_start3A_489] : memref<32x512xf32, #tpu.memory_space<vmem>> -> memref<8x128xf32, #tpu.memory_space<vmem>>
      %dma_start3A_491 = arith.constant 0 : i32
      %dma_start3A_492 = arith.constant 0 : i32
      %dma_start3A_493 = tpu.memref_slice %arg4[%select_n3A_394, %dma_start3A_487, %add3A_486, %dma_start3A_491, %dma_start3A_492] : memref<200x4x32x8x128xf32, #tpu.memory_space<hbm>> -> memref<1x1x1x8x128xf32, #tpu.memory_space<hbm>>
      %dma_start3A_494 = tpu.memref_squeeze %dma_start3A_493 : memref<1x1x1x8x128xf32, #tpu.memory_space<hbm>> -> memref<8x128xf32, #tpu.memory_space<hbm>>
      %dma_start3A_495 = arith.constant 0 : i32
      %dma_start3A_496 = arith.constant 0 : i32
      %dma_start3A_497 = tpu.memref_slice %arg4[%select_n3A_394, %dma_start3A_487, %add3A_486, %dma_start3A_495, %dma_start3A_496] : memref<200x4x32x8x128xf32, #tpu.memory_space<hbm>> -> memref<1x1x1x8x128xf32, #tpu.memory_space<hbm>>
      %dma_start3A_498 = tpu.memref_squeeze %dma_start3A_497 : memref<1x1x1x8x128xf32, #tpu.memory_space<hbm>> -> memref<8x128xf32, #tpu.memory_space<hbm>>
      %dma_start3A_499 = arith.constant 8 : i32
      %dma_start3A_500 = arith.constant 128 : i32
      %dma_start3A_501 = tpu.memref_slice %arg9[%dma_start3A_499, %dma_start3A_500] : memref<32x512xf32, #tpu.memory_space<vmem>> -> memref<8x128xf32, #tpu.memory_space<vmem>>
      tpu.enqueue_dma source(%dma_start3A_501 : memref<8x128xf32, #tpu.memory_space<vmem>>) target(%dma_start3A_498 : memref<8x128xf32, #tpu.memory_space<hbm>>) target_semaphore(%arg13 : memref<!tpu.dma_semaphore, #tpu.memory_space<semaphore_mem>>)
      %add3A_502 = arith.constant 2 : i32
      %add3A_503 = arith.addi %mul3A_399, %add3A_502 : i32
      %dma_start3A_504 = arith.constant 1 : i32
      %dma_start3A_505 = arith.constant 8 : i32
      %dma_start3A_506 = arith.constant 256 : i32
      %dma_start3A_507 = tpu.memref_slice %arg9[%dma_start3A_505, %dma_start3A_506] : memref<32x512xf32, #tpu.memory_space<vmem>> -> memref<8x128xf32, #tpu.memory_space<vmem>>
      %dma_start3A_508 = arith.constant 0 : i32
      %dma_start3A_509 = arith.constant 0 : i32
      %dma_start3A_510 = tpu.memref_slice %arg4[%select_n3A_394, %dma_start3A_504, %add3A_503, %dma_start3A_508, %dma_start3A_509] : memref<200x4x32x8x128xf32, #tpu.memory_space<hbm>> -> memref<1x1x1x8x128xf32, #tpu.memory_space<hbm>>
      %dma_start3A_511 = tpu.memref_squeeze %dma_start3A_510 : memref<1x1x1x8x128xf32, #tpu.memory_space<hbm>> -> memref<8x128xf32, #tpu.memory_space<hbm>>
      %dma_start3A_512 = arith.constant 0 : i32
      %dma_start3A_513 = arith.constant 0 : i32
      %dma_start3A_514 = tpu.memref_slice %arg4[%select_n3A_394, %dma_start3A_504, %add3A_503, %dma_start3A_512, %dma_start3A_513] : memref<200x4x32x8x128xf32, #tpu.memory_space<hbm>> -> memref<1x1x1x8x128xf32, #tpu.memory_space<hbm>>
      %dma_start3A_515 = tpu.memref_squeeze %dma_start3A_514 : memref<1x1x1x8x128xf32, #tpu.memory_space<hbm>> -> memref<8x128xf32, #tpu.memory_space<hbm>>
      %dma_start3A_516 = arith.constant 8 : i32
      %dma_start3A_517 = arith.constant 256 : i32
      %dma_start3A_518 = tpu.memref_slice %arg9[%dma_start3A_516, %dma_start3A_517] : memref<32x512xf32, #tpu.memory_space<vmem>> -> memref<8x128xf32, #tpu.memory_space<vmem>>
      tpu.enqueue_dma source(%dma_start3A_518 : memref<8x128xf32, #tpu.memory_space<vmem>>) target(%dma_start3A_515 : memref<8x128xf32, #tpu.memory_space<hbm>>) target_semaphore(%arg13 : memref<!tpu.dma_semaphore, #tpu.memory_space<semaphore_mem>>)
      %add3A_519 = arith.constant 3 : i32
      %add3A_520 = arith.addi %mul3A_399, %add3A_519 : i32
      %dma_start3A_521 = arith.constant 1 : i32
      %dma_start3A_522 = arith.constant 8 : i32
      %dma_start3A_523 = arith.constant 384 : i32
      %dma_start3A_524 = tpu.memref_slice %arg9[%dma_start3A_522, %dma_start3A_523] : memref<32x512xf32, #tpu.memory_space<vmem>> -> memref<8x128xf32, #tpu.memory_space<vmem>>
      %dma_start3A_525 = arith.constant 0 : i32
      %dma_start3A_526 = arith.constant 0 : i32
      %dma_start3A_527 = tpu.memref_slice %arg4[%select_n3A_394, %dma_start3A_521, %add3A_520, %dma_start3A_525, %dma_start3A_526] : memref<200x4x32x8x128xf32, #tpu.memory_space<hbm>> -> memref<1x1x1x8x128xf32, #tpu.memory_space<hbm>>
      %dma_start3A_528 = tpu.memref_squeeze %dma_start3A_527 : memref<1x1x1x8x128xf32, #tpu.memory_space<hbm>> -> memref<8x128xf32, #tpu.memory_space<hbm>>
      %dma_start3A_529 = arith.constant 0 : i32
      %dma_start3A_530 = arith.constant 0 : i32
      %dma_start3A_531 = tpu.memref_slice %arg4[%select_n3A_394, %dma_start3A_521, %add3A_520, %dma_start3A_529, %dma_start3A_530] : memref<200x4x32x8x128xf32, #tpu.memory_space<hbm>> -> memref<1x1x1x8x128xf32, #tpu.memory_space<hbm>>
      %dma_start3A_532 = tpu.memref_squeeze %dma_start3A_531 : memref<1x1x1x8x128xf32, #tpu.memory_space<hbm>> -> memref<8x128xf32, #tpu.memory_space<hbm>>
      %dma_start3A_533 = arith.constant 8 : i32
      %dma_start3A_534 = arith.constant 384 : i32
      %dma_start3A_535 = tpu.memref_slice %arg9[%dma_start3A_533, %dma_start3A_534] : memref<32x512xf32, #tpu.memory_space<vmem>> -> memref<8x128xf32, #tpu.memory_space<vmem>>
      tpu.enqueue_dma source(%dma_start3A_535 : memref<8x128xf32, #tpu.memory_space<vmem>>) target(%dma_start3A_532 : memref<8x128xf32, #tpu.memory_space<hbm>>) target_semaphore(%arg13 : memref<!tpu.dma_semaphore, #tpu.memory_space<semaphore_mem>>)
      %add3A_536 = arith.constant 0 : i32
      %add3A_537 = arith.addi %mul3A_399, %add3A_536 : i32
      %dma_start3A_538 = arith.constant 2 : i32
      %dma_start3A_539 = arith.constant 16 : i32
      %dma_start3A_540 = arith.constant 0 : i32
      %dma_start3A_541 = tpu.memref_slice %arg9[%dma_start3A_539, %dma_start3A_540] : memref<32x512xf32, #tpu.memory_space<vmem>> -> memref<8x128xf32, #tpu.memory_space<vmem>>
      %dma_start3A_542 = arith.constant 0 : i32
      %dma_start3A_543 = arith.constant 0 : i32
      %dma_start3A_544 = tpu.memref_slice %arg4[%select_n3A_394, %dma_start3A_538, %add3A_537, %dma_start3A_542, %dma_start3A_543] : memref<200x4x32x8x128xf32, #tpu.memory_space<hbm>> -> memref<1x1x1x8x128xf32, #tpu.memory_space<hbm>>
      %dma_start3A_545 = tpu.memref_squeeze %dma_start3A_544 : memref<1x1x1x8x128xf32, #tpu.memory_space<hbm>> -> memref<8x128xf32, #tpu.memory_space<hbm>>
      %dma_start3A_546 = arith.constant 0 : i32
      %dma_start3A_547 = arith.constant 0 : i32
      %dma_start3A_548 = tpu.memref_slice %arg4[%select_n3A_394, %dma_start3A_538, %add3A_537, %dma_start3A_546, %dma_start3A_547] : memref<200x4x32x8x128xf32, #tpu.memory_space<hbm>> -> memref<1x1x1x8x128xf32, #tpu.memory_space<hbm>>
      %dma_start3A_549 = tpu.memref_squeeze %dma_start3A_548 : memref<1x1x1x8x128xf32, #tpu.memory_space<hbm>> -> memref<8x128xf32, #tpu.memory_space<hbm>>
      %dma_start3A_550 = arith.constant 16 : i32
      %dma_start3A_551 = arith.constant 0 : i32
      %dma_start3A_552 = tpu.memref_slice %arg9[%dma_start3A_550, %dma_start3A_551] : memref<32x512xf32, #tpu.memory_space<vmem>> -> memref<8x128xf32, #tpu.memory_space<vmem>>
      tpu.enqueue_dma source(%dma_start3A_552 : memref<8x128xf32, #tpu.memory_space<vmem>>) target(%dma_start3A_549 : memref<8x128xf32, #tpu.memory_space<hbm>>) target_semaphore(%arg13 : memref<!tpu.dma_semaphore, #tpu.memory_space<semaphore_mem>>)
      %add3A_553 = arith.constant 1 : i32
      %add3A_554 = arith.addi %mul3A_399, %add3A_553 : i32
      %dma_start3A_555 = arith.constant 2 : i32
      %dma_start3A_556 = arith.constant 16 : i32
      %dma_start3A_557 = arith.constant 128 : i32
      %dma_start3A_558 = tpu.memref_slice %arg9[%dma_start3A_556, %dma_start3A_557] : memref<32x512xf32, #tpu.memory_space<vmem>> -> memref<8x128xf32, #tpu.memory_space<vmem>>
      %dma_start3A_559 = arith.constant 0 : i32
      %dma_start3A_560 = arith.constant 0 : i32
      %dma_start3A_561 = tpu.memref_slice %arg4[%select_n3A_394, %dma_start3A_555, %add3A_554, %dma_start3A_559, %dma_start3A_560] : memref<200x4x32x8x128xf32, #tpu.memory_space<hbm>> -> memref<1x1x1x8x128xf32, #tpu.memory_space<hbm>>
      %dma_start3A_562 = tpu.memref_squeeze %dma_start3A_561 : memref<1x1x1x8x128xf32, #tpu.memory_space<hbm>> -> memref<8x128xf32, #tpu.memory_space<hbm>>
      %dma_start3A_563 = arith.constant 0 : i32
      %dma_start3A_564 = arith.constant 0 : i32
      %dma_start3A_565 = tpu.memref_slice %arg4[%select_n3A_394, %dma_start3A_555, %add3A_554, %dma_start3A_563, %dma_start3A_564] : memref<200x4x32x8x128xf32, #tpu.memory_space<hbm>> -> memref<1x1x1x8x128xf32, #tpu.memory_space<hbm>>
      %dma_start3A_566 = tpu.memref_squeeze %dma_start3A_565 : memref<1x1x1x8x128xf32, #tpu.memory_space<hbm>> -> memref<8x128xf32, #tpu.memory_space<hbm>>
      %dma_start3A_567 = arith.constant 16 : i32
      %dma_start3A_568 = arith.constant 128 : i32
      %dma_start3A_569 = tpu.memref_slice %arg9[%dma_start3A_567, %dma_start3A_568] : memref<32x512xf32, #tpu.memory_space<vmem>> -> memref<8x128xf32, #tpu.memory_space<vmem>>
      tpu.enqueue_dma source(%dma_start3A_569 : memref<8x128xf32, #tpu.memory_space<vmem>>) target(%dma_start3A_566 : memref<8x128xf32, #tpu.memory_space<hbm>>) target_semaphore(%arg13 : memref<!tpu.dma_semaphore, #tpu.memory_space<semaphore_mem>>)
      %add3A_570 = arith.constant 2 : i32
      %add3A_571 = arith.addi %mul3A_399, %add3A_570 : i32
      %dma_start3A_572 = arith.constant 2 : i32
      %dma_start3A_573 = arith.constant 16 : i32
      %dma_start3A_574 = arith.constant 256 : i32
      %dma_start3A_575 = tpu.memref_slice %arg9[%dma_start3A_573, %dma_start3A_574] : memref<32x512xf32, #tpu.memory_space<vmem>> -> memref<8x128xf32, #tpu.memory_space<vmem>>
      %dma_start3A_576 = arith.constant 0 : i32
      %dma_start3A_577 = arith.constant 0 : i32
      %dma_start3A_578 = tpu.memref_slice %arg4[%select_n3A_394, %dma_start3A_572, %add3A_571, %dma_start3A_576, %dma_start3A_577] : memref<200x4x32x8x128xf32, #tpu.memory_space<hbm>> -> memref<1x1x1x8x128xf32, #tpu.memory_space<hbm>>
      %dma_start3A_579 = tpu.memref_squeeze %dma_start3A_578 : memref<1x1x1x8x128xf32, #tpu.memory_space<hbm>> -> memref<8x128xf32, #tpu.memory_space<hbm>>
      %dma_start3A_580 = arith.constant 0 : i32
      %dma_start3A_581 = arith.constant 0 : i32
      %dma_start3A_582 = tpu.memref_slice %arg4[%select_n3A_394, %dma_start3A_572, %add3A_571, %dma_start3A_580, %dma_start3A_581] : memref<200x4x32x8x128xf32, #tpu.memory_space<hbm>> -> memref<1x1x1x8x128xf32, #tpu.memory_space<hbm>>
      %dma_start3A_583 = tpu.memref_squeeze %dma_start3A_582 : memref<1x1x1x8x128xf32, #tpu.memory_space<hbm>> -> memref<8x128xf32, #tpu.memory_space<hbm>>
      %dma_start3A_584 = arith.constant 16 : i32
      %dma_start3A_585 = arith.constant 256 : i32
      %dma_start3A_586 = tpu.memref_slice %arg9[%dma_start3A_584, %dma_start3A_585] : memref<32x512xf32, #tpu.memory_space<vmem>> -> memref<8x128xf32, #tpu.memory_space<vmem>>
      tpu.enqueue_dma source(%dma_start3A_586 : memref<8x128xf32, #tpu.memory_space<vmem>>) target(%dma_start3A_583 : memref<8x128xf32, #tpu.memory_space<hbm>>) target_semaphore(%arg13 : memref<!tpu.dma_semaphore, #tpu.memory_space<semaphore_mem>>)
      %add3A_587 = arith.constant 3 : i32
      %add3A_588 = arith.addi %mul3A_399, %add3A_587 : i32
      %dma_start3A_589 = arith.constant 2 : i32
      %dma_start3A_590 = arith.constant 16 : i32
      %dma_start3A_591 = arith.constant 384 : i32
      %dma_start3A_592 = tpu.memref_slice %arg9[%dma_start3A_590, %dma_start3A_591] : memref<32x512xf32, #tpu.memory_space<vmem>> -> memref<8x128xf32, #tpu.memory_space<vmem>>
      %dma_start3A_593 = arith.constant 0 : i32
      %dma_start3A_594 = arith.constant 0 : i32
      %dma_start3A_595 = tpu.memref_slice %arg4[%select_n3A_394, %dma_start3A_589, %add3A_588, %dma_start3A_593, %dma_start3A_594] : memref<200x4x32x8x128xf32, #tpu.memory_space<hbm>> -> memref<1x1x1x8x128xf32, #tpu.memory_space<hbm>>
      %dma_start3A_596 = tpu.memref_squeeze %dma_start3A_595 : memref<1x1x1x8x128xf32, #tpu.memory_space<hbm>> -> memref<8x128xf32, #tpu.memory_space<hbm>>
      %dma_start3A_597 = arith.constant 0 : i32
      %dma_start3A_598 = arith.constant 0 : i32
      %dma_start3A_599 = tpu.memref_slice %arg4[%select_n3A_394, %dma_start3A_589, %add3A_588, %dma_start3A_597, %dma_start3A_598] : memref<200x4x32x8x128xf32, #tpu.memory_space<hbm>> -> memref<1x1x1x8x128xf32, #tpu.memory_space<hbm>>
      %dma_start3A_600 = tpu.memref_squeeze %dma_start3A_599 : memref<1x1x1x8x128xf32, #tpu.memory_space<hbm>> -> memref<8x128xf32, #tpu.memory_space<hbm>>
      %dma_start3A_601 = arith.constant 16 : i32
      %dma_start3A_602 = arith.constant 384 : i32
      %dma_start3A_603 = tpu.memref_slice %arg9[%dma_start3A_601, %dma_start3A_602] : memref<32x512xf32, #tpu.memory_space<vmem>> -> memref<8x128xf32, #tpu.memory_space<vmem>>
      tpu.enqueue_dma source(%dma_start3A_603 : memref<8x128xf32, #tpu.memory_space<vmem>>) target(%dma_start3A_600 : memref<8x128xf32, #tpu.memory_space<hbm>>) target_semaphore(%arg13 : memref<!tpu.dma_semaphore, #tpu.memory_space<semaphore_mem>>)
      %add3A_604 = arith.constant 0 : i32
      %add3A_605 = arith.addi %mul3A_399, %add3A_604 : i32
      %dma_start3A_606 = arith.constant 3 : i32
      %dma_start3A_607 = arith.constant 24 : i32
      %dma_start3A_608 = arith.constant 0 : i32
      %dma_start3A_609 = tpu.memref_slice %arg9[%dma_start3A_607, %dma_start3A_608] : memref<32x512xf32, #tpu.memory_space<vmem>> -> memref<8x128xf32, #tpu.memory_space<vmem>>
      %dma_start3A_610 = arith.constant 0 : i32
      %dma_start3A_611 = arith.constant 0 : i32
      %dma_start3A_612 = tpu.memref_slice %arg4[%select_n3A_394, %dma_start3A_606, %add3A_605, %dma_start3A_610, %dma_start3A_611] : memref<200x4x32x8x128xf32, #tpu.memory_space<hbm>> -> memref<1x1x1x8x128xf32, #tpu.memory_space<hbm>>
      %dma_start3A_613 = tpu.memref_squeeze %dma_start3A_612 : memref<1x1x1x8x128xf32, #tpu.memory_space<hbm>> -> memref<8x128xf32, #tpu.memory_space<hbm>>
      %dma_start3A_614 = arith.constant 0 : i32
      %dma_start3A_615 = arith.constant 0 : i32
      %dma_start3A_616 = tpu.memref_slice %arg4[%select_n3A_394, %dma_start3A_606, %add3A_605, %dma_start3A_614, %dma_start3A_615] : memref<200x4x32x8x128xf32, #tpu.memory_space<hbm>> -> memref<1x1x1x8x128xf32, #tpu.memory_space<hbm>>
      %dma_start3A_617 = tpu.memref_squeeze %dma_start3A_616 : memref<1x1x1x8x128xf32, #tpu.memory_space<hbm>> -> memref<8x128xf32, #tpu.memory_space<hbm>>
      %dma_start3A_618 = arith.constant 24 : i32
      %dma_start3A_619 = arith.constant 0 : i32
      %dma_start3A_620 = tpu.memref_slice %arg9[%dma_start3A_618, %dma_start3A_619] : memref<32x512xf32, #tpu.memory_space<vmem>> -> memref<8x128xf32, #tpu.memory_space<vmem>>
      tpu.enqueue_dma source(%dma_start3A_620 : memref<8x128xf32, #tpu.memory_space<vmem>>) target(%dma_start3A_617 : memref<8x128xf32, #tpu.memory_space<hbm>>) target_semaphore(%arg13 : memref<!tpu.dma_semaphore, #tpu.memory_space<semaphore_mem>>)
      %add3A_621 = arith.constant 1 : i32
      %add3A_622 = arith.addi %mul3A_399, %add3A_621 : i32
      %dma_start3A_623 = arith.constant 3 : i32
      %dma_start3A_624 = arith.constant 24 : i32
      %dma_start3A_625 = arith.constant 128 : i32
      %dma_start3A_626 = tpu.memref_slice %arg9[%dma_start3A_624, %dma_start3A_625] : memref<32x512xf32, #tpu.memory_space<vmem>> -> memref<8x128xf32, #tpu.memory_space<vmem>>
      %dma_start3A_627 = arith.constant 0 : i32
      %dma_start3A_628 = arith.constant 0 : i32
      %dma_start3A_629 = tpu.memref_slice %arg4[%select_n3A_394, %dma_start3A_623, %add3A_622, %dma_start3A_627, %dma_start3A_628] : memref<200x4x32x8x128xf32, #tpu.memory_space<hbm>> -> memref<1x1x1x8x128xf32, #tpu.memory_space<hbm>>
      %dma_start3A_630 = tpu.memref_squeeze %dma_start3A_629 : memref<1x1x1x8x128xf32, #tpu.memory_space<hbm>> -> memref<8x128xf32, #tpu.memory_space<hbm>>
      %dma_start3A_631 = arith.constant 0 : i32
      %dma_start3A_632 = arith.constant 0 : i32
      %dma_start3A_633 = tpu.memref_slice %arg4[%select_n3A_394, %dma_start3A_623, %add3A_622, %dma_start3A_631, %dma_start3A_632] : memref<200x4x32x8x128xf32, #tpu.memory_space<hbm>> -> memref<1x1x1x8x128xf32, #tpu.memory_space<hbm>>
      %dma_start3A_634 = tpu.memref_squeeze %dma_start3A_633 : memref<1x1x1x8x128xf32, #tpu.memory_space<hbm>> -> memref<8x128xf32, #tpu.memory_space<hbm>>
      %dma_start3A_635 = arith.constant 24 : i32
      %dma_start3A_636 = arith.constant 128 : i32
      %dma_start3A_637 = tpu.memref_slice %arg9[%dma_start3A_635, %dma_start3A_636] : memref<32x512xf32, #tpu.memory_space<vmem>> -> memref<8x128xf32, #tpu.memory_space<vmem>>
      tpu.enqueue_dma source(%dma_start3A_637 : memref<8x128xf32, #tpu.memory_space<vmem>>) target(%dma_start3A_634 : memref<8x128xf32, #tpu.memory_space<hbm>>) target_semaphore(%arg13 : memref<!tpu.dma_semaphore, #tpu.memory_space<semaphore_mem>>)
      %add3A_638 = arith.constant 2 : i32
      %add3A_639 = arith.addi %mul3A_399, %add3A_638 : i32
      %dma_start3A_640 = arith.constant 3 : i32
      %dma_start3A_641 = arith.constant 24 : i32
      %dma_start3A_642 = arith.constant 256 : i32
      %dma_start3A_643 = tpu.memref_slice %arg9[%dma_start3A_641, %dma_start3A_642] : memref<32x512xf32, #tpu.memory_space<vmem>> -> memref<8x128xf32, #tpu.memory_space<vmem>>
      %dma_start3A_644 = arith.constant 0 : i32
      %dma_start3A_645 = arith.constant 0 : i32
      %dma_start3A_646 = tpu.memref_slice %arg4[%select_n3A_394, %dma_start3A_640, %add3A_639, %dma_start3A_644, %dma_start3A_645] : memref<200x4x32x8x128xf32, #tpu.memory_space<hbm>> -> memref<1x1x1x8x128xf32, #tpu.memory_space<hbm>>
      %dma_start3A_647 = tpu.memref_squeeze %dma_start3A_646 : memref<1x1x1x8x128xf32, #tpu.memory_space<hbm>> -> memref<8x128xf32, #tpu.memory_space<hbm>>
      %dma_start3A_648 = arith.constant 0 : i32
      %dma_start3A_649 = arith.constant 0 : i32
      %dma_start3A_650 = tpu.memref_slice %arg4[%select_n3A_394, %dma_start3A_640, %add3A_639, %dma_start3A_648, %dma_start3A_649] : memref<200x4x32x8x128xf32, #tpu.memory_space<hbm>> -> memref<1x1x1x8x128xf32, #tpu.memory_space<hbm>>
      %dma_start3A_651 = tpu.memref_squeeze %dma_start3A_650 : memref<1x1x1x8x128xf32, #tpu.memory_space<hbm>> -> memref<8x128xf32, #tpu.memory_space<hbm>>
      %dma_start3A_652 = arith.constant 24 : i32
      %dma_start3A_653 = arith.constant 256 : i32
      %dma_start3A_654 = tpu.memref_slice %arg9[%dma_start3A_652, %dma_start3A_653] : memref<32x512xf32, #tpu.memory_space<vmem>> -> memref<8x128xf32, #tpu.memory_space<vmem>>
      tpu.enqueue_dma source(%dma_start3A_654 : memref<8x128xf32, #tpu.memory_space<vmem>>) target(%dma_start3A_651 : memref<8x128xf32, #tpu.memory_space<hbm>>) target_semaphore(%arg13 : memref<!tpu.dma_semaphore, #tpu.memory_space<semaphore_mem>>)
      %add3A_655 = arith.constant 3 : i32
      %add3A_656 = arith.addi %mul3A_399, %add3A_655 : i32
      %dma_start3A_657 = arith.constant 3 : i32
      %dma_start3A_658 = arith.constant 24 : i32
      %dma_start3A_659 = arith.constant 384 : i32
      %dma_start3A_660 = tpu.memref_slice %arg9[%dma_start3A_658, %dma_start3A_659] : memref<32x512xf32, #tpu.memory_space<vmem>> -> memref<8x128xf32, #tpu.memory_space<vmem>>
      %dma_start3A_661 = arith.constant 0 : i32
      %dma_start3A_662 = arith.constant 0 : i32
      %dma_start3A_663 = tpu.memref_slice %arg4[%select_n3A_394, %dma_start3A_657, %add3A_656, %dma_start3A_661, %dma_start3A_662] : memref<200x4x32x8x128xf32, #tpu.memory_space<hbm>> -> memref<1x1x1x8x128xf32, #tpu.memory_space<hbm>>
      %dma_start3A_664 = tpu.memref_squeeze %dma_start3A_663 : memref<1x1x1x8x128xf32, #tpu.memory_space<hbm>> -> memref<8x128xf32, #tpu.memory_space<hbm>>
      %dma_start3A_665 = arith.constant 0 : i32
      %dma_start3A_666 = arith.constant 0 : i32
      %dma_start3A_667 = tpu.memref_slice %arg4[%select_n3A_394, %dma_start3A_657, %add3A_656, %dma_start3A_665, %dma_start3A_666] : memref<200x4x32x8x128xf32, #tpu.memory_space<hbm>> -> memref<1x1x1x8x128xf32, #tpu.memory_space<hbm>>
      %dma_start3A_668 = tpu.memref_squeeze %dma_start3A_667 : memref<1x1x1x8x128xf32, #tpu.memory_space<hbm>> -> memref<8x128xf32, #tpu.memory_space<hbm>>
      %dma_start3A_669 = arith.constant 24 : i32
      %dma_start3A_670 = arith.constant 384 : i32
      %dma_start3A_671 = tpu.memref_slice %arg9[%dma_start3A_669, %dma_start3A_670] : memref<32x512xf32, #tpu.memory_space<vmem>> -> memref<8x128xf32, #tpu.memory_space<vmem>>
      tpu.enqueue_dma source(%dma_start3A_671 : memref<8x128xf32, #tpu.memory_space<vmem>>) target(%dma_start3A_668 : memref<8x128xf32, #tpu.memory_space<hbm>>) target_semaphore(%arg13 : memref<!tpu.dma_semaphore, #tpu.memory_space<semaphore_mem>>)
    }
    %scan3A_18 = arith.constant 25 : i32
    %dma_wait3A = arith.constant 0 : i32
    %dma_wait3A_19 = arith.constant 0 : i32
    %dma_wait3A_20 = tpu.memref_slice %arg2[%dma_wait3A, %dma_wait3A_19] : memref<1000000x32xf32, #tpu.memory_space<hbm>> -> memref<512x32xf32, #tpu.memory_space<hbm>>
    %dma_wait3A_21 = arith.constant 0 : i32
    %dma_wait3A_22 = arith.constant 0 : i32
    %dma_wait3A_23 = tpu.memref_slice %arg2[%dma_wait3A_21, %dma_wait3A_22] : memref<1000000x32xf32, #tpu.memory_space<hbm>> -> memref<512x32xf32, #tpu.memory_space<hbm>>
    tpu.wait_dma2 semaphore(%arg12 : memref<!tpu.dma_semaphore, #tpu.memory_space<semaphore_mem>>) src(%dma_wait3A_23 : memref<512x32xf32, #tpu.memory_space<hbm>>) dst(%arg6 : memref<512x32xf32, #tpu.memory_space<vmem>>)
    %dma_wait3A_24 = arith.constant 0 : i32
    %dma_wait3A_25 = arith.constant 0 : i32
    %dma_wait3A_26 = tpu.memref_slice %arg2[%dma_wait3A_24, %dma_wait3A_25] : memref<1000000x32xf32, #tpu.memory_space<hbm>> -> memref<512x32xf32, #tpu.memory_space<hbm>>
    %dma_wait3A_27 = arith.constant 0 : i32
    %dma_wait3A_28 = arith.constant 0 : i32
    %dma_wait3A_29 = tpu.memref_slice %arg2[%dma_wait3A_27, %dma_wait3A_28] : memref<1000000x32xf32, #tpu.memory_space<hbm>> -> memref<512x32xf32, #tpu.memory_space<hbm>>
    tpu.wait_dma2 semaphore(%arg13 : memref<!tpu.dma_semaphore, #tpu.memory_space<semaphore_mem>>) src(%dma_wait3A_29 : memref<512x32xf32, #tpu.memory_space<hbm>>) dst(%arg7 : memref<512x32xf32, #tpu.memory_space<vmem>>)
    return
  }
}

</mosaic_0001>

<sc_bundles>
// kernel: kernel.4.cloned.1.call-start
scs
__scs_entry_jumppad:
0x0: {  	(pc) =	sbr.rel $0x88, $3  }
0x1: {  	(tag) =	ssettag $0x0;
	lr =	simm.s32 $0x1  }
0x2: {  	[smem:$0x3F9F] =	sst lr;
	_ =	strace $0xD0000000  }
0x3: {  	_ = 	snop  }
0x4: {  	_ = 	snop  }
0x5: {  	_ = 	snop  }
0x6: {  	_ = 	snop  }
0x7: {  	_ = 	snop  }
__scs_overlays_trampoline_lowered:
0x8: {  	[smem:$0x3FAE] =	sst s0  }
0x9: {  	[smem:$0x3FAF] =	sst s1  }
0xa: {  	[smem:$0x3FB0] =	sst s2  }
0xb: {  	[smem:$0x3FB1] =	sst s3  }
0xc: {  	[smem:$0x3FB2] =	sst s4  }
0xd: {  	[smem:$0x3FB3] =	sst s5  }
0xe: {  	[smem:$0x3FB4] =	sst s6  }
0xf: {  	[smem:$0x3FB5] =	sst s7  }
0x10: {  	[smem:$0x3FB6] =	sst s8  }
0x11: {  	[smem:$0x3FB7] =	sst s9;
	s0 =	simm.s32 @!p0 $0x0  }
0x12: {  	s1 =	sld [smem:$0x3F9D];
	s0 =	simm.s32 @p0 $0x1  }
0x13: {  	[smem:$0x3FB8] =	sst s0;
	s0 =	simm.s32 @!p1 $0x0  }
0x14: {  	s2 =	sld [smem:$0x3F9C];
	s0 =	simm.s32 @p1 $0x1  }
0x15: {  	[smem:$0x3FB9] =	sst s0;
	s0 =	simm.s32 @!p2 $0x0  }
0x16: {  	s3 =	sld [smem:$0x3FDB];
	s0 =	simm.s32 @p2 $0x1  }
0x17: {  	s4 =	simm.s32 $0x1BF5;
	[smem:$0x3FBB] =	sst s0  }
0x18: {  	s0 =	sld [smem:$0x3F9E];
	_ =	swait.ge [sflag:s4], $0x0  }
0x19: {  	s7 =	sld [smem:$0x3F9F]  }
0x1a: {  	s8 =	sadd.s32 $0xFFFFE003, lr  }
0x1b: {  	s9 =	sadd.s32 $0xFFFFFEF7, lr;
	s5 =	simm.s32 $0xFFFFFFFF;
	p2 =	slt.u32 s8, $0xFFFFF086  }
0x1c: {  	p1 =	slt.u32 s9, $0xF7A;
	s5 =	simm.s32 @!p2 $0x0  }
0x1d: {  	s5 =	simm.s32 @p1 $0x1;
	p0 =	seq.s32 s7, s2  }
0x1e: {  	s7 =	smul.u32 @!p0 $0xF7A, s2;
	p2 =	seq.s32 @!p0 s5, $0x0  }
0x1f: {  	s9 =	smul.u32 $0xF7A, s1;
	s8 =	simm.s32 @!p0 $0x1BF5;
	p2 =	por !p2, p0  }
0x20: {  	[sflag:s8] =	ssyncset.s32 @!p0 $0xFFFFF086;
	s6 =	sadd.s32 @!p0 s3, s7;
	s7 =	simm.s32 @!p0 $0x108  }
0x21: {  	s3 =	sadd.s32 s3, s9;
	s6 =	sadd.s32 @!p0 $0x88, s6;
	s7 =	simm.s32 @p2 $0x1082  }
0x22: {  	[simem:s7], [sflag:s8] =	dma.local @!p0 [hbm:s6], $0xF7A  }
0x23: {  	s9 =	sor.u32 $0xD0000000, s2;
	s6 =	simm.s32 $0x108;
	_ =	swait.ge @!p0 [sflag:s8], $0x0  }
0x24: {  	s3 =	sadd.s32 $0x88, s3;
	s6 =	simm.s32 @!p1 $0x1082;
	[sflag:s4] =	ssyncset.s32 $0xFFFFF086  }
0x25: {  	[simem:s6], [sflag:s4] =	dma.local [hbm:s3], $0xF7A  }
0x26: {  	[smem:$0x3F9F] =	sst s1;
	(tag) =	ssettag s2;
	_ =	strace s9  }
0x27: {  	s1 =	sld [smem:$0x3FAF]  }
0x28: {  	s2 =	sld [smem:$0x3FB0]  }
0x29: {  	s4 =	sld [smem:$0x3FB2]  }
0x2a: {  	p0 =	seq.s32 s5, $0x0;
	s5 =	sld [smem:$0x3FB3]  }
0x2b: {  	s6 =	sld [smem:$0x3FB4]  }
0x2c: {  	s7 =	sld [smem:$0x3FB5]  }
0x2d: {  	s3 =	simm.s32 $0x108;
	s8 =	sld [smem:$0x3FB6]  }
0x2e: {  	s3 =	simm.s32 @!p0 $0x1082;
	s9 =	sld [smem:$0x3FB7]  }
0x2f: {  	lr =	sadd.s32 s0, s3;
	s0 =	sld [smem:$0x3FAE]  }
0x30: {  	s3 =	sld [smem:$0x3FB1]  }
0x31: {  	[smem:$0x3FBA] =	sst s10  }
0x32: {  	s10 =	sld [smem:$0x3FB8];
	_ =	sdelay $0x3  }
0x33: {  	p0 =	seq.s32 s10, $0x1;
	s10 =	sld [smem:$0x3FBA];
	_ =	sdelay $0x3  }
0x34: {  	[smem:$0x3FBA] =	sst s10  }
0x35: {  	s10 =	sld [smem:$0x3FB9];
	_ =	sdelay $0x3  }
0x36: {  	p1 =	seq.s32 s10, $0x1;
	s10 =	sld [smem:$0x3FBA];
	_ =	sdelay $0x3  }
0x37: {  	[smem:$0x3FBA] =	sst s10  }
0x38: {  	s10 =	sld [smem:$0x3FBB]  }
0x39: {  	_ = 	snop;
	(pc) =	sbr.ind lr, $3  }
0x3a: {  	_ = 	snop  }
0x3b: {  	_ = 	snop  }
0x3c: {  	p2 =	seq.s32 s10, $0x1;
	s10 =	sld [smem:$0x3FBA]  }
0x3d: {  	_ =	shalt  }
0x3e: {  	_ =	shalt  }
0x3f: {  	_ =	shalt  }
0x40: {  	_ =	shalt  }
0x41: {  	_ =	shalt  }
0x42: {  	_ =	shalt  }
0x43: {  	_ =	shalt  }
0x44: {  	_ =	shalt  }
0x45: {  	_ =	shalt  }
0x46: {  	_ =	shalt  }
0x47: {  	_ =	shalt  }
0x48: {  	_ =	shalt  }
0x49: {  	_ =	shalt  }
0x4a: {  	_ =	shalt  }
0x4b: {  	_ =	shalt  }
0x4c: {  	_ =	shalt  }
0x4d: {  	_ =	shalt  }
0x4e: {  	_ =	shalt  }
0x4f: {  	_ =	shalt  }
0x50: {  	_ =	shalt  }
0x51: {  	_ =	shalt  }
0x52: {  	_ =	shalt  }
0x53: {  	_ =	shalt  }
0x54: {  	_ =	shalt  }
0x55: {  	_ =	shalt  }
0x56: {  	_ =	shalt  }
0x57: {  	_ =	shalt  }
0x58: {  	_ =	shalt  }
0x59: {  	_ =	shalt  }
0x5a: {  	_ =	shalt  }
0x5b: {  	_ =	shalt  }
0x5c: {  	_ =	shalt  }
0x5d: {  	_ =	shalt  }
0x5e: {  	_ =	shalt  }
0x5f: {  	_ =	shalt  }
0x60: {  	_ =	shalt  }
0x61: {  	_ =	shalt  }
0x62: {  	_ =	shalt  }
0x63: {  	_ =	shalt  }
0x64: {  	_ =	shalt  }
0x65: {  	_ =	shalt  }
0x66: {  	_ =	shalt  }
0x67: {  	_ =	shalt  }
0x68: {  	_ =	shalt  }
0x69: {  	_ =	shalt  }
0x6a: {  	_ =	shalt  }
0x6b: {  	_ =	shalt  }
0x6c: {  	_ =	shalt  }
0x6d: {  	_ =	shalt  }
0x6e: {  	_ =	shalt  }
0x6f: {  	_ =	shalt  }
0x70: {  	_ =	shalt  }
0x71: {  	_ =	shalt  }
0x72: {  	_ =	shalt  }
0x73: {  	_ =	shalt  }
0x74: {  	_ =	shalt  }
0x75: {  	_ =	shalt  }
0x76: {  	_ =	shalt  }
0x77: {  	_ =	shalt  }
0x78: {  	_ =	shalt  }
0x79: {  	_ =	shalt  }
0x7a: {  	_ =	shalt  }
0x7b: {  	_ =	shalt  }
0x7c: {  	_ =	shalt  }
0x7d: {  	_ =	shalt  }
0x7e: {  	_ =	shalt  }
0x7f: {  	_ =	shalt  }
0x80: {  	_ =	shalt  }
0x81: {  	_ =	shalt  }
0x82: {  	_ =	shalt  }
0x83: {  	_ =	shalt  }
0x84: {  	_ =	shalt  }
0x85: {  	_ =	shalt  }
0x86: {  	_ =	shalt  }
0x87: {  	_ =	shalt  }
.Lfunc_end0:
.L_simem_size_0:
called_computation_lowered:
.L_overlay_start_0:
0x88: {  	s2 =	sld [smem:$0x3FD9]  }
0x89: {  	s3 =	sld [smem:$0x3FFE];
	_ =	sdelay $0x1  }
0x8a: {  	s1 =	srdreg.scid  }
0x8b: {  	s0 =	sand.u32 $0x1, s1  }
0x8c: {  	s17 =	sshll.u32 s0, $0xA;
	s2 =	sadd.s32 s3, s2  }
0x8d: {  	s2 =	sadd.s32 s2, s17  }
0x8e: {  	[smem:$0x3FC6] =	sst s2  }
0x8f: {  	_ = 	snop  }
0x90: {  	s2 =	sld [smem:$0x3FC8]  }
0x91: {  	s18 =	sld [smem:$0x3FD0];
	(tm) =	ssettm $0x1  }
0x92: {  	s4 =	sld [smem:$0x3FFB];
	_ =	sdelay $0x3  }
0x93: {  	_ =	strace s4  }
0x94: {  	s4 =	sld [smem:$0x3FFC];
	_ =	sdelay $0x3  }
0x95: {  	_ =	strace s4  }
0x96: {  	s4 =	sld [smem:$0x3FFD];
	_ =	sdelay $0x3  }
0x97: {  	_ =	strace s4  }
0x98: {  	_ =	strace $0x8FFFFFFF  }
0x99: {  	s19 =	sld [smem:$0x3FDB];
	_ =	sdelay $0x1  }
0x9a: {  	s5 =	simm.s32 $_scs_section_size  }
0x9b: {  	s6 =	simm.s32 $_size__tile_overlayer_lowered;
	s7 =	simm.s32 $_tile_overlayer_lowered  }
0x9c: {  	s22 =	simm.s32 $0x1BFF;
	s21 =	sshll.u32 s7, $0x1;
	s4 =	sadd.s32 s5, s19  }
0x9d: {  	s8 =	simm.s32 $0x0;
	s20 =	sshll.u32 s6, $0x1;
	s6 =	sadd.s32 s21, s4  }
0x9e: {  	[timem:s8], [sflag:s22] =	dma.local [hbm:s6], s20  }
0x9f: {  	_ =	swait.ge [sflag:s22], s20  }
0xa0: {  	s5 =	ssub.s32 $0x0, s20;
	[sflag:s22] =	ssyncset.done $0x0  }
0xa1: {  	[sflag:s22] =	ssyncadd.s32 s5;
	_ =	sdelay $0x1  }
0xa2: {  	s23 =	simm.s32 $0x1B8B  }
0xa3: {  	_ =	swait.ge [sflag:s23], $0x1  }
0xa4: {  	[sflag:s23] =	ssyncset.done $0x0  }
0xa5: {  	s25 =	simm.s32 $0x1B8E;
	s24 =	sld [smem:$0x3FFE];
	[sflag:s23] =	ssyncadd.s32 $0xFFFFFFFF  }
0xa6: {  	s26 =	simm.s32 $execute0_lowered;
	[smem:$0x3FD2] =	sst s25  }
0xa7: {  	s6 =	sshll.u32 s26, $0x1;
	_ =	strace $0x80000046;
	[dreg:$0x1] =	wrdreg $0xFFFFFFFF  }
0xa8: {  	s28 =	simm.s32 $_size_execute0_lowered;
	s4 =	sadd.s32 s4, s6;
	[dreg:$0x0] =	wrdreg $0x0  }
0xa9: {  	s6 =	sshll.u32 s28, $0x1;
	[dreg:$0x2] =	wrdreg s4  }
0xaa: {  	[dreg:$0x3] =	wrdreg s6  }
0xab: {  	[dreg:$0x4] =	wrdreg $0xC0  }
0xac: {  	_ =	task [dreg:s8], $0x5FFFF  }
0xad: {  	[dreg:$0x1] =	wrdreg $0xFFFFFFFF  }
0xae: {  	[dreg:$0x0] =	wrdreg $0x60  }
0xaf: {  	[dreg:$0x2] =	wrdreg s2  }
0xb0: {  	[dreg:$0x3] =	wrdreg s18  }
0xb1: {  	[dreg:$0x4] =	wrdreg s24  }
0xb2: {  	[dreg:$0x5] =	wrdreg $0x9  }
0xb3: {  	_ =	task.clear_ibuf [dreg:s8], $0x6FFFF;
	_ =	strace $0x90000046  }
0xb4: {  	s29 =	simm.s32 $0x9;
	_ =	strace $0x80000048  }
0xb5: {  	_ =	swait.ge [sflag:s29], $0x1  }
0xb6: {  	[sflag:s29] =	ssyncadd.s32 $0xFFFFFFFF  }
0xb7: {  	_ =	strace $0x90000048  }
0xb8: {  	_ =	sfence  }
0xb9: {  	s30 =	sld [smem:$0x0];
	_ =	sdelay $0x2  }
0xba: {  	s31 =	sshll.u32 s1, $0xD;
	s1 =	sshrl.u32 s1, $0x2  }
0xbb: {  	s3 =	sand.u32 $0x4000, s31;
	s1 =	sadd.s32 s1, s30  }
0xbc: {  	s0 =	sor.u32 s3, s0;
	s1 =	sshll.u32 s1, $0x11  }
0xbd: {  	s0 =	sor.u32 s1, s0  }
0xbe: {  	s0 =	sadd.s32 $0x8F2B, s0  }
0xbf: {  	[sflag:s0] =	ssyncadd.remote.s32 $0x1  }
0xc0: {  	_ =	sfence.sel $0xFFFF  }
0xc1: {  	[dreg:$0x0] =	wrdreg $0xFFFFFFFF;
	(pc) =	sbr.abs _section_cstart, $3  }
0xc2: {  	[dreg:$0x1] =	wrdreg $0xFFFFFFFF  }
0xc3: {  	_ =	task.clear_ibuf [dreg:s8], $0x2FFFF;
	_ =	strace $0x9FFFFFFF  }
0xc4: {  	(tm) =	ssettm $0x7FFFFFFF  }
0xc5: {  	_ =	shalt  }
tec
execute0_lowered:
.L_overlay_start_1:
0x0: {  	(tag) =	ssettag $0x1  }
0x1: {  	s1 =	rddreg [dreg:$0x0]  }
0x2: {  	s0 =	rddreg [dreg:$0x2];
	s3 =	simm.s32 $0x0  }
0x3: {  	[smem:$0x7FF] =	sst s3;
	s2 =	sadd.s32 $0x3D1200, s0  }
0x4: {  	s21 =	sadd.s32 $0x3D1204, s0;
	_ =	strace $0x80000047;
	[dreg:$0x4] =	wrdreg s2  }
0x5: {  	s22 =	sadd.s32 $0x3D1208, s0;
	[dreg:$0x5] =	wrdreg s21  }
0x6: {  	s23 =	sadd.s32 $0x3D120C, s0;
	[dreg:$0x6] =	wrdreg s22  }
0x7: {  	s24 =	sadd.s32 $0x3D1210, s0;
	[dreg:$0x7] =	wrdreg s23  }
0x8: {  	s25 =	sadd.s32 $0x3D1214, s0;
	[dreg:$0x8] =	wrdreg s24  }
0x9: {  	s26 =	sadd.s32 $0x3D1218, s0;
	[dreg:$0x9] =	wrdreg s25  }
0xa: {  	s28 =	sadd.s32 $0x3D121C, s0;
	[dreg:$0xa] =	wrdreg s26  }
0xb: {  	s29 =	sadd.s32 $0x3D1220, s0;
	[dreg:$0xb] =	wrdreg s28  }
0xc: {  	s30 =	sadd.s32 $0x3D1224, s0;
	[dreg:$0xc] =	wrdreg s29  }
0xd: {  	s31 =	sadd.s32 $0x3D1228, s0;
	[dreg:$0xd] =	wrdreg s30  }
0xe: {  	s4 =	sadd.s32 $0x3D122C, s0;
	[dreg:$0xe] =	wrdreg s31  }
0xf: {  	s5 =	sadd.s32 $0x3D1230, s0;
	[dreg:$0xf] =	wrdreg s4  }
0x10: {  	s6 =	sadd.s32 $0x3D1234, s0;
	[dreg:$0x10] =	wrdreg s5  }
0x11: {  	s7 =	sadd.s32 $0x3D1238, s0;
	[dreg:$0x11] =	wrdreg s6  }
0x12: {  	s8 =	sadd.s32 $0x3D123C, s0;
	[dreg:$0x12] =	wrdreg s7  }
0x13: {  	s9 =	sadd.s32 $0x3D1240, s0;
	[dreg:$0x13] =	wrdreg s8  }
0x14: {  	s10 =	sadd.s32 $0x3D1244, s0;
	[dreg:$0x14] =	wrdreg s9  }
0x15: {  	s11 =	sadd.s32 $0x3D1248, s0;
	[dreg:$0x15] =	wrdreg s10  }
0x16: {  	s12 =	sadd.s32 $0x3D124C, s0;
	[dreg:$0x16] =	wrdreg s11  }
0x17: {  	s13 =	sadd.s32 $0x3D1250, s0;
	[dreg:$0x17] =	wrdreg s12  }
0x18: {  	s14 =	sadd.s32 $0x3D1254, s0;
	[dreg:$0x18] =	wrdreg s13  }
0x19: {  	s15 =	sadd.s32 $0x3D1258, s0;
	[dreg:$0x19] =	wrdreg s14  }
0x1a: {  	s16 =	sadd.s32 $0x3D125C, s0;
	[dreg:$0x1a] =	wrdreg s15  }
0x1b: {  	s17 =	sadd.s32 $0x3D1260, s0;
	[dreg:$0x1b] =	wrdreg s16  }
0x1c: {  	s18 =	sadd.s32 $0x3D1264, s0;
	[dreg:$0x1c] =	wrdreg s17  }
0x1d: {  	s19 =	sadd.s32 $0x3D1268, s0;
	[dreg:$0x1d] =	wrdreg s18  }
0x1e: {  	s20 =	sadd.s32 $0x3D126C, s0;
	[dreg:$0x1e] =	wrdreg s19;
	s21 =	sadd.s32 $0x3D1270, s0  }
0x1f: {  	[dreg:$0x1f] =	wrdreg s20;
	s22 =	sadd.s32 $0x3D1274, s0;
	s23 =	sadd.s32 $0x3D1278, s0  }
0x20: {  	s24 =	sadd.s32 $0x3D127C, s0;
	[smem:$0x7DA] =	sst s21  }
0x21: {  	s25 =	sadd.s32 $0x3D1280, s0;
	[smem:$0x7DB] =	sst s22  }
0x22: {  	s26 =	sadd.s32 $0x3D1284, s0;
	[smem:$0x7DC] =	sst s23  }
0x23: {  	s28 =	sadd.s32 $0x3D1288, s0;
	[smem:$0x7DD] =	sst s24  }
0x24: {  	s29 =	sadd.s32 $0x3D128C, s0;
	[smem:$0x7DE] =	sst s25  }
0x25: {  	s30 =	sadd.s32 $0x3D1290, s0;
	[smem:$0x7DF] =	sst s26  }
0x26: {  	s31 =	sadd.s32 $0x3D1294, s0;
	[smem:$0x7E0] =	sst s28  }
0x27: {  	s4 =	sadd.s32 $0x3D1298, s0;
	[smem:$0x7E1] =	sst s29  }
0x28: {  	s5 =	sadd.s32 $0x3D129C, s0;
	[smem:$0x7E2] =	sst s30  }
0x29: {  	s6 =	sadd.s32 $0x3D12A0, s0;
	[smem:$0x7E3] =	sst s31  }
0x2a: {  	s7 =	sadd.s32 $0x3D12A4, s0;
	[smem:$0x7E4] =	sst s4  }
0x2b: {  	s8 =	sadd.s32 $0x3D12A8, s0;
	[smem:$0x7E5] =	sst s5  }
0x2c: {  	s9 =	sadd.s32 $0x3D12AC, s0;
	[smem:$0x7E6] =	sst s6  }
0x2d: {  	s10 =	sadd.s32 $0x3D12B0, s0;
	[smem:$0x7E7] =	sst s7  }
0x2e: {  	s12 =	sadd.s32 $0x3D12B8, s0;
	[smem:$0x7E8] =	sst s8  }
0x2f: {  	s13 =	sadd.s32 $0x3D12BC, s0;
	[smem:$0x7E9] =	sst s9  }
0x30: {  	s14 =	sadd.s32 $0x3D12C0, s0;
	[smem:$0x7EA] =	sst s10  }
0x31: {  	s16 =	sadd.s32 $0x3D12C8, s0;
	[smem:$0x7EC] =	sst s12  }
0x32: {  	s18 =	sadd.s32 $0x3D12D0, s0;
	[smem:$0x7ED] =	sst s13  }
0x33: {  	s19 =	sadd.s32 $0x3D12D4, s0;
	[smem:$0x7EE] =	sst s14  }
0x34: {  	s20 =	sadd.s32 $0x3D12D8, s0;
	[smem:$0x7F0] =	sst s16  }
0x35: {  	s4 =	sadd.s32 $0x3D12B4, s0;
	[smem:$0x7F2] =	sst s18  }
0x36: {  	s5 =	sadd.s32 $0x3D12C4, s0;
	[smem:$0x7F3] =	sst s19  }
0x37: {  	s6 =	sadd.s32 $0x3D12CC, s0;
	[smem:$0x7F4] =	sst s20  }
0x38: {  	s22 =	sadd.s32 $0x3D12DC, s0;
	[smem:$0x7EB] =	sst s4  }
0x39: {  	v0 =	vimm.s32 $0x1380;
	s23 =	sadd.s32 $0x3D12E0, s0;
	[smem:$0x7EF] =	sst s5  }
0x3a: {  	vm0 =	vcmask $0x300;
	vm1 =	vcmask $0x704;
	v1 =	vimm.s32 $0x3380;
	s24 =	sadd.s32 $0x3D12E4, s0;
	[smem:$0x7F1] =	sst s6  }
0x3b: {  	vm2 =	vcmask $0xB08;
	v0 =	vsel vm0, $0x0, v0;
	v1 =	vsel vm0, $0x2000, v1;
	s25 =	sadd.s32 $0x3D12E8, s0;
	[smem:$0x7F5] =	sst s22  }
0x3c: {  	vm4 =	vcmask $0xF0C;
	s11 =	srdreg.scid;
	v0 =	vsel vm1, $0x80, v0;
	v1 =	vsel vm1, $0x2080, v1;
	s26 =	sadd.s32 $0x3D12EC, s0;
	[smem:$0x7F6] =	sst s23  }
0x3d: {  	vm5 =	vcmask $0x1310;
	s2 =	sand.u32 $0x1, s11;
	s28 =	sadd.s32 $0x3D12F0, s0;
	v0 =	vsel vm2, $0x100, v0;
	v1 =	vsel vm2, $0x2100, v1;
	[smem:$0x7F7] =	sst s24  }
0x3e: {  	vm6 =	vcmask $0x1714;
	s21 =	stileid.u32;
	s29 =	sadd.s32 $0x3D12F4, s0;
	[smem:$0x7F8] =	sst s25;
	v0 =	vsel vm4, $0x180, v0;
	v1 =	vsel vm4, $0x2180, v1  }
0x3f: {  	s30 =	sadd.s32 $0x3D12F8, s0;
	s10 =	sadd.s32 $0xA00, s0;
	[smem:$0x7F9] =	sst s26;
	v0 =	vsel vm5, $0x200, v0;
	v1 =	vsel vm5, $0x2200, v1  }
0x40: {  	vm7 =	vcmask $0x1B18;
	s0 =	sadd.s32 $0x3D12FC, s0;
	s13 =	simm.s32 $0x4;
	[smem:$0x7FA] =	sst s28;
	v0 =	vsel vm6, $0x280, v0;
	v1 =	vsel vm6, $0x2280, v1  }
0x41: {  	vm8 =	vcmask $0x1F1C;
	s14 =	simm.s32 $0x3;
	s19 =	simm.s32 $0x7A1400;
	[smem:$0x7FB] =	sst s29;
	v0 =	vsel vm7, $0x300, v0;
	v1 =	vsel vm7, $0x2300, v1  }
0x42: {  	vm9 =	vcmask $0x2320;
	s20 =	simm.s32 $0x1;
	s15 =	ssub.s32 $0x2, s2;
	[smem:$0x7FC] =	sst s30;
	v0 =	vsel vm8, $0x380, v0;
	v1 =	vsel vm8, $0x2380, v1  }
0x43: {  	vm10 =	vcmask $0x2724;
	s5 =	sshll.u32 s21, $0x1;
	[smem:$0x7FD] =	sst s0;
	s21 =	simm.s32 $0x8000;
	v0 =	vsel vm9, $0x1000, v0;
	v1 =	vsel vm9, $0x3000, v1  }
0x44: {  	vm11 =	vcmask $0x2B28;
	s22 =	simm.s32 $0x2;
	s23 =	simm.s32 $0x4000;
	s24 =	simm.s32 $0xC000;
	v0 =	vsel vm10, $0x1080, v0;
	v1 =	vsel vm10, $0x3080, v1  }
.Ltmp0:
0x45: {  	vm12 =	vcmask $0x2F2C;
	s25 =	simm.s32 $0x0;
	s17 =	sshrl.u32 s15, $0x1;
	v0 =	vsel vm11, $0x1100, v0;
	v1 =	vsel vm11, $0x3100, v1;
	(pc) =	sbr.rel .LBB2_1-.Ltmp0, $4  }
0x46: {  	vm13 =	vcmask $0x3330;
	s26 =	simm.s32 $0x0;
	s5 =	sor.u32 s2, s5;
	s4 =	ssub.s32 s15, s17;
	v0 =	vsel vm12, $0x1180, v0;
	v1 =	vsel vm12, $0x3180, v1  }
0x47: {  	vm14 =	vcmask $0x3734;
	p0 =	seq.s32 s5, $0x0;
	s31 =	sshll.u32 s5, $0x9;
	s16 =	sor.u32 $0x40, s5;
	v0 =	vsel vm13, $0x1200, v0;
	v1 =	vsel vm13, $0x3200, v1  }
0x48: {  	vm15 =	vcmask $0x3B38;
	s17 =	simm.s32 $0x5;
	s12 =	sadd.s32 s1, s31;
	s15 =	smax.u32 s4, $0x1;
	v0 =	vsel vm14, $0x1280, v0;
	v1 =	vsel vm14, $0x3280, v1  }
0x49: {  	s13 =	simm.s32 @!p0 $0x3;
	s14 =	simm.s32 @!p0 $0x4;
	p0 =	sne.s32 s5, $0x0;
	v0 =	vsel vm15, $0x1300, v0;
	v1 =	vsel vm15, $0x3300, v1  }
.LBB2_11:
0x4a: {  	s25 =	sadd.s32 $0x1, s25  }
0x4b: {  	_ =	swait.ge [sflag:s13], $0x4000;
	p1 =	sne.s32 s25, s15  }
.Ltmp1:
0x4c: {  	[sflag:s13] =	ssyncset.done $0x0;
	(pc) =	sbr.rel @!p1 .LBB2_12-.Ltmp1, $4  }
0x4d: {  	[sflag:s13] =	ssyncadd.s32 $0xFFFFC000  }
0x4e: {  	_ =	swait.ge [sflag:s14], $0x4000  }
0x4f: {  	[sflag:s14] =	ssyncset.done $0x0  }
0x50: {  	[sflag:s14] =	ssyncadd.s32 $0xFFFFC000  }
.LBB2_1:
.Ltmp2:
0x51: {  	(pc) =	sbr.rel @p0 .LBB2_3-.Ltmp2, $1  }
0x52: {  	_ =	sdelay $0x3  }
0x53: {  	s0 =	rddreg [dreg:$0x1];
	s2 =	simm.s32 $0x10000  }
0x54: {  	[tilespmem:s2], [sflag:$0x5] =	stream.linear.gather [hbm4b:s0+s3], $0x2000, $0x38;
	[tilespmem:$0x12000] =	vst v63  }
0x55: {  	_ =	swait.ge [sflag:s17], $0x2000  }
0x56: {  	[sflag:s17] =	ssyncset.done $0x0  }
0x57: {  	s9 =	rddreg [dreg:$0x4];
	[sflag:s17] =	ssyncadd.s32 $0xFFFFE000  }
0x58: {  	[hbm4b:s9+s3] =	stream.linear.scatter [tilespmem:s2], [sflag:$0x5], $0x20, $0x38;
	[tilespmem:$0x12000] =	vst v63  }
0x59: {  	_ =	swait.ge [sflag:s17], $0x20  }
0x5a: {  	[sflag:s17] =	ssyncset.done $0x0  }
0x5b: {  	s18 =	simm.s32 $0x10080;
	s11 =	rddreg [dreg:$0x5];
	[sflag:s17] =	ssyncadd.s32 $0xFFFFFFE0  }
0x5c: {  	[hbm4b:s11+s3] =	stream.linear.scatter [tilespmem:s18], [sflag:$0x5], $0x20, $0x38;
	[tilespmem:$0x12000] =	vst v63  }
0x5d: {  	_ =	swait.ge [sflag:s17], $0x20  }
0x5e: {  	[sflag:s17] =	ssyncset.done $0x0  }
0x5f: {  	s29 =	simm.s32 $0x10100;
	s28 =	rddreg [dreg:$0x6];
	[sflag:s17] =	ssyncadd.s32 $0xFFFFFFE0  }
0x60: {  	[hbm4b:s28+s3] =	stream.linear.scatter [tilespmem:s29], [sflag:$0x5], $0x20, $0x38;
	[tilespmem:$0x12000] =	vst v63  }
0x61: {  	_ =	swait.ge [sflag:s17], $0x20  }
0x62: {  	[sflag:s17] =	ssyncset.done $0x0  }
0x63: {  	s31 =	simm.s32 $0x10180;
	s30 =	rddreg [dreg:$0x7];
	[sflag:s17] =	ssyncadd.s32 $0xFFFFFFE0  }
0x64: {  	[hbm4b:s30+s3] =	stream.linear.scatter [tilespmem:s31], [sflag:$0x5], $0x20, $0x38;
	[tilespmem:$0x12000] =	vst v63  }
0x65: {  	_ =	swait.ge [sflag:s17], $0x20  }
0x66: {  	[sflag:s17] =	ssyncset.done $0x0  }
0x67: {  	s4 =	simm.s32 $0x10200;
	s2 =	rddreg [dreg:$0x8];
	[sflag:s17] =	ssyncadd.s32 $0xFFFFFFE0  }
0x68: {  	[hbm4b:s2+s3] =	stream.linear.scatter [tilespmem:s4], [sflag:$0x5], $0x20, $0x38;
	[tilespmem:$0x12000] =	vst v63  }
0x69: {  	_ =	swait.ge [sflag:s17], $0x20  }
0x6a: {  	[sflag:s17] =	ssyncset.done $0x0  }
0x6b: {  	s7 =	simm.s32 $0x10280;
	s6 =	rddreg [dreg:$0x9];
	[sflag:s17] =	ssyncadd.s32 $0xFFFFFFE0  }
0x6c: {  	[hbm4b:s6+s3] =	stream.linear.scatter [tilespmem:s7], [sflag:$0x5], $0x20, $0x38;
	[tilespmem:$0x12000] =	vst v63  }
0x6d: {  	_ =	swait.ge [sflag:s17], $0x20  }
0x6e: {  	[sflag:s17] =	ssyncset.done $0x0  }
0x6f: {  	s9 =	simm.s32 $0x10300;
	s8 =	rddreg [dreg:$0xa];
	[sflag:s17] =	ssyncadd.s32 $0xFFFFFFE0  }
0x70: {  	[hbm4b:s8+s3] =	stream.linear.scatter [tilespmem:s9], [sflag:$0x5], $0x20, $0x38;
	[tilespmem:$0x12000] =	vst v63  }
0x71: {  	_ =	swait.ge [sflag:s17], $0x20  }
0x72: {  	[sflag:s17] =	ssyncset.done $0x0  }
0x73: {  	s18 =	simm.s32 $0x10380;
	s11 =	rddreg [dreg:$0xb];
	[sflag:s17] =	ssyncadd.s32 $0xFFFFFFE0  }
0x74: {  	[hbm4b:s11+s3] =	stream.linear.scatter [tilespmem:s18], [sflag:$0x5], $0x20, $0x38;
	[tilespmem:$0x12000] =	vst v63  }
0x75: {  	_ =	swait.ge [sflag:s17], $0x20  }
0x76: {  	[sflag:s17] =	ssyncset.done $0x0  }
0x77: {  	s29 =	simm.s32 $0x10400;
	s28 =	rddreg [dreg:$0xc];
	[sflag:s17] =	ssyncadd.s32 $0xFFFFFFE0  }
0x78: {  	[hbm4b:s28+s3] =	stream.linear.scatter [tilespmem:s29], [sflag:$0x5], $0x20, $0x38;
	[tilespmem:$0x12000] =	vst v63  }
0x79: {  	_ =	swait.ge [sflag:s17], $0x20  }
0x7a: {  	[sflag:s17] =	ssyncset.done $0x0  }
0x7b: {  	s31 =	simm.s32 $0x10480;
	s30 =	rddreg [dreg:$0xd];
	[sflag:s17] =	ssyncadd.s32 $0xFFFFFFE0  }
0x7c: {  	[hbm4b:s30+s3] =	stream.linear.scatter [tilespmem:s31], [sflag:$0x5], $0x20, $0x38;
	[tilespmem:$0x12000] =	vst v63  }
0x7d: {  	_ =	swait.ge [sflag:s17], $0x20  }
0x7e: {  	[sflag:s17] =	ssyncset.done $0x0  }
0x7f: {  	s4 =	simm.s32 $0x10500;
	s2 =	rddreg [dreg:$0xe];
	[sflag:s17] =	ssyncadd.s32 $0xFFFFFFE0  }
0x80: {  	[hbm4b:s2+s3] =	stream.linear.scatter [tilespmem:s4], [sflag:$0x5], $0x20, $0x38;
	[tilespmem:$0x12000] =	vst v63  }
0x81: {  	_ =	swait.ge [sflag:s17], $0x20  }
0x82: {  	[sflag:s17] =	ssyncset.done $0x0  }
0x83: {  	s7 =	simm.s32 $0x10580;
	s6 =	rddreg [dreg:$0xf];
	[sflag:s17] =	ssyncadd.s32 $0xFFFFFFE0  }
0x84: {  	[hbm4b:s6+s3] =	stream.linear.scatter [tilespmem:s7], [sflag:$0x5], $0x20, $0x38;
	[tilespmem:$0x12000] =	vst v63  }
0x85: {  	_ =	swait.ge [sflag:s17], $0x20  }
0x86: {  	[sflag:s17] =	ssyncset.done $0x0  }
0x87: {  	s9 =	simm.s32 $0x10600;
	s8 =	rddreg [dreg:$0x10];
	[sflag:s17] =	ssyncadd.s32 $0xFFFFFFE0  }
0x88: {  	[hbm4b:s8+s3] =	stream.linear.scatter [tilespmem:s9], [sflag:$0x5], $0x20, $0x38;
	[tilespmem:$0x12000] =	vst v63  }
0x89: {  	_ =	swait.ge [sflag:s17], $0x20  }
0x8a: {  	[sflag:s17] =	ssyncset.done $0x0  }
0x8b: {  	s18 =	simm.s32 $0x10680;
	s11 =	rddreg [dreg:$0x11];
	[sflag:s17] =	ssyncadd.s32 $0xFFFFFFE0  }
0x8c: {  	[hbm4b:s11+s3] =	stream.linear.scatter [tilespmem:s18], [sflag:$0x5], $0x20, $0x38;
	[tilespmem:$0x12000] =	vst v63  }
0x8d: {  	_ =	swait.ge [sflag:s17], $0x20  }
0x8e: {  	[sflag:s17] =	ssyncset.done $0x0  }
0x8f: {  	s29 =	simm.s32 $0x10700;
	s28 =	rddreg [dreg:$0x12];
	[sflag:s17] =	ssyncadd.s32 $0xFFFFFFE0  }
0x90: {  	[hbm4b:s28+s3] =	stream.linear.scatter [tilespmem:s29], [sflag:$0x5], $0x20, $0x38;
	[tilespmem:$0x12000] =	vst v63  }
0x91: {  	_ =	swait.ge [sflag:s17], $0x20  }
0x92: {  	[sflag:s17] =	ssyncset.done $0x0  }
0x93: {  	s31 =	simm.s32 $0x10780;
	s30 =	rddreg [dreg:$0x13];
	[sflag:s17] =	ssyncadd.s32 $0xFFFFFFE0  }
0x94: {  	[hbm4b:s30+s3] =	stream.linear.scatter [tilespmem:s31], [sflag:$0x5], $0x20, $0x38;
	[tilespmem:$0x12000] =	vst v63  }
0x95: {  	_ =	swait.ge [sflag:s17], $0x20  }
0x96: {  	[sflag:s17] =	ssyncset.done $0x0  }
0x97: {  	s4 =	simm.s32 $0x10800;
	s2 =	rddreg [dreg:$0x14];
	[sflag:s17] =	ssyncadd.s32 $0xFFFFFFE0  }
0x98: {  	[hbm4b:s2+s3] =	stream.linear.scatter [tilespmem:s4], [sflag:$0x5], $0x20, $0x38;
	[tilespmem:$0x12000] =	vst v63  }
0x99: {  	_ =	swait.ge [sflag:s17], $0x20  }
0x9a: {  	[sflag:s17] =	ssyncset.done $0x0  }
0x9b: {  	s7 =	simm.s32 $0x10880;
	s6 =	rddreg [dreg:$0x15];
	[sflag:s17] =	ssyncadd.s32 $0xFFFFFFE0  }
0x9c: {  	[hbm4b:s6+s3] =	stream.linear.scatter [tilespmem:s7], [sflag:$0x5], $0x20, $0x38;
	[tilespmem:$0x12000] =	vst v63  }
0x9d: {  	_ =	swait.ge [sflag:s17], $0x20  }
0x9e: {  	[sflag:s17] =	ssyncset.done $0x0  }
0x9f: {  	s9 =	simm.s32 $0x10900;
	s8 =	rddreg [dreg:$0x16];
	[sflag:s17] =	ssyncadd.s32 $0xFFFFFFE0  }
0xa0: {  	[hbm4b:s8+s3] =	stream.linear.scatter [tilespmem:s9], [sflag:$0x5], $0x20, $0x38;
	[tilespmem:$0x12000] =	vst v63  }
0xa1: {  	_ =	swait.ge [sflag:s17], $0x20  }
0xa2: {  	[sflag:s17] =	ssyncset.done $0x0  }
0xa3: {  	s18 =	simm.s32 $0x10980;
	s11 =	rddreg [dreg:$0x17];
	[sflag:s17] =	ssyncadd.s32 $0xFFFFFFE0  }
0xa4: {  	[hbm4b:s11+s3] =	stream.linear.scatter [tilespmem:s18], [sflag:$0x5], $0x20, $0x38;
	[tilespmem:$0x12000] =	vst v63  }
0xa5: {  	_ =	swait.ge [sflag:s17], $0x20  }
0xa6: {  	[sflag:s17] =	ssyncset.done $0x0  }
0xa7: {  	s29 =	simm.s32 $0x10A00;
	s28 =	rddreg [dreg:$0x18];
	[sflag:s17] =	ssyncadd.s32 $0xFFFFFFE0  }
0xa8: {  	[hbm4b:s28+s3] =	stream.linear.scatter [tilespmem:s29], [sflag:$0x5], $0x20, $0x38;
	[tilespmem:$0x12000] =	vst v63  }
0xa9: {  	_ =	swait.ge [sflag:s17], $0x20  }
0xaa: {  	[sflag:s17] =	ssyncset.done $0x0  }
0xab: {  	s31 =	simm.s32 $0x10A80;
	s30 =	rddreg [dreg:$0x19];
	[sflag:s17] =	ssyncadd.s32 $0xFFFFFFE0  }
0xac: {  	[hbm4b:s30+s3] =	stream.linear.scatter [tilespmem:s31], [sflag:$0x5], $0x20, $0x38;
	[tilespmem:$0x12000] =	vst v63  }
0xad: {  	_ =	swait.ge [sflag:s17], $0x20  }
0xae: {  	[sflag:s17] =	ssyncset.done $0x0  }
0xaf: {  	s4 =	simm.s32 $0x10B00;
	s2 =	rddreg [dreg:$0x1a];
	[sflag:s17] =	ssyncadd.s32 $0xFFFFFFE0  }
0xb0: {  	[hbm4b:s2+s3] =	stream.linear.scatter [tilespmem:s4], [sflag:$0x5], $0x20, $0x38;
	[tilespmem:$0x12000] =	vst v63  }
0xb1: {  	_ =	swait.ge [sflag:s17], $0x20  }
0xb2: {  	[sflag:s17] =	ssyncset.done $0x0  }
0xb3: {  	s7 =	simm.s32 $0x10B80;
	s6 =	rddreg [dreg:$0x1b];
	[sflag:s17] =	ssyncadd.s32 $0xFFFFFFE0  }
0xb4: {  	[hbm4b:s6+s3] =	stream.linear.scatter [tilespmem:s7], [sflag:$0x5], $0x20, $0x38;
	[tilespmem:$0x12000] =	vst v63  }
0xb5: {  	_ =	swait.ge [sflag:s17], $0x20  }
0xb6: {  	[sflag:s17] =	ssyncset.done $0x0  }
0xb7: {  	s9 =	simm.s32 $0x10C00;
	s8 =	rddreg [dreg:$0x1c];
	[sflag:s17] =	ssyncadd.s32 $0xFFFFFFE0  }
0xb8: {  	[hbm4b:s8+s3] =	stream.linear.scatter [tilespmem:s9], [sflag:$0x5], $0x20, $0x38;
	[tilespmem:$0x12000] =	vst v63  }
0xb9: {  	_ =	swait.ge [sflag:s17], $0x20  }
0xba: {  	[sflag:s17] =	ssyncset.done $0x0  }
0xbb: {  	s18 =	simm.s32 $0x10C80;
	s11 =	rddreg [dreg:$0x1d];
	[sflag:s17] =	ssyncadd.s32 $0xFFFFFFE0  }
0xbc: {  	[hbm4b:s11+s3] =	stream.linear.scatter [tilespmem:s18], [sflag:$0x5], $0x20, $0x38;
	[tilespmem:$0x12000] =	vst v63  }
0xbd: {  	_ =	swait.ge [sflag:s17], $0x20  }
0xbe: {  	[sflag:s17] =	ssyncset.done $0x0  }
0xbf: {  	s29 =	simm.s32 $0x10D00;
	s28 =	rddreg [dreg:$0x1e];
	[sflag:s17] =	ssyncadd.s32 $0xFFFFFFE0  }
0xc0: {  	[hbm4b:s28+s3] =	stream.linear.scatter [tilespmem:s29], [sflag:$0x5], $0x20, $0x38;
	[tilespmem:$0x12000] =	vst v63  }
0xc1: {  	_ =	swait.ge [sflag:s17], $0x20  }
0xc2: {  	[sflag:s17] =	ssyncset.done $0x0  }
0xc3: {  	s31 =	simm.s32 $0x10D80;
	s30 =	rddreg [dreg:$0x1f];
	[sflag:s17] =	ssyncadd.s32 $0xFFFFFFE0  }
0xc4: {  	[hbm4b:s30+s3] =	stream.linear.scatter [tilespmem:s31], [sflag:$0x5], $0x20, $0x38;
	[tilespmem:$0x12000] =	vst v63  }
0xc5: {  	_ =	swait.ge [sflag:s17], $0x20  }
0xc6: {  	s2 =	sld [smem:$0x7DA]  }
0xc7: {  	[sflag:s17] =	ssyncset.done $0x0  }
0xc8: {  	s4 =	simm.s32 $0x10E00;
	[sflag:s17] =	ssyncadd.s32 $0xFFFFFFE0  }
0xc9: {  	[hbm4b:s2+s3] =	stream.linear.scatter [tilespmem:s4], [sflag:$0x5], $0x20, $0x38;
	[tilespmem:$0x12000] =	vst v63  }
0xca: {  	_ =	swait.ge [sflag:s17], $0x20  }
0xcb: {  	s6 =	sld [smem:$0x7DB]  }
0xcc: {  	[sflag:s17] =	ssyncset.done $0x0  }
0xcd: {  	s7 =	simm.s32 $0x10E80;
	[sflag:s17] =	ssyncadd.s32 $0xFFFFFFE0  }
0xce: {  	[hbm4b:s6+s3] =	stream.linear.scatter [tilespmem:s7], [sflag:$0x5], $0x20, $0x38;
	[tilespmem:$0x12000] =	vst v63  }
0xcf: {  	_ =	swait.ge [sflag:s17], $0x20  }
0xd0: {  	s8 =	sld [smem:$0x7DC]  }
0xd1: {  	[sflag:s17] =	ssyncset.done $0x0  }
0xd2: {  	s9 =	simm.s32 $0x10F00;
	[sflag:s17] =	ssyncadd.s32 $0xFFFFFFE0  }
0xd3: {  	[hbm4b:s8+s3] =	stream.linear.scatter [tilespmem:s9], [sflag:$0x5], $0x20, $0x38;
	[tilespmem:$0x12000] =	vst v63  }
0xd4: {  	_ =	swait.ge [sflag:s17], $0x20  }
0xd5: {  	s11 =	sld [smem:$0x7DD]  }
0xd6: {  	[sflag:s17] =	ssyncset.done $0x0  }
0xd7: {  	s18 =	simm.s32 $0x10F80;
	[sflag:s17] =	ssyncadd.s32 $0xFFFFFFE0  }
0xd8: {  	[hbm4b:s11+s3] =	stream.linear.scatter [tilespmem:s18], [sflag:$0x5], $0x20, $0x38;
	[tilespmem:$0x12000] =	vst v63  }
0xd9: {  	_ =	swait.ge [sflag:s17], $0x20  }
0xda: {  	s28 =	sld [smem:$0x7DE]  }
0xdb: {  	[sflag:s17] =	ssyncset.done $0x0  }
0xdc: {  	s29 =	simm.s32 $0x11000;
	[sflag:s17] =	ssyncadd.s32 $0xFFFFFFE0  }
0xdd: {  	[hbm4b:s28+s3] =	stream.linear.scatter [tilespmem:s29], [sflag:$0x5], $0x20, $0x38;
	[tilespmem:$0x12000] =	vst v63  }
0xde: {  	_ =	swait.ge [sflag:s17], $0x20  }
0xdf: {  	s30 =	sld [smem:$0x7DF]  }
0xe0: {  	[sflag:s17] =	ssyncset.done $0x0  }
0xe1: {  	s31 =	simm.s32 $0x11080;
	[sflag:s17] =	ssyncadd.s32 $0xFFFFFFE0  }
0xe2: {  	[hbm4b:s30+s3] =	stream.linear.scatter [tilespmem:s31], [sflag:$0x5], $0x20, $0x38;
	[tilespmem:$0x12000] =	vst v63  }
0xe3: {  	_ =	swait.ge [sflag:s17], $0x20  }
0xe4: {  	s2 =	sld [smem:$0x7E0]  }
0xe5: {  	[sflag:s17] =	ssyncset.done $0x0  }
0xe6: {  	s4 =	simm.s32 $0x11100;
	[sflag:s17] =	ssyncadd.s32 $0xFFFFFFE0  }
0xe7: {  	[hbm4b:s2+s3] =	stream.linear.scatter [tilespmem:s4], [sflag:$0x5], $0x20, $0x38;
	[tilespmem:$0x12000] =	vst v63  }
0xe8: {  	_ =	swait.ge [sflag:s17], $0x20  }
0xe9: {  	s6 =	sld [smem:$0x7E1]  }
0xea: {  	[sflag:s17] =	ssyncset.done $0x0  }
0xeb: {  	s7 =	simm.s32 $0x11180;
	[sflag:s17] =	ssyncadd.s32 $0xFFFFFFE0  }
0xec: {  	[hbm4b:s6+s3] =	stream.linear.scatter [tilespmem:s7], [sflag:$0x5], $0x20, $0x38;
	[tilespmem:$0x12000] =	vst v63  }
0xed: {  	_ =	swait.ge [sflag:s17], $0x20  }
0xee: {  	s8 =	sld [smem:$0x7E2]  }
0xef: {  	[sflag:s17] =	ssyncset.done $0x0  }
0xf0: {  	s9 =	simm.s32 $0x11200;
	[sflag:s17] =	ssyncadd.s32 $0xFFFFFFE0  }
0xf1: {  	[hbm4b:s8+s3] =	stream.linear.scatter [tilespmem:s9], [sflag:$0x5], $0x20, $0x38;
	[tilespmem:$0x12000] =	vst v63  }
0xf2: {  	_ =	swait.ge [sflag:s17], $0x20  }
0xf3: {  	s11 =	sld [smem:$0x7E3]  }
0xf4: {  	[sflag:s17] =	ssyncset.done $0x0  }
0xf5: {  	s18 =	simm.s32 $0x11280;
	[sflag:s17] =	ssyncadd.s32 $0xFFFFFFE0  }
0xf6: {  	[hbm4b:s11+s3] =	stream.linear.scatter [tilespmem:s18], [sflag:$0x5], $0x20, $0x38;
	[tilespmem:$0x12000] =	vst v63  }
0xf7: {  	_ =	swait.ge [sflag:s17], $0x20  }
0xf8: {  	s28 =	sld [smem:$0x7E4]  }
0xf9: {  	[sflag:s17] =	ssyncset.done $0x0  }
0xfa: {  	s29 =	simm.s32 $0x11300;
	[sflag:s17] =	ssyncadd.s32 $0xFFFFFFE0  }
0xfb: {  	[hbm4b:s28+s3] =	stream.linear.scatter [tilespmem:s29], [sflag:$0x5], $0x20, $0x38;
	[tilespmem:$0x12000] =	vst v63  }
0xfc: {  	_ =	swait.ge [sflag:s17], $0x20  }
0xfd: {  	s30 =	sld [smem:$0x7E5]  }
0xfe: {  	[sflag:s17] =	ssyncset.done $0x0  }
0xff: {  	s31 =	simm.s32 $0x11380;
	[sflag:s17] =	ssyncadd.s32 $0xFFFFFFE0  }
0x100: {  	[hbm4b:s30+s3] =	stream.linear.scatter [tilespmem:s31], [sflag:$0x5], $0x20, $0x38;
	[tilespmem:$0x12000] =	vst v63  }
0x101: {  	_ =	swait.ge [sflag:s17], $0x20  }
0x102: {  	s2 =	sld [smem:$0x7E6]  }
0x103: {  	[sflag:s17] =	ssyncset.done $0x0  }
0x104: {  	s4 =	simm.s32 $0x11400;
	[sflag:s17] =	ssyncadd.s32 $0xFFFFFFE0  }
0x105: {  	[hbm4b:s2+s3] =	stream.linear.scatter [tilespmem:s4], [sflag:$0x5], $0x20, $0x38;
	[tilespmem:$0x12000] =	vst v63  }
0x106: {  	_ =	swait.ge [sflag:s17], $0x20  }
0x107: {  	s6 =	sld [smem:$0x7E7]  }
0x108: {  	[sflag:s17] =	ssyncset.done $0x0  }
0x109: {  	s7 =	simm.s32 $0x11480;
	[sflag:s17] =	ssyncadd.s32 $0xFFFFFFE0  }
0x10a: {  	[hbm4b:s6+s3] =	stream.linear.scatter [tilespmem:s7], [sflag:$0x5], $0x20, $0x38;
	[tilespmem:$0x12000] =	vst v63  }
0x10b: {  	_ =	swait.ge [sflag:s17], $0x20  }
0x10c: {  	s8 =	sld [smem:$0x7E8]  }
0x10d: {  	[sflag:s17] =	ssyncset.done $0x0  }
0x10e: {  	s9 =	simm.s32 $0x11500;
	[sflag:s17] =	ssyncadd.s32 $0xFFFFFFE0  }
0x10f: {  	[hbm4b:s8+s3] =	stream.linear.scatter [tilespmem:s9], [sflag:$0x5], $0x20, $0x38;
	[tilespmem:$0x12000] =	vst v63  }
0x110: {  	_ =	swait.ge [sflag:s17], $0x20  }
0x111: {  	s11 =	sld [smem:$0x7E9]  }
0x112: {  	[sflag:s17] =	ssyncset.done $0x0  }
0x113: {  	s18 =	simm.s32 $0x11580;
	[sflag:s17] =	ssyncadd.s32 $0xFFFFFFE0  }
0x114: {  	[hbm4b:s11+s3] =	stream.linear.scatter [tilespmem:s18], [sflag:$0x5], $0x20, $0x38;
	[tilespmem:$0x12000] =	vst v63  }
0x115: {  	_ =	swait.ge [sflag:s17], $0x20  }
0x116: {  	s28 =	sld [smem:$0x7EA]  }
0x117: {  	[sflag:s17] =	ssyncset.done $0x0  }
0x118: {  	s29 =	simm.s32 $0x11600;
	[sflag:s17] =	ssyncadd.s32 $0xFFFFFFE0  }
0x119: {  	[hbm4b:s28+s3] =	stream.linear.scatter [tilespmem:s29], [sflag:$0x5], $0x20, $0x38;
	[tilespmem:$0x12000] =	vst v63  }
0x11a: {  	_ =	swait.ge [sflag:s17], $0x20  }
0x11b: {  	s30 =	sld [smem:$0x7EB]  }
0x11c: {  	[sflag:s17] =	ssyncset.done $0x0  }
0x11d: {  	s31 =	simm.s32 $0x11680;
	[sflag:s17] =	ssyncadd.s32 $0xFFFFFFE0  }
0x11e: {  	[hbm4b:s30+s3] =	stream.linear.scatter [tilespmem:s31], [sflag:$0x5], $0x20, $0x38;
	[tilespmem:$0x12000] =	vst v63  }
0x11f: {  	_ =	swait.ge [sflag:s17], $0x20  }
0x120: {  	s2 =	sld [smem:$0x7EC]  }
0x121: {  	[sflag:s17] =	ssyncset.done $0x0  }
0x122: {  	s4 =	simm.s32 $0x11700;
	[sflag:s17] =	ssyncadd.s32 $0xFFFFFFE0  }
0x123: {  	[hbm4b:s2+s3] =	stream.linear.scatter [tilespmem:s4], [sflag:$0x5], $0x20, $0x38;
	[tilespmem:$0x12000] =	vst v63  }
0x124: {  	_ =	swait.ge [sflag:s17], $0x20  }
0x125: {  	s6 =	sld [smem:$0x7ED]  }
0x126: {  	[sflag:s17] =	ssyncset.done $0x0  }
0x127: {  	s7 =	simm.s32 $0x11780;
	[sflag:s17] =	ssyncadd.s32 $0xFFFFFFE0  }
0x128: {  	[hbm4b:s6+s3] =	stream.linear.scatter [tilespmem:s7], [sflag:$0x5], $0x20, $0x38;
	[tilespmem:$0x12000] =	vst v63  }
0x129: {  	_ =	swait.ge [sflag:s17], $0x20  }
0x12a: {  	s8 =	sld [smem:$0x7EE]  }
0x12b: {  	[sflag:s17] =	ssyncset.done $0x0  }
0x12c: {  	s9 =	simm.s32 $0x11800;
	[sflag:s17] =	ssyncadd.s32 $0xFFFFFFE0  }
0x12d: {  	[hbm4b:s8+s3] =	stream.linear.scatter [tilespmem:s9], [sflag:$0x5], $0x20, $0x38;
	[tilespmem:$0x12000] =	vst v63  }
0x12e: {  	_ =	swait.ge [sflag:s17], $0x20  }
0x12f: {  	s11 =	sld [smem:$0x7EF]  }
0x130: {  	[sflag:s17] =	ssyncset.done $0x0  }
0x131: {  	s18 =	simm.s32 $0x11880;
	[sflag:s17] =	ssyncadd.s32 $0xFFFFFFE0  }
0x132: {  	[hbm4b:s11+s3] =	stream.linear.scatter [tilespmem:s18], [sflag:$0x5], $0x20, $0x38;
	[tilespmem:$0x12000] =	vst v63  }
0x133: {  	_ =	swait.ge [sflag:s17], $0x20  }
0x134: {  	s28 =	sld [smem:$0x7F0]  }
0x135: {  	[sflag:s17] =	ssyncset.done $0x0  }
0x136: {  	s29 =	simm.s32 $0x11900;
	[sflag:s17] =	ssyncadd.s32 $0xFFFFFFE0  }
0x137: {  	[hbm4b:s28+s3] =	stream.linear.scatter [tilespmem:s29], [sflag:$0x5], $0x20, $0x38;
	[tilespmem:$0x12000] =	vst v63  }
0x138: {  	_ =	swait.ge [sflag:s17], $0x20  }
0x139: {  	s30 =	sld [smem:$0x7F1]  }
0x13a: {  	[sflag:s17] =	ssyncset.done $0x0  }
0x13b: {  	s31 =	simm.s32 $0x11980;
	[sflag:s17] =	ssyncadd.s32 $0xFFFFFFE0  }
0x13c: {  	[hbm4b:s30+s3] =	stream.linear.scatter [tilespmem:s31], [sflag:$0x5], $0x20, $0x38;
	[tilespmem:$0x12000] =	vst v63  }
0x13d: {  	_ =	swait.ge [sflag:s17], $0x20  }
0x13e: {  	s2 =	sld [smem:$0x7F2]  }
0x13f: {  	[sflag:s17] =	ssyncset.done $0x0  }
0x140: {  	s4 =	simm.s32 $0x11A00;
	[sflag:s17] =	ssyncadd.s32 $0xFFFFFFE0  }
0x141: {  	[hbm4b:s2+s3] =	stream.linear.scatter [tilespmem:s4], [sflag:$0x5], $0x20, $0x38;
	[tilespmem:$0x12000] =	vst v63  }
0x142: {  	_ =	swait.ge [sflag:s17], $0x20  }
0x143: {  	s6 =	sld [smem:$0x7F3]  }
0x144: {  	[sflag:s17] =	ssyncset.done $0x0  }
0x145: {  	s7 =	simm.s32 $0x11A80;
	[sflag:s17] =	ssyncadd.s32 $0xFFFFFFE0  }
0x146: {  	[hbm4b:s6+s3] =	stream.linear.scatter [tilespmem:s7], [sflag:$0x5], $0x20, $0x38;
	[tilespmem:$0x12000] =	vst v63  }
0x147: {  	_ =	swait.ge [sflag:s17], $0x20  }
0x148: {  	s8 =	sld [smem:$0x7F4]  }
0x149: {  	[sflag:s17] =	ssyncset.done $0x0  }
0x14a: {  	s9 =	simm.s32 $0x11B00;
	[sflag:s17] =	ssyncadd.s32 $0xFFFFFFE0  }
0x14b: {  	[hbm4b:s8+s3] =	stream.linear.scatter [tilespmem:s9], [sflag:$0x5], $0x20, $0x38;
	[tilespmem:$0x12000] =	vst v63  }
0x14c: {  	_ =	swait.ge [sflag:s17], $0x20  }
0x14d: {  	s11 =	sld [smem:$0x7F5]  }
0x14e: {  	[sflag:s17] =	ssyncset.done $0x0  }
0x14f: {  	s18 =	simm.s32 $0x11B80;
	[sflag:s17] =	ssyncadd.s32 $0xFFFFFFE0  }
0x150: {  	[hbm4b:s11+s3] =	stream.linear.scatter [tilespmem:s18], [sflag:$0x5], $0x20, $0x38;
	[tilespmem:$0x12000] =	vst v63  }
0x151: {  	_ =	swait.ge [sflag:s17], $0x20  }
0x152: {  	s28 =	sld [smem:$0x7F6]  }
0x153: {  	[sflag:s17] =	ssyncset.done $0x0  }
0x154: {  	s29 =	simm.s32 $0x11C00;
	[sflag:s17] =	ssyncadd.s32 $0xFFFFFFE0  }
0x155: {  	[hbm4b:s28+s3] =	stream.linear.scatter [tilespmem:s29], [sflag:$0x5], $0x20, $0x38;
	[tilespmem:$0x12000] =	vst v63  }
0x156: {  	_ =	swait.ge [sflag:s17], $0x20  }
0x157: {  	s30 =	sld [smem:$0x7F7]  }
0x158: {  	[sflag:s17] =	ssyncset.done $0x0  }
0x159: {  	s31 =	simm.s32 $0x11C80;
	[sflag:s17] =	ssyncadd.s32 $0xFFFFFFE0  }
0x15a: {  	[hbm4b:s30+s3] =	stream.linear.scatter [tilespmem:s31], [sflag:$0x5], $0x20, $0x38;
	[tilespmem:$0x12000] =	vst v63  }
0x15b: {  	_ =	swait.ge [sflag:s17], $0x20  }
0x15c: {  	s2 =	sld [smem:$0x7F8]  }
0x15d: {  	[sflag:s17] =	ssyncset.done $0x0  }
0x15e: {  	s4 =	simm.s32 $0x11D00;
	[sflag:s17] =	ssyncadd.s32 $0xFFFFFFE0  }
0x15f: {  	[hbm4b:s2+s3] =	stream.linear.scatter [tilespmem:s4], [sflag:$0x5], $0x20, $0x38;
	[tilespmem:$0x12000] =	vst v63  }
0x160: {  	_ =	swait.ge [sflag:s17], $0x20  }
0x161: {  	s6 =	sld [smem:$0x7F9]  }
0x162: {  	[sflag:s17] =	ssyncset.done $0x0  }
0x163: {  	s7 =	simm.s32 $0x11D80;
	[sflag:s17] =	ssyncadd.s32 $0xFFFFFFE0  }
0x164: {  	[hbm4b:s6+s3] =	stream.linear.scatter [tilespmem:s7], [sflag:$0x5], $0x20, $0x38;
	[tilespmem:$0x12000] =	vst v63  }
0x165: {  	_ =	swait.ge [sflag:s17], $0x20  }
0x166: {  	s8 =	sld [smem:$0x7FA]  }
0x167: {  	[sflag:s17] =	ssyncset.done $0x0  }
0x168: {  	s9 =	simm.s32 $0x11E00;
	[sflag:s17] =	ssyncadd.s32 $0xFFFFFFE0  }
0x169: {  	[hbm4b:s8+s3] =	stream.linear.scatter [tilespmem:s9], [sflag:$0x5], $0x20, $0x38;
	[tilespmem:$0x12000] =	vst v63  }
0x16a: {  	_ =	swait.ge [sflag:s17], $0x20  }
0x16b: {  	s11 =	sld [smem:$0x7FB]  }
0x16c: {  	[sflag:s17] =	ssyncset.done $0x0  }
0x16d: {  	s18 =	simm.s32 $0x11E80;
	[sflag:s17] =	ssyncadd.s32 $0xFFFFFFE0  }
0x16e: {  	[hbm4b:s11+s3] =	stream.linear.scatter [tilespmem:s18], [sflag:$0x5], $0x20, $0x38;
	[tilespmem:$0x12000] =	vst v63  }
0x16f: {  	_ =	swait.ge [sflag:s17], $0x20  }
0x170: {  	s28 =	sld [smem:$0x7FC]  }
0x171: {  	[sflag:s17] =	ssyncset.done $0x0  }
0x172: {  	s29 =	simm.s32 $0x11F00;
	[sflag:s17] =	ssyncadd.s32 $0xFFFFFFE0  }
0x173: {  	[hbm4b:s28+s3] =	stream.linear.scatter [tilespmem:s29], [sflag:$0x5], $0x20, $0x38;
	[tilespmem:$0x12000] =	vst v63  }
0x174: {  	_ =	swait.ge [sflag:s17], $0x20  }
0x175: {  	s30 =	sld [smem:$0x7FD]  }
0x176: {  	[sflag:s17] =	ssyncset.done $0x0  }
0x177: {  	s31 =	simm.s32 $0x11F80;
	[sflag:s17] =	ssyncadd.s32 $0xFFFFFFE0  }
0x178: {  	[hbm4b:s30+s3] =	stream.linear.scatter [tilespmem:s31], [sflag:$0x5], $0x20, $0x38;
	[tilespmem:$0x12000] =	vst v63  }
0x179: {  	_ =	swait.ge [sflag:s17], $0x20  }
0x17a: {  	[sflag:s17] =	ssyncset.done $0x0  }
0x17b: {  	[sflag:s17] =	ssyncadd.s32 $0xFFFFFFE0  }
.LBB2_3:
.Ltmp3:
0x17c: {  	(pc) =	sbr.rel .LBB2_4-.Ltmp3, $3  }
0x17d: {  	_ =	sdelay $0x1  }
0x17e: {  	s0 =	simm.s32 $0x1000;
	s28 =	simm.s32 $0x0  }
0x17f: {  	[tilespmem:s26], [sflag:$0x1] =	stream.strided.gather [hbm4b:s12+s0], $0x4000, s19, s0, $0x38;
	[tilespmem:$0x12000] =	vst v63  }
.LBB2_10:
0x180: {  	s28 =	sadd.s32 $0x1, s28  }
0x181: {  	p1 =	sne.s32 s28, $0x1F  }
.Ltmp4:
0x182: {  	_ = 	snop;
	(pc) =	sbr.rel @!p1 .LBB2_11-.Ltmp4, $1  }
0x183: {  	_ =	sdelay $0x3  }
.LBB2_4:
0x184: {  	v2 =	vmov s26;
	s0 =	simm.s32 $0x1  }
0x185: {  	s2 =	simm.s32 $0x2;
	s11 =	simm.s32 $0x3;
	s18 =	simm.s32 $0x4;
	v3 =	vand.u32 $0x78, v2;
	v2 =	vshll.u32 v2, $0x3;
	v4 =	vmov s0  }
0x186: {  	s4 =	simm.s32 $0x5;
	s6 =	simm.s32 $0x6;
	s7 =	simm.s32 $0x7;
	v5 =	vmov s2;
	v6 =	vmov s11;
	v7 =	vmov s18  }
0x187: {  	s9 =	simm.s32 $0x9;
	v8 =	vmov s4;
	v9 =	vmov s6;
	v16 =	vmov s7  }
0x188: {  	v20 =	vmov s9;
	v2 =	vand.u32 $0xC00, v2;
	v10 =	vand.u32 $0x79, v4  }
0x189: {  	s30 =	sshll.u32 s28, $0x6;
	v11 =	vand.u32 $0x7A, v5;
	v12 =	vand.u32 $0x7B, v6;
	v13 =	vand.u32 $0x7C, v7  }
0x18a: {  	s31 =	sor.u32 s5, s30;
	v14 =	vand.u32 $0x7D, v8;
	v15 =	vand.u32 $0x7E, v9;
	v4 =	vshll.u32 v4, $0x3  }
0x18b: {  	s29 =	sor.u32 $0x20, s31;
	v5 =	vshll.u32 v5, $0x3;
	v6 =	vshll.u32 v6, $0x3;
	v7 =	vshll.u32 v7, $0x3  }
0x18c: {  	s11 =	simm.s32 $0xA;
	s18 =	simm.s32 $0xB;
	v8 =	vshll.u32 v8, $0x3;
	v9 =	vshll.u32 v9, $0x3;
	v17 =	vshll.u32 v16, $0x3;
	p2 =	sgt.u32 s29, $0x7A0  }
0x18d: {  	v21 =	vmov s11;
	v22 =	vmov s18;
	v26 =	vand.u32 $0x79, v20;
	s2 =	sshll.u32 @!p2 s29, $0x9;
	s4 =	simm.s32 @!p2 $0x7A1400  }
0x18e: {  	v2 =	vor.u32 v3, v2;
	v3 =	vand.u32 $0x7F, v16;
	v16 =	vand.u32 $0xC00, v17;
	s6 =	simm.s32 @!p2 $0x4000;
	s0 =	sadd.s32 @!p2 s1, s2;
	s2 =	simm.s32 @!p2 $0x1000  }
0x18f: {  	v4 =	vand.u32 $0xC00, v4;
	v5 =	vand.u32 $0xC00, v5;
	v6 =	vand.u32 $0xC00, v6;
	[tilespmem:s6], [sflag:$0x2] =	stream.strided.gather @!p2 [hbm4b:s0+s2], $0x4000, s4, s2, $0x38;
	[tilespmem:$0x12000] =	vst v63  }
0x190: {  	v7 =	vand.u32 $0xC00, v7;
	v8 =	vand.u32 $0xC00, v8;
	v3 =	vor.u32 v3, v16;
	_ =	swait.ge [sflag:s20], $0x4000  }
0x191: {  	p1 =	seq.s32 s28, $0x0;
	v9 =	vand.u32 $0xC00, v9;
	v4 =	vor.u32 v10, v4;
	v10 =	vor.u32 v0, v3;
	[sflag:s20] =	ssyncset.done $0x0  }
0x192: {  	v27 =	vand.u32 $0x7A, v21;
	v5 =	vor.u32 v11, v5;
	v16 =	vor.u32 v0, v4;
	s0 =	simm.s32 @!p1 $0x3;
	[sflag:s20] =	ssyncadd.s32 $0xFFFFC000  }
0x193: {  	v28 =	vand.u32 $0x7B, v22;
	v6 =	vor.u32 v12, v6;
	v11 =	vor.u32 v0, v5;
	_ =	swait.ge @!p1 [sflag:s0], $0x4000  }
0x194: {  	s8 =	simm.s32 $0x8;
	v17 =	vor.u32 v0, v2;
	v7 =	vor.u32 v13, v7;
	v12 =	vor.u32 v0, v6;
	[sflag:s0] =	ssyncset.done @!p1 $0x0  }
0x195: {  	v8 =	vor.u32 v14, v8;
	v14 =	vmov s8;
	v13 =	vor.u32 v0, v7;
	[sflag:s0] =	ssyncadd.s32 @!p1 $0xFFFFC000  }
0x196: {  	v9 =	vor.u32 v15, v9;
	v15 =	vor.u32 v0, v8;
	v18 =	vand.u32 $0x78, v14;
	v10 =	vld.idx.msk [tilespmem:v10+s3+$0x0], $0xffff  }
0x197: {  	v19 =	vor.u32 v0, v9;
	v14 =	vshll.u32 v14, $0x3;
	v3 =	vor.u32 v1, v3;
	v16 =	vld.idx.msk [tilespmem:v16+s3+$0x0], $0xffff  }
0x198: {  	v4 =	vor.u32 v1, v4;
	v5 =	vor.u32 v1, v5;
	v6 =	vor.u32 v1, v6;
	v11 =	vld.idx.msk [tilespmem:v11+s3+$0x0], $0xffff  }
0x199: {  	v7 =	vor.u32 v1, v7;
	v8 =	vor.u32 v1, v8;
	v9 =	vor.u32 v1, v9;
	s2 =	simm.s32 $0xC;
	s4 =	simm.s32 $0xD;
	v12 =	vld.idx.msk [tilespmem:v12+s3+$0x0], $0xffff  }
0x19a: {  	s6 =	simm.s32 $0xE;
	v14 =	vand.u32 $0xC00, v14;
	v23 =	vmov s2;
	v24 =	vmov s4;
	s2 =	simm.s32 $0x8080;
	v13 =	vld.idx.msk [tilespmem:v13+s3+$0x0], $0xffff  }
0x19b: {  	v25 =	vmov s6;
	v29 =	vand.u32 $0x7C, v23;
	v30 =	vand.u32 $0x7D, v24;
	v15 =	vld.idx.msk [tilespmem:v15+s3+$0x0], $0xffff;
	[tilespmem:s2+$0x60] =	vst v10  }
0x19c: {  	s7 =	simm.s32 $0xF;
	v31 =	vand.u32 $0x7E, v25;
	v10 =	vld.idx.msk [tilespmem:v19+s3+$0x0], $0xffff;
	v19 =	vshll.u32 v20, $0x3;
	v20 =	vshll.u32 v21, $0x3;
	[tilespmem:s2+$0xFFFFFFA0] =	vst v16  }
0x19d: {  	v17 =	vld.idx.msk [tilespmem:v17+s3+$0x0], $0xffff;
	v21 =	vshll.u32 v22, $0x3;
	v16 =	vshll.u32 v23, $0x3;
	v22 =	vmov s7;
	[tilespmem:s2+$0xFFFFFFC0] =	vst v11  }
0x19e: {  	v23 =	vor.u32 v1, v2;
	v11 =	vshll.u32 v24, $0x3;
	v24 =	vshll.u32 v25, $0x3;
	[tilespmem:s2+$0xFFFFFFE0] =	vst v12;
	v3 =	vld.idx.msk [tilespmem:v3+s3+$0x0], $0xffff  }
0x19f: {  	v2 =	vor.u32 v18, v14;
	[tilespmem:s2+$0x0] =	vst v13;
	v4 =	vld.idx.msk [tilespmem:v4+s3+$0x0], $0xffff;
	v25 =	vshll.u32 v22, $0x3;
	v12 =	vand.u32 $0x7F, v22  }
0x1a0: {  	[tilespmem:s2+$0x20] =	vst v15;
	v5 =	vld.idx.msk [tilespmem:v5+s3+$0x0], $0xffff;
	v13 =	vor.u32 v0, v2;
	v18 =	vand.u32 $0xC00, v19;
	v15 =	vand.u32 $0xC00, v20  }
0x1a1: {  	v6 =	vld.idx.msk [tilespmem:v6+s3+$0x0], $0xffff;
	v19 =	vand.u32 $0xC00, v21;
	v14 =	vand.u32 $0xC00, v25;
	v15 =	vor.u32 v27, v15  }
0x1a2: {  	[tilespmem:s2+$0xFFFFFF80] =	vst v17;
	v7 =	vld.idx.msk [tilespmem:v7+s3+$0x0], $0xffff;
	v16 =	vand.u32 $0xC00, v16;
	v12 =	vor.u32 v12, v14;
	v17 =	vor.u32 v0, v15  }
0x1a3: {  	s0 =	simm.s32 $0xE0;
	v8 =	vld.idx.msk [tilespmem:v8+s3+$0x0], $0xffff;
	v19 =	vor.u32 v28, v19;
	v14 =	vor.u32 v26, v18;
	v18 =	vor.u32 v0, v12  }
0x1a4: {  	s8 =	simm.s32 $0x20;
	s9 =	sor.u32 $0x70, s0;
	v11 =	vand.u32 $0xC00, v11;
	v16 =	vor.u32 v29, v16;
	v20 =	vor.u32 v0, v19;
	[tilespmem:s2+$0x40] =	vst v10;
	v21 =	vld.idx.msk [tilespmem:v23+s3+$0x0], $0xffff  }
0x1a5: {  	s4 =	sor.u32 $0x30, s8;
	s7 =	simm.s32 $0x40;
	v11 =	vor.u32 v30, v11;
	v10 =	vor.u32 v0, v14;
	v9 =	vld.idx.msk [tilespmem:v9+s3+$0x0], $0xffff;
	[tilespmem:s9+$0x8000] =	vst v3  }
0x1a6: {  	s8 =	simm.s32 $0x60;
	s7 =	sor.u32 $0x50, s7;
	v22 =	vor.u32 v0, v11;
	v33 =	vor.u32 v1, v15;
	[tilespmem:s4+$0x8000] =	vst v4;
	v3 =	vld.idx.msk [tilespmem:v13+s3+$0x0], $0xffff;
	v4 =	vand.u32 $0xC00, v24  }
0x1a7: {  	s18 =	sor.u32 $0x70, s8;
	v13 =	vor.u32 v0, v16;
	[tilespmem:s7+$0x8000] =	vst v5;
	v26 =	vor.u32 v31, v4;
	v17 =	vld.idx.msk [tilespmem:v17+s3+$0x0], $0xffff  }
0x1a8: {  	s11 =	simm.s32 $0x10;
	v12 =	vor.u32 v1, v12;
	s7 =	simm.s32 $0xA0;
	[tilespmem:s18+$0x8000] =	vst v6;
	v27 =	vor.u32 v0, v26;
	v18 =	vld.idx.msk [tilespmem:v18+s3+$0x0], $0xffff  }
0x1a9: {  	v63 =	vor.u32 v1, v14;
	v5 =	vmov s11;
	s9 =	simm.s32 $0x11;
	[tilespmem:s2+$0x10] =	vst v7;
	s11 =	simm.s32 $0x12;
	v24 =	vor.u32 v1, v19;
	s6 =	sor.u32 $0x30, s7;
	v32 =	vld.idx.msk [tilespmem:v20+s3+$0x0], $0xffff  }
0x1aa: {  	s8 =	simm.s32 $0xC0;
	s18 =	simm.s32 $0x13;
	v4 =	vand.u32 $0x78, v5;
	v28 =	vmov s9;
	v29 =	vmov s11;
	s9 =	simm.s32 $0x14;
	[tilespmem:s6+$0x8000] =	vst v8;
	v6 =	vld.idx.msk [tilespmem:v10+s3+$0x0], $0xffff  }
0x1ab: {  	v5 =	vshll.u32 v5, $0x3;
	s7 =	sor.u32 $0x50, s8;
	v62 =	vmov s18;
	s11 =	simm.s32 $0x15;
	v20 =	vmov s9;
	v23 =	vld.idx.msk [tilespmem:v22+s3+$0x0], $0xffff;
	[tilespmem:s2+$0xFFFFFF90] =	vst v21  }
0x1ac: {  	v14 =	vmov s11;
	v7 =	vand.u32 $0xC00, v5;
	v22 =	vor.u32 v1, v16;
	s2 =	simm.s32 $0x8180;
	[tilespmem:s7+$0x8000] =	vst v9;
	v25 =	vld.idx.msk [tilespmem:v13+s3+$0x0], $0xffff  }
0x1ad: {  	s18 =	simm.s32 $0x16;
	v15 =	vor.u32 v1, v26;
	v26 =	vshll.u32 v29, $0x3;
	v8 =	vand.u32 $0x7C, v20;
	v19 =	vld.idx.msk [tilespmem:v27+s3+$0x0], $0xffff;
	[tilespmem:s2+$0x60] =	vst v18  }
0x1ae: {  	v21 =	vmov s18;
	v10 =	vand.u32 $0x7A, v29;
	[tilespmem:s2+$0xFFFFFFC0] =	vst v17;
	v18 =	vor.u32 v1, v11;
	v16 =	vld.idx.msk [tilespmem:v12+s3+$0x0], $0xffff  }
0x1af: {  	v13 =	vand.u32 $0x79, v28;
	v9 =	vand.u32 $0x7B, v62;
	v5 =	vand.u32 $0x7E, v21;
	[tilespmem:s2+$0xFFFFFFA0] =	vst v6;
	v12 =	vld.idx.msk [tilespmem:v33+s3+$0x0], $0xffff  }
0x1b0: {  	s4 =	simm.s32 $0x18;
	s6 =	simm.s32 $0x17;
	v27 =	vshll.u32 v28, $0x3;
	v17 =	vshll.u32 v62, $0x3;
	[tilespmem:s2+$0xFFFFFFE0] =	vst v32;
	v6 =	vand.u32 $0x7D, v14;
	v11 =	vld.idx.msk [tilespmem:v63+s3+$0x0], $0xffff  }
.LBB2_5:
0x1b1: {  	p3 =	slt.u32 s4, $0x1F8;
	v20 =	vshll.u32 v20, $0x3;
	v28 =	vmov s6;
	v29 =	vor.u32 v1, v2;
	v24 =	vld.idx.msk [tilespmem:v24+s3+$0x0], $0xffff;
	[tilespmem:s2+$0x0] =	vst v25  }
0x1b2: {  	v14 =	vshll.u32 v14, $0x3;
	v21 =	vshll.u32 v21, $0x3;
	s0 =	sadd.s32 $0x100, s0;
	v25 =	vshll.u32 v28, $0x3;
	v22 =	vld.idx.msk [tilespmem:v22+s3+$0x0], $0xffff;
	[tilespmem:s2+$0x20] =	vst v23  }
0x1b3: {  	v2 =	vor.u32 v4, v7;
	v4 =	vand.u32 $0x7F, v28;
	s6 =	sadd.s32 $0xFFFFFF40, s0;
	s7 =	sadd.s32 $0xFFFFFF60, s0;
	s8 =	sor.u32 $0x70, s0;
	v7 =	vand.u32 $0xC00, v25;
	v18 =	vld.idx.msk [tilespmem:v18+s3+$0x0], $0xffff;
	[tilespmem:s2+$0x40] =	vst v19  }
0x1b4: {  	v23 =	vand.u32 $0xC00, v27;
	s9 =	sadd.s32 $0xFFFFFF80, s0;
	s11 =	sadd.s32 $0xFFFFFFC0, s0;
	s18 =	sadd.s32 $0xFFFFFFE0, s0;
	v19 =	vor.u32 v0, v2;
	v7 =	vor.u32 v4, v7;
	v15 =	vld.idx.msk [tilespmem:v15+s3+$0x0], $0xffff;
	[tilespmem:s8+$0x8000] =	vst v16  }
0x1b5: {  	v13 =	vor.u32 v13, v23;
	s6 =	sor.u32 $0x30, s6;
	s7 =	sor.u32 $0x50, s7;
	v4 =	vand.u32 $0xC00, v26;
	s8 =	sor.u32 $0x70, s9;
	v16 =	vor.u32 v0, v7;
	[tilespmem:s2+$0xFFFFFF80] =	vst v3  }
0x1b6: {  	v23 =	vor.u32 v0, v13;
	s9 =	sor.u32 $0x50, s18;
	v10 =	vor.u32 v10, v4;
	v3 =	vand.u32 $0xC00, v17;
	v17 =	vld.idx.msk [tilespmem:v29+s3+$0x0], $0xffff;
	[tilespmem:s6+$0x8000] =	vst v11;
	s6 =	sor.u32 $0x30, s11  }
0x1b7: {  	v11 =	vor.u32 v0, v10;
	v9 =	vor.u32 v9, v3;
	v3 =	vand.u32 $0xC00, v20;
	[tilespmem:s7+$0x8000] =	vst v12  }
0x1b8: {  	v4 =	vand.u32 $0xC00, v14;
	v12 =	vor.u32 v0, v9;
	v8 =	vor.u32 v8, v3;
	[tilespmem:s8+$0x8000] =	vst v24  }
0x1b9: {  	v6 =	vor.u32 v6, v4;
	v4 =	vand.u32 $0xC00, v21;
	v3 =	vld.idx.msk [tilespmem:v19+s3+$0x0], $0xffff;
	v19 =	vor.u32 v0, v8;
	[tilespmem:s2+$0x10] =	vst v22  }
0x1ba: {  	v14 =	vmov s4;
	v26 =	vor.u32 v5, v4;
	v22 =	vor.u32 v0, v6;
	v5 =	vld.idx.msk [tilespmem:v16+s3+$0x0], $0xffff;
	[tilespmem:s6+$0x8000] =	vst v18  }
0x1bb: {  	v4 =	vand.u32 $0x78, v14;
	s6 =	sadd.s32 $0x1, s4;
	v18 =	vor.u32 v0, v26;
	v16 =	vld.idx.msk [tilespmem:v23+s3+$0x0], $0xffff;
	[tilespmem:s9+$0x8000] =	vst v15  }
0x1bc: {  	s7 =	sadd.s32 $0x3, s4;
	v15 =	vshll.u32 v14, $0x3;
	v27 =	vmov s6;
	s6 =	sadd.s32 $0x2, s4;
	v28 =	vld.idx.msk [tilespmem:v11+s3+$0x0], $0xffff;
	v11 =	vor.u32 v1, v7;
	[tilespmem:s2+$0xFFFFFF90] =	vst v17  }
0x1bd: {  	v30 =	vor.u32 v1, v13;
	v29 =	vmov s7;
	s7 =	sadd.s32 $0x5, s4;
	v17 =	vmov s6;
	s6 =	sadd.s32 $0x4, s4;
	v31 =	vld.idx.msk [tilespmem:v12+s3+$0x0], $0xffff  }
0x1be: {  	v14 =	vmov s7;
	v20 =	vmov s6;
	s6 =	sadd.s32 $0x6, s4;
	v12 =	vor.u32 v1, v10;
	v25 =	vld.idx.msk [tilespmem:v19+s3+$0x0], $0xffff  }
.Ltmp5:
0x1bf: {  	v24 =	vor.u32 v1, v9;
	v7 =	vand.u32 $0xC00, v15;
	s2 =	sadd.s32 $0x100, s2;
	v21 =	vmov s6;
	v23 =	vld.idx.msk [tilespmem:v22+s3+$0x0], $0xffff;
	(pc) =	sbr.rel @p3 .LBB2_5-.Ltmp5, $4  }
0x1c0: {  	v13 =	vand.u32 $0x79, v27;
	v10 =	vand.u32 $0x7A, v17;
	v22 =	vor.u32 v1, v8;
	v19 =	vld.idx.msk [tilespmem:v18+s3+$0x0], $0xffff;
	[tilespmem:s2+$0x60] =	vst v5  }
0x1c1: {  	v9 =	vand.u32 $0x7B, v29;
	v8 =	vand.u32 $0x7C, v20;
	v18 =	vor.u32 v1, v6;
	[tilespmem:s2+$0xFFFFFFA0] =	vst v16;
	v16 =	vld.idx.msk [tilespmem:v11+s3+$0x0], $0xffff  }
0x1c2: {  	v15 =	vor.u32 v1, v26;
	v6 =	vand.u32 $0x7D, v14;
	v5 =	vand.u32 $0x7E, v21;
	v11 =	vld.idx.msk [tilespmem:v30+s3+$0x0], $0xffff;
	[tilespmem:s2+$0xFFFFFFC0] =	vst v28  }
0x1c3: {  	v27 =	vshll.u32 v27, $0x3;
	v26 =	vshll.u32 v17, $0x3;
	v17 =	vshll.u32 v29, $0x3;
	s6 =	sadd.s32 $0x7, s4;
	s4 =	sadd.s32 $0x8, s4;
	v12 =	vld.idx.msk [tilespmem:v12+s3+$0x0], $0xffff;
	[tilespmem:s2+$0xFFFFFFE0] =	vst v31  }
0x1c4: {  	v28 =	vmov s6  }
0x1c5: {  	v20 =	vshll.u32 v20, $0x3;
	v2 =	vor.u32 v1, v2;
	v14 =	vshll.u32 v14, $0x3  }
0x1c6: {  	[tilespmem:s2+$0x0] =	vst v25;
	v21 =	vshll.u32 v21, $0x3;
	v49 =	vand.u32 $0xC00, v27;
	v50 =	vand.u32 $0xC00, v26  }
0x1c7: {  	[tilespmem:s2+$0x20] =	vst v23;
	v17 =	vand.u32 $0xC00, v17;
	v29 =	vshll.u32 v28, $0x3;
	v13 =	vor.u32 v13, v49  }
0x1c8: {  	s0 =	sadd.s32 $0x100, s0;
	v24 =	vld.idx.msk [tilespmem:v24+s3+$0x0], $0xffff;
	[tilespmem:s2+$0xFFFFFF80] =	vst v3;
	v47 =	vand.u32 $0x7F, v28;
	v10 =	vor.u32 v10, v50;
	v52 =	vor.u32 v0, v13  }
0x1c9: {  	[tilespmem:s2+$0x40] =	vst v19;
	s4 =	sor.u32 $0x70, s0;
	v22 =	vld.idx.msk [tilespmem:v22+s3+$0x0], $0xffff;
	s7 =	sadd.s32 $0xFFFFFF40, s0;
	v9 =	vor.u32 v9, v17;
	v48 =	vand.u32 $0xC00, v29;
	v3 =	vor.u32 v0, v10  }
0x1ca: {  	s8 =	sadd.s32 $0xFFFFFF60, s0;
	v18 =	vld.idx.msk [tilespmem:v18+s3+$0x0], $0xffff;
	v53 =	vand.u32 $0xC00, v20;
	[tilespmem:s4+$0x8000] =	vst v16;
	s6 =	sor.u32 $0x30, s7;
	v54 =	vor.u32 v0, v9;
	v25 =	vor.u32 v47, v48  }
0x1cb: {  	v14 =	vand.u32 $0xC00, v14;
	s7 =	sadd.s32 $0xFFFFFF80, s0;
	v15 =	vld.idx.msk [tilespmem:v15+s3+$0x0], $0xffff;
	s4 =	sor.u32 $0x50, s8;
	v8 =	vor.u32 v8, v53;
	[tilespmem:s6+$0x8000] =	vst v11;
	v51 =	vor.u32 v0, v25  }
0x1cc: {  	v56 =	vand.u32 $0xC00, v21;
	v6 =	vor.u32 v6, v14;
	s9 =	sor.u32 $0x70, s7;
	v55 =	vor.u32 v0, v8;
	[tilespmem:s4+$0x8000] =	vst v12;
	v2 =	vld.idx.msk [tilespmem:v2+s3+$0x0], $0xffff  }
0x1cd: {  	s11 =	sadd.s32 $0xFFFFFFC0, s0;
	v5 =	vor.u32 v5, v56;
	v57 =	vor.u32 v0, v6;
	[tilespmem:s9+$0x8000] =	vst v24;
	v16 =	vld.idx.msk [tilespmem:v52+s3+$0x0], $0xffff  }
0x1ce: {  	v4 =	vor.u32 v4, v7;
	s18 =	sadd.s32 $0xFFFFFFE0, s0;
	v59 =	vor.u32 v0, v5;
	s4 =	sor.u32 $0x30, s11;
	[tilespmem:s2+$0x10] =	vst v22;
	v3 =	vld.idx.msk [tilespmem:v3+s3+$0x0], $0xffff  }
0x1cf: {  	v61 =	vor.u32 v0, v4;
	s6 =	sor.u32 $0x50, s18;
	[tilespmem:s4+$0x8000] =	vst v18;
	v11 =	vld.idx.msk [tilespmem:v54+s3+$0x0], $0xffff  }
0x1d0: {  	v10 =	vor.u32 v1, v10;
	[tilespmem:s6+$0x8000] =	vst v15;
	v58 =	vld.idx.msk [tilespmem:v51+s3+$0x0], $0xffff  }
0x1d1: {  	v60 =	vor.u32 v1, v25;
	v12 =	vld.idx.msk [tilespmem:v55+s3+$0x0], $0xffff;
	[tilespmem:s2+$0xFFFFFF90] =	vst v2;
	s2 =	sadd.s32 $0x100, s2  }
0x1d2: {  	v62 =	vld.idx.msk [tilespmem:v57+s3+$0x0], $0xffff;
	v2 =	vor.u32 v1, v13;
	[tilespmem:s2+$0xFFFFFFA0] =	vst v16  }
0x1d3: {  	v9 =	vor.u32 v1, v9;
	v63 =	vld.idx.msk [tilespmem:v59+s3+$0x0], $0xffff;
	[tilespmem:s2+$0xFFFFFFC0] =	vst v3  }
0x1d4: {  	v8 =	vor.u32 v1, v8;
	v3 =	vld.idx.msk [tilespmem:v61+s3+$0x0], $0xffff;
	[tilespmem:s2+$0xFFFFFFE0] =	vst v11  }
0x1d5: {  	v6 =	vor.u32 v1, v6;
	v10 =	vld.idx.msk [tilespmem:v10+s3+$0x0], $0xffff;
	[tilespmem:s2+$0x60] =	vst v58  }
0x1d6: {  	v5 =	vor.u32 v1, v5;
	[tilespmem:s2+$0x0] =	vst v12;
	v7 =	vld.idx.msk [tilespmem:v60+s3+$0x0], $0xffff  }
0x1d7: {  	v4 =	vor.u32 v1, v4;
	s0 =	sadd.s32 $0x100, s0;
	[tilespmem:s2+$0x20] =	vst v62;
	v2 =	vld.idx.msk [tilespmem:v2+s3+$0x0], $0xffff  }
0x1d8: {  	s8 =	sadd.s32 $0xFFFFFF60, s0;
	v9 =	vld.idx.msk [tilespmem:v9+s3+$0x0], $0xffff;
	[tilespmem:s2+$0x40] =	vst v63  }
0x1d9: {  	s4 =	sor.u32 $0x50, s8;
	v8 =	vld.idx.msk [tilespmem:v8+s3+$0x0], $0xffff;
	[tilespmem:s2+$0xFFFFFF80] =	vst v3  }
0x1da: {  	s7 =	sadd.s32 $0xFFFFFF40, s0;
	s6 =	sor.u32 $0x70, s0;
	v6 =	vld.idx.msk [tilespmem:v6+s3+$0x0], $0xffff;
	[tilespmem:s4+$0x8000] =	vst v10  }
0x1db: {  	s9 =	sadd.s32 $0xFFFFFF80, s0;
	v3 =	vld.idx.msk [tilespmem:v5+s3+$0x0], $0xffff;
	[tilespmem:s6+$0x8000] =	vst v7;
	s6 =	sor.u32 $0x30, s7  }
0x1dc: {  	s11 =	sor.u32 $0x70, s9;
	[tilespmem:s6+$0x8000] =	vst v2;
	v2 =	vld.idx.msk [tilespmem:v4+s3+$0x0], $0xffff  }
0x1dd: {  	s18 =	sadd.s32 $0xFFFFFFC0, s0;
	[tilespmem:s11+$0x8000] =	vst v9  }
.Ltmp6:
0x1de: {  	s0 =	sadd.s32 $0xFFFFFFE0, s0;
	s4 =	sor.u32 $0x30, s18;
	[tilespmem:s2+$0x10] =	vst v8;
	(pc) =	sbr.rel @p2 .LBB2_10-.Ltmp6, $4  }
0x1df: {  	s0 =	sor.u32 $0x50, s0;
	[tilespmem:s4+$0x8000] =	vst v6  }
0x1e0: {  	s31 =	sshll.u32 s31, $0xB;
	[tilespmem:s0+$0x8000] =	vst v3  }
0x1e1: {  	s0 =	sadd.s32 s10, s31;
	[tilespmem:s2+$0xFFFFFF90] =	vst v2  }
0x1e2: {  	[hbm4b:s0+s3] =	stream.linear.scatter [tilespmem:s21], [sflag:$0x3], $0x4000, $0x38;
	[tilespmem:$0x12000] =	vst v63  }
0x1e3: {  	s0 =	simm.s32 $0x0;
	s4 =	simm.s32 $0x1;
	s2 =	simm.s32 $0x2  }
0x1e4: {  	s6 =	simm.s32 $0x3;
	s7 =	simm.s32 $0x4;
	s8 =	simm.s32 $0x6;
	v2 =	vmov s0;
	v4 =	vmov s4;
	v5 =	vmov s2  }
0x1e5: {  	s9 =	simm.s32 $0x7;
	s18 =	simm.s32 $0x9;
	s31 =	simm.s32 $0xB;
	v6 =	vmov s6;
	v7 =	vmov s7;
	v9 =	vmov s8  }
0x1e6: {  	s4 =	simm.s32 $0x5;
	v16 =	vmov s9;
	v20 =	vmov s18;
	v22 =	vmov s31  }
0x1e7: {  	v3 =	vand.u32 $0x78, v2;
	v2 =	vshll.u32 v2, $0x3;
	v8 =	vmov s4  }
0x1e8: {  	v10 =	vand.u32 $0x79, v4;
	v11 =	vand.u32 $0x7A, v5;
	v12 =	vand.u32 $0x7B, v6  }
0x1e9: {  	v13 =	vand.u32 $0x7C, v7;
	v15 =	vand.u32 $0x7E, v9;
	v4 =	vshll.u32 v4, $0x3  }
0x1ea: {  	s0 =	sadd.s32 s16, s30;
	s30 =	simm.s32 $0xA;
	v5 =	vshll.u32 v5, $0x3;
	v6 =	vshll.u32 v6, $0x3;
	v7 =	vshll.u32 v7, $0x3  }
0x1eb: {  	p2 =	sgt.u32 s0, $0x7A0;
	v9 =	vshll.u32 v9, $0x3;
	v17 =	vshll.u32 v16, $0x3;
	v21 =	vmov s30  }
0x1ec: {  	v26 =	vand.u32 $0x79, v20;
	v28 =	vand.u32 $0x7B, v22;
	v2 =	vand.u32 $0xC00, v2;
	s0 =	sshll.u32 @!p2 s0, $0x9;
	s2 =	simm.s32 @!p2 $0x1000  }
0x1ed: {  	v14 =	vand.u32 $0x7D, v8;
	v8 =	vshll.u32 v8, $0x3;
	s4 =	simm.s32 @!p2 $0x7A1400;
	s6 =	simm.s32 @!p2 $0x0;
	v4 =	vand.u32 $0xC00, v4;
	s0 =	sadd.s32 @!p2 s1, s0  }
0x1ee: {  	v2 =	vor.u32 v3, v2;
	v3 =	vand.u32 $0x7F, v16;
	v16 =	vand.u32 $0xC00, v17;
	[tilespmem:s6], [sflag:$0x1] =	stream.strided.gather @!p2 [hbm4b:s0+s2], $0x4000, s4, s2, $0x38;
	[tilespmem:$0x12000] =	vst v63  }
0x1ef: {  	v5 =	vand.u32 $0xC00, v5;
	v6 =	vand.u32 $0xC00, v6;
	v3 =	vor.u32 v3, v16;
	_ =	swait.ge [sflag:s22], $0x4000  }
0x1f0: {  	v7 =	vand.u32 $0xC00, v7;
	v4 =	vor.u32 v10, v4;
	v10 =	vor.u32 v0, v3;
	[sflag:s22] =	ssyncset.done $0x0  }
0x1f1: {  	v9 =	vand.u32 $0xC00, v9;
	v5 =	vor.u32 v11, v5;
	v16 =	vor.u32 v0, v4;
	s0 =	simm.s32 @!p1 $0x4;
	[sflag:s22] =	ssyncadd.s32 $0xFFFFC000  }
0x1f2: {  	v27 =	vand.u32 $0x7A, v21;
	v6 =	vor.u32 v12, v6;
	v11 =	vor.u32 v0, v5;
	_ =	swait.ge @!p1 [sflag:s0], $0x4000  }
0x1f3: {  	v7 =	vor.u32 v13, v7;
	v8 =	vand.u32 $0xC00, v8;
	v12 =	vor.u32 v0, v6;
	[sflag:s0] =	ssyncset.done @!p1 $0x0  }
0x1f4: {  	s11 =	simm.s32 $0x8;
	v9 =	vor.u32 v15, v9;
	v13 =	vor.u32 v0, v7;
	v8 =	vor.u32 v14, v8;
	[sflag:s0] =	ssyncadd.s32 @!p1 $0xFFFFC000  }
0x1f5: {  	v17 =	vor.u32 v0, v2;
	v14 =	vmov s11;
	v15 =	vor.u32 v0, v8;
	v10 =	vld.idx.msk [tilespmem:v10+s23+$0x0], $0xffff  }
0x1f6: {  	v19 =	vor.u32 v0, v9;
	v4 =	vor.u32 v1, v4;
	v5 =	vor.u32 v1, v5;
	v16 =	vld.idx.msk [tilespmem:v16+s23+$0x0], $0xffff  }
0x1f7: {  	v6 =	vor.u32 v1, v6;
	v7 =	vor.u32 v1, v7;
	v9 =	vor.u32 v1, v9;
	v11 =	vld.idx.msk [tilespmem:v11+s23+$0x0], $0xffff  }
0x1f8: {  	s2 =	simm.s32 $0xC;
	s4 =	simm.s32 $0xD;
	s6 =	simm.s32 $0xE;
	v18 =	vand.u32 $0x78, v14;
	v14 =	vshll.u32 v14, $0x3;
	v3 =	vor.u32 v1, v3;
	v12 =	vld.idx.msk [tilespmem:v12+s23+$0x0], $0xffff  }
0x1f9: {  	v23 =	vmov s2;
	v24 =	vmov s4;
	v25 =	vmov s6;
	s2 =	simm.s32 $0xC080;
	v13 =	vld.idx.msk [tilespmem:v13+s23+$0x0], $0xffff  }
0x1fa: {  	v8 =	vor.u32 v1, v8;
	v14 =	vand.u32 $0xC00, v14;
	v29 =	vand.u32 $0x7C, v23;
	v15 =	vld.idx.msk [tilespmem:v15+s23+$0x0], $0xffff;
	[tilespmem:s2+$0x60] =	vst v10  }
0x1fb: {  	v30 =	vand.u32 $0x7D, v24;
	v31 =	vand.u32 $0x7E, v25;
	v10 =	vld.idx.msk [tilespmem:v19+s23+$0x0], $0xffff;
	v19 =	vshll.u32 v20, $0x3;
	[tilespmem:s2+$0xFFFFFFA0] =	vst v16  }
0x1fc: {  	s7 =	simm.s32 $0xF;
	v17 =	vld.idx.msk [tilespmem:v17+s23+$0x0], $0xffff;
	v20 =	vshll.u32 v21, $0x3;
	v21 =	vshll.u32 v22, $0x3;
	v16 =	vshll.u32 v23, $0x3;
	[tilespmem:s2+$0xFFFFFFC0] =	vst v11  }
0x1fd: {  	v22 =	vmov s7;
	v23 =	vor.u32 v1, v2;
	v11 =	vshll.u32 v24, $0x3;
	[tilespmem:s2+$0xFFFFFFE0] =	vst v12;
	v3 =	vld.idx.msk [tilespmem:v3+s23+$0x0], $0xffff  }
0x1fe: {  	v24 =	vshll.u32 v25, $0x3;
	v2 =	vor.u32 v18, v14;
	[tilespmem:s2+$0x0] =	vst v13;
	v4 =	vld.idx.msk [tilespmem:v4+s23+$0x0], $0xffff;
	v25 =	vshll.u32 v22, $0x3  }
0x1ff: {  	[tilespmem:s2+$0x20] =	vst v15;
	v5 =	vld.idx.msk [tilespmem:v5+s23+$0x0], $0xffff;
	v12 =	vand.u32 $0x7F, v22;
	v13 =	vor.u32 v0, v2;
	v15 =	vand.u32 $0xC00, v20  }
0x200: {  	v6 =	vld.idx.msk [tilespmem:v6+s23+$0x0], $0xffff;
	v18 =	vand.u32 $0xC00, v19;
	v14 =	vand.u32 $0xC00, v25;
	v15 =	vor.u32 v27, v15  }
0x201: {  	[tilespmem:s2+$0xFFFFFF80] =	vst v17;
	v7 =	vld.idx.msk [tilespmem:v7+s23+$0x0], $0xffff;
	v19 =	vand.u32 $0xC00, v21;
	v12 =	vor.u32 v12, v14;
	v17 =	vor.u32 v0, v15  }
0x202: {  	s0 =	simm.s32 $0xE0;
	v8 =	vld.idx.msk [tilespmem:v8+s23+$0x0], $0xffff;
	v19 =	vor.u32 v28, v19;
	v14 =	vor.u32 v26, v18;
	v18 =	vor.u32 v0, v12  }
0x203: {  	s8 =	simm.s32 $0x20;
	s9 =	sor.u32 $0x70, s0;
	v11 =	vand.u32 $0xC00, v11;
	v20 =	vor.u32 v0, v19;
	[tilespmem:s2+$0x40] =	vst v10;
	v21 =	vld.idx.msk [tilespmem:v23+s23+$0x0], $0xffff  }
0x204: {  	s4 =	sor.u32 $0x30, s8;
	s7 =	simm.s32 $0x40;
	v16 =	vand.u32 $0xC00, v16;
	v11 =	vor.u32 v30, v11;
	v10 =	vor.u32 v0, v14;
	v9 =	vld.idx.msk [tilespmem:v9+s23+$0x0], $0xffff;
	[tilespmem:s9+$0xC000] =	vst v3  }
0x205: {  	s8 =	simm.s32 $0x60;
	s7 =	sor.u32 $0x50, s7;
	v16 =	vor.u32 v29, v16;
	v22 =	vor.u32 v0, v11;
	[tilespmem:s4+$0xC000] =	vst v4;
	v3 =	vld.idx.msk [tilespmem:v13+s23+$0x0], $0xffff;
	v4 =	vand.u32 $0xC00, v24  }
0x206: {  	s18 =	sor.u32 $0x70, s8;
	s8 =	simm.s32 $0x11;
	v13 =	vor.u32 v0, v16;
	[tilespmem:s7+$0xC000] =	vst v5;
	v26 =	vor.u32 v31, v4;
	v17 =	vld.idx.msk [tilespmem:v17+s23+$0x0], $0xffff  }
0x207: {  	s30 =	simm.s32 $0xA0;
	s11 =	simm.s32 $0x10;
	v28 =	vmov s8;
	v33 =	vor.u32 v1, v15;
	[tilespmem:s18+$0xC000] =	vst v6;
	v27 =	vor.u32 v0, v26;
	v18 =	vld.idx.msk [tilespmem:v18+s23+$0x0], $0xffff  }
0x208: {  	s6 =	sor.u32 $0x30, s30;
	s30 =	simm.s32 $0x15;
	v12 =	vor.u32 v1, v12;
	v63 =	vor.u32 v1, v14;
	v5 =	vmov s11;
	[tilespmem:s2+$0x10] =	vst v7;
	v32 =	vld.idx.msk [tilespmem:v20+s23+$0x0], $0xffff  }
0x209: {  	s31 =	simm.s32 $0xC0;
	v14 =	vmov s30;
	s9 =	simm.s32 $0x12;
	s11 =	simm.s32 $0x13;
	[tilespmem:s6+$0xC000] =	vst v8;
	v24 =	vor.u32 v1, v19;
	v4 =	vand.u32 $0x78, v5;
	v6 =	vld.idx.msk [tilespmem:v10+s23+$0x0], $0xffff  }
0x20a: {  	s7 =	sor.u32 $0x50, s31;
	s18 =	simm.s32 $0x14;
	v5 =	vshll.u32 v5, $0x3;
	v29 =	vmov s9;
	v62 =	vmov s11;
	v23 =	vld.idx.msk [tilespmem:v22+s23+$0x0], $0xffff;
	[tilespmem:s2+$0xFFFFFF90] =	vst v21  }
0x20b: {  	v20 =	vmov s18;
	v7 =	vand.u32 $0xC00, v5;
	v22 =	vor.u32 v1, v16;
	s2 =	simm.s32 $0xC180;
	[tilespmem:s7+$0xC000] =	vst v9;
	v25 =	vld.idx.msk [tilespmem:v13+s23+$0x0], $0xffff  }
0x20c: {  	s31 =	simm.s32 $0x16;
	v15 =	vor.u32 v1, v26;
	v26 =	vshll.u32 v29, $0x3;
	v8 =	vand.u32 $0x7C, v20;
	v19 =	vld.idx.msk [tilespmem:v27+s23+$0x0], $0xffff;
	[tilespmem:s2+$0x60] =	vst v18  }
0x20d: {  	v21 =	vmov s31;
	v10 =	vand.u32 $0x7A, v29;
	[tilespmem:s2+$0xFFFFFFC0] =	vst v17;
	v18 =	vor.u32 v1, v11;
	v16 =	vld.idx.msk [tilespmem:v12+s23+$0x0], $0xffff  }
0x20e: {  	v13 =	vand.u32 $0x79, v28;
	v9 =	vand.u32 $0x7B, v62;
	v5 =	vand.u32 $0x7E, v21;
	[tilespmem:s2+$0xFFFFFFA0] =	vst v6;
	v12 =	vld.idx.msk [tilespmem:v33+s23+$0x0], $0xffff  }
0x20f: {  	s6 =	simm.s32 $0x17;
	s4 =	simm.s32 $0x18;
	v27 =	vshll.u32 v28, $0x3;
	v17 =	vshll.u32 v62, $0x3;
	[tilespmem:s2+$0xFFFFFFE0] =	vst v32;
	v6 =	vand.u32 $0x7D, v14;
	v11 =	vld.idx.msk [tilespmem:v63+s23+$0x0], $0xffff  }
.LBB2_8:
0x210: {  	p1 =	slt.u32 s4, $0x1F8;
	v20 =	vshll.u32 v20, $0x3;
	v28 =	vmov s6;
	v29 =	vor.u32 v1, v2;
	v24 =	vld.idx.msk [tilespmem:v24+s23+$0x0], $0xffff;
	[tilespmem:s2+$0x0] =	vst v25  }
0x211: {  	v14 =	vshll.u32 v14, $0x3;
	v21 =	vshll.u32 v21, $0x3;
	s0 =	sadd.s32 $0x100, s0;
	v25 =	vshll.u32 v28, $0x3;
	v22 =	vld.idx.msk [tilespmem:v22+s23+$0x0], $0xffff;
	[tilespmem:s2+$0x20] =	vst v23  }
0x212: {  	v2 =	vor.u32 v4, v7;
	v4 =	vand.u32 $0x7F, v28;
	s6 =	sadd.s32 $0xFFFFFF40, s0;
	s7 =	sadd.s32 $0xFFFFFF60, s0;
	s8 =	sor.u32 $0x70, s0;
	v7 =	vand.u32 $0xC00, v25;
	v18 =	vld.idx.msk [tilespmem:v18+s23+$0x0], $0xffff;
	[tilespmem:s2+$0x40] =	vst v19  }
0x213: {  	v23 =	vand.u32 $0xC00, v27;
	s9 =	sadd.s32 $0xFFFFFF80, s0;
	s11 =	sadd.s32 $0xFFFFFFC0, s0;
	s18 =	sadd.s32 $0xFFFFFFE0, s0;
	v19 =	vor.u32 v0, v2;
	v7 =	vor.u32 v4, v7;
	v15 =	vld.idx.msk [tilespmem:v15+s23+$0x0], $0xffff;
	[tilespmem:s8+$0xC000] =	vst v16  }
0x214: {  	v13 =	vor.u32 v13, v23;
	s6 =	sor.u32 $0x30, s6;
	s7 =	sor.u32 $0x50, s7;
	v4 =	vand.u32 $0xC00, v26;
	s8 =	sor.u32 $0x70, s9;
	v16 =	vor.u32 v0, v7;
	[tilespmem:s2+$0xFFFFFF80] =	vst v3  }
0x215: {  	v23 =	vor.u32 v0, v13;
	s9 =	sor.u32 $0x50, s18;
	v10 =	vor.u32 v10, v4;
	v3 =	vand.u32 $0xC00, v17;
	v17 =	vld.idx.msk [tilespmem:v29+s23+$0x0], $0xffff;
	[tilespmem:s6+$0xC000] =	vst v11;
	s6 =	sor.u32 $0x30, s11  }
0x216: {  	v11 =	vor.u32 v0, v10;
	v9 =	vor.u32 v9, v3;
	v3 =	vand.u32 $0xC00, v20;
	[tilespmem:s7+$0xC000] =	vst v12  }
0x217: {  	v4 =	vand.u32 $0xC00, v14;
	v12 =	vor.u32 v0, v9;
	v8 =	vor.u32 v8, v3;
	[tilespmem:s8+$0xC000] =	vst v24  }
0x218: {  	v6 =	vor.u32 v6, v4;
	v4 =	vand.u32 $0xC00, v21;
	v3 =	vld.idx.msk [tilespmem:v19+s23+$0x0], $0xffff;
	v19 =	vor.u32 v0, v8;
	[tilespmem:s2+$0x10] =	vst v22  }
0x219: {  	v14 =	vmov s4;
	v26 =	vor.u32 v5, v4;
	v22 =	vor.u32 v0, v6;
	v5 =	vld.idx.msk [tilespmem:v16+s23+$0x0], $0xffff;
	[tilespmem:s6+$0xC000] =	vst v18  }
0x21a: {  	v4 =	vand.u32 $0x78, v14;
	s6 =	sadd.s32 $0x1, s4;
	v18 =	vor.u32 v0, v26;
	v16 =	vld.idx.msk [tilespmem:v23+s23+$0x0], $0xffff;
	[tilespmem:s9+$0xC000] =	vst v15  }
0x21b: {  	s7 =	sadd.s32 $0x3, s4;
	v15 =	vshll.u32 v14, $0x3;
	v27 =	vmov s6;
	s6 =	sadd.s32 $0x2, s4;
	v28 =	vld.idx.msk [tilespmem:v11+s23+$0x0], $0xffff;
	v11 =	vor.u32 v1, v7;
	[tilespmem:s2+$0xFFFFFF90] =	vst v17  }
0x21c: {  	v30 =	vor.u32 v1, v13;
	v29 =	vmov s7;
	s7 =	sadd.s32 $0x5, s4;
	v17 =	vmov s6;
	s6 =	sadd.s32 $0x4, s4;
	v31 =	vld.idx.msk [tilespmem:v12+s23+$0x0], $0xffff  }
0x21d: {  	v14 =	vmov s7;
	v20 =	vmov s6;
	s6 =	sadd.s32 $0x6, s4;
	v12 =	vor.u32 v1, v10;
	v25 =	vld.idx.msk [tilespmem:v19+s23+$0x0], $0xffff  }
.Ltmp7:
0x21e: {  	v24 =	vor.u32 v1, v9;
	v7 =	vand.u32 $0xC00, v15;
	s2 =	sadd.s32 $0x100, s2;
	v21 =	vmov s6;
	v23 =	vld.idx.msk [tilespmem:v22+s23+$0x0], $0xffff;
	(pc) =	sbr.rel @p1 .LBB2_8-.Ltmp7, $4  }
0x21f: {  	v13 =	vand.u32 $0x79, v27;
	v10 =	vand.u32 $0x7A, v17;
	v22 =	vor.u32 v1, v8;
	v19 =	vld.idx.msk [tilespmem:v18+s23+$0x0], $0xffff;
	[tilespmem:s2+$0x60] =	vst v5  }
0x220: {  	v9 =	vand.u32 $0x7B, v29;
	v8 =	vand.u32 $0x7C, v20;
	v18 =	vor.u32 v1, v6;
	[tilespmem:s2+$0xFFFFFFA0] =	vst v16;
	v16 =	vld.idx.msk [tilespmem:v11+s23+$0x0], $0xffff  }
0x221: {  	v15 =	vor.u32 v1, v26;
	v6 =	vand.u32 $0x7D, v14;
	v5 =	vand.u32 $0x7E, v21;
	v11 =	vld.idx.msk [tilespmem:v30+s23+$0x0], $0xffff;
	[tilespmem:s2+$0xFFFFFFC0] =	vst v28  }
0x222: {  	v27 =	vshll.u32 v27, $0x3;
	v26 =	vshll.u32 v17, $0x3;
	v17 =	vshll.u32 v29, $0x3;
	s6 =	sadd.s32 $0x7, s4;
	s4 =	sadd.s32 $0x8, s4;
	v12 =	vld.idx.msk [tilespmem:v12+s23+$0x0], $0xffff;
	[tilespmem:s2+$0xFFFFFFE0] =	vst v31  }
0x223: {  	v28 =	vmov s6  }
0x224: {  	v20 =	vshll.u32 v20, $0x3;
	v2 =	vor.u32 v1, v2;
	v14 =	vshll.u32 v14, $0x3  }
0x225: {  	[tilespmem:s2+$0x0] =	vst v25;
	v21 =	vshll.u32 v21, $0x3;
	v49 =	vand.u32 $0xC00, v27;
	v50 =	vand.u32 $0xC00, v26  }
0x226: {  	[tilespmem:s2+$0x20] =	vst v23;
	v17 =	vand.u32 $0xC00, v17;
	v29 =	vshll.u32 v28, $0x3;
	v13 =	vor.u32 v13, v49  }
0x227: {  	s0 =	sadd.s32 $0x100, s0;
	v24 =	vld.idx.msk [tilespmem:v24+s23+$0x0], $0xffff;
	[tilespmem:s2+$0xFFFFFF80] =	vst v3;
	v47 =	vand.u32 $0x7F, v28;
	v10 =	vor.u32 v10, v50;
	v52 =	vor.u32 v0, v13  }
0x228: {  	[tilespmem:s2+$0x40] =	vst v19;
	s4 =	sor.u32 $0x70, s0;
	v22 =	vld.idx.msk [tilespmem:v22+s23+$0x0], $0xffff;
	s9 =	sadd.s32 $0xFFFFFF40, s0;
	v9 =	vor.u32 v9, v17;
	v53 =	vand.u32 $0xC00, v20;
	v3 =	vor.u32 v0, v10  }
0x229: {  	s11 =	sadd.s32 $0xFFFFFF60, s0;
	v18 =	vld.idx.msk [tilespmem:v18+s23+$0x0], $0xffff;
	v14 =	vand.u32 $0xC00, v14;
	[tilespmem:s4+$0xC000] =	vst v16;
	s6 =	sor.u32 $0x30, s9;
	v54 =	vor.u32 v0, v9;
	v8 =	vor.u32 v8, v53  }
0x22a: {  	s7 =	sadd.s32 $0xFFFFFF80, s0;
	v56 =	vand.u32 $0xC00, v21;
	v15 =	vld.idx.msk [tilespmem:v15+s23+$0x0], $0xffff;
	s4 =	sor.u32 $0x50, s11;
	v6 =	vor.u32 v6, v14;
	[tilespmem:s6+$0xC000] =	vst v11;
	v55 =	vor.u32 v0, v8  }
0x22b: {  	v48 =	vand.u32 $0xC00, v29;
	s18 =	sor.u32 $0x70, s7;
	v5 =	vor.u32 v5, v56;
	v57 =	vor.u32 v0, v6;
	[tilespmem:s4+$0xC000] =	vst v12;
	v2 =	vld.idx.msk [tilespmem:v2+s23+$0x0], $0xffff  }
0x22c: {  	s30 =	sadd.s32 $0xFFFFFFC0, s0;
	v25 =	vor.u32 v47, v48;
	v59 =	vor.u32 v0, v5;
	[tilespmem:s18+$0xC000] =	vst v24;
	v16 =	vld.idx.msk [tilespmem:v52+s23+$0x0], $0xffff  }
0x22d: {  	v4 =	vor.u32 v4, v7;
	s31 =	sadd.s32 $0xFFFFFFE0, s0;
	v51 =	vor.u32 v0, v25;
	s4 =	sor.u32 $0x30, s30;
	[tilespmem:s2+$0x10] =	vst v22;
	v3 =	vld.idx.msk [tilespmem:v3+s23+$0x0], $0xffff  }
0x22e: {  	v61 =	vor.u32 v0, v4;
	s6 =	sor.u32 $0x50, s31;
	[tilespmem:s4+$0xC000] =	vst v18;
	v11 =	vld.idx.msk [tilespmem:v54+s23+$0x0], $0xffff  }
0x22f: {  	v10 =	vor.u32 v1, v10;
	[tilespmem:s6+$0xC000] =	vst v15;
	v12 =	vld.idx.msk [tilespmem:v55+s23+$0x0], $0xffff  }
0x230: {  	v9 =	vor.u32 v1, v9;
	v62 =	vld.idx.msk [tilespmem:v57+s23+$0x0], $0xffff;
	[tilespmem:s2+$0xFFFFFF90] =	vst v2;
	s2 =	sadd.s32 $0x100, s2  }
0x231: {  	v63 =	vld.idx.msk [tilespmem:v59+s23+$0x0], $0xffff;
	v2 =	vor.u32 v1, v13;
	[tilespmem:s2+$0xFFFFFFA0] =	vst v16  }
0x232: {  	v8 =	vor.u32 v1, v8;
	v58 =	vld.idx.msk [tilespmem:v51+s23+$0x0], $0xffff;
	[tilespmem:s2+$0xFFFFFFC0] =	vst v3  }
0x233: {  	v6 =	vor.u32 v1, v6;
	v3 =	vld.idx.msk [tilespmem:v61+s23+$0x0], $0xffff;
	[tilespmem:s2+$0xFFFFFFE0] =	vst v11  }
0x234: {  	v60 =	vor.u32 v1, v25;
	[tilespmem:s2+$0x0] =	vst v12;
	v10 =	vld.idx.msk [tilespmem:v10+s23+$0x0], $0xffff  }
0x235: {  	v5 =	vor.u32 v1, v5;
	[tilespmem:s2+$0x20] =	vst v62;
	v9 =	vld.idx.msk [tilespmem:v9+s23+$0x0], $0xffff  }
0x236: {  	v4 =	vor.u32 v1, v4;
	s0 =	sadd.s32 $0x100, s0;
	[tilespmem:s2+$0x40] =	vst v63;
	v2 =	vld.idx.msk [tilespmem:v2+s23+$0x0], $0xffff  }
0x237: {  	s9 =	sadd.s32 $0xFFFFFF60, s0;
	[tilespmem:s2+$0x60] =	vst v58;
	v8 =	vld.idx.msk [tilespmem:v8+s23+$0x0], $0xffff  }
0x238: {  	s11 =	sadd.s32 $0xFFFFFF80, s0;
	s4 =	sor.u32 $0x50, s9;
	v6 =	vld.idx.msk [tilespmem:v6+s23+$0x0], $0xffff;
	[tilespmem:s2+$0xFFFFFF80] =	vst v3  }
0x239: {  	s8 =	sadd.s32 $0xFFFFFF40, s0;
	s18 =	sor.u32 $0x70, s11;
	v7 =	vld.idx.msk [tilespmem:v60+s23+$0x0], $0xffff;
	[tilespmem:s4+$0xC000] =	vst v10  }
0x23a: {  	s6 =	sor.u32 $0x30, s8;
	v3 =	vld.idx.msk [tilespmem:v5+s23+$0x0], $0xffff;
	[tilespmem:s18+$0xC000] =	vst v9  }
0x23b: {  	s30 =	sadd.s32 $0xFFFFFFC0, s0;
	[tilespmem:s6+$0xC000] =	vst v2;
	v2 =	vld.idx.msk [tilespmem:v4+s23+$0x0], $0xffff  }
0x23c: {  	s4 =	sor.u32 $0x30, s30;
	[tilespmem:s2+$0x10] =	vst v8  }
.Ltmp8:
0x23d: {  	s7 =	sor.u32 $0x70, s0;
	s0 =	sadd.s32 $0xFFFFFFE0, s0;
	[tilespmem:s4+$0xC000] =	vst v6;
	(pc) =	sbr.rel .LBB2_10-.Ltmp8, $4  }
0x23e: {  	s0 =	sor.u32 $0x50, s0;
	[tilespmem:s7+$0xC000] =	vst v7  }
0x23f: {  	s31 =	sshll.u32 s29, $0xB;
	[tilespmem:s0+$0xC000] =	vst v3  }
0x240: {  	s0 =	sadd.s32 s10, s31;
	[tilespmem:s2+$0xFFFFFF90] =	vst v2  }
0x241: {  	[hbm4b:s0+s3] =	stream.linear.scatter [tilespmem:s24], [sflag:$0x4], $0x4000, $0x38;
	[tilespmem:$0x12000] =	vst v63  }
.LBB2_12:
0x242: {  	_ =	sfence.sel $0x180000  }
0x243: {  	[bflag:$0x0] =	sbarrier.arrive $0xFFFF  }
0x244: {  	_ =	strace $0x90000047  }
0x245: {  	s0 =	stileid.u32;
	[bflag:$0x2] =	sbarrier.arrive $0xFFFF  }
0x246: {  	p0 =	sne.s32 s0, $0x0;
	s0 =	rddreg [dreg:$0x3]  }
0x247: {  	s0 =	sadd.s32 @!p0 $0x100000, s0  }
0x248: {  	[sflag:s0] =	ssyncadd.tile.s32 @!p0 $0x1;
	_ =	shalt  }
.Lfunc_end2:
_tile_overlayer_lowered:
.L_overlay_start_2:
0x249: {  	(tag) =	ssettag $0x2  }
0x24a: {  	s0 =	rddreg [dreg:$0x0];
	s2 =	stileid.u32  }
0x24b: {  	s1 =	rddreg [dreg:$0x1];
	p0 =	sne.s32 s2, $0x0  }
0x24c: {  	s3 =	rddreg [dreg:$0x2];
	[bflag:$0x3] =	sbarrier.arrive $0xFFFF;
	s2 =	simm.s32 @!p0 $0x1C05  }
0x24d: {  	[timem:s3], [sflag:s2] =	dma.local @!p0 [hbm:s0], s1  }
0x24e: {  	s0 =	simm.s32 @!p0 $0x5  }
0x24f: {  	_ =	swait.ge @!p0 [sflag:s0], s1  }
0x250: {  	s1 =	ssub.s32 @!p0 $0x0, s1;
	[sflag:s0] =	ssyncset.done @!p0 $0x0  }
0x251: {  	[sflag:s0] =	ssyncadd.s32 @!p0 s1  }
0x252: {  	[bflag:$0x3] =	sbarrier.arrive $0xFFFF  }
0x253: {  	_ =	shalt  }

// kernel: kernel.7.cloned.1.call-start
scs
__scs_entry_jumppad:
0x0: {  	(pc) =	sbr.rel $0x88, $3  }
0x1: {  	(tag) =	ssettag $0x0;
	lr =	simm.s32 $0x1  }
0x2: {  	[smem:$0x3F9F] =	sst lr;
	_ =	strace $0xD0000000  }
0x3: {  	_ = 	snop  }
0x4: {  	_ = 	snop  }
0x5: {  	_ = 	snop  }
0x6: {  	_ = 	snop  }
0x7: {  	_ = 	snop  }
__scs_overlays_trampoline_lowered:
0x8: {  	[smem:$0x3FAE] =	sst s0  }
0x9: {  	[smem:$0x3FAF] =	sst s1  }
0xa: {  	[smem:$0x3FB0] =	sst s2  }
0xb: {  	[smem:$0x3FB1] =	sst s3  }
0xc: {  	[smem:$0x3FB2] =	sst s4  }
0xd: {  	[smem:$0x3FB3] =	sst s5  }
0xe: {  	[smem:$0x3FB4] =	sst s6  }
0xf: {  	[smem:$0x3FB5] =	sst s7  }
0x10: {  	[smem:$0x3FB6] =	sst s8  }
0x11: {  	[smem:$0x3FB7] =	sst s9;
	s0 =	simm.s32 @!p0 $0x0  }
0x12: {  	s1 =	sld [smem:$0x3F9D];
	s0 =	simm.s32 @p0 $0x1  }
0x13: {  	[smem:$0x3FB8] =	sst s0;
	s0 =	simm.s32 @!p1 $0x0  }
0x14: {  	s2 =	sld [smem:$0x3F9C];
	s0 =	simm.s32 @p1 $0x1  }
0x15: {  	[smem:$0x3FB9] =	sst s0;
	s0 =	simm.s32 @!p2 $0x0  }
0x16: {  	s3 =	sld [smem:$0x3FDB];
	s0 =	simm.s32 @p2 $0x1  }
0x17: {  	s4 =	simm.s32 $0x1BF5;
	[smem:$0x3FBB] =	sst s0  }
0x18: {  	s0 =	sld [smem:$0x3F9E];
	_ =	swait.ge [sflag:s4], $0x0  }
0x19: {  	s7 =	sld [smem:$0x3F9F]  }
0x1a: {  	s8 =	sadd.s32 $0xFFFFE003, lr  }
0x1b: {  	s9 =	sadd.s32 $0xFFFFFEF7, lr;
	s5 =	simm.s32 $0xFFFFFFFF;
	p2 =	slt.u32 s8, $0xFFFFF086  }
0x1c: {  	p1 =	slt.u32 s9, $0xF7A;
	s5 =	simm.s32 @!p2 $0x0  }
0x1d: {  	s5 =	simm.s32 @p1 $0x1;
	p0 =	seq.s32 s7, s2  }
0x1e: {  	s7 =	smul.u32 @!p0 $0xF7A, s2;
	p2 =	seq.s32 @!p0 s5, $0x0  }
0x1f: {  	s9 =	smul.u32 $0xF7A, s1;
	s8 =	simm.s32 @!p0 $0x1BF5;
	p2 =	por !p2, p0  }
0x20: {  	[sflag:s8] =	ssyncset.s32 @!p0 $0xFFFFF086;
	s6 =	sadd.s32 @!p0 s3, s7;
	s7 =	simm.s32 @!p0 $0x108  }
0x21: {  	s3 =	sadd.s32 s3, s9;
	s6 =	sadd.s32 @!p0 $0x88, s6;
	s7 =	simm.s32 @p2 $0x1082  }
0x22: {  	[simem:s7], [sflag:s8] =	dma.local @!p0 [hbm:s6], $0xF7A  }
0x23: {  	s9 =	sor.u32 $0xD0000000, s2;
	s6 =	simm.s32 $0x108;
	_ =	swait.ge @!p0 [sflag:s8], $0x0  }
0x24: {  	s3 =	sadd.s32 $0x88, s3;
	s6 =	simm.s32 @!p1 $0x1082;
	[sflag:s4] =	ssyncset.s32 $0xFFFFF086  }
0x25: {  	[simem:s6], [sflag:s4] =	dma.local [hbm:s3], $0xF7A  }
0x26: {  	[smem:$0x3F9F] =	sst s1;
	(tag) =	ssettag s2;
	_ =	strace s9  }
0x27: {  	s1 =	sld [smem:$0x3FAF]  }
0x28: {  	s2 =	sld [smem:$0x3FB0]  }
0x29: {  	s4 =	sld [smem:$0x3FB2]  }
0x2a: {  	p0 =	seq.s32 s5, $0x0;
	s5 =	sld [smem:$0x3FB3]  }
0x2b: {  	s6 =	sld [smem:$0x3FB4]  }
0x2c: {  	s7 =	sld [smem:$0x3FB5]  }
0x2d: {  	s3 =	simm.s32 $0x108;
	s8 =	sld [smem:$0x3FB6]  }
0x2e: {  	s3 =	simm.s32 @!p0 $0x1082;
	s9 =	sld [smem:$0x3FB7]  }
0x2f: {  	lr =	sadd.s32 s0, s3;
	s0 =	sld [smem:$0x3FAE]  }
0x30: {  	s3 =	sld [smem:$0x3FB1]  }
0x31: {  	[smem:$0x3FBA] =	sst s10  }
0x32: {  	s10 =	sld [smem:$0x3FB8];
	_ =	sdelay $0x3  }
0x33: {  	p0 =	seq.s32 s10, $0x1;
	s10 =	sld [smem:$0x3FBA];
	_ =	sdelay $0x3  }
0x34: {  	[smem:$0x3FBA] =	sst s10  }
0x35: {  	s10 =	sld [smem:$0x3FB9];
	_ =	sdelay $0x3  }
0x36: {  	p1 =	seq.s32 s10, $0x1;
	s10 =	sld [smem:$0x3FBA];
	_ =	sdelay $0x3  }
0x37: {  	[smem:$0x3FBA] =	sst s10  }
0x38: {  	s10 =	sld [smem:$0x3FBB]  }
0x39: {  	_ = 	snop;
	(pc) =	sbr.ind lr, $3  }
0x3a: {  	_ = 	snop  }
0x3b: {  	_ = 	snop  }
0x3c: {  	p2 =	seq.s32 s10, $0x1;
	s10 =	sld [smem:$0x3FBA]  }
0x3d: {  	_ =	shalt  }
0x3e: {  	_ =	shalt  }
0x3f: {  	_ =	shalt  }
0x40: {  	_ =	shalt  }
0x41: {  	_ =	shalt  }
0x42: {  	_ =	shalt  }
0x43: {  	_ =	shalt  }
0x44: {  	_ =	shalt  }
0x45: {  	_ =	shalt  }
0x46: {  	_ =	shalt  }
0x47: {  	_ =	shalt  }
0x48: {  	_ =	shalt  }
0x49: {  	_ =	shalt  }
0x4a: {  	_ =	shalt  }
0x4b: {  	_ =	shalt  }
0x4c: {  	_ =	shalt  }
0x4d: {  	_ =	shalt  }
0x4e: {  	_ =	shalt  }
0x4f: {  	_ =	shalt  }
0x50: {  	_ =	shalt  }
0x51: {  	_ =	shalt  }
0x52: {  	_ =	shalt  }
0x53: {  	_ =	shalt  }
0x54: {  	_ =	shalt  }
0x55: {  	_ =	shalt  }
0x56: {  	_ =	shalt  }
0x57: {  	_ =	shalt  }
0x58: {  	_ =	shalt  }
0x59: {  	_ =	shalt  }
0x5a: {  	_ =	shalt  }
0x5b: {  	_ =	shalt  }
0x5c: {  	_ =	shalt  }
0x5d: {  	_ =	shalt  }
0x5e: {  	_ =	shalt  }
0x5f: {  	_ =	shalt  }
0x60: {  	_ =	shalt  }
0x61: {  	_ =	shalt  }
0x62: {  	_ =	shalt  }
0x63: {  	_ =	shalt  }
0x64: {  	_ =	shalt  }
0x65: {  	_ =	shalt  }
0x66: {  	_ =	shalt  }
0x67: {  	_ =	shalt  }
0x68: {  	_ =	shalt  }
0x69: {  	_ =	shalt  }
0x6a: {  	_ =	shalt  }
0x6b: {  	_ =	shalt  }
0x6c: {  	_ =	shalt  }
0x6d: {  	_ =	shalt  }
0x6e: {  	_ =	shalt  }
0x6f: {  	_ =	shalt  }
0x70: {  	_ =	shalt  }
0x71: {  	_ =	shalt  }
0x72: {  	_ =	shalt  }
0x73: {  	_ =	shalt  }
0x74: {  	_ =	shalt  }
0x75: {  	_ =	shalt  }
0x76: {  	_ =	shalt  }
0x77: {  	_ =	shalt  }
0x78: {  	_ =	shalt  }
0x79: {  	_ =	shalt  }
0x7a: {  	_ =	shalt  }
0x7b: {  	_ =	shalt  }
0x7c: {  	_ =	shalt  }
0x7d: {  	_ =	shalt  }
0x7e: {  	_ =	shalt  }
0x7f: {  	_ =	shalt  }
0x80: {  	_ =	shalt  }
0x81: {  	_ =	shalt  }
0x82: {  	_ =	shalt  }
0x83: {  	_ =	shalt  }
0x84: {  	_ =	shalt  }
0x85: {  	_ =	shalt  }
0x86: {  	_ =	shalt  }
0x87: {  	_ =	shalt  }
.Lfunc_end0:
.L_simem_size_0:
called_computation.1_lowered:
.L_overlay_start_0:
0x88: {  	s2 =	sld [smem:$0x3FD9]  }
0x89: {  	s3 =	sld [smem:$0x3FFE];
	_ =	sdelay $0x1  }
0x8a: {  	s1 =	srdreg.scid  }
0x8b: {  	s0 =	sand.u32 $0x1, s1  }
0x8c: {  	s17 =	sshll.u32 s0, $0xA;
	s2 =	sadd.s32 s3, s2  }
0x8d: {  	s2 =	sadd.s32 s2, s17  }
0x8e: {  	[smem:$0x3FC6] =	sst s2  }
0x8f: {  	_ = 	snop  }
0x90: {  	s2 =	sld [smem:$0x3FD0];
	(tm) =	ssettm $0x1  }
0x91: {  	s18 =	sld [smem:$0x3FFB];
	_ =	sdelay $0x3  }
0x92: {  	_ =	strace s18  }
0x93: {  	s3 =	sld [smem:$0x3FFC];
	_ =	sdelay $0x3  }
0x94: {  	_ =	strace s3  }
0x95: {  	s3 =	sld [smem:$0x3FFD];
	_ =	sdelay $0x3  }
0x96: {  	_ =	strace s3  }
0x97: {  	_ =	strace $0x8FFFFFFF  }
0x98: {  	s19 =	sld [smem:$0x3FDB];
	_ =	sdelay $0x1  }
0x99: {  	s4 =	simm.s32 $_scs_section_size  }
0x9a: {  	s5 =	simm.s32 $_size__tile_overlayer_lowered;
	s6 =	simm.s32 $_tile_overlayer_lowered  }
0x9b: {  	s22 =	simm.s32 $0x1BFF;
	s21 =	sshll.u32 s6, $0x1;
	s3 =	sadd.s32 s4, s19  }
0x9c: {  	s7 =	simm.s32 $0x0;
	s20 =	sshll.u32 s5, $0x1;
	s5 =	sadd.s32 s21, s3  }
0x9d: {  	[timem:s7], [sflag:s22] =	dma.local [hbm:s5], s20  }
0x9e: {  	_ =	swait.ge [sflag:s22], s20  }
0x9f: {  	s4 =	ssub.s32 $0x0, s20;
	[sflag:s22] =	ssyncset.done $0x0  }
0xa0: {  	[sflag:s22] =	ssyncadd.s32 s4;
	_ =	sdelay $0x1  }
0xa1: {  	s23 =	simm.s32 $0x1B8B  }
0xa2: {  	_ =	swait.ge [sflag:s23], $0x1  }
0xa3: {  	[sflag:s23] =	ssyncset.done $0x0  }
0xa4: {  	s25 =	simm.s32 $0x1B8E;
	s24 =	sld [smem:$0x3FFE];
	[sflag:s23] =	ssyncadd.s32 $0xFFFFFFFF  }
0xa5: {  	s26 =	simm.s32 $execute0_lowered;
	[smem:$0x3FD2] =	sst s25  }
0xa6: {  	s5 =	sshll.u32 s26, $0x1;
	_ =	strace $0x80000049;
	[dreg:$0x1] =	wrdreg $0xFFFFFFFF  }
0xa7: {  	s28 =	simm.s32 $_size_execute0_lowered;
	s3 =	sadd.s32 s3, s5;
	[dreg:$0x0] =	wrdreg $0x0  }
0xa8: {  	s5 =	sshll.u32 s28, $0x1;
	[dreg:$0x2] =	wrdreg s3  }
0xa9: {  	[dreg:$0x3] =	wrdreg s5  }
0xaa: {  	[dreg:$0x4] =	wrdreg $0xC0  }
0xab: {  	_ =	task [dreg:s7], $0x5FFFF  }
0xac: {  	[dreg:$0x1] =	wrdreg $0xFFFFFFFF  }
0xad: {  	[dreg:$0x0] =	wrdreg $0x60  }
0xae: {  	[dreg:$0x2] =	wrdreg s24  }
0xaf: {  	[dreg:$0x3] =	wrdreg s2  }
0xb0: {  	[dreg:$0x4] =	wrdreg $0x9  }
0xb1: {  	_ =	task.clear_ibuf [dreg:s7], $0x5FFFF;
	_ =	strace $0x90000049  }
0xb2: {  	s29 =	simm.s32 $0x9;
	_ =	strace $0x8000004B  }
0xb3: {  	_ =	swait.ge [sflag:s29], $0x1  }
0xb4: {  	[sflag:s29] =	ssyncadd.s32 $0xFFFFFFFF  }
0xb5: {  	_ =	strace $0x9000004B  }
0xb6: {  	_ =	sfence  }
0xb7: {  	s30 =	sld [smem:$0x0];
	_ =	sdelay $0x2  }
0xb8: {  	s31 =	sshll.u32 s1, $0xD;
	s1 =	sshrl.u32 s1, $0x2  }
0xb9: {  	s3 =	sand.u32 $0x4000, s31;
	s1 =	sadd.s32 s1, s30  }
0xba: {  	s0 =	sor.u32 s3, s0;
	s1 =	sshll.u32 s1, $0x11  }
0xbb: {  	s0 =	sor.u32 s1, s0  }
0xbc: {  	s0 =	sadd.s32 $0x8F2B, s0  }
0xbd: {  	[sflag:s0] =	ssyncadd.remote.s32 $0x1  }
0xbe: {  	_ =	sfence.sel $0xFFFF  }
0xbf: {  	[dreg:$0x0] =	wrdreg $0xFFFFFFFF;
	(pc) =	sbr.abs _section_cstart, $3  }
0xc0: {  	[dreg:$0x1] =	wrdreg $0xFFFFFFFF  }
0xc1: {  	_ =	task.clear_ibuf [dreg:s7], $0x2FFFF;
	_ =	strace $0x9FFFFFFF  }
0xc2: {  	(tm) =	ssettm $0x7FFFFFFF  }
0xc3: {  	_ =	shalt  }
tec
execute0_lowered:
.L_overlay_start_1:
0x0: {  	(tag) =	ssettag $0x1  }
0x1: {  	s0 =	rddreg [dreg:$0x0]  }
0x2: {  	s1 =	srdreg.scid;
	s3 =	stileid.u32  }
0x3: {  	s2 =	rddreg [dreg:$0x1];
	s9 =	simm.s32 $0x200;
	s12 =	simm.s32 $0x1  }
0x4: {  	s13 =	simm.s32 $0xE400;
	s21 =	simm.s32 $0x2;
	s22 =	simm.s32 $0x4  }
0x5: {  	s23 =	simm.s32 $0x12400;
	s8 =	simm.s32 $0x15D80;
	s10 =	simm.s32 $0x15580  }
0x6: {  	s11 =	simm.s32 $0x16300;
	s14 =	simm.s32 $0x16100;
	s15 =	simm.s32 $0x15900  }
0x7: {  	s16 =	simm.s32 $0x15E80;
	s17 =	simm.s32 $0x15700;
	s18 =	simm.s32 $0x16080  }
0x8: {  	v0 =	vlaneseq.u32;
	s19 =	simm.s32 $0x16280;
	s20 =	simm.s32 $0x15500;
	s24 =	simm.s32 $0x16380  }
0x9: {  	v1 =	vimm.s32 $0x0;
	vm0 =	vcmask $0x300;
	s25 =	simm.s32 $0x0;
	s1 =	sand.u32 $0x1, s1;
	s4 =	sshll.u32 s3, $0x1;
	v0 =	vmul.u32 $0x200, v0  }
0xa: {  	s3 =	simm.s32 $0x0;
	v1 =	vsel vm0, $0x3, v1;
	s5 =	sor.u32 s1, s4;
	s1 =	ssub.s32 $0x2, s1  }
0xb: {  	[smem:$0x7FF] =	sst s3;
	s6 =	smul.u32 $0xC80, s5;
	s7 =	sshrl.u32 s1, $0x1;
	v2 =	vor.u32 $0x2000, v0;
	v3 =	vor.u32 $0x1, v0;
	v4 =	vor.u32 $0x2001, v0  }
0xc: {  	s4 =	sadd.s32 $0xA00, s0;
	_ =	strace $0x8000004A;
	v5 =	vor.u32 $0x2, v0;
	v6 =	vor.u32 $0x2002, v0;
	v7 =	vor.u32 $0x3, v0;
	s1 =	ssub.s32 s1, s7  }
0xd: {  	s5 =	smul.u32 $0x32, s5;
	v8 =	vor.u32 $0x2003, v0;
	v9 =	vor.u32 $0x4, v0;
	v10 =	vor.u32 $0x2004, v0;
	s0 =	sadd.s32 s6, s0;
	s31 =	smax.u32 s1, $0x1  }
0xe: {  	v11 =	vor.u32 $0x5, v0;
	v12 =	vor.u32 $0x2005, v0;
	v13 =	vor.u32 $0x6, v0;
	s7 =	simm.s32 $0x15F80;
	s0 =	sadd.s32 $0x3D1400, s0;
	[dreg:$0x4] =	wrdreg s31  }
0xf: {  	v14 =	vor.u32 $0x2006, v0;
	v15 =	vor.u32 $0x7, v0;
	v16 =	vor.u32 $0x2007, v0;
	s6 =	simm.s32 $0x16180;
	[dreg:$0x3] =	wrdreg s0;
	s0 =	simm.s32 $0x15B80  }
.LBB2_1:
0x10: {  	[dreg:$0x5] =	wrdreg s25  }
0x11: {  	s1 =	rddreg [dreg:$0x3];
	s30 =	simm.s32 $0x5  }
0x12: {  	[tilespmem:s3], [sflag:$0x5] =	stream.linear.gather [hbm4b:s1+s3], $0x6400, $0x38;
	[tilespmem:$0x16400] =	vst v63  }
0x13: {  	_ =	swait.ge [sflag:s30], $0x6400  }
0x14: {  	[sflag:s30] =	ssyncset.done $0x0  }
0x15: {  	s31 =	simm.s32 $0x6400;
	s25 =	simm.s32 $0x0;
	[sflag:s30] =	ssyncadd.s32 $0xFFFF9C00  }
0x16: {  	[tilespmem:s31], [sflag:$0x1] =	stream.indirect.gather [hbm4b:s4+s9], $0x20, s3, s9, $0xb8;
	[tilespmem:$0x16400] =	vst v63  }
.LBB2_2:
0x17: {  	s26 =	sshllo.u32 s25, $0x1  }
0x18: {  	s1 =	simm.s32 $0xA400;
	s29 =	simm.s32 $0x2;
	s28 =	sshll.u32 s26, $0x9  }
0x19: {  	s30 =	simm.s32 $0x7;
	v19 =	vmov s29;
	s29 =	simm.s32 $0x4;
	s28 =	sand.u32 $0x3FFFFE00, s28  }
0x1a: {  	v22 =	vmov s30;
	[tilespmem:s1], [sflag:$0x2] =	stream.indirect.gather [hbm4b:s4+s9], $0x20, s28, s9, $0xb8;
	[tilespmem:$0x16400] =	vst v63  }
0x1b: {  	v21 =	vmov s29;
	v22 =	vshrl.u32 v22, $0x3;
	s28 =	simm.s32 $0x0;
	_ =	swait.ge [sflag:s12], $0x4000  }
0x1c: {  	p0 =	seq.s32 s25, $0x0;
	v19 =	vshrl.u32 v19, $0x3;
	v22 =	vshll.u32 v22, v1;
	v17 =	vmov s28;
	s28 =	simm.s32 $0x1;
	[sflag:s12] =	ssyncset.done $0x0  }
0x1d: {  	s29 =	simm.s32 @!p0 $0x3;
	v25 =	vbroadcast v22, $0x0;
	v17 =	vshrl.u32 v17, $0x3;
	v18 =	vmov s28;
	s28 =	simm.s32 $0x3;
	[sflag:s12] =	ssyncadd.s32 $0xFFFFC000  }
0x1e: {  	v22 =	vshrl.u32 v21, $0x3;
	v20 =	vmov s28;
	s28 =	simm.s32 $0x5;
	v17 =	vshll.u32 v17, v1;
	_ =	swait.ge @!p0 [sflag:s29], $0x4000  }
0x1f: {  	v18 =	vshrl.u32 v18, $0x3;
	v26 =	vor.u32 v15, v25;
	v23 =	vmov s28;
	[sflag:s29] =	ssyncset.done @!p0 $0x0  }
0x20: {  	s28 =	simm.s32 $0x6;
	v20 =	vshrl.u32 v20, $0x3;
	v17 =	vbroadcast v17, $0x0;
	v18 =	vshll.u32 v18, v1;
	[sflag:s29] =	ssyncadd.s32 @!p0 $0xFFFFC000;
	s29 =	simm.s32 $0x6480  }
0x21: {  	v24 =	vmov s28;
	v32 =	vbroadcast v18, $0x0;
	v18 =	vshll.u32 v19, v1;
	v19 =	vld [tilespmem:s29+$0x60]  }
0x22: {  	v28 =	vor.u32 v0, v17;
	v37 =	vbroadcast v18, $0x0;
	v18 =	vshll.u32 v20, v1;
	v27 =	vld [tilespmem:s29+$0xFFFFFF80]  }
0x23: {  	v29 =	vld [tilespmem:s29+$0xFFFFFFA0];
	v30 =	vor.u32 v3, v32;
	v21 =	vbroadcast v18, $0x0;
	v18 =	vshll.u32 v22, v1  }
0x24: {  	v31 =	vld [tilespmem:s29+$0xFFFFFFC0];
	v33 =	vor.u32 v5, v37;
	v20 =	vbroadcast v18, $0x0;
	v18 =	vshrl.u32 v23, $0x3  }
0x25: {  	v34 =	vld [tilespmem:s29+$0xFFFFFFE0];
	v23 =	vshrl.u32 v24, $0x3;
	v39 =	vor.u32 v7, v21;
	v18 =	vshll.u32 v18, v1  }
0x26: {  	v40 =	vld [tilespmem:s29+$0x0];
	v41 =	vor.u32 v9, v20;
	v22 =	vbroadcast v18, $0x0;
	v18 =	vshll.u32 v23, v1;
	[tilespmem:v26+s13+$0x0] =	vst.idx.msk $0xffff, v19  }
0x27: {  	v25 =	vor.u32 v16, v25;
	s28 =	simm.s32 $0x8;
	v35 =	vor.u32 v4, v32;
	v23 =	vbroadcast v18, $0x0;
	[tilespmem:v28+s13+$0x0] =	vst.idx.msk $0xffff, v27;
	v24 =	vld [tilespmem:s29+$0x70]  }
0x28: {  	s30 =	simm.s32 $0xB;
	v37 =	vor.u32 v6, v37;
	v19 =	vmov s28;
	s28 =	simm.s32 $0x9;
	[tilespmem:v30+s13+$0x0] =	vst.idx.msk $0xffff, v29;
	v26 =	vld [tilespmem:s29+$0x20];
	v27 =	vor.u32 v11, v22  }
0x29: {  	v28 =	vmov s30;
	s30 =	simm.s32 $0xD;
	v29 =	vld [tilespmem:s29+$0x40];
	v36 =	vmov s28;
	s28 =	simm.s32 $0xA;
	[tilespmem:v33+s13+$0x0] =	vst.idx.msk $0xffff, v31;
	v30 =	vor.u32 v13, v23  }
0x2a: {  	v19 =	vshrl.u32 v19, $0x3;
	v18 =	vmov s30;
	s30 =	simm.s32 $0xE;
	v33 =	vld [tilespmem:s29+$0xFFFFFFB0];
	v38 =	vmov s28;
	s28 =	simm.s32 $0xC;
	[tilespmem:v39+s13+$0x0] =	vst.idx.msk $0xffff, v34  }
0x2b: {  	s31 =	simm.s32 $0xF;
	v32 =	vshll.u32 v19, v1;
	v19 =	vmov s30;
	s30 =	simm.s32 $0x10;
	v34 =	vld [tilespmem:s29+$0xFFFFFFD0];
	v31 =	vmov s28;
	s28 =	sshll.u32 s25, $0x1;
	[tilespmem:v41+s13+$0x0] =	vst.idx.msk $0xffff, v40  }
.LBB2_3:
0x2c: {  	p1 =	slt.u32 s30, $0x1F8;
	v36 =	vshrl.u32 v36, $0x3;
	v39 =	vmov s31;
	v40 =	vld [tilespmem:s29+$0xFFFFFFF0];
	v21 =	vor.u32 v8, v21;
	[tilespmem:v25+s13+$0x0] =	vst.idx.msk $0xffff, v24  }
0x2d: {  	v24 =	vshrl.u32 v38, $0x3;
	v20 =	vor.u32 v10, v20;
	v25 =	vshrl.u32 v39, $0x3;
	v38 =	vld [tilespmem:s29+$0x10];
	[tilespmem:v27+s13+$0x0] =	vst.idx.msk $0xffff, v26  }
0x2e: {  	v22 =	vor.u32 v12, v22;
	v26 =	vshrl.u32 v28, $0x3;
	v25 =	vshll.u32 v25, v1;
	v27 =	vld [tilespmem:s29+$0x30];
	[tilespmem:v30+s13+$0x0] =	vst.idx.msk $0xffff, v29  }
0x2f: {  	v23 =	vor.u32 v14, v23;
	v28 =	vshrl.u32 v31, $0x3;
	v25 =	vbroadcast v25, $0x0;
	[tilespmem:v35+s13+$0x0] =	vst.idx.msk $0xffff, v33;
	v29 =	vld [tilespmem:s29+$0x50]  }
0x30: {  	v30 =	vshll.u32 v36, v1;
	v33 =	vor.u32 v2, v17;
	v17 =	vbroadcast v32, $0x0;
	v31 =	vld [tilespmem:s29+$0xFFFFFF90];
	[tilespmem:v37+s13+$0x0] =	vst.idx.msk $0xffff, v34;
	s29 =	sadd.s32 $0x100, s29  }
0x31: {  	v24 =	vshll.u32 v24, v1;
	v32 =	vbroadcast v30, $0x0;
	v30 =	vld [tilespmem:s29+$0x60];
	v34 =	vor.u32 v15, v25;
	[tilespmem:v21+s13+$0x0] =	vst.idx.msk $0xffff, v40  }
0x32: {  	v37 =	vbroadcast v24, $0x0;
	v36 =	vor.u32 v0, v17;
	v21 =	vshll.u32 v26, v1;
	v35 =	vld [tilespmem:s29+$0xFFFFFF80];
	[tilespmem:v20+s13+$0x0] =	vst.idx.msk $0xffff, v38  }
0x33: {  	v38 =	vor.u32 v3, v32;
	v21 =	vbroadcast v21, $0x0;
	v20 =	vshll.u32 v28, v1;
	v26 =	vld [tilespmem:s29+$0xFFFFFFA0];
	[tilespmem:v22+s13+$0x0] =	vst.idx.msk $0xffff, v27  }
0x34: {  	v18 =	vshrl.u32 v18, $0x3;
	v40 =	vor.u32 v5, v37;
	v20 =	vbroadcast v20, $0x0;
	v39 =	vld [tilespmem:s29+$0xFFFFFFC0];
	[tilespmem:v23+s13+$0x0] =	vst.idx.msk $0xffff, v29  }
0x35: {  	v19 =	vshrl.u32 v19, $0x3;
	v18 =	vshll.u32 v18, v1;
	v42 =	vor.u32 v7, v21;
	v41 =	vld [tilespmem:s29+$0xFFFFFFE0];
	[tilespmem:v33+s13+$0x0] =	vst.idx.msk $0xffff, v31  }
0x36: {  	v22 =	vbroadcast v18, $0x0;
	v18 =	vshll.u32 v19, v1;
	v44 =	vor.u32 v9, v20;
	v43 =	vld [tilespmem:s29+$0x0];
	[tilespmem:v34+s13+$0x0] =	vst.idx.msk $0xffff, v30  }
.Ltmp0:
0x37: {  	s31 =	sadd.s32 $0x1, s30;
	v25 =	vor.u32 v16, v25;
	v19 =	vmov s30;
	v23 =	vbroadcast v18, $0x0;
	[tilespmem:v36+s13+$0x0] =	vst.idx.msk $0xffff, v35;
	v24 =	vld [tilespmem:s29+$0x70];
	(pc) =	sbr.rel @p1 .LBB2_3-.Ltmp0, $4  }
0x38: {  	s1 =	sadd.s32 $0x3, s30;
	v19 =	vshrl.u32 v19, $0x3;
	v27 =	vor.u32 v11, v22;
	v36 =	vmov s31;
	s31 =	sadd.s32 $0x2, s30;
	[tilespmem:v38+s13+$0x0] =	vst.idx.msk $0xffff, v26;
	v26 =	vld [tilespmem:s29+$0x20]  }
0x39: {  	v28 =	vmov s1;
	s1 =	sadd.s32 $0x4, s30;
	v30 =	vor.u32 v13, v23;
	v38 =	vmov s31;
	s31 =	sadd.s32 $0x5, s30;
	[tilespmem:v40+s13+$0x0] =	vst.idx.msk $0xffff, v39;
	v29 =	vld [tilespmem:s29+$0x40]  }
0x3a: {  	v31 =	vmov s1;
	s1 =	sadd.s32 $0x6, s30;
	v35 =	vor.u32 v4, v32;
	v18 =	vmov s31;
	v33 =	vld [tilespmem:s29+$0xFFFFFFB0];
	[tilespmem:v42+s13+$0x0] =	vst.idx.msk $0xffff, v41  }
0x3b: {  	v37 =	vor.u32 v6, v37;
	v32 =	vshll.u32 v19, v1;
	v19 =	vmov s1;
	s31 =	sadd.s32 $0x7, s30;
	s30 =	sadd.s32 $0x8, s30;
	v34 =	vld [tilespmem:s29+$0xFFFFFFD0];
	[tilespmem:v44+s13+$0x0] =	vst.idx.msk $0xffff, v43  }
0x3c: {  	_ =	sdelay $0x2  }
0x3d: {  	v36 =	vshrl.u32 v36, $0x3;
	v39 =	vmov s31  }
0x3e: {  	v40 =	vld [tilespmem:s29+$0xFFFFFFF0];
	v21 =	vor.u32 v8, v21;
	[tilespmem:v25+s13+$0x0] =	vst.idx.msk $0xffff, v24;
	v58 =	vshrl.u32 v38, $0x3;
	v20 =	vor.u32 v10, v20  }
0x3f: {  	v60 =	vld [tilespmem:s29+$0x10];
	v61 =	vshrl.u32 v28, $0x3;
	v22 =	vor.u32 v12, v22;
	v62 =	vshrl.u32 v31, $0x3;
	[tilespmem:v27+s13+$0x0] =	vst.idx.msk $0xffff, v26  }
0x40: {  	v23 =	vor.u32 v14, v23;
	v63 =	vbroadcast v32, $0x0;
	v41 =	vld [tilespmem:s29+$0xFFFFFF90];
	v17 =	vor.u32 v2, v17;
	[tilespmem:v30+s13+$0x0] =	vst.idx.msk $0xffff, v29  }
0x41: {  	s1 =	sadd.s32 $0x100, s29;
	v18 =	vshrl.u32 v18, $0x3;
	v59 =	vshrl.u32 v39, $0x3;
	v39 =	vshll.u32 v36, v1;
	v27 =	vld [tilespmem:s29+$0x30];
	[tilespmem:v35+s13+$0x0] =	vst.idx.msk $0xffff, v33  }
0x42: {  	v24 =	vshll.u32 v58, v1;
	v44 =	vld [tilespmem:s1+$0xFFFFFF80];
	v31 =	vbroadcast v39, $0x0;
	v45 =	vor.u32 v0, v63;
	[tilespmem:v37+s13+$0x0] =	vst.idx.msk $0xffff, v34  }
0x43: {  	v19 =	vshrl.u32 v19, $0x3;
	v26 =	vshll.u32 v61, v1;
	v24 =	vbroadcast v24, $0x0;
	v29 =	vld [tilespmem:s29+$0x50];
	[tilespmem:v21+s13+$0x0] =	vst.idx.msk $0xffff, v40  }
0x44: {  	v46 =	vld [tilespmem:s1+$0xFFFFFFA0];
	v18 =	vshll.u32 v18, v1;
	v26 =	vbroadcast v26, $0x0;
	v47 =	vor.u32 v3, v31;
	[tilespmem:v20+s13+$0x0] =	vst.idx.msk $0xffff, v60  }
0x45: {  	v48 =	vld [tilespmem:s1+$0xFFFFFFC0];
	v19 =	vshll.u32 v19, v1;
	v18 =	vbroadcast v18, $0x0;
	v49 =	vor.u32 v5, v24;
	[tilespmem:v17+s13+$0x0] =	vst.idx.msk $0xffff, v41  }
0x46: {  	v28 =	vshll.u32 v62, v1;
	v50 =	vld [tilespmem:s1+$0xFFFFFFE0];
	v19 =	vbroadcast v19, $0x0;
	v51 =	vor.u32 v7, v26;
	[tilespmem:v22+s13+$0x0] =	vst.idx.msk $0xffff, v27  }
0x47: {  	v54 =	vld [tilespmem:s1+$0x20];
	v25 =	vshll.u32 v59, v1;
	v28 =	vbroadcast v28, $0x0;
	v55 =	vor.u32 v11, v18;
	[tilespmem:v45+s13+$0x0] =	vst.idx.msk $0xffff, v44  }
0x48: {  	v56 =	vld [tilespmem:s1+$0x40];
	v25 =	vbroadcast v25, $0x0;
	v57 =	vor.u32 v13, v19;
	[tilespmem:v23+s13+$0x0] =	vst.idx.msk $0xffff, v29  }
0x49: {  	v52 =	vor.u32 v9, v28;
	v17 =	vld [tilespmem:s1+$0x0];
	[tilespmem:v47+s13+$0x0] =	vst.idx.msk $0xffff, v46  }
0x4a: {  	v42 =	vld [tilespmem:s1+$0x60];
	v43 =	vor.u32 v15, v25;
	[tilespmem:v49+s13+$0x0] =	vst.idx.msk $0xffff, v48  }
0x4b: {  	v63 =	vor.u32 v2, v63;
	v62 =	vld [tilespmem:s1+$0xFFFFFF90];
	[tilespmem:v51+s13+$0x0] =	vst.idx.msk $0xffff, v50  }
0x4c: {  	v31 =	vor.u32 v4, v31;
	[tilespmem:v55+s13+$0x0] =	vst.idx.msk $0xffff, v54;
	v58 =	vld [tilespmem:s1+$0xFFFFFFB0]  }
0x4d: {  	v24 =	vor.u32 v6, v24;
	[tilespmem:v57+s13+$0x0] =	vst.idx.msk $0xffff, v56;
	v59 =	vld [tilespmem:s1+$0xFFFFFFD0]  }
0x4e: {  	v26 =	vor.u32 v8, v26;
	[tilespmem:v52+s13+$0x0] =	vst.idx.msk $0xffff, v17;
	v17 =	vld [tilespmem:s1+$0xFFFFFFF0]  }
0x4f: {  	v18 =	vor.u32 v12, v18;
	[tilespmem:v43+s13+$0x0] =	vst.idx.msk $0xffff, v42;
	v20 =	vld [tilespmem:s1+$0x30]  }
0x50: {  	v19 =	vor.u32 v14, v19;
	v22 =	vld [tilespmem:s1+$0x50];
	[tilespmem:v63+s13+$0x0] =	vst.idx.msk $0xffff, v62  }
0x51: {  	s28 =	sadd.s32 s5, s28;
	v25 =	vor.u32 v16, v25;
	v53 =	vld [tilespmem:s1+$0x70];
	[tilespmem:v31+s13+$0x0] =	vst.idx.msk $0xffff, v58  }
0x52: {  	s31 =	sshrl.u32 s28, $0x3;
	v61 =	vor.u32 v10, v28;
	v60 =	vld [tilespmem:s1+$0x10];
	[tilespmem:v24+s13+$0x0] =	vst.idx.msk $0xffff, v59  }
0x53: {  	s28 =	sshll.u32 s28, $0xC;
	s30 =	sshll.u32 s31, $0xF;
	[tilespmem:v26+s13+$0x0] =	vst.idx.msk $0xffff, v17  }
0x54: {  	s28 =	ssub.s32 s28, s30;
	s1 =	sshll.u32 s31, $0x11;
	[tilespmem:v18+s13+$0x0] =	vst.idx.msk $0xffff, v20  }
0x55: {  	s28 =	sadd.s32 s1, s28;
	[tilespmem:v19+s13+$0x0] =	vst.idx.msk $0xffff, v22  }
0x56: {  	s1 =	sshrl.u32 s28, $0x3;
	[tilespmem:v25+s13+$0x0] =	vst.idx.msk $0xffff, v53  }
0x57: {  	s1 =	sadd.s32 s2, s1;
	[tilespmem:v61+s13+$0x0] =	vst.idx.msk $0xffff, v60  }
0x58: {  	[hbm4b:s1+s3] =	stream.linear.scatter [tilespmem:s13], [sflag:$0x3], $0x80, $0x38;
	[tilespmem:$0x16400] =	vst v63  }
0x59: {  	s30 =	simm.s32 $0xE600;
	s31 =	sadd.s32 $0x10, s1  }
0x5a: {  	[hbm4b:s31+s3] =	stream.linear.scatter [tilespmem:s30], [sflag:$0x3], $0x80, $0x38;
	[tilespmem:$0x16400] =	vst v63  }
0x5b: {  	s29 =	sadd.s32 $0x20, s1;
	s31 =	simm.s32 $0xE800  }
0x5c: {  	[hbm4b:s29+s3] =	stream.linear.scatter [tilespmem:s31], [sflag:$0x3], $0x80, $0x38;
	[tilespmem:$0x16400] =	vst v63  }
0x5d: {  	s29 =	sadd.s32 $0x30, s1;
	s31 =	simm.s32 $0xEA00  }
0x5e: {  	[hbm4b:s29+s3] =	stream.linear.scatter [tilespmem:s31], [sflag:$0x3], $0x80, $0x38;
	[tilespmem:$0x16400] =	vst v63  }
0x5f: {  	s29 =	sadd.s32 $0x40, s1;
	s31 =	simm.s32 $0xEC00  }
0x60: {  	[hbm4b:s29+s3] =	stream.linear.scatter [tilespmem:s31], [sflag:$0x3], $0x80, $0x38;
	[tilespmem:$0x16400] =	vst v63  }
0x61: {  	s29 =	sadd.s32 $0x50, s1;
	s31 =	simm.s32 $0xEE00  }
0x62: {  	[hbm4b:s29+s3] =	stream.linear.scatter [tilespmem:s31], [sflag:$0x3], $0x80, $0x38;
	[tilespmem:$0x16400] =	vst v63  }
0x63: {  	s29 =	sadd.s32 $0x60, s1;
	s31 =	simm.s32 $0xF000  }
0x64: {  	[hbm4b:s29+s3] =	stream.linear.scatter [tilespmem:s31], [sflag:$0x3], $0x80, $0x38;
	[tilespmem:$0x16400] =	vst v63  }
0x65: {  	s1 =	sadd.s32 $0x70, s1;
	s31 =	simm.s32 $0xF200;
	s29 =	sor.u32 $0x400, s28  }
0x66: {  	[hbm4b:s1+s3] =	stream.linear.scatter [tilespmem:s31], [sflag:$0x3], $0x80, $0x38;
	[tilespmem:$0x16400] =	vst v63  }
0x67: {  	s1 =	sshrl.u32 s29, $0x3  }
0x68: {  	s30 =	simm.s32 $0xE480;
	s1 =	sadd.s32 s2, s1  }
0x69: {  	[hbm4b:s1+s3] =	stream.linear.scatter [tilespmem:s30], [sflag:$0x3], $0x80, $0x38;
	[tilespmem:$0x16400] =	vst v63  }
0x6a: {  	s31 =	simm.s32 $0xE680;
	s29 =	sadd.s32 $0x10, s1  }
0x6b: {  	[hbm4b:s29+s3] =	stream.linear.scatter [tilespmem:s31], [sflag:$0x3], $0x80, $0x38;
	[tilespmem:$0x16400] =	vst v63  }
0x6c: {  	s29 =	sadd.s32 $0x20, s1;
	s31 =	simm.s32 $0xE880  }
0x6d: {  	[hbm4b:s29+s3] =	stream.linear.scatter [tilespmem:s31], [sflag:$0x3], $0x80, $0x38;
	[tilespmem:$0x16400] =	vst v63  }
0x6e: {  	s29 =	sadd.s32 $0x30, s1;
	s31 =	simm.s32 $0xEA80  }
0x6f: {  	[hbm4b:s29+s3] =	stream.linear.scatter [tilespmem:s31], [sflag:$0x3], $0x80, $0x38;
	[tilespmem:$0x16400] =	vst v63  }
0x70: {  	s29 =	sadd.s32 $0x40, s1;
	s31 =	simm.s32 $0xEC80  }
0x71: {  	[hbm4b:s29+s3] =	stream.linear.scatter [tilespmem:s31], [sflag:$0x3], $0x80, $0x38;
	[tilespmem:$0x16400] =	vst v63  }
0x72: {  	s29 =	sadd.s32 $0x50, s1;
	s31 =	simm.s32 $0xEE80  }
0x73: {  	[hbm4b:s29+s3] =	stream.linear.scatter [tilespmem:s31], [sflag:$0x3], $0x80, $0x38;
	[tilespmem:$0x16400] =	vst v63  }
0x74: {  	s29 =	sadd.s32 $0x60, s1;
	s31 =	simm.s32 $0xF080  }
0x75: {  	[hbm4b:s29+s3] =	stream.linear.scatter [tilespmem:s31], [sflag:$0x3], $0x80, $0x38;
	[tilespmem:$0x16400] =	vst v63  }
0x76: {  	s1 =	sadd.s32 $0x70, s1;
	s31 =	simm.s32 $0xF280;
	s29 =	sor.u32 $0x800, s28  }
0x77: {  	[hbm4b:s1+s3] =	stream.linear.scatter [tilespmem:s31], [sflag:$0x3], $0x80, $0x38;
	[tilespmem:$0x16400] =	vst v63  }
0x78: {  	s1 =	sshrl.u32 s29, $0x3  }
0x79: {  	s30 =	simm.s32 $0xE500;
	s1 =	sadd.s32 s2, s1  }
0x7a: {  	[hbm4b:s1+s3] =	stream.linear.scatter [tilespmem:s30], [sflag:$0x3], $0x80, $0x38;
	[tilespmem:$0x16400] =	vst v63  }
0x7b: {  	s31 =	simm.s32 $0xE700;
	s29 =	sadd.s32 $0x10, s1  }
0x7c: {  	[hbm4b:s29+s3] =	stream.linear.scatter [tilespmem:s31], [sflag:$0x3], $0x80, $0x38;
	[tilespmem:$0x16400] =	vst v63  }
0x7d: {  	s29 =	sadd.s32 $0x20, s1;
	s31 =	simm.s32 $0xE900  }
0x7e: {  	[hbm4b:s29+s3] =	stream.linear.scatter [tilespmem:s31], [sflag:$0x3], $0x80, $0x38;
	[tilespmem:$0x16400] =	vst v63  }
0x7f: {  	s29 =	sadd.s32 $0x30, s1;
	s31 =	simm.s32 $0xEB00  }
0x80: {  	[hbm4b:s29+s3] =	stream.linear.scatter [tilespmem:s31], [sflag:$0x3], $0x80, $0x38;
	[tilespmem:$0x16400] =	vst v63  }
0x81: {  	s29 =	sadd.s32 $0x40, s1;
	s31 =	simm.s32 $0xED00  }
0x82: {  	[hbm4b:s29+s3] =	stream.linear.scatter [tilespmem:s31], [sflag:$0x3], $0x80, $0x38;
	[tilespmem:$0x16400] =	vst v63  }
0x83: {  	s29 =	sadd.s32 $0x50, s1;
	s31 =	simm.s32 $0xEF00  }
0x84: {  	[hbm4b:s29+s3] =	stream.linear.scatter [tilespmem:s31], [sflag:$0x3], $0x80, $0x38;
	[tilespmem:$0x16400] =	vst v63  }
0x85: {  	s29 =	sadd.s32 $0x60, s1;
	s31 =	simm.s32 $0xF100  }
0x86: {  	[hbm4b:s29+s3] =	stream.linear.scatter [tilespmem:s31], [sflag:$0x3], $0x80, $0x38;
	[tilespmem:$0x16400] =	vst v63  }
0x87: {  	s1 =	sadd.s32 $0x70, s1;
	s31 =	simm.s32 $0xF300;
	s29 =	sor.u32 $0xC00, s28  }
0x88: {  	[hbm4b:s1+s3] =	stream.linear.scatter [tilespmem:s31], [sflag:$0x3], $0x80, $0x38;
	[tilespmem:$0x16400] =	vst v63  }
0x89: {  	s1 =	sshrl.u32 s29, $0x3  }
0x8a: {  	s30 =	simm.s32 $0xE580;
	s1 =	sadd.s32 s2, s1  }
0x8b: {  	[hbm4b:s1+s3] =	stream.linear.scatter [tilespmem:s30], [sflag:$0x3], $0x80, $0x38;
	[tilespmem:$0x16400] =	vst v63  }
0x8c: {  	s31 =	simm.s32 $0xE780;
	s29 =	sadd.s32 $0x10, s1  }
0x8d: {  	[hbm4b:s29+s3] =	stream.linear.scatter [tilespmem:s31], [sflag:$0x3], $0x80, $0x38;
	[tilespmem:$0x16400] =	vst v63  }
0x8e: {  	s29 =	sadd.s32 $0x20, s1;
	s31 =	simm.s32 $0xE980  }
0x8f: {  	[hbm4b:s29+s3] =	stream.linear.scatter [tilespmem:s31], [sflag:$0x3], $0x80, $0x38;
	[tilespmem:$0x16400] =	vst v63  }
0x90: {  	s29 =	sadd.s32 $0x30, s1;
	s31 =	simm.s32 $0xEB80  }
0x91: {  	[hbm4b:s29+s3] =	stream.linear.scatter [tilespmem:s31], [sflag:$0x3], $0x80, $0x38;
	[tilespmem:$0x16400] =	vst v63  }
0x92: {  	s29 =	sadd.s32 $0x40, s1;
	s31 =	simm.s32 $0xED80  }
0x93: {  	[hbm4b:s29+s3] =	stream.linear.scatter [tilespmem:s31], [sflag:$0x3], $0x80, $0x38;
	[tilespmem:$0x16400] =	vst v63  }
0x94: {  	s29 =	sadd.s32 $0x50, s1;
	s31 =	simm.s32 $0xEF80  }
0x95: {  	[hbm4b:s29+s3] =	stream.linear.scatter [tilespmem:s31], [sflag:$0x3], $0x80, $0x38;
	[tilespmem:$0x16400] =	vst v63  }
0x96: {  	s29 =	sadd.s32 $0x60, s1;
	s31 =	simm.s32 $0xF180  }
0x97: {  	[hbm4b:s29+s3] =	stream.linear.scatter [tilespmem:s31], [sflag:$0x3], $0x80, $0x38;
	[tilespmem:$0x16400] =	vst v63  }
0x98: {  	s1 =	sadd.s32 $0x70, s1;
	s31 =	simm.s32 $0xF380;
	s29 =	sadd.s32 $0x8000, s28  }
0x99: {  	[hbm4b:s1+s3] =	stream.linear.scatter [tilespmem:s31], [sflag:$0x3], $0x80, $0x38;
	[tilespmem:$0x16400] =	vst v63  }
0x9a: {  	s1 =	sshrl.u32 s29, $0x3  }
0x9b: {  	s30 =	simm.s32 $0xF400;
	s1 =	sadd.s32 s2, s1  }
0x9c: {  	[hbm4b:s1+s3] =	stream.linear.scatter [tilespmem:s30], [sflag:$0x3], $0x80, $0x38;
	[tilespmem:$0x16400] =	vst v63  }
0x9d: {  	s31 =	simm.s32 $0xF600;
	s29 =	sadd.s32 $0x10, s1  }
0x9e: {  	[hbm4b:s29+s3] =	stream.linear.scatter [tilespmem:s31], [sflag:$0x3], $0x80, $0x38;
	[tilespmem:$0x16400] =	vst v63  }
0x9f: {  	s29 =	sadd.s32 $0x20, s1;
	s31 =	simm.s32 $0xF800  }
0xa0: {  	[hbm4b:s29+s3] =	stream.linear.scatter [tilespmem:s31], [sflag:$0x3], $0x80, $0x38;
	[tilespmem:$0x16400] =	vst v63  }
0xa1: {  	s29 =	sadd.s32 $0x30, s1;
	s31 =	simm.s32 $0xFA00  }
0xa2: {  	[hbm4b:s29+s3] =	stream.linear.scatter [tilespmem:s31], [sflag:$0x3], $0x80, $0x38;
	[tilespmem:$0x16400] =	vst v63  }
0xa3: {  	s29 =	sadd.s32 $0x40, s1;
	s31 =	simm.s32 $0xFC00  }
0xa4: {  	[hbm4b:s29+s3] =	stream.linear.scatter [tilespmem:s31], [sflag:$0x3], $0x80, $0x38;
	[tilespmem:$0x16400] =	vst v63  }
0xa5: {  	s29 =	sadd.s32 $0x50, s1;
	s31 =	simm.s32 $0xFE00  }
0xa6: {  	[hbm4b:s29+s3] =	stream.linear.scatter [tilespmem:s31], [sflag:$0x3], $0x80, $0x38;
	[tilespmem:$0x16400] =	vst v63  }
0xa7: {  	s29 =	sadd.s32 $0x60, s1;
	s31 =	simm.s32 $0x10000  }
0xa8: {  	[hbm4b:s29+s3] =	stream.linear.scatter [tilespmem:s31], [sflag:$0x3], $0x80, $0x38;
	[tilespmem:$0x16400] =	vst v63  }
0xa9: {  	s1 =	sadd.s32 $0x70, s1;
	s31 =	simm.s32 $0x10200;
	s29 =	sadd.s32 $0x8400, s28  }
0xaa: {  	[hbm4b:s1+s3] =	stream.linear.scatter [tilespmem:s31], [sflag:$0x3], $0x80, $0x38;
	[tilespmem:$0x16400] =	vst v63  }
0xab: {  	s1 =	sshrl.u32 s29, $0x3  }
0xac: {  	s30 =	simm.s32 $0xF480;
	s1 =	sadd.s32 s2, s1  }
0xad: {  	[hbm4b:s1+s3] =	stream.linear.scatter [tilespmem:s30], [sflag:$0x3], $0x80, $0x38;
	[tilespmem:$0x16400] =	vst v63  }
0xae: {  	s31 =	simm.s32 $0xF680;
	s29 =	sadd.s32 $0x10, s1  }
0xaf: {  	[hbm4b:s29+s3] =	stream.linear.scatter [tilespmem:s31], [sflag:$0x3], $0x80, $0x38;
	[tilespmem:$0x16400] =	vst v63  }
0xb0: {  	s29 =	sadd.s32 $0x20, s1;
	s31 =	simm.s32 $0xF880  }
0xb1: {  	[hbm4b:s29+s3] =	stream.linear.scatter [tilespmem:s31], [sflag:$0x3], $0x80, $0x38;
	[tilespmem:$0x16400] =	vst v63  }
0xb2: {  	s29 =	sadd.s32 $0x30, s1;
	s31 =	simm.s32 $0xFA80  }
0xb3: {  	[hbm4b:s29+s3] =	stream.linear.scatter [tilespmem:s31], [sflag:$0x3], $0x80, $0x38;
	[tilespmem:$0x16400] =	vst v63  }
0xb4: {  	s29 =	sadd.s32 $0x40, s1;
	s31 =	simm.s32 $0xFC80  }
0xb5: {  	[hbm4b:s29+s3] =	stream.linear.scatter [tilespmem:s31], [sflag:$0x3], $0x80, $0x38;
	[tilespmem:$0x16400] =	vst v63  }
0xb6: {  	s29 =	sadd.s32 $0x50, s1;
	s31 =	simm.s32 $0xFE80  }
0xb7: {  	[hbm4b:s29+s3] =	stream.linear.scatter [tilespmem:s31], [sflag:$0x3], $0x80, $0x38;
	[tilespmem:$0x16400] =	vst v63  }
0xb8: {  	s29 =	sadd.s32 $0x60, s1;
	s31 =	simm.s32 $0x10080  }
0xb9: {  	[hbm4b:s29+s3] =	stream.linear.scatter [tilespmem:s31], [sflag:$0x3], $0x80, $0x38;
	[tilespmem:$0x16400] =	vst v63  }
0xba: {  	s1 =	sadd.s32 $0x70, s1;
	s31 =	simm.s32 $0x10280;
	s29 =	sadd.s32 $0x8800, s28  }
0xbb: {  	[hbm4b:s1+s3] =	stream.linear.scatter [tilespmem:s31], [sflag:$0x3], $0x80, $0x38;
	[tilespmem:$0x16400] =	vst v63  }
0xbc: {  	s1 =	sshrl.u32 s29, $0x3  }
0xbd: {  	s30 =	simm.s32 $0xF500;
	s1 =	sadd.s32 s2, s1  }
0xbe: {  	[hbm4b:s1+s3] =	stream.linear.scatter [tilespmem:s30], [sflag:$0x3], $0x80, $0x38;
	[tilespmem:$0x16400] =	vst v63  }
0xbf: {  	s31 =	simm.s32 $0xF700;
	s29 =	sadd.s32 $0x10, s1  }
0xc0: {  	[hbm4b:s29+s3] =	stream.linear.scatter [tilespmem:s31], [sflag:$0x3], $0x80, $0x38;
	[tilespmem:$0x16400] =	vst v63  }
0xc1: {  	s29 =	sadd.s32 $0x20, s1;
	s31 =	simm.s32 $0xF900  }
0xc2: {  	[hbm4b:s29+s3] =	stream.linear.scatter [tilespmem:s31], [sflag:$0x3], $0x80, $0x38;
	[tilespmem:$0x16400] =	vst v63  }
0xc3: {  	s29 =	sadd.s32 $0x30, s1;
	s31 =	simm.s32 $0xFB00  }
0xc4: {  	[hbm4b:s29+s3] =	stream.linear.scatter [tilespmem:s31], [sflag:$0x3], $0x80, $0x38;
	[tilespmem:$0x16400] =	vst v63  }
0xc5: {  	s29 =	sadd.s32 $0x40, s1;
	s31 =	simm.s32 $0xFD00  }
0xc6: {  	[hbm4b:s29+s3] =	stream.linear.scatter [tilespmem:s31], [sflag:$0x3], $0x80, $0x38;
	[tilespmem:$0x16400] =	vst v63  }
0xc7: {  	s29 =	sadd.s32 $0x50, s1;
	s31 =	simm.s32 $0xFF00  }
0xc8: {  	[hbm4b:s29+s3] =	stream.linear.scatter [tilespmem:s31], [sflag:$0x3], $0x80, $0x38;
	[tilespmem:$0x16400] =	vst v63  }
0xc9: {  	s29 =	sadd.s32 $0x60, s1;
	s31 =	simm.s32 $0x10100  }
0xca: {  	[hbm4b:s29+s3] =	stream.linear.scatter [tilespmem:s31], [sflag:$0x3], $0x80, $0x38;
	[tilespmem:$0x16400] =	vst v63  }
0xcb: {  	s1 =	sadd.s32 $0x70, s1;
	s31 =	simm.s32 $0x10300;
	s29 =	sadd.s32 $0x8C00, s28  }
0xcc: {  	[hbm4b:s1+s3] =	stream.linear.scatter [tilespmem:s31], [sflag:$0x3], $0x80, $0x38;
	[tilespmem:$0x16400] =	vst v63  }
0xcd: {  	s1 =	sshrl.u32 s29, $0x3  }
0xce: {  	s30 =	simm.s32 $0xF580;
	s1 =	sadd.s32 s2, s1  }
0xcf: {  	[hbm4b:s1+s3] =	stream.linear.scatter [tilespmem:s30], [sflag:$0x3], $0x80, $0x38;
	[tilespmem:$0x16400] =	vst v63  }
0xd0: {  	s31 =	simm.s32 $0xF780;
	s29 =	sadd.s32 $0x10, s1  }
0xd1: {  	[hbm4b:s29+s3] =	stream.linear.scatter [tilespmem:s31], [sflag:$0x3], $0x80, $0x38;
	[tilespmem:$0x16400] =	vst v63  }
0xd2: {  	s29 =	sadd.s32 $0x20, s1;
	s31 =	simm.s32 $0xF980  }
0xd3: {  	[hbm4b:s29+s3] =	stream.linear.scatter [tilespmem:s31], [sflag:$0x3], $0x80, $0x38;
	[tilespmem:$0x16400] =	vst v63  }
0xd4: {  	s29 =	sadd.s32 $0x30, s1;
	s31 =	simm.s32 $0xFB80  }
0xd5: {  	[hbm4b:s29+s3] =	stream.linear.scatter [tilespmem:s31], [sflag:$0x3], $0x80, $0x38;
	[tilespmem:$0x16400] =	vst v63  }
0xd6: {  	s29 =	sadd.s32 $0x40, s1;
	s31 =	simm.s32 $0xFD80  }
0xd7: {  	[hbm4b:s29+s3] =	stream.linear.scatter [tilespmem:s31], [sflag:$0x3], $0x80, $0x38;
	[tilespmem:$0x16400] =	vst v63  }
0xd8: {  	s29 =	sadd.s32 $0x50, s1;
	s31 =	simm.s32 $0xFF80  }
0xd9: {  	[hbm4b:s29+s3] =	stream.linear.scatter [tilespmem:s31], [sflag:$0x3], $0x80, $0x38;
	[tilespmem:$0x16400] =	vst v63  }
0xda: {  	s29 =	sadd.s32 $0x60, s1;
	s31 =	simm.s32 $0x10180  }
0xdb: {  	[hbm4b:s29+s3] =	stream.linear.scatter [tilespmem:s31], [sflag:$0x3], $0x80, $0x38;
	[tilespmem:$0x16400] =	vst v63  }
0xdc: {  	s1 =	sadd.s32 $0x70, s1;
	s31 =	simm.s32 $0x10380;
	s29 =	sadd.s32 $0x10000, s28  }
0xdd: {  	[hbm4b:s1+s3] =	stream.linear.scatter [tilespmem:s31], [sflag:$0x3], $0x80, $0x38;
	[tilespmem:$0x16400] =	vst v63  }
0xde: {  	s1 =	sshrl.u32 s29, $0x3  }
0xdf: {  	s30 =	simm.s32 $0x10400;
	s1 =	sadd.s32 s2, s1  }
0xe0: {  	[hbm4b:s1+s3] =	stream.linear.scatter [tilespmem:s30], [sflag:$0x3], $0x80, $0x38;
	[tilespmem:$0x16400] =	vst v63  }
0xe1: {  	s31 =	simm.s32 $0x10600;
	s29 =	sadd.s32 $0x10, s1  }
0xe2: {  	[hbm4b:s29+s3] =	stream.linear.scatter [tilespmem:s31], [sflag:$0x3], $0x80, $0x38;
	[tilespmem:$0x16400] =	vst v63  }
0xe3: {  	s29 =	sadd.s32 $0x20, s1;
	s31 =	simm.s32 $0x10800  }
0xe4: {  	[hbm4b:s29+s3] =	stream.linear.scatter [tilespmem:s31], [sflag:$0x3], $0x80, $0x38;
	[tilespmem:$0x16400] =	vst v63  }
0xe5: {  	s29 =	sadd.s32 $0x30, s1;
	s31 =	simm.s32 $0x10A00  }
0xe6: {  	[hbm4b:s29+s3] =	stream.linear.scatter [tilespmem:s31], [sflag:$0x3], $0x80, $0x38;
	[tilespmem:$0x16400] =	vst v63  }
0xe7: {  	s29 =	sadd.s32 $0x40, s1;
	s31 =	simm.s32 $0x10C00  }
0xe8: {  	[hbm4b:s29+s3] =	stream.linear.scatter [tilespmem:s31], [sflag:$0x3], $0x80, $0x38;
	[tilespmem:$0x16400] =	vst v63  }
0xe9: {  	s29 =	sadd.s32 $0x50, s1;
	s31 =	simm.s32 $0x10E00  }
0xea: {  	[hbm4b:s29+s3] =	stream.linear.scatter [tilespmem:s31], [sflag:$0x3], $0x80, $0x38;
	[tilespmem:$0x16400] =	vst v63  }
0xeb: {  	s29 =	sadd.s32 $0x60, s1;
	s31 =	simm.s32 $0x11000  }
0xec: {  	[hbm4b:s29+s3] =	stream.linear.scatter [tilespmem:s31], [sflag:$0x3], $0x80, $0x38;
	[tilespmem:$0x16400] =	vst v63  }
0xed: {  	s1 =	sadd.s32 $0x70, s1;
	s31 =	simm.s32 $0x11200;
	s29 =	sadd.s32 $0x10400, s28  }
0xee: {  	[hbm4b:s1+s3] =	stream.linear.scatter [tilespmem:s31], [sflag:$0x3], $0x80, $0x38;
	[tilespmem:$0x16400] =	vst v63  }
0xef: {  	s1 =	sshrl.u32 s29, $0x3  }
0xf0: {  	s30 =	simm.s32 $0x10480;
	s1 =	sadd.s32 s2, s1  }
0xf1: {  	[hbm4b:s1+s3] =	stream.linear.scatter [tilespmem:s30], [sflag:$0x3], $0x80, $0x38;
	[tilespmem:$0x16400] =	vst v63  }
0xf2: {  	s31 =	simm.s32 $0x10680;
	s29 =	sadd.s32 $0x10, s1  }
0xf3: {  	[hbm4b:s29+s3] =	stream.linear.scatter [tilespmem:s31], [sflag:$0x3], $0x80, $0x38;
	[tilespmem:$0x16400] =	vst v63  }
0xf4: {  	s29 =	sadd.s32 $0x20, s1;
	s31 =	simm.s32 $0x10880  }
0xf5: {  	[hbm4b:s29+s3] =	stream.linear.scatter [tilespmem:s31], [sflag:$0x3], $0x80, $0x38;
	[tilespmem:$0x16400] =	vst v63  }
0xf6: {  	s29 =	sadd.s32 $0x30, s1;
	s31 =	simm.s32 $0x10A80  }
0xf7: {  	[hbm4b:s29+s3] =	stream.linear.scatter [tilespmem:s31], [sflag:$0x3], $0x80, $0x38;
	[tilespmem:$0x16400] =	vst v63  }
0xf8: {  	s29 =	sadd.s32 $0x40, s1;
	s31 =	simm.s32 $0x10C80  }
0xf9: {  	[hbm4b:s29+s3] =	stream.linear.scatter [tilespmem:s31], [sflag:$0x3], $0x80, $0x38;
	[tilespmem:$0x16400] =	vst v63  }
0xfa: {  	s29 =	sadd.s32 $0x50, s1;
	s31 =	simm.s32 $0x10E80  }
0xfb: {  	[hbm4b:s29+s3] =	stream.linear.scatter [tilespmem:s31], [sflag:$0x3], $0x80, $0x38;
	[tilespmem:$0x16400] =	vst v63  }
0xfc: {  	s29 =	sadd.s32 $0x60, s1;
	s31 =	simm.s32 $0x11080  }
0xfd: {  	[hbm4b:s29+s3] =	stream.linear.scatter [tilespmem:s31], [sflag:$0x3], $0x80, $0x38;
	[tilespmem:$0x16400] =	vst v63  }
0xfe: {  	s1 =	sadd.s32 $0x70, s1;
	s31 =	simm.s32 $0x11280;
	s29 =	sadd.s32 $0x10800, s28  }
0xff: {  	[hbm4b:s1+s3] =	stream.linear.scatter [tilespmem:s31], [sflag:$0x3], $0x80, $0x38;
	[tilespmem:$0x16400] =	vst v63  }
0x100: {  	s1 =	sshrl.u32 s29, $0x3  }
0x101: {  	s30 =	simm.s32 $0x10500;
	s1 =	sadd.s32 s2, s1  }
0x102: {  	[hbm4b:s1+s3] =	stream.linear.scatter [tilespmem:s30], [sflag:$0x3], $0x80, $0x38;
	[tilespmem:$0x16400] =	vst v63  }
0x103: {  	s31 =	simm.s32 $0x10700;
	s29 =	sadd.s32 $0x10, s1  }
0x104: {  	[hbm4b:s29+s3] =	stream.linear.scatter [tilespmem:s31], [sflag:$0x3], $0x80, $0x38;
	[tilespmem:$0x16400] =	vst v63  }
0x105: {  	s29 =	sadd.s32 $0x20, s1;
	s31 =	simm.s32 $0x10900  }
0x106: {  	[hbm4b:s29+s3] =	stream.linear.scatter [tilespmem:s31], [sflag:$0x3], $0x80, $0x38;
	[tilespmem:$0x16400] =	vst v63  }
0x107: {  	s29 =	sadd.s32 $0x30, s1;
	s31 =	simm.s32 $0x10B00  }
0x108: {  	[hbm4b:s29+s3] =	stream.linear.scatter [tilespmem:s31], [sflag:$0x3], $0x80, $0x38;
	[tilespmem:$0x16400] =	vst v63  }
0x109: {  	s29 =	sadd.s32 $0x40, s1;
	s31 =	simm.s32 $0x10D00  }
0x10a: {  	[hbm4b:s29+s3] =	stream.linear.scatter [tilespmem:s31], [sflag:$0x3], $0x80, $0x38;
	[tilespmem:$0x16400] =	vst v63  }
0x10b: {  	s29 =	sadd.s32 $0x50, s1;
	s31 =	simm.s32 $0x10F00  }
0x10c: {  	[hbm4b:s29+s3] =	stream.linear.scatter [tilespmem:s31], [sflag:$0x3], $0x80, $0x38;
	[tilespmem:$0x16400] =	vst v63  }
0x10d: {  	s29 =	sadd.s32 $0x60, s1;
	s31 =	simm.s32 $0x11100  }
0x10e: {  	[hbm4b:s29+s3] =	stream.linear.scatter [tilespmem:s31], [sflag:$0x3], $0x80, $0x38;
	[tilespmem:$0x16400] =	vst v63  }
0x10f: {  	s1 =	sadd.s32 $0x70, s1;
	s31 =	simm.s32 $0x11300;
	s29 =	sadd.s32 $0x10C00, s28  }
0x110: {  	[hbm4b:s1+s3] =	stream.linear.scatter [tilespmem:s31], [sflag:$0x3], $0x80, $0x38;
	[tilespmem:$0x16400] =	vst v63  }
0x111: {  	s1 =	sshrl.u32 s29, $0x3  }
0x112: {  	s30 =	simm.s32 $0x10580;
	s1 =	sadd.s32 s2, s1  }
0x113: {  	[hbm4b:s1+s3] =	stream.linear.scatter [tilespmem:s30], [sflag:$0x3], $0x80, $0x38;
	[tilespmem:$0x16400] =	vst v63  }
0x114: {  	s31 =	simm.s32 $0x10780;
	s29 =	sadd.s32 $0x10, s1  }
0x115: {  	[hbm4b:s29+s3] =	stream.linear.scatter [tilespmem:s31], [sflag:$0x3], $0x80, $0x38;
	[tilespmem:$0x16400] =	vst v63  }
0x116: {  	s29 =	sadd.s32 $0x20, s1;
	s31 =	simm.s32 $0x10980  }
0x117: {  	[hbm4b:s29+s3] =	stream.linear.scatter [tilespmem:s31], [sflag:$0x3], $0x80, $0x38;
	[tilespmem:$0x16400] =	vst v63  }
0x118: {  	s29 =	sadd.s32 $0x30, s1;
	s31 =	simm.s32 $0x10B80  }
0x119: {  	[hbm4b:s29+s3] =	stream.linear.scatter [tilespmem:s31], [sflag:$0x3], $0x80, $0x38;
	[tilespmem:$0x16400] =	vst v63  }
0x11a: {  	s29 =	sadd.s32 $0x40, s1;
	s31 =	simm.s32 $0x10D80  }
0x11b: {  	[hbm4b:s29+s3] =	stream.linear.scatter [tilespmem:s31], [sflag:$0x3], $0x80, $0x38;
	[tilespmem:$0x16400] =	vst v63  }
0x11c: {  	s29 =	sadd.s32 $0x50, s1;
	s31 =	simm.s32 $0x10F80  }
0x11d: {  	[hbm4b:s29+s3] =	stream.linear.scatter [tilespmem:s31], [sflag:$0x3], $0x80, $0x38;
	[tilespmem:$0x16400] =	vst v63  }
0x11e: {  	s29 =	sadd.s32 $0x60, s1;
	s31 =	simm.s32 $0x11180  }
0x11f: {  	[hbm4b:s29+s3] =	stream.linear.scatter [tilespmem:s31], [sflag:$0x3], $0x80, $0x38;
	[tilespmem:$0x16400] =	vst v63  }
0x120: {  	s1 =	sadd.s32 $0x70, s1;
	s31 =	simm.s32 $0x11380;
	s29 =	sadd.s32 $0x18000, s28  }
0x121: {  	[hbm4b:s1+s3] =	stream.linear.scatter [tilespmem:s31], [sflag:$0x3], $0x80, $0x38;
	[tilespmem:$0x16400] =	vst v63  }
0x122: {  	s1 =	sshrl.u32 s29, $0x3  }
0x123: {  	s30 =	simm.s32 $0x11400;
	s1 =	sadd.s32 s2, s1  }
0x124: {  	[hbm4b:s1+s3] =	stream.linear.scatter [tilespmem:s30], [sflag:$0x3], $0x80, $0x38;
	[tilespmem:$0x16400] =	vst v63  }
0x125: {  	s31 =	simm.s32 $0x11600;
	s29 =	sadd.s32 $0x10, s1  }
0x126: {  	[hbm4b:s29+s3] =	stream.linear.scatter [tilespmem:s31], [sflag:$0x3], $0x80, $0x38;
	[tilespmem:$0x16400] =	vst v63  }
0x127: {  	s29 =	sadd.s32 $0x20, s1;
	s31 =	simm.s32 $0x11800  }
0x128: {  	[hbm4b:s29+s3] =	stream.linear.scatter [tilespmem:s31], [sflag:$0x3], $0x80, $0x38;
	[tilespmem:$0x16400] =	vst v63  }
0x129: {  	s29 =	sadd.s32 $0x30, s1;
	s31 =	simm.s32 $0x11A00  }
0x12a: {  	[hbm4b:s29+s3] =	stream.linear.scatter [tilespmem:s31], [sflag:$0x3], $0x80, $0x38;
	[tilespmem:$0x16400] =	vst v63  }
0x12b: {  	s29 =	sadd.s32 $0x40, s1;
	s31 =	simm.s32 $0x11C00  }
0x12c: {  	[hbm4b:s29+s3] =	stream.linear.scatter [tilespmem:s31], [sflag:$0x3], $0x80, $0x38;
	[tilespmem:$0x16400] =	vst v63  }
0x12d: {  	s29 =	sadd.s32 $0x50, s1;
	s31 =	simm.s32 $0x11E00  }
0x12e: {  	[hbm4b:s29+s3] =	stream.linear.scatter [tilespmem:s31], [sflag:$0x3], $0x80, $0x38;
	[tilespmem:$0x16400] =	vst v63  }
0x12f: {  	s29 =	sadd.s32 $0x60, s1;
	s31 =	simm.s32 $0x12000  }
0x130: {  	[hbm4b:s29+s3] =	stream.linear.scatter [tilespmem:s31], [sflag:$0x3], $0x80, $0x38;
	[tilespmem:$0x16400] =	vst v63  }
0x131: {  	s1 =	sadd.s32 $0x70, s1;
	s31 =	simm.s32 $0x12200;
	s29 =	sadd.s32 $0x18400, s28  }
0x132: {  	[hbm4b:s1+s3] =	stream.linear.scatter [tilespmem:s31], [sflag:$0x3], $0x80, $0x38;
	[tilespmem:$0x16400] =	vst v63  }
0x133: {  	s1 =	sshrl.u32 s29, $0x3  }
0x134: {  	s30 =	simm.s32 $0x11480;
	s1 =	sadd.s32 s2, s1  }
0x135: {  	[hbm4b:s1+s3] =	stream.linear.scatter [tilespmem:s30], [sflag:$0x3], $0x80, $0x38;
	[tilespmem:$0x16400] =	vst v63  }
0x136: {  	s31 =	simm.s32 $0x11680;
	s29 =	sadd.s32 $0x10, s1  }
0x137: {  	[hbm4b:s29+s3] =	stream.linear.scatter [tilespmem:s31], [sflag:$0x3], $0x80, $0x38;
	[tilespmem:$0x16400] =	vst v63  }
0x138: {  	s29 =	sadd.s32 $0x20, s1;
	s31 =	simm.s32 $0x11880  }
0x139: {  	[hbm4b:s29+s3] =	stream.linear.scatter [tilespmem:s31], [sflag:$0x3], $0x80, $0x38;
	[tilespmem:$0x16400] =	vst v63  }
0x13a: {  	s29 =	sadd.s32 $0x30, s1;
	s31 =	simm.s32 $0x11A80  }
0x13b: {  	[hbm4b:s29+s3] =	stream.linear.scatter [tilespmem:s31], [sflag:$0x3], $0x80, $0x38;
	[tilespmem:$0x16400] =	vst v63  }
0x13c: {  	s29 =	sadd.s32 $0x40, s1;
	s31 =	simm.s32 $0x11C80  }
0x13d: {  	[hbm4b:s29+s3] =	stream.linear.scatter [tilespmem:s31], [sflag:$0x3], $0x80, $0x38;
	[tilespmem:$0x16400] =	vst v63  }
0x13e: {  	s29 =	sadd.s32 $0x50, s1;
	s31 =	simm.s32 $0x11E80  }
0x13f: {  	[hbm4b:s29+s3] =	stream.linear.scatter [tilespmem:s31], [sflag:$0x3], $0x80, $0x38;
	[tilespmem:$0x16400] =	vst v63  }
0x140: {  	s29 =	sadd.s32 $0x60, s1;
	s31 =	simm.s32 $0x12080  }
0x141: {  	[hbm4b:s29+s3] =	stream.linear.scatter [tilespmem:s31], [sflag:$0x3], $0x80, $0x38;
	[tilespmem:$0x16400] =	vst v63  }
0x142: {  	s1 =	sadd.s32 $0x70, s1;
	s31 =	simm.s32 $0x12280;
	s29 =	sadd.s32 $0x18800, s28  }
0x143: {  	[hbm4b:s1+s3] =	stream.linear.scatter [tilespmem:s31], [sflag:$0x3], $0x80, $0x38;
	[tilespmem:$0x16400] =	vst v63  }
0x144: {  	s1 =	sshrl.u32 s29, $0x3  }
0x145: {  	s30 =	simm.s32 $0x11500;
	s1 =	sadd.s32 s2, s1  }
0x146: {  	[hbm4b:s1+s3] =	stream.linear.scatter [tilespmem:s30], [sflag:$0x3], $0x80, $0x38;
	[tilespmem:$0x16400] =	vst v63  }
0x147: {  	s31 =	simm.s32 $0x11700;
	s29 =	sadd.s32 $0x10, s1  }
0x148: {  	[hbm4b:s29+s3] =	stream.linear.scatter [tilespmem:s31], [sflag:$0x3], $0x80, $0x38;
	[tilespmem:$0x16400] =	vst v63  }
0x149: {  	s29 =	sadd.s32 $0x20, s1;
	s31 =	simm.s32 $0x11900  }
0x14a: {  	[hbm4b:s29+s3] =	stream.linear.scatter [tilespmem:s31], [sflag:$0x3], $0x80, $0x38;
	[tilespmem:$0x16400] =	vst v63  }
0x14b: {  	s29 =	sadd.s32 $0x30, s1;
	s31 =	simm.s32 $0x11B00  }
0x14c: {  	[hbm4b:s29+s3] =	stream.linear.scatter [tilespmem:s31], [sflag:$0x3], $0x80, $0x38;
	[tilespmem:$0x16400] =	vst v63  }
0x14d: {  	s29 =	sadd.s32 $0x40, s1;
	s31 =	simm.s32 $0x11D00  }
0x14e: {  	[hbm4b:s29+s3] =	stream.linear.scatter [tilespmem:s31], [sflag:$0x3], $0x80, $0x38;
	[tilespmem:$0x16400] =	vst v63  }
0x14f: {  	s29 =	sadd.s32 $0x50, s1;
	s31 =	simm.s32 $0x11F00  }
0x150: {  	[hbm4b:s29+s3] =	stream.linear.scatter [tilespmem:s31], [sflag:$0x3], $0x80, $0x38;
	[tilespmem:$0x16400] =	vst v63  }
0x151: {  	s29 =	sadd.s32 $0x60, s1;
	s31 =	simm.s32 $0x12100  }
0x152: {  	[hbm4b:s29+s3] =	stream.linear.scatter [tilespmem:s31], [sflag:$0x3], $0x80, $0x38;
	[tilespmem:$0x16400] =	vst v63  }
0x153: {  	s1 =	sadd.s32 $0x70, s1;
	s31 =	simm.s32 $0x12300;
	s29 =	sadd.s32 $0x18C00, s28  }
0x154: {  	[hbm4b:s1+s3] =	stream.linear.scatter [tilespmem:s31], [sflag:$0x3], $0x80, $0x38;
	[tilespmem:$0x16400] =	vst v63  }
0x155: {  	s1 =	sshrl.u32 s29, $0x3  }
0x156: {  	s30 =	simm.s32 $0x11580;
	s1 =	sadd.s32 s2, s1  }
0x157: {  	[hbm4b:s1+s3] =	stream.linear.scatter [tilespmem:s30], [sflag:$0x3], $0x80, $0x38;
	[tilespmem:$0x16400] =	vst v63  }
0x158: {  	s31 =	sadd.s32 $0x10, s1;
	s30 =	simm.s32 $0x11780  }
0x159: {  	[hbm4b:s31+s3] =	stream.linear.scatter [tilespmem:s30], [sflag:$0x3], $0x80, $0x38;
	[tilespmem:$0x16400] =	vst v63  }
0x15a: {  	s31 =	sadd.s32 $0x20, s1;
	s30 =	simm.s32 $0x11980  }
0x15b: {  	[hbm4b:s31+s3] =	stream.linear.scatter [tilespmem:s30], [sflag:$0x3], $0x80, $0x38;
	[tilespmem:$0x16400] =	vst v63  }
0x15c: {  	s31 =	sadd.s32 $0x30, s1;
	s30 =	simm.s32 $0x11B80  }
0x15d: {  	[hbm4b:s31+s3] =	stream.linear.scatter [tilespmem:s30], [sflag:$0x3], $0x80, $0x38;
	[tilespmem:$0x16400] =	vst v63  }
0x15e: {  	s31 =	sadd.s32 $0x40, s1;
	s30 =	simm.s32 $0x11D80  }
0x15f: {  	[hbm4b:s31+s3] =	stream.linear.scatter [tilespmem:s30], [sflag:$0x3], $0x80, $0x38;
	[tilespmem:$0x16400] =	vst v63  }
0x160: {  	p1 =	sne.s32 s25, $0x18;
	s31 =	sadd.s32 $0x50, s1;
	s30 =	simm.s32 $0x11F80  }
0x161: {  	[hbm4b:s31+s3] =	stream.linear.scatter [tilespmem:s30], [sflag:$0x3], $0x80, $0x38;
	[tilespmem:$0x16400] =	vst v63  }
.Ltmp1:
0x162: {  	_ = 	snop;
	(pc) =	sbr.rel @p1 .LBB2_6-.Ltmp1, $4  }
0x163: {  	s31 =	sadd.s32 $0x60, s1;
	s30 =	simm.s32 $0x12180  }
0x164: {  	[hbm4b:s31+s3] =	stream.linear.scatter [tilespmem:s30], [sflag:$0x3], $0x80, $0x38;
	[tilespmem:$0x16400] =	vst v63  }
0x165: {  	s1 =	sadd.s32 $0x70, s1;
	s31 =	simm.s32 $0x12380  }
0x166: {  	[hbm4b:s1+s3] =	stream.linear.scatter [tilespmem:s31], [sflag:$0x3], $0x80, $0x38;
	[tilespmem:$0x16400] =	vst v63  }
.Ltmp2:
0x167: {  	(pc) =	sbr.rel .LBB2_7-.Ltmp2, $4  }
0x168: {  	_ = 	snop  }
0x169: {  	_ =	swait.ge [sflag:s21], $0x4000  }
0x16a: {  	[sflag:s21] =	ssyncset.done $0x0  }
0x16b: {  	[sflag:s21] =	ssyncadd.s32 $0xFFFFC000  }
.LBB2_6:
0x16c: {  	s1 =	sshll.u32 s25, $0xA  }
0x16d: {  	s1 =	sand.u32 $0x3FFFFC00, s1  }
.Ltmp3:
0x16e: {  	s28 =	simm.s32 $0x6400;
	s1 =	sadd.s32 $0x400, s1;
	(pc) =	sbr.rel @p0 .LBB2_8-.Ltmp3, $4  }
0x16f: {  	[tilespmem:s28], [sflag:$0x1] =	stream.indirect.gather [hbm4b:s4+s9], $0x20, s1, s9, $0xb8;
	[tilespmem:$0x16400] =	vst v63  }
0x170: {  	_ =	swait.ge [sflag:s21], $0x4000  }
0x171: {  	[sflag:s21] =	ssyncset.done $0x0  }
0x172: {  	[sflag:s21] =	ssyncadd.s32 $0xFFFFC000  }
.LBB2_7:
0x173: {  	_ =	swait.ge [sflag:s22], $0x4000  }
0x174: {  	[sflag:s22] =	ssyncset.done $0x0  }
0x175: {  	[sflag:s22] =	ssyncadd.s32 $0xFFFFC000  }
.LBB2_8:
0x176: {  	s1 =	simm.s32 $0x0  }
0x177: {  	s31 =	simm.s32 $0x1;
	s28 =	simm.s32 $0x2;
	s29 =	simm.s32 $0x7;
	v17 =	vmov s1  }
0x178: {  	v18 =	vmov s31;
	s31 =	simm.s32 $0x3;
	v19 =	vmov s28;
	s28 =	simm.s32 $0x4;
	v22 =	vmov s29  }
0x179: {  	v17 =	vshrl.u32 v17, $0x3;
	v20 =	vmov s31;
	v21 =	vmov s28  }
0x17a: {  	s31 =	simm.s32 $0x5;
	v22 =	vshrl.u32 v22, $0x3;
	v18 =	vshrl.u32 v18, $0x3;
	v19 =	vshrl.u32 v19, $0x3  }
0x17b: {  	v23 =	vmov s31;
	v17 =	vshll.u32 v17, v1;
	v22 =	vshll.u32 v22, v1  }
0x17c: {  	s31 =	simm.s32 $0x6;
	v20 =	vshrl.u32 v20, $0x3;
	v18 =	vshll.u32 v18, v1;
	v25 =	vbroadcast v22, $0x0  }
0x17d: {  	s28 =	simm.s32 $0xA480;
	v24 =	vmov s31;
	v22 =	vshrl.u32 v21, $0x3;
	v17 =	vbroadcast v17, $0x0  }
0x17e: {  	v30 =	vbroadcast v18, $0x0;
	v18 =	vshll.u32 v19, v1;
	v19 =	vld [tilespmem:s28+$0x60];
	v26 =	vor.u32 v15, v25  }
0x17f: {  	v27 =	vld [tilespmem:s28+$0xFFFFFF80];
	v36 =	vbroadcast v18, $0x0;
	v18 =	vshll.u32 v20, v1;
	v28 =	vor.u32 v0, v17  }
0x180: {  	v29 =	vld [tilespmem:s28+$0xFFFFFFA0];
	v31 =	vor.u32 v3, v30;
	v21 =	vbroadcast v18, $0x0;
	v18 =	vshll.u32 v22, v1  }
0x181: {  	v32 =	vld [tilespmem:s28+$0xFFFFFFC0];
	v33 =	vor.u32 v5, v36;
	v20 =	vbroadcast v18, $0x0;
	v18 =	vshrl.u32 v23, $0x3  }
0x182: {  	v34 =	vld [tilespmem:s28+$0xFFFFFFE0];
	v23 =	vshrl.u32 v24, $0x3;
	v39 =	vor.u32 v7, v21;
	v18 =	vshll.u32 v18, v1  }
0x183: {  	v40 =	vld [tilespmem:s28+$0x0];
	s31 =	simm.s32 $0x8;
	v41 =	vor.u32 v9, v20;
	v22 =	vbroadcast v18, $0x0;
	v18 =	vshll.u32 v23, v1;
	[tilespmem:v26+s23+$0x0] =	vst.idx.msk $0xffff, v19  }
0x184: {  	v25 =	vor.u32 v16, v25;
	v23 =	vbroadcast v18, $0x0;
	v19 =	vmov s31;
	s31 =	simm.s32 $0x9;
	[tilespmem:v28+s23+$0x0] =	vst.idx.msk $0xffff, v27;
	v24 =	vld [tilespmem:s28+$0x70]  }
0x185: {  	v35 =	vor.u32 v4, v30;
	[tilespmem:v31+s23+$0x0] =	vst.idx.msk $0xffff, v29;
	v26 =	vld [tilespmem:s28+$0x20];
	v27 =	vor.u32 v11, v22;
	v37 =	vmov s31;
	s31 =	simm.s32 $0xA  }
0x186: {  	s29 =	simm.s32 $0xB;
	v36 =	vor.u32 v6, v36;
	v29 =	vld [tilespmem:s28+$0x40];
	[tilespmem:v33+s23+$0x0] =	vst.idx.msk $0xffff, v32;
	v31 =	vor.u32 v13, v23;
	v38 =	vmov s31;
	s31 =	simm.s32 $0xC  }
0x187: {  	v28 =	vmov s29;
	s29 =	simm.s32 $0xD;
	v19 =	vshrl.u32 v19, $0x3;
	v33 =	vld [tilespmem:s28+$0xFFFFFFB0];
	[tilespmem:v39+s23+$0x0] =	vst.idx.msk $0xffff, v34;
	v32 =	vmov s31;
	s31 =	simm.s32 $0xE  }
0x188: {  	s30 =	simm.s32 $0xF;
	v18 =	vmov s29;
	s29 =	simm.s32 $0x10;
	v30 =	vshll.u32 v19, v1;
	v34 =	vld [tilespmem:s28+$0xFFFFFFD0];
	[tilespmem:v41+s23+$0x0] =	vst.idx.msk $0xffff, v40;
	v19 =	vmov s31  }
.LBB2_9:
0x189: {  	p0 =	slt.u32 s29, $0x1F8;
	v37 =	vshrl.u32 v37, $0x3;
	v39 =	vmov s30;
	v40 =	vld [tilespmem:s28+$0xFFFFFFF0];
	v21 =	vor.u32 v8, v21;
	[tilespmem:v25+s23+$0x0] =	vst.idx.msk $0xffff, v24  }
0x18a: {  	v24 =	vshrl.u32 v38, $0x3;
	v20 =	vor.u32 v10, v20;
	v25 =	vshrl.u32 v39, $0x3;
	v38 =	vld [tilespmem:s28+$0x10];
	[tilespmem:v27+s23+$0x0] =	vst.idx.msk $0xffff, v26  }
0x18b: {  	v22 =	vor.u32 v12, v22;
	v26 =	vshrl.u32 v28, $0x3;
	v25 =	vshll.u32 v25, v1;
	v27 =	vld [tilespmem:s28+$0x30];
	[tilespmem:v31+s23+$0x0] =	vst.idx.msk $0xffff, v29  }
0x18c: {  	v23 =	vor.u32 v14, v23;
	v28 =	vshrl.u32 v32, $0x3;
	v25 =	vbroadcast v25, $0x0;
	[tilespmem:v35+s23+$0x0] =	vst.idx.msk $0xffff, v33;
	v29 =	vld [tilespmem:s28+$0x50]  }
0x18d: {  	v31 =	vshll.u32 v37, v1;
	v33 =	vor.u32 v2, v17;
	v17 =	vbroadcast v30, $0x0;
	v32 =	vld [tilespmem:s28+$0xFFFFFF90];
	[tilespmem:v36+s23+$0x0] =	vst.idx.msk $0xffff, v34;
	s28 =	sadd.s32 $0x100, s28  }
0x18e: {  	v24 =	vshll.u32 v24, v1;
	v30 =	vbroadcast v31, $0x0;
	v31 =	vld [tilespmem:s28+$0x60];
	v34 =	vor.u32 v15, v25;
	[tilespmem:v21+s23+$0x0] =	vst.idx.msk $0xffff, v40  }
0x18f: {  	v39 =	vbroadcast v24, $0x0;
	v36 =	vor.u32 v0, v17;
	v21 =	vshll.u32 v26, v1;
	v35 =	vld [tilespmem:s28+$0xFFFFFF80];
	[tilespmem:v20+s23+$0x0] =	vst.idx.msk $0xffff, v38  }
0x190: {  	v38 =	vor.u32 v3, v30;
	v21 =	vbroadcast v21, $0x0;
	v20 =	vshll.u32 v28, v1;
	v26 =	vld [tilespmem:s28+$0xFFFFFFA0];
	[tilespmem:v22+s23+$0x0] =	vst.idx.msk $0xffff, v27  }
0x191: {  	v18 =	vshrl.u32 v18, $0x3;
	v41 =	vor.u32 v5, v39;
	v20 =	vbroadcast v20, $0x0;
	v40 =	vld [tilespmem:s28+$0xFFFFFFC0];
	[tilespmem:v23+s23+$0x0] =	vst.idx.msk $0xffff, v29  }
0x192: {  	v19 =	vshrl.u32 v19, $0x3;
	v18 =	vshll.u32 v18, v1;
	v43 =	vor.u32 v7, v21;
	v42 =	vld [tilespmem:s28+$0xFFFFFFE0];
	[tilespmem:v33+s23+$0x0] =	vst.idx.msk $0xffff, v32  }
0x193: {  	v22 =	vbroadcast v18, $0x0;
	v18 =	vshll.u32 v19, v1;
	v45 =	vor.u32 v9, v20;
	v44 =	vld [tilespmem:s28+$0x0];
	[tilespmem:v34+s23+$0x0] =	vst.idx.msk $0xffff, v31  }
.Ltmp4:
0x194: {  	s1 =	sadd.s32 $0x1, s29;
	v25 =	vor.u32 v16, v25;
	v19 =	vmov s29;
	v23 =	vbroadcast v18, $0x0;
	[tilespmem:v36+s23+$0x0] =	vst.idx.msk $0xffff, v35;
	v24 =	vld [tilespmem:s28+$0x70];
	(pc) =	sbr.rel @p0 .LBB2_9-.Ltmp4, $4  }
0x195: {  	s30 =	sadd.s32 $0x3, s29;
	v37 =	vmov s1;
	s1 =	sadd.s32 $0x2, s29;
	v19 =	vshrl.u32 v19, $0x3;
	v27 =	vor.u32 v11, v22;
	[tilespmem:v38+s23+$0x0] =	vst.idx.msk $0xffff, v26;
	v26 =	vld [tilespmem:s28+$0x20]  }
0x196: {  	v28 =	vmov s30;
	s30 =	sadd.s32 $0x5, s29;
	v31 =	vor.u32 v13, v23;
	v38 =	vmov s1;
	s1 =	sadd.s32 $0x4, s29;
	[tilespmem:v41+s23+$0x0] =	vst.idx.msk $0xffff, v40;
	v29 =	vld [tilespmem:s28+$0x40]  }
0x197: {  	v18 =	vmov s30;
	v35 =	vor.u32 v4, v30;
	v32 =	vmov s1;
	s1 =	sadd.s32 $0x6, s29;
	v33 =	vld [tilespmem:s28+$0xFFFFFFB0];
	[tilespmem:v43+s23+$0x0] =	vst.idx.msk $0xffff, v42  }
0x198: {  	s30 =	sadd.s32 $0x7, s29;
	v30 =	vshll.u32 v19, v1;
	v36 =	vor.u32 v6, v39;
	s29 =	sadd.s32 $0x8, s29;
	v19 =	vmov s1;
	v34 =	vld [tilespmem:s28+$0xFFFFFFD0];
	[tilespmem:v45+s23+$0x0] =	vst.idx.msk $0xffff, v44  }
0x199: {  	_ =	sdelay $0x2  }
0x19a: {  	v37 =	vshrl.u32 v37, $0x3;
	v39 =	vmov s30  }
0x19b: {  	v40 =	vld [tilespmem:s28+$0xFFFFFFF0];
	v21 =	vor.u32 v8, v21;
	[tilespmem:v25+s23+$0x0] =	vst.idx.msk $0xffff, v24;
	v59 =	vshrl.u32 v38, $0x3;
	v20 =	vor.u32 v10, v20  }
0x19c: {  	v61 =	vld [tilespmem:s28+$0x10];
	v62 =	vshrl.u32 v28, $0x3;
	v22 =	vor.u32 v12, v22;
	v63 =	vshrl.u32 v32, $0x3;
	[tilespmem:v27+s23+$0x0] =	vst.idx.msk $0xffff, v26  }
0x19d: {  	v23 =	vor.u32 v14, v23;
	v30 =	vbroadcast v30, $0x0;
	v41 =	vld [tilespmem:s28+$0xFFFFFF90];
	v17 =	vor.u32 v2, v17;
	[tilespmem:v31+s23+$0x0] =	vst.idx.msk $0xffff, v29  }
0x19e: {  	s1 =	sadd.s32 $0x100, s28;
	v18 =	vshrl.u32 v18, $0x3;
	v60 =	vshrl.u32 v39, $0x3;
	v39 =	vshll.u32 v37, v1;
	v27 =	vld [tilespmem:s28+$0x30];
	[tilespmem:v35+s23+$0x0] =	vst.idx.msk $0xffff, v33  }
0x19f: {  	v24 =	vshll.u32 v59, v1;
	v44 =	vld [tilespmem:s1+$0xFFFFFF80];
	v31 =	vbroadcast v39, $0x0;
	v45 =	vor.u32 v0, v30;
	[tilespmem:v36+s23+$0x0] =	vst.idx.msk $0xffff, v34  }
0x1a0: {  	v19 =	vshrl.u32 v19, $0x3;
	v26 =	vshll.u32 v62, v1;
	v24 =	vbroadcast v24, $0x0;
	v29 =	vld [tilespmem:s28+$0x50];
	[tilespmem:v21+s23+$0x0] =	vst.idx.msk $0xffff, v40  }
0x1a1: {  	v46 =	vld [tilespmem:s1+$0xFFFFFFA0];
	v18 =	vshll.u32 v18, v1;
	v26 =	vbroadcast v26, $0x0;
	v47 =	vor.u32 v3, v31;
	[tilespmem:v20+s23+$0x0] =	vst.idx.msk $0xffff, v61  }
0x1a2: {  	v48 =	vld [tilespmem:s1+$0xFFFFFFC0];
	v19 =	vshll.u32 v19, v1;
	v18 =	vbroadcast v18, $0x0;
	v49 =	vor.u32 v5, v24;
	[tilespmem:v17+s23+$0x0] =	vst.idx.msk $0xffff, v41  }
0x1a3: {  	v28 =	vshll.u32 v63, v1;
	v50 =	vld [tilespmem:s1+$0xFFFFFFE0];
	v19 =	vbroadcast v19, $0x0;
	v51 =	vor.u32 v7, v26;
	[tilespmem:v22+s23+$0x0] =	vst.idx.msk $0xffff, v27  }
0x1a4: {  	v54 =	vld [tilespmem:s1+$0x20];
	v25 =	vshll.u32 v60, v1;
	v28 =	vbroadcast v28, $0x0;
	v55 =	vor.u32 v11, v18;
	[tilespmem:v45+s23+$0x0] =	vst.idx.msk $0xffff, v44  }
0x1a5: {  	v56 =	vld [tilespmem:s1+$0x40];
	v25 =	vbroadcast v25, $0x0;
	v57 =	vor.u32 v13, v19;
	[tilespmem:v23+s23+$0x0] =	vst.idx.msk $0xffff, v29  }
0x1a6: {  	v52 =	vor.u32 v9, v28;
	v17 =	vld [tilespmem:s1+$0x0];
	[tilespmem:v47+s23+$0x0] =	vst.idx.msk $0xffff, v46  }
0x1a7: {  	v42 =	vld [tilespmem:s1+$0x60];
	v43 =	vor.u32 v15, v25;
	[tilespmem:v49+s23+$0x0] =	vst.idx.msk $0xffff, v48  }
0x1a8: {  	v63 =	vor.u32 v2, v30;
	v62 =	vld [tilespmem:s1+$0xFFFFFF90];
	[tilespmem:v51+s23+$0x0] =	vst.idx.msk $0xffff, v50  }
0x1a9: {  	v31 =	vor.u32 v4, v31;
	[tilespmem:v55+s23+$0x0] =	vst.idx.msk $0xffff, v54;
	v58 =	vld [tilespmem:s1+$0xFFFFFFB0]  }
0x1aa: {  	v24 =	vor.u32 v6, v24;
	[tilespmem:v57+s23+$0x0] =	vst.idx.msk $0xffff, v56;
	v59 =	vld [tilespmem:s1+$0xFFFFFFD0]  }
0x1ab: {  	v26 =	vor.u32 v8, v26;
	[tilespmem:v52+s23+$0x0] =	vst.idx.msk $0xffff, v17;
	v17 =	vld [tilespmem:s1+$0xFFFFFFF0]  }
0x1ac: {  	v18 =	vor.u32 v12, v18;
	[tilespmem:v43+s23+$0x0] =	vst.idx.msk $0xffff, v42;
	v20 =	vld [tilespmem:s1+$0x30]  }
0x1ad: {  	v19 =	vor.u32 v14, v19;
	v22 =	vld [tilespmem:s1+$0x50];
	[tilespmem:v63+s23+$0x0] =	vst.idx.msk $0xffff, v62  }
0x1ae: {  	s26 =	sadd.s32 s5, s26;
	v25 =	vor.u32 v16, v25;
	v53 =	vld [tilespmem:s1+$0x70];
	[tilespmem:v31+s23+$0x0] =	vst.idx.msk $0xffff, v58  }
0x1af: {  	s31 =	sshrl.u32 s26, $0x3;
	v61 =	vor.u32 v10, v28;
	v60 =	vld [tilespmem:s1+$0x10];
	[tilespmem:v24+s23+$0x0] =	vst.idx.msk $0xffff, v59  }
0x1b0: {  	s26 =	sshll.u32 s26, $0xC;
	s29 =	sshll.u32 s31, $0xF;
	[tilespmem:v26+s23+$0x0] =	vst.idx.msk $0xffff, v17  }
0x1b1: {  	s26 =	ssub.s32 s26, s29;
	s1 =	sshll.u32 s31, $0x11;
	[tilespmem:v18+s23+$0x0] =	vst.idx.msk $0xffff, v20  }
0x1b2: {  	s26 =	sadd.s32 s1, s26;
	[tilespmem:v19+s23+$0x0] =	vst.idx.msk $0xffff, v22  }
0x1b3: {  	s1 =	sshrl.u32 s26, $0x3;
	[tilespmem:v25+s23+$0x0] =	vst.idx.msk $0xffff, v53  }
0x1b4: {  	s1 =	sadd.s32 s2, s1;
	[tilespmem:v61+s23+$0x0] =	vst.idx.msk $0xffff, v60  }
0x1b5: {  	[hbm4b:s1+s3] =	stream.linear.scatter [tilespmem:s23], [sflag:$0x4], $0x80, $0x38;
	[tilespmem:$0x16400] =	vst v63  }
0x1b6: {  	s29 =	simm.s32 $0x12600;
	s30 =	sadd.s32 $0x10, s1  }
0x1b7: {  	[hbm4b:s30+s3] =	stream.linear.scatter [tilespmem:s29], [sflag:$0x4], $0x80, $0x38;
	[tilespmem:$0x16400] =	vst v63  }
0x1b8: {  	s31 =	sadd.s32 $0x20, s1;
	s30 =	simm.s32 $0x12800  }
0x1b9: {  	[hbm4b:s31+s3] =	stream.linear.scatter [tilespmem:s30], [sflag:$0x4], $0x80, $0x38;
	[tilespmem:$0x16400] =	vst v63  }
0x1ba: {  	s31 =	sadd.s32 $0x30, s1;
	s30 =	simm.s32 $0x12A00  }
0x1bb: {  	[hbm4b:s31+s3] =	stream.linear.scatter [tilespmem:s30], [sflag:$0x4], $0x80, $0x38;
	[tilespmem:$0x16400] =	vst v63  }
0x1bc: {  	s31 =	sadd.s32 $0x40, s1;
	s30 =	simm.s32 $0x12C00  }
0x1bd: {  	[hbm4b:s31+s3] =	stream.linear.scatter [tilespmem:s30], [sflag:$0x4], $0x80, $0x38;
	[tilespmem:$0x16400] =	vst v63  }
0x1be: {  	s31 =	sadd.s32 $0x50, s1;
	s30 =	simm.s32 $0x12E00  }
0x1bf: {  	[hbm4b:s31+s3] =	stream.linear.scatter [tilespmem:s30], [sflag:$0x4], $0x80, $0x38;
	[tilespmem:$0x16400] =	vst v63  }
0x1c0: {  	s31 =	sadd.s32 $0x60, s1;
	s30 =	simm.s32 $0x13000  }
0x1c1: {  	[hbm4b:s31+s3] =	stream.linear.scatter [tilespmem:s30], [sflag:$0x4], $0x80, $0x38;
	[tilespmem:$0x16400] =	vst v63  }
0x1c2: {  	s29 =	sor.u32 $0x400, s26;
	s1 =	sadd.s32 $0x70, s1;
	s31 =	simm.s32 $0x13200  }
0x1c3: {  	[hbm4b:s1+s3] =	stream.linear.scatter [tilespmem:s31], [sflag:$0x4], $0x80, $0x38;
	[tilespmem:$0x16400] =	vst v63  }
0x1c4: {  	s1 =	sshrl.u32 s29, $0x3  }
0x1c5: {  	s30 =	simm.s32 $0x12480;
	s1 =	sadd.s32 s2, s1  }
0x1c6: {  	[hbm4b:s1+s3] =	stream.linear.scatter [tilespmem:s30], [sflag:$0x4], $0x80, $0x38;
	[tilespmem:$0x16400] =	vst v63  }
0x1c7: {  	s31 =	sadd.s32 $0x10, s1;
	s30 =	simm.s32 $0x12680  }
0x1c8: {  	[hbm4b:s31+s3] =	stream.linear.scatter [tilespmem:s30], [sflag:$0x4], $0x80, $0x38;
	[tilespmem:$0x16400] =	vst v63  }
0x1c9: {  	s31 =	sadd.s32 $0x20, s1;
	s30 =	simm.s32 $0x12880  }
0x1ca: {  	[hbm4b:s31+s3] =	stream.linear.scatter [tilespmem:s30], [sflag:$0x4], $0x80, $0x38;
	[tilespmem:$0x16400] =	vst v63  }
0x1cb: {  	s31 =	sadd.s32 $0x30, s1;
	s30 =	simm.s32 $0x12A80  }
0x1cc: {  	[hbm4b:s31+s3] =	stream.linear.scatter [tilespmem:s30], [sflag:$0x4], $0x80, $0x38;
	[tilespmem:$0x16400] =	vst v63  }
0x1cd: {  	s31 =	sadd.s32 $0x40, s1;
	s30 =	simm.s32 $0x12C80  }
0x1ce: {  	[hbm4b:s31+s3] =	stream.linear.scatter [tilespmem:s30], [sflag:$0x4], $0x80, $0x38;
	[tilespmem:$0x16400] =	vst v63  }
0x1cf: {  	s31 =	sadd.s32 $0x50, s1;
	s30 =	simm.s32 $0x12E80  }
0x1d0: {  	[hbm4b:s31+s3] =	stream.linear.scatter [tilespmem:s30], [sflag:$0x4], $0x80, $0x38;
	[tilespmem:$0x16400] =	vst v63  }
0x1d1: {  	s31 =	sadd.s32 $0x60, s1;
	s30 =	simm.s32 $0x13080  }
0x1d2: {  	[hbm4b:s31+s3] =	stream.linear.scatter [tilespmem:s30], [sflag:$0x4], $0x80, $0x38;
	[tilespmem:$0x16400] =	vst v63  }
0x1d3: {  	s29 =	sor.u32 $0x800, s26;
	s1 =	sadd.s32 $0x70, s1;
	s31 =	simm.s32 $0x13280  }
0x1d4: {  	[hbm4b:s1+s3] =	stream.linear.scatter [tilespmem:s31], [sflag:$0x4], $0x80, $0x38;
	[tilespmem:$0x16400] =	vst v63  }
0x1d5: {  	s1 =	sshrl.u32 s29, $0x3  }
0x1d6: {  	s30 =	simm.s32 $0x12500;
	s1 =	sadd.s32 s2, s1  }
0x1d7: {  	[hbm4b:s1+s3] =	stream.linear.scatter [tilespmem:s30], [sflag:$0x4], $0x80, $0x38;
	[tilespmem:$0x16400] =	vst v63  }
0x1d8: {  	s31 =	sadd.s32 $0x10, s1;
	s30 =	simm.s32 $0x12700  }
0x1d9: {  	[hbm4b:s31+s3] =	stream.linear.scatter [tilespmem:s30], [sflag:$0x4], $0x80, $0x38;
	[tilespmem:$0x16400] =	vst v63  }
0x1da: {  	s31 =	sadd.s32 $0x20, s1;
	s30 =	simm.s32 $0x12900  }
0x1db: {  	[hbm4b:s31+s3] =	stream.linear.scatter [tilespmem:s30], [sflag:$0x4], $0x80, $0x38;
	[tilespmem:$0x16400] =	vst v63  }
0x1dc: {  	s31 =	sadd.s32 $0x30, s1;
	s30 =	simm.s32 $0x12B00  }
0x1dd: {  	[hbm4b:s31+s3] =	stream.linear.scatter [tilespmem:s30], [sflag:$0x4], $0x80, $0x38;
	[tilespmem:$0x16400] =	vst v63  }
0x1de: {  	s31 =	sadd.s32 $0x40, s1;
	s30 =	simm.s32 $0x12D00  }
0x1df: {  	[hbm4b:s31+s3] =	stream.linear.scatter [tilespmem:s30], [sflag:$0x4], $0x80, $0x38;
	[tilespmem:$0x16400] =	vst v63  }
0x1e0: {  	s31 =	sadd.s32 $0x50, s1;
	s30 =	simm.s32 $0x12F00  }
0x1e1: {  	[hbm4b:s31+s3] =	stream.linear.scatter [tilespmem:s30], [sflag:$0x4], $0x80, $0x38;
	[tilespmem:$0x16400] =	vst v63  }
0x1e2: {  	s31 =	sadd.s32 $0x60, s1;
	s30 =	simm.s32 $0x13100  }
0x1e3: {  	[hbm4b:s31+s3] =	stream.linear.scatter [tilespmem:s30], [sflag:$0x4], $0x80, $0x38;
	[tilespmem:$0x16400] =	vst v63  }
0x1e4: {  	s29 =	sor.u32 $0xC00, s26;
	s1 =	sadd.s32 $0x70, s1;
	s31 =	simm.s32 $0x13300  }
0x1e5: {  	[hbm4b:s1+s3] =	stream.linear.scatter [tilespmem:s31], [sflag:$0x4], $0x80, $0x38;
	[tilespmem:$0x16400] =	vst v63  }
0x1e6: {  	s1 =	sshrl.u32 s29, $0x3  }
0x1e7: {  	s30 =	simm.s32 $0x12580;
	s1 =	sadd.s32 s2, s1  }
0x1e8: {  	[hbm4b:s1+s3] =	stream.linear.scatter [tilespmem:s30], [sflag:$0x4], $0x80, $0x38;
	[tilespmem:$0x16400] =	vst v63  }
0x1e9: {  	s31 =	sadd.s32 $0x10, s1;
	s30 =	simm.s32 $0x12780  }
0x1ea: {  	[hbm4b:s31+s3] =	stream.linear.scatter [tilespmem:s30], [sflag:$0x4], $0x80, $0x38;
	[tilespmem:$0x16400] =	vst v63  }
0x1eb: {  	s31 =	sadd.s32 $0x20, s1;
	s30 =	simm.s32 $0x12980  }
0x1ec: {  	[hbm4b:s31+s3] =	stream.linear.scatter [tilespmem:s30], [sflag:$0x4], $0x80, $0x38;
	[tilespmem:$0x16400] =	vst v63  }
0x1ed: {  	s31 =	sadd.s32 $0x30, s1;
	s30 =	simm.s32 $0x12B80  }
0x1ee: {  	[hbm4b:s31+s3] =	stream.linear.scatter [tilespmem:s30], [sflag:$0x4], $0x80, $0x38;
	[tilespmem:$0x16400] =	vst v63  }
0x1ef: {  	s31 =	sadd.s32 $0x40, s1;
	s30 =	simm.s32 $0x12D80  }
0x1f0: {  	[hbm4b:s31+s3] =	stream.linear.scatter [tilespmem:s30], [sflag:$0x4], $0x80, $0x38;
	[tilespmem:$0x16400] =	vst v63  }
0x1f1: {  	s31 =	sadd.s32 $0x50, s1;
	s30 =	simm.s32 $0x12F80  }
0x1f2: {  	[hbm4b:s31+s3] =	stream.linear.scatter [tilespmem:s30], [sflag:$0x4], $0x80, $0x38;
	[tilespmem:$0x16400] =	vst v63  }
0x1f3: {  	s31 =	sadd.s32 $0x60, s1;
	s30 =	simm.s32 $0x13180  }
0x1f4: {  	[hbm4b:s31+s3] =	stream.linear.scatter [tilespmem:s30], [sflag:$0x4], $0x80, $0x38;
	[tilespmem:$0x16400] =	vst v63  }
0x1f5: {  	s29 =	sadd.s32 $0x8000, s26;
	s1 =	sadd.s32 $0x70, s1;
	s31 =	simm.s32 $0x13380  }
0x1f6: {  	[hbm4b:s1+s3] =	stream.linear.scatter [tilespmem:s31], [sflag:$0x4], $0x80, $0x38;
	[tilespmem:$0x16400] =	vst v63  }
0x1f7: {  	s1 =	sshrl.u32 s29, $0x3  }
0x1f8: {  	s30 =	simm.s32 $0x13400;
	s1 =	sadd.s32 s2, s1  }
0x1f9: {  	[hbm4b:s1+s3] =	stream.linear.scatter [tilespmem:s30], [sflag:$0x4], $0x80, $0x38;
	[tilespmem:$0x16400] =	vst v63  }
0x1fa: {  	s31 =	sadd.s32 $0x10, s1;
	s30 =	simm.s32 $0x13600  }
0x1fb: {  	[hbm4b:s31+s3] =	stream.linear.scatter [tilespmem:s30], [sflag:$0x4], $0x80, $0x38;
	[tilespmem:$0x16400] =	vst v63  }
0x1fc: {  	s31 =	sadd.s32 $0x20, s1;
	s30 =	simm.s32 $0x13800  }
0x1fd: {  	[hbm4b:s31+s3] =	stream.linear.scatter [tilespmem:s30], [sflag:$0x4], $0x80, $0x38;
	[tilespmem:$0x16400] =	vst v63  }
0x1fe: {  	s31 =	sadd.s32 $0x30, s1;
	s30 =	simm.s32 $0x13A00  }
0x1ff: {  	[hbm4b:s31+s3] =	stream.linear.scatter [tilespmem:s30], [sflag:$0x4], $0x80, $0x38;
	[tilespmem:$0x16400] =	vst v63  }
0x200: {  	s31 =	sadd.s32 $0x40, s1;
	s30 =	simm.s32 $0x13C00  }
0x201: {  	[hbm4b:s31+s3] =	stream.linear.scatter [tilespmem:s30], [sflag:$0x4], $0x80, $0x38;
	[tilespmem:$0x16400] =	vst v63  }
0x202: {  	s31 =	sadd.s32 $0x50, s1;
	s30 =	simm.s32 $0x13E00  }
0x203: {  	[hbm4b:s31+s3] =	stream.linear.scatter [tilespmem:s30], [sflag:$0x4], $0x80, $0x38;
	[tilespmem:$0x16400] =	vst v63  }
0x204: {  	s31 =	sadd.s32 $0x60, s1;
	s30 =	simm.s32 $0x14000  }
0x205: {  	[hbm4b:s31+s3] =	stream.linear.scatter [tilespmem:s30], [sflag:$0x4], $0x80, $0x38;
	[tilespmem:$0x16400] =	vst v63  }
0x206: {  	s29 =	sadd.s32 $0x8400, s26;
	s1 =	sadd.s32 $0x70, s1;
	s31 =	simm.s32 $0x14200  }
0x207: {  	[hbm4b:s1+s3] =	stream.linear.scatter [tilespmem:s31], [sflag:$0x4], $0x80, $0x38;
	[tilespmem:$0x16400] =	vst v63  }
0x208: {  	s1 =	sshrl.u32 s29, $0x3  }
0x209: {  	s30 =	simm.s32 $0x13480;
	s1 =	sadd.s32 s2, s1  }
0x20a: {  	[hbm4b:s1+s3] =	stream.linear.scatter [tilespmem:s30], [sflag:$0x4], $0x80, $0x38;
	[tilespmem:$0x16400] =	vst v63  }
0x20b: {  	s31 =	sadd.s32 $0x10, s1;
	s30 =	simm.s32 $0x13680  }
0x20c: {  	[hbm4b:s31+s3] =	stream.linear.scatter [tilespmem:s30], [sflag:$0x4], $0x80, $0x38;
	[tilespmem:$0x16400] =	vst v63  }
0x20d: {  	s31 =	sadd.s32 $0x20, s1;
	s30 =	simm.s32 $0x13880  }
0x20e: {  	[hbm4b:s31+s3] =	stream.linear.scatter [tilespmem:s30], [sflag:$0x4], $0x80, $0x38;
	[tilespmem:$0x16400] =	vst v63  }
0x20f: {  	s31 =	sadd.s32 $0x30, s1;
	s30 =	simm.s32 $0x13A80  }
0x210: {  	[hbm4b:s31+s3] =	stream.linear.scatter [tilespmem:s30], [sflag:$0x4], $0x80, $0x38;
	[tilespmem:$0x16400] =	vst v63  }
0x211: {  	s31 =	sadd.s32 $0x40, s1;
	s30 =	simm.s32 $0x13C80  }
0x212: {  	[hbm4b:s31+s3] =	stream.linear.scatter [tilespmem:s30], [sflag:$0x4], $0x80, $0x38;
	[tilespmem:$0x16400] =	vst v63  }
0x213: {  	s31 =	sadd.s32 $0x50, s1;
	s30 =	simm.s32 $0x13E80  }
0x214: {  	[hbm4b:s31+s3] =	stream.linear.scatter [tilespmem:s30], [sflag:$0x4], $0x80, $0x38;
	[tilespmem:$0x16400] =	vst v63  }
0x215: {  	s31 =	sadd.s32 $0x60, s1;
	s30 =	simm.s32 $0x14080  }
0x216: {  	[hbm4b:s31+s3] =	stream.linear.scatter [tilespmem:s30], [sflag:$0x4], $0x80, $0x38;
	[tilespmem:$0x16400] =	vst v63  }
0x217: {  	s29 =	sadd.s32 $0x8800, s26;
	s1 =	sadd.s32 $0x70, s1;
	s31 =	simm.s32 $0x14280  }
0x218: {  	[hbm4b:s1+s3] =	stream.linear.scatter [tilespmem:s31], [sflag:$0x4], $0x80, $0x38;
	[tilespmem:$0x16400] =	vst v63  }
0x219: {  	s1 =	sshrl.u32 s29, $0x3  }
0x21a: {  	s30 =	simm.s32 $0x13500;
	s1 =	sadd.s32 s2, s1  }
0x21b: {  	[hbm4b:s1+s3] =	stream.linear.scatter [tilespmem:s30], [sflag:$0x4], $0x80, $0x38;
	[tilespmem:$0x16400] =	vst v63  }
0x21c: {  	s31 =	sadd.s32 $0x10, s1;
	s30 =	simm.s32 $0x13700  }
0x21d: {  	[hbm4b:s31+s3] =	stream.linear.scatter [tilespmem:s30], [sflag:$0x4], $0x80, $0x38;
	[tilespmem:$0x16400] =	vst v63  }
0x21e: {  	s31 =	sadd.s32 $0x20, s1;
	s30 =	simm.s32 $0x13900  }
0x21f: {  	[hbm4b:s31+s3] =	stream.linear.scatter [tilespmem:s30], [sflag:$0x4], $0x80, $0x38;
	[tilespmem:$0x16400] =	vst v63  }
0x220: {  	s31 =	sadd.s32 $0x30, s1;
	s30 =	simm.s32 $0x13B00  }
0x221: {  	[hbm4b:s31+s3] =	stream.linear.scatter [tilespmem:s30], [sflag:$0x4], $0x80, $0x38;
	[tilespmem:$0x16400] =	vst v63  }
0x222: {  	s31 =	sadd.s32 $0x40, s1;
	s30 =	simm.s32 $0x13D00  }
0x223: {  	[hbm4b:s31+s3] =	stream.linear.scatter [tilespmem:s30], [sflag:$0x4], $0x80, $0x38;
	[tilespmem:$0x16400] =	vst v63  }
0x224: {  	s31 =	sadd.s32 $0x50, s1;
	s30 =	simm.s32 $0x13F00  }
0x225: {  	[hbm4b:s31+s3] =	stream.linear.scatter [tilespmem:s30], [sflag:$0x4], $0x80, $0x38;
	[tilespmem:$0x16400] =	vst v63  }
0x226: {  	s31 =	sadd.s32 $0x60, s1;
	s30 =	simm.s32 $0x14100  }
0x227: {  	[hbm4b:s31+s3] =	stream.linear.scatter [tilespmem:s30], [sflag:$0x4], $0x80, $0x38;
	[tilespmem:$0x16400] =	vst v63  }
0x228: {  	s29 =	sadd.s32 $0x8C00, s26;
	s1 =	sadd.s32 $0x70, s1;
	s31 =	simm.s32 $0x14300  }
0x229: {  	[hbm4b:s1+s3] =	stream.linear.scatter [tilespmem:s31], [sflag:$0x4], $0x80, $0x38;
	[tilespmem:$0x16400] =	vst v63  }
0x22a: {  	s1 =	sshrl.u32 s29, $0x3  }
0x22b: {  	s30 =	simm.s32 $0x13580;
	s1 =	sadd.s32 s2, s1  }
0x22c: {  	[hbm4b:s1+s3] =	stream.linear.scatter [tilespmem:s30], [sflag:$0x4], $0x80, $0x38;
	[tilespmem:$0x16400] =	vst v63  }
0x22d: {  	s31 =	sadd.s32 $0x10, s1;
	s30 =	simm.s32 $0x13780  }
0x22e: {  	[hbm4b:s31+s3] =	stream.linear.scatter [tilespmem:s30], [sflag:$0x4], $0x80, $0x38;
	[tilespmem:$0x16400] =	vst v63  }
0x22f: {  	s31 =	sadd.s32 $0x20, s1;
	s30 =	simm.s32 $0x13980  }
0x230: {  	[hbm4b:s31+s3] =	stream.linear.scatter [tilespmem:s30], [sflag:$0x4], $0x80, $0x38;
	[tilespmem:$0x16400] =	vst v63  }
0x231: {  	s31 =	sadd.s32 $0x30, s1;
	s30 =	simm.s32 $0x13B80  }
0x232: {  	[hbm4b:s31+s3] =	stream.linear.scatter [tilespmem:s30], [sflag:$0x4], $0x80, $0x38;
	[tilespmem:$0x16400] =	vst v63  }
0x233: {  	s31 =	sadd.s32 $0x40, s1;
	s30 =	simm.s32 $0x13D80  }
0x234: {  	[hbm4b:s31+s3] =	stream.linear.scatter [tilespmem:s30], [sflag:$0x4], $0x80, $0x38;
	[tilespmem:$0x16400] =	vst v63  }
0x235: {  	s31 =	sadd.s32 $0x50, s1;
	s30 =	simm.s32 $0x13F80  }
0x236: {  	[hbm4b:s31+s3] =	stream.linear.scatter [tilespmem:s30], [sflag:$0x4], $0x80, $0x38;
	[tilespmem:$0x16400] =	vst v63  }
0x237: {  	s31 =	sadd.s32 $0x60, s1;
	s30 =	simm.s32 $0x14180  }
0x238: {  	[hbm4b:s31+s3] =	stream.linear.scatter [tilespmem:s30], [sflag:$0x4], $0x80, $0x38;
	[tilespmem:$0x16400] =	vst v63  }
0x239: {  	s29 =	sadd.s32 $0x10000, s26;
	s1 =	sadd.s32 $0x70, s1;
	s31 =	simm.s32 $0x14380  }
0x23a: {  	[hbm4b:s1+s3] =	stream.linear.scatter [tilespmem:s31], [sflag:$0x4], $0x80, $0x38;
	[tilespmem:$0x16400] =	vst v63  }
0x23b: {  	s1 =	sshrl.u32 s29, $0x3  }
0x23c: {  	s30 =	simm.s32 $0x14400;
	s1 =	sadd.s32 s2, s1  }
0x23d: {  	[hbm4b:s1+s3] =	stream.linear.scatter [tilespmem:s30], [sflag:$0x4], $0x80, $0x38;
	[tilespmem:$0x16400] =	vst v63  }
0x23e: {  	s31 =	sadd.s32 $0x10, s1;
	s30 =	simm.s32 $0x14600  }
0x23f: {  	[hbm4b:s31+s3] =	stream.linear.scatter [tilespmem:s30], [sflag:$0x4], $0x80, $0x38;
	[tilespmem:$0x16400] =	vst v63  }
0x240: {  	s31 =	sadd.s32 $0x20, s1;
	s30 =	simm.s32 $0x14800  }
0x241: {  	[hbm4b:s31+s3] =	stream.linear.scatter [tilespmem:s30], [sflag:$0x4], $0x80, $0x38;
	[tilespmem:$0x16400] =	vst v63  }
0x242: {  	s31 =	sadd.s32 $0x30, s1;
	s30 =	simm.s32 $0x14A00  }
0x243: {  	[hbm4b:s31+s3] =	stream.linear.scatter [tilespmem:s30], [sflag:$0x4], $0x80, $0x38;
	[tilespmem:$0x16400] =	vst v63  }
0x244: {  	s31 =	sadd.s32 $0x40, s1;
	s30 =	simm.s32 $0x14C00  }
0x245: {  	[hbm4b:s31+s3] =	stream.linear.scatter [tilespmem:s30], [sflag:$0x4], $0x80, $0x38;
	[tilespmem:$0x16400] =	vst v63  }
0x246: {  	s31 =	sadd.s32 $0x50, s1;
	s30 =	simm.s32 $0x14E00  }
0x247: {  	[hbm4b:s31+s3] =	stream.linear.scatter [tilespmem:s30], [sflag:$0x4], $0x80, $0x38;
	[tilespmem:$0x16400] =	vst v63  }
0x248: {  	s31 =	sadd.s32 $0x60, s1;
	s30 =	simm.s32 $0x15000  }
0x249: {  	[hbm4b:s31+s3] =	stream.linear.scatter [tilespmem:s30], [sflag:$0x4], $0x80, $0x38;
	[tilespmem:$0x16400] =	vst v63  }
0x24a: {  	s29 =	sadd.s32 $0x10400, s26;
	s1 =	sadd.s32 $0x70, s1;
	s31 =	simm.s32 $0x15200  }
0x24b: {  	[hbm4b:s1+s3] =	stream.linear.scatter [tilespmem:s31], [sflag:$0x4], $0x80, $0x38;
	[tilespmem:$0x16400] =	vst v63  }
0x24c: {  	s1 =	sshrl.u32 s29, $0x3  }
0x24d: {  	s30 =	simm.s32 $0x14480;
	s1 =	sadd.s32 s2, s1  }
0x24e: {  	[hbm4b:s1+s3] =	stream.linear.scatter [tilespmem:s30], [sflag:$0x4], $0x80, $0x38;
	[tilespmem:$0x16400] =	vst v63  }
0x24f: {  	s31 =	sadd.s32 $0x10, s1;
	s30 =	simm.s32 $0x14680  }
0x250: {  	[hbm4b:s31+s3] =	stream.linear.scatter [tilespmem:s30], [sflag:$0x4], $0x80, $0x38;
	[tilespmem:$0x16400] =	vst v63  }
0x251: {  	s31 =	sadd.s32 $0x20, s1;
	s30 =	simm.s32 $0x14880  }
0x252: {  	[hbm4b:s31+s3] =	stream.linear.scatter [tilespmem:s30], [sflag:$0x4], $0x80, $0x38;
	[tilespmem:$0x16400] =	vst v63  }
0x253: {  	s31 =	sadd.s32 $0x30, s1;
	s30 =	simm.s32 $0x14A80  }
0x254: {  	[hbm4b:s31+s3] =	stream.linear.scatter [tilespmem:s30], [sflag:$0x4], $0x80, $0x38;
	[tilespmem:$0x16400] =	vst v63  }
0x255: {  	s31 =	sadd.s32 $0x40, s1;
	s30 =	simm.s32 $0x14C80  }
0x256: {  	[hbm4b:s31+s3] =	stream.linear.scatter [tilespmem:s30], [sflag:$0x4], $0x80, $0x38;
	[tilespmem:$0x16400] =	vst v63  }
0x257: {  	s31 =	sadd.s32 $0x50, s1;
	s30 =	simm.s32 $0x14E80  }
0x258: {  	[hbm4b:s31+s3] =	stream.linear.scatter [tilespmem:s30], [sflag:$0x4], $0x80, $0x38;
	[tilespmem:$0x16400] =	vst v63  }
0x259: {  	s31 =	sadd.s32 $0x60, s1;
	s30 =	simm.s32 $0x15080  }
0x25a: {  	[hbm4b:s31+s3] =	stream.linear.scatter [tilespmem:s30], [sflag:$0x4], $0x80, $0x38;
	[tilespmem:$0x16400] =	vst v63  }
0x25b: {  	s29 =	sadd.s32 $0x10800, s26;
	s1 =	sadd.s32 $0x70, s1;
	s31 =	simm.s32 $0x15280  }
0x25c: {  	[hbm4b:s1+s3] =	stream.linear.scatter [tilespmem:s31], [sflag:$0x4], $0x80, $0x38;
	[tilespmem:$0x16400] =	vst v63  }
0x25d: {  	s1 =	sshrl.u32 s29, $0x3  }
0x25e: {  	s30 =	simm.s32 $0x14500;
	s1 =	sadd.s32 s2, s1  }
0x25f: {  	[hbm4b:s1+s3] =	stream.linear.scatter [tilespmem:s30], [sflag:$0x4], $0x80, $0x38;
	[tilespmem:$0x16400] =	vst v63  }
0x260: {  	s31 =	sadd.s32 $0x10, s1;
	s30 =	simm.s32 $0x14700  }
0x261: {  	[hbm4b:s31+s3] =	stream.linear.scatter [tilespmem:s30], [sflag:$0x4], $0x80, $0x38;
	[tilespmem:$0x16400] =	vst v63  }
0x262: {  	s31 =	sadd.s32 $0x20, s1;
	s30 =	simm.s32 $0x14900  }
0x263: {  	[hbm4b:s31+s3] =	stream.linear.scatter [tilespmem:s30], [sflag:$0x4], $0x80, $0x38;
	[tilespmem:$0x16400] =	vst v63  }
0x264: {  	s31 =	sadd.s32 $0x30, s1;
	s30 =	simm.s32 $0x14B00  }
0x265: {  	[hbm4b:s31+s3] =	stream.linear.scatter [tilespmem:s30], [sflag:$0x4], $0x80, $0x38;
	[tilespmem:$0x16400] =	vst v63  }
0x266: {  	s31 =	sadd.s32 $0x40, s1;
	s30 =	simm.s32 $0x14D00  }
0x267: {  	[hbm4b:s31+s3] =	stream.linear.scatter [tilespmem:s30], [sflag:$0x4], $0x80, $0x38;
	[tilespmem:$0x16400] =	vst v63  }
0x268: {  	s31 =	sadd.s32 $0x50, s1;
	s30 =	simm.s32 $0x14F00  }
0x269: {  	[hbm4b:s31+s3] =	stream.linear.scatter [tilespmem:s30], [sflag:$0x4], $0x80, $0x38;
	[tilespmem:$0x16400] =	vst v63  }
0x26a: {  	s31 =	sadd.s32 $0x60, s1;
	s30 =	simm.s32 $0x15100  }
0x26b: {  	[hbm4b:s31+s3] =	stream.linear.scatter [tilespmem:s30], [sflag:$0x4], $0x80, $0x38;
	[tilespmem:$0x16400] =	vst v63  }
0x26c: {  	s29 =	sadd.s32 $0x10C00, s26;
	s1 =	sadd.s32 $0x70, s1;
	s31 =	simm.s32 $0x15300  }
0x26d: {  	[hbm4b:s1+s3] =	stream.linear.scatter [tilespmem:s31], [sflag:$0x4], $0x80, $0x38;
	[tilespmem:$0x16400] =	vst v63  }
0x26e: {  	s1 =	sshrl.u32 s29, $0x3  }
0x26f: {  	s30 =	simm.s32 $0x14580;
	s1 =	sadd.s32 s2, s1  }
0x270: {  	[hbm4b:s1+s3] =	stream.linear.scatter [tilespmem:s30], [sflag:$0x4], $0x80, $0x38;
	[tilespmem:$0x16400] =	vst v63  }
0x271: {  	s31 =	sadd.s32 $0x10, s1;
	s30 =	simm.s32 $0x14780  }
0x272: {  	[hbm4b:s31+s3] =	stream.linear.scatter [tilespmem:s30], [sflag:$0x4], $0x80, $0x38;
	[tilespmem:$0x16400] =	vst v63  }
0x273: {  	s31 =	sadd.s32 $0x20, s1;
	s30 =	simm.s32 $0x14980  }
0x274: {  	[hbm4b:s31+s3] =	stream.linear.scatter [tilespmem:s30], [sflag:$0x4], $0x80, $0x38;
	[tilespmem:$0x16400] =	vst v63  }
0x275: {  	s31 =	sadd.s32 $0x30, s1;
	s30 =	simm.s32 $0x14B80  }
0x276: {  	[hbm4b:s31+s3] =	stream.linear.scatter [tilespmem:s30], [sflag:$0x4], $0x80, $0x38;
	[tilespmem:$0x16400] =	vst v63  }
0x277: {  	s31 =	sadd.s32 $0x40, s1;
	s30 =	simm.s32 $0x14D80  }
0x278: {  	[hbm4b:s31+s3] =	stream.linear.scatter [tilespmem:s30], [sflag:$0x4], $0x80, $0x38;
	[tilespmem:$0x16400] =	vst v63  }
0x279: {  	s31 =	sadd.s32 $0x50, s1;
	s30 =	simm.s32 $0x14F80  }
0x27a: {  	[hbm4b:s31+s3] =	stream.linear.scatter [tilespmem:s30], [sflag:$0x4], $0x80, $0x38;
	[tilespmem:$0x16400] =	vst v63  }
0x27b: {  	s31 =	sadd.s32 $0x60, s1;
	s30 =	simm.s32 $0x15180  }
0x27c: {  	[hbm4b:s31+s3] =	stream.linear.scatter [tilespmem:s30], [sflag:$0x4], $0x80, $0x38;
	[tilespmem:$0x16400] =	vst v63  }
0x27d: {  	s29 =	sadd.s32 $0x18000, s26;
	s1 =	sadd.s32 $0x70, s1;
	s31 =	simm.s32 $0x15380  }
0x27e: {  	[hbm4b:s1+s3] =	stream.linear.scatter [tilespmem:s31], [sflag:$0x4], $0x80, $0x38;
	[tilespmem:$0x16400] =	vst v63  }
0x27f: {  	s1 =	sshrl.u32 s29, $0x3  }
0x280: {  	s30 =	simm.s32 $0x15400;
	s1 =	sadd.s32 s2, s1  }
0x281: {  	[hbm4b:s1+s3] =	stream.linear.scatter [tilespmem:s30], [sflag:$0x4], $0x80, $0x38;
	[tilespmem:$0x16400] =	vst v63  }
0x282: {  	s31 =	sadd.s32 $0x10, s1;
	s30 =	simm.s32 $0x15600  }
0x283: {  	[hbm4b:s31+s3] =	stream.linear.scatter [tilespmem:s30], [sflag:$0x4], $0x80, $0x38;
	[tilespmem:$0x16400] =	vst v63  }
0x284: {  	s31 =	sadd.s32 $0x20, s1;
	s30 =	simm.s32 $0x15800  }
0x285: {  	[hbm4b:s31+s3] =	stream.linear.scatter [tilespmem:s30], [sflag:$0x4], $0x80, $0x38;
	[tilespmem:$0x16400] =	vst v63  }
0x286: {  	s31 =	sadd.s32 $0x30, s1;
	s30 =	simm.s32 $0x15A00  }
0x287: {  	[hbm4b:s31+s3] =	stream.linear.scatter [tilespmem:s30], [sflag:$0x4], $0x80, $0x38;
	[tilespmem:$0x16400] =	vst v63  }
0x288: {  	s31 =	sadd.s32 $0x40, s1;
	s30 =	simm.s32 $0x15C00  }
0x289: {  	[hbm4b:s31+s3] =	stream.linear.scatter [tilespmem:s30], [sflag:$0x4], $0x80, $0x38;
	[tilespmem:$0x16400] =	vst v63  }
0x28a: {  	s31 =	sadd.s32 $0x50, s1;
	s30 =	simm.s32 $0x15E00  }
0x28b: {  	[hbm4b:s31+s3] =	stream.linear.scatter [tilespmem:s30], [sflag:$0x4], $0x80, $0x38;
	[tilespmem:$0x16400] =	vst v63  }
0x28c: {  	s31 =	sadd.s32 $0x60, s1;
	s30 =	simm.s32 $0x16000  }
0x28d: {  	[hbm4b:s31+s3] =	stream.linear.scatter [tilespmem:s30], [sflag:$0x4], $0x80, $0x38;
	[tilespmem:$0x16400] =	vst v63  }
0x28e: {  	s29 =	sadd.s32 $0x18400, s26;
	s1 =	sadd.s32 $0x70, s1;
	s31 =	simm.s32 $0x16200  }
0x28f: {  	[hbm4b:s1+s3] =	stream.linear.scatter [tilespmem:s31], [sflag:$0x4], $0x80, $0x38;
	[tilespmem:$0x16400] =	vst v63  }
0x290: {  	s1 =	sshrl.u32 s29, $0x3  }
0x291: {  	s30 =	simm.s32 $0x15480;
	s1 =	sadd.s32 s2, s1  }
0x292: {  	[hbm4b:s1+s3] =	stream.linear.scatter [tilespmem:s30], [sflag:$0x4], $0x80, $0x38;
	[tilespmem:$0x16400] =	vst v63  }
0x293: {  	s31 =	sadd.s32 $0x10, s1;
	s30 =	simm.s32 $0x15680  }
0x294: {  	[hbm4b:s31+s3] =	stream.linear.scatter [tilespmem:s30], [sflag:$0x4], $0x80, $0x38;
	[tilespmem:$0x16400] =	vst v63  }
0x295: {  	s31 =	sadd.s32 $0x20, s1;
	s30 =	simm.s32 $0x15880  }
0x296: {  	[hbm4b:s31+s3] =	stream.linear.scatter [tilespmem:s30], [sflag:$0x4], $0x80, $0x38;
	[tilespmem:$0x16400] =	vst v63  }
0x297: {  	s31 =	sadd.s32 $0x30, s1;
	s30 =	simm.s32 $0x15A80  }
0x298: {  	[hbm4b:s31+s3] =	stream.linear.scatter [tilespmem:s30], [sflag:$0x4], $0x80, $0x38;
	[tilespmem:$0x16400] =	vst v63  }
0x299: {  	s31 =	sadd.s32 $0x40, s1;
	s30 =	simm.s32 $0x15C80  }
0x29a: {  	[hbm4b:s31+s3] =	stream.linear.scatter [tilespmem:s30], [sflag:$0x4], $0x80, $0x38;
	[tilespmem:$0x16400] =	vst v63  }
0x29b: {  	s31 =	sadd.s32 $0x50, s1  }
0x29c: {  	[hbm4b:s31+s3] =	stream.linear.scatter [tilespmem:s16], [sflag:$0x4], $0x80, $0x38;
	[tilespmem:$0x16400] =	vst v63  }
0x29d: {  	s29 =	sadd.s32 $0x60, s1  }
0x29e: {  	[hbm4b:s29+s3] =	stream.linear.scatter [tilespmem:s18], [sflag:$0x4], $0x80, $0x38;
	[tilespmem:$0x16400] =	vst v63  }
0x29f: {  	s1 =	sadd.s32 $0x70, s1;
	s30 =	sadd.s32 $0x18800, s26  }
0x2a0: {  	[hbm4b:s1+s3] =	stream.linear.scatter [tilespmem:s19], [sflag:$0x4], $0x80, $0x38;
	[tilespmem:$0x16400] =	vst v63  }
0x2a1: {  	s1 =	sshrl.u32 s30, $0x3  }
0x2a2: {  	s1 =	sadd.s32 s2, s1  }
0x2a3: {  	[hbm4b:s1+s3] =	stream.linear.scatter [tilespmem:s20], [sflag:$0x4], $0x80, $0x38;
	[tilespmem:$0x16400] =	vst v63  }
0x2a4: {  	s31 =	sadd.s32 $0x10, s1  }
0x2a5: {  	[hbm4b:s31+s3] =	stream.linear.scatter [tilespmem:s17], [sflag:$0x4], $0x80, $0x38;
	[tilespmem:$0x16400] =	vst v63  }
0x2a6: {  	s29 =	sadd.s32 $0x20, s1  }
0x2a7: {  	[hbm4b:s29+s3] =	stream.linear.scatter [tilespmem:s15], [sflag:$0x4], $0x80, $0x38;
	[tilespmem:$0x16400] =	vst v63  }
0x2a8: {  	s30 =	sadd.s32 $0x30, s1;
	s31 =	simm.s32 $0x15B00  }
0x2a9: {  	[hbm4b:s30+s3] =	stream.linear.scatter [tilespmem:s31], [sflag:$0x4], $0x80, $0x38;
	[tilespmem:$0x16400] =	vst v63  }
0x2aa: {  	s30 =	sadd.s32 $0x40, s1;
	s31 =	simm.s32 $0x15D00  }
0x2ab: {  	[hbm4b:s30+s3] =	stream.linear.scatter [tilespmem:s31], [sflag:$0x4], $0x80, $0x38;
	[tilespmem:$0x16400] =	vst v63  }
0x2ac: {  	s30 =	sadd.s32 $0x50, s1;
	s31 =	simm.s32 $0x15F00  }
0x2ad: {  	[hbm4b:s30+s3] =	stream.linear.scatter [tilespmem:s31], [sflag:$0x4], $0x80, $0x38;
	[tilespmem:$0x16400] =	vst v63  }
0x2ae: {  	s29 =	sadd.s32 $0x60, s1  }
0x2af: {  	[hbm4b:s29+s3] =	stream.linear.scatter [tilespmem:s14], [sflag:$0x4], $0x80, $0x38;
	[tilespmem:$0x16400] =	vst v63  }
0x2b0: {  	s1 =	sadd.s32 $0x70, s1;
	s30 =	sadd.s32 $0x18C00, s26  }
0x2b1: {  	[hbm4b:s1+s3] =	stream.linear.scatter [tilespmem:s11], [sflag:$0x4], $0x80, $0x38;
	[tilespmem:$0x16400] =	vst v63  }
0x2b2: {  	s1 =	sshrl.u32 s30, $0x3  }
0x2b3: {  	s1 =	sadd.s32 s2, s1  }
0x2b4: {  	[hbm4b:s1+s3] =	stream.linear.scatter [tilespmem:s10], [sflag:$0x4], $0x80, $0x38;
	[tilespmem:$0x16400] =	vst v63  }
0x2b5: {  	s29 =	simm.s32 $0x15780;
	s31 =	sadd.s32 $0x10, s1  }
0x2b6: {  	[hbm4b:s31+s3] =	stream.linear.scatter [tilespmem:s29], [sflag:$0x4], $0x80, $0x38;
	[tilespmem:$0x16400] =	vst v63  }
0x2b7: {  	s30 =	sadd.s32 $0x20, s1;
	s31 =	simm.s32 $0x15980  }
0x2b8: {  	[hbm4b:s30+s3] =	stream.linear.scatter [tilespmem:s31], [sflag:$0x4], $0x80, $0x38;
	[tilespmem:$0x16400] =	vst v63  }
0x2b9: {  	s28 =	sadd.s32 $0x30, s1  }
0x2ba: {  	[hbm4b:s28+s3] =	stream.linear.scatter [tilespmem:s0], [sflag:$0x4], $0x80, $0x38;
	[tilespmem:$0x16400] =	vst v63  }
0x2bb: {  	s25 =	sadd.s32 $0x1, s25;
	s29 =	sadd.s32 $0x40, s1  }
0x2bc: {  	[hbm4b:s29+s3] =	stream.linear.scatter [tilespmem:s8], [sflag:$0x4], $0x80, $0x38;
	[tilespmem:$0x16400] =	vst v63  }
0x2bd: {  	p0 =	sne.s32 s25, $0x19;
	s30 =	sadd.s32 $0x50, s1  }
0x2be: {  	[hbm4b:s30+s3] =	stream.linear.scatter [tilespmem:s7], [sflag:$0x4], $0x80, $0x38;
	[tilespmem:$0x16400] =	vst v63  }
.Ltmp5:
0x2bf: {  	_ = 	snop;
	(pc) =	sbr.rel @p0 .LBB2_2-.Ltmp5, $4  }
0x2c0: {  	s31 =	sadd.s32 $0x60, s1  }
0x2c1: {  	[hbm4b:s31+s3] =	stream.linear.scatter [tilespmem:s6], [sflag:$0x4], $0x80, $0x38;
	[tilespmem:$0x16400] =	vst v63  }
0x2c2: {  	s1 =	sadd.s32 $0x70, s1  }
0x2c3: {  	[hbm4b:s1+s3] =	stream.linear.scatter [tilespmem:s24], [sflag:$0x4], $0x80, $0x38;
	[tilespmem:$0x16400] =	vst v63  }
0x2c4: {  	s1 =	simm.s32 $0x3  }
0x2c5: {  	_ =	swait.ge [sflag:s1], $0x4000  }
0x2c6: {  	[sflag:s1] =	ssyncset.done $0x0  }
0x2c7: {  	[sflag:s1] =	ssyncadd.s32 $0xFFFFC000  }
0x2c8: {  	_ =	swait.ge [sflag:s22], $0x4000  }
0x2c9: {  	s25 =	rddreg [dreg:$0x5]  }
0x2ca: {  	s31 =	rddreg [dreg:$0x4];
	s25 =	sadd.s32 $0x1, s25  }
0x2cb: {  	p0 =	sne.s32 s25, s31  }
.Ltmp6:
0x2cc: {  	_ = 	snop;
	(pc) =	sbr.rel @p0 .LBB2_1-.Ltmp6, $3  }
0x2cd: {  	_ =	sdelay $0x1  }
0x2ce: {  	[sflag:s22] =	ssyncset.done $0x0  }
0x2cf: {  	[sflag:s22] =	ssyncadd.s32 $0xFFFFC000  }
0x2d0: {  	_ =	sfence.sel $0x180000  }
0x2d1: {  	[bflag:$0x0] =	sbarrier.arrive $0xFFFF  }
0x2d2: {  	_ =	strace $0x9000004A  }
0x2d3: {  	s0 =	stileid.u32;
	[bflag:$0x2] =	sbarrier.arrive $0xFFFF  }
0x2d4: {  	p0 =	sne.s32 s0, $0x0;
	s0 =	rddreg [dreg:$0x2]  }
0x2d5: {  	s0 =	sadd.s32 @!p0 $0x100000, s0  }
0x2d6: {  	[sflag:s0] =	ssyncadd.tile.s32 @!p0 $0x1;
	_ =	shalt  }
.Lfunc_end2:
_tile_overlayer_lowered:
.L_overlay_start_2:
0x2d7: {  	(tag) =	ssettag $0x2  }
0x2d8: {  	s0 =	rddreg [dreg:$0x0];
	s2 =	stileid.u32  }
0x2d9: {  	s1 =	rddreg [dreg:$0x1];
	p0 =	sne.s32 s2, $0x0  }
0x2da: {  	s3 =	rddreg [dreg:$0x2];
	[bflag:$0x3] =	sbarrier.arrive $0xFFFF;
	s2 =	simm.s32 @!p0 $0x1C05  }
0x2db: {  	[timem:s3], [sflag:s2] =	dma.local @!p0 [hbm:s0], s1  }
0x2dc: {  	s0 =	simm.s32 @!p0 $0x5  }
0x2dd: {  	_ =	swait.ge @!p0 [sflag:s0], s1  }
0x2de: {  	s1 =	ssub.s32 @!p0 $0x0, s1;
	[sflag:s0] =	ssyncset.done @!p0 $0x0  }
0x2df: {  	[sflag:s0] =	ssyncadd.s32 @!p0 s1  }
0x2e0: {  	[bflag:$0x3] =	sbarrier.arrive $0xFFFF  }
0x2e1: {  	_ =	shalt  }

</sc_bundles>
